<compile_context>
chip_gen: v7x
topology: tpu7x:2x2x1
jax: 0.10.2.dev20260603
libtpu: 0.0.44.dev20260713+nightly
codegen_flags: <defaults>
</compile_context>

<pallas_src>
import functools

import jax
import jax.numpy as jnp
from jax import lax
from jax.experimental import pallas as pl
from jax.experimental.pallas import tpu as pltpu
from jax.experimental.pallas import tpu_sc as plsc

N = 10000
D = 128
E = 320000
NC = 2
NS = 16
NW = NC * NS
C = 128
K = ((E + NW * C - 1) // (NW * C) + 3) // 4 * 4
KH = K // 2
EP = NW * C * K
NP = 10240
RPT = NP // NS


def _edge_pass(d):
  mesh = plsc.VectorSubcoreMesh(core_axis_name="c", subcore_axis_name="s")

  @functools.partial(
      pl.kernel,
      mesh=mesh,
      out_type=jax.ShapeDtypeStruct((NC * NP, d), jnp.float32),
      scratch_types=(
          [pltpu.VMEM((KH * C,), jnp.int32),
           pltpu.VMEM((K, C), jnp.int32),
           pltpu.VMEM((C, d), jnp.float32),
           pltpu.VMEM((C, d), jnp.float32),
           pltpu.VMEM_SHARED((NP, d), jnp.float32)]
          + [pltpu.SemaphoreType.DMA] * 4
      ),
  )
  def kern(h_hbm, src_hbm, dst_hbm, zeros_hbm, out_hbm,
           src_v, dst_v, b0, b1, acc, gs0, gs1, ss0, ss1):
    bufs = (b0, b1)
    gsems = (gs0, gs1)
    ssems = (ss0, ss1)
    core = lax.axis_index("c")
    sub = lax.axis_index("s")
    w = core * NS + sub
    r0 = sub * RPT

    def g_start(j, u):
      off = pl.multiple_of(j * C, 8)
      pltpu.async_copy(h_hbm.at[src_v.at[pl.ds(off, C)]], bufs[u],
                       gsems[u])

    def g_wait(j, u):
      off = pl.multiple_of(j * C, 8)
      pltpu.make_async_copy(h_hbm.at[src_v.at[pl.ds(off, C)]], bufs[u],
                            gsems[u]).wait()

    def s_start(gj, u):
      pltpu.async_copy(bufs[u], acc.at[dst_v.at[gj]], ssems[u], add=True)

    def s_wait(gj, u):
      pltpu.make_async_copy(bufs[u], acc.at[dst_v.at[gj]], ssems[u]).wait()

    pltpu.sync_copy(zeros_hbm, acc.at[pl.ds(r0, RPT)])
    pltpu.sync_copy(dst_hbm.at[w], dst_v)
    plsc.subcore_barrier()

    for h in range(2):
      B = h * KH
      pltpu.sync_copy(src_hbm.at[w, pl.ds(B * C, KH * C)], src_v)
      g_start(0, 0)
      g_wait(0, 0)
      s_start(B, 0)
      g_start(1, 1)
      g_wait(1, 1)
      s_start(B + 1, 1)
      s_wait(B, 0)
      g_start(2, 0)

      def body(g, carry):
        for u in range(2):
          j = 2 * g + u
          g_wait(j, u)
          s_start(B + j, u)
          s_wait(B + j - 1, 1 - u)
          g_start(j + 1, 1 - u)
        return carry

      lax.fori_loop(1, KH // 2 - 1, body, 0)

      for u in range(2):
        j = KH - 2 + u
        g_wait(j, u)
        s_start(B + j, u)
        s_wait(B + j - 1, 1 - u)
        if j + 1 < KH:
          g_start(j + 1, 1 - u)
      s_wait(B + KH - 1, 1)

    plsc.subcore_barrier()
    pltpu.sync_copy(acc.at[pl.ds(r0, RPT)],
                    out_hbm.at[pl.ds(core * NP + r0, RPT)])

  return kern


def _deg_pass():
  mesh = plsc.VectorSubcoreMesh(core_axis_name="c", subcore_axis_name="s")

  @functools.partial(
      pl.kernel,
      mesh=mesh,
      out_type=jax.ShapeDtypeStruct((NC, NP, D), jnp.float32),
      scratch_types=[
          pltpu.VMEM((K, C), jnp.int32),
          pltpu.VMEM((C, D), jnp.float32),
          pltpu.VMEM_SHARED((NP, D), jnp.float32),
          pltpu.SemaphoreType.DMA,
      ],
  )
  def kern(dst_hbm, ones_hbm, zeros_hbm, out_hbm, dst_v, ones_v, acc, sem):
    core = lax.axis_index("c")
    sub = lax.axis_index("s")
    w = core * NS + sub
    r0 = sub * RPT
    pltpu.sync_copy(zeros_hbm, acc.at[pl.ds(r0, RPT)])
    pltpu.sync_copy(ones_hbm, ones_v)
    pltpu.sync_copy(dst_hbm.at[w], dst_v)
    plsc.subcore_barrier()

    def body(j, carry):
      pltpu.sync_copy(ones_v, acc.at[dst_v.at[j]], add=True)
      return carry

    lax.fori_loop(0, K, body, 0)
    plsc.subcore_barrier()
    pltpu.sync_copy(acc.at[pl.ds(r0, RPT)],
                    out_hbm.at[core, pl.ds(r0, RPT)])

  return kern


def _row_mask():
  rows = lax.broadcasted_iota(jnp.int32, (NP, 1), 0)
  return rows < N


def _bn_relu(s, g, be, mask):
  sm = jnp.where(mask, s, 0.0)
  mean = jnp.sum(sm, axis=0, keepdims=True) / N
  dlt = jnp.where(mask, s - mean, 0.0)
  var = jnp.sum(dlt * dlt, axis=0, keepdims=True) / N
  z = g * dlt * lax.rsqrt(var + 1e-5) + be
  z = jnp.maximum(z, 0.0)
  return jnp.where(mask, z, 0.0)


def _tc1_body(x_ref, w1_ref, deg0_ref, deg1_ref, h1p_ref, dinv_ref):
  deg = deg0_ref[...] + deg1_ref[...] + 1.0
  dinv = lax.rsqrt(jnp.maximum(deg, 1.0))
  u = jnp.dot(x_ref[...], w1_ref[...], preferred_element_type=jnp.float32)
  h1p_ref[...] = u * dinv
  dinv_ref[...] = jnp.broadcast_to(dinv, (NP, D))


def _tc2_body(p_ref, h1p_ref, dinv_ref, w2_ref, b1_ref, g1_ref, be1_ref,
              h2p_ref):
  mask = _row_mask()
  agg = p_ref[0:NP, :] + p_ref[NP:2 * NP, :] + h1p_ref[...]
  s1 = dinv_ref[...] * agg + b1_ref[...]
  z1 = _bn_relu(s1, g1_ref[...], be1_ref[...], mask)
  h2p_ref[...] = dinv_ref[...] * jnp.dot(
      z1, w2_ref[...], preferred_element_type=jnp.float32)


def _tc3_body(p_ref, h2p_ref, dinv_ref, b2_ref, g2_ref, be2_ref,
              z2_ref, pp_ref, qq_ref):
  mask = _row_mask()
  agg = p_ref[0:NP, :] + p_ref[NP:2 * NP, :] + h2p_ref[...]
  s2 = dinv_ref[...] * agg + b2_ref[...]
  z2 = _bn_relu(s2, g2_ref[...], be2_ref[...], mask)
  m = z2 + 1e-7
  c = jnp.max(jnp.where(mask, m, 0.0), axis=0, keepdims=True)
  pp = jnp.exp(m - c)
  z2_ref[...] = z2
  pp_ref[...] = pp
  qq_ref[...] = pp * m


def _tc4_body(pd_ref, pn_ref, z2_ref, wm1_ref, bm1_ref, wm2_ref, bm2_ref,
              out_ref):
  den = pd_ref[0:NP, :] + pd_ref[NP:2 * NP, :]
  num = pn_ref[0:NP, :] + pn_ref[NP:2 * NP, :]
  aggr = num / (den + 1e-16)
  h = z2_ref[...] + aggr
  t = jnp.maximum(
      jnp.dot(h, wm1_ref[...], preferred_element_type=jnp.float32)
      + bm1_ref[...], 0.0)
  out_ref[...] = jnp.dot(
      t, wm2_ref[...], preferred_element_type=jnp.float32) + bm2_ref[...]


def _tc(body, n_out, out_shapes):
  return pl.pallas_call(
      body,
      out_shape=[jax.ShapeDtypeStruct(s, jnp.float32) for s in out_shapes],
  )


def kernel(x, edge_index, W1, b1, W2, b2, g1, be1, g2, be2, Wm1, bm1,
           Wm2, bm2):
  f32 = jnp.float32
  x_p = jnp.zeros((NP, D), f32).at[:N].set(x)
  pad = EP - E
  pad_idx = N + jnp.arange(pad, dtype=jnp.int32) % (NP - N)
  src = jnp.concatenate([edge_index[0], pad_idx]).reshape(NW, K * C)
  dst = jnp.concatenate([edge_index[1], pad_idx]).reshape(NW, K, C)

  zerosD = jnp.zeros((RPT, D), f32)

  epD = _edge_pass(D)

  degp = _deg_pass()(dst, jnp.ones((C, D), f32), zerosD)

  tc1 = _tc(_tc1_body, 2, [(NP, D), (NP, D)])
  h1p, dinv = tc1(x_p, W1, degp[0, :, 0:1], degp[1, :, 0:1])

  p1 = epD(h1p, src, dst, zerosD)

  b1r, g1r, be1r = b1.reshape(1, D), g1.reshape(1, D), be1.reshape(1, D)
  b2r, g2r, be2r = b2.reshape(1, D), g2.reshape(1, D), be2.reshape(1, D)
  tc2 = _tc(_tc2_body, 1, [(NP, D)])
  (h2p,) = tc2(p1, h1p, dinv, W2, b1r, g1r, be1r)

  p2 = epD(h2p, src, dst, zerosD)

  tc3 = _tc(_tc3_body, 3, [(NP, D), (NP, D), (NP, D)])
  z2, pp, qq = tc3(p2, h2p, dinv, b2r, g2r, be2r)

  pd = epD(pp, src, dst, zerosD)
  pn = epD(qq, src, dst, zerosD)

  tc4 = _tc(_tc4_body, 1, [(NP, D)])
  (outp,) = tc4(pd, pn, z2, Wm1, bm1.reshape(1, 2 * D), Wm2,
                bm2.reshape(1, D))
  return outp[:N]

# --- scband reference (transcript-rebuilt; emitter-appended) ---
"""Pipeline reference for scband-gcn-21174188769405 (READ-ONLY COPY).

The authoritative reference and input builder live on the scoring server;
editing this copy changes nothing except your own understanding.
"""

import jax, jax.numpy as jnp
import numpy as np

N = 10000
E = 320000
D_IN = 128
D_HID = 128
D_OUT = 128

def setup_inputs(seed: int = 0):
    key = jax.random.key(seed)
    ks = jax.random.split(key, 8)
    inp = {}
    inp['x'] = jax.random.normal(ks[0], (N, D_IN), dtype=jnp.float32)
    inp['edge_index'] = jax.random.randint(ks[1], (2, E), 0, N, dtype=jnp.int32)
    inp['W1'] = jax.random.normal(ks[2], (D_IN, D_HID), dtype=jnp.float32) * (1.0 / np.sqrt(D_IN))
    inp['b1'] = jnp.zeros((D_HID,), dtype=jnp.float32)
    inp['W2'] = jax.random.normal(ks[3], (D_HID, D_HID), dtype=jnp.float32) * (1.0 / np.sqrt(D_HID))
    inp['b2'] = jnp.zeros((D_HID,), dtype=jnp.float32)
    inp['g1'] = jnp.ones((D_HID,), dtype=jnp.float32)
    inp['be1'] = jnp.zeros((D_HID,), dtype=jnp.float32)
    inp['g2'] = jnp.ones((D_HID,), dtype=jnp.float32)
    inp['be2'] = jnp.zeros((D_HID,), dtype=jnp.float32)
    inp['Wm1'] = jax.random.normal(ks[4], (D_HID, 2 * D_HID), dtype=jnp.float32) * (1.0 / np.sqrt(D_HID))
    inp['bm1'] = jnp.zeros((2 * D_HID,), dtype=jnp.float32)
    inp['Wm2'] = jax.random.normal(ks[5], (2 * D_HID, D_OUT), dtype=jnp.float32) * (1.0 / np.sqrt(2 * D_HID))
    inp['bm2'] = jnp.zeros((D_OUT,), dtype=jnp.float32)
    return inp

def _gcn_conv(x, src, dst, W, b):
    # GCNConv: add self-loops, symmetric deg^-1/2 normalization, scatter-add aggregation
    n = x.shape[0]
    h = x @ W
    loop = jnp.arange(n, dtype=src.dtype)
    src_f = jnp.concatenate([src, loop])
    dst_f = jnp.concatenate([dst, loop])
    deg = jax.ops.segment_sum(jnp.ones_like(src_f, dtype=x.dtype), dst_f, num_segments=n)
    dinv = jax.lax.rsqrt(jnp.maximum(deg, 1.0))
    norm = dinv[src_f] * dinv[dst_f]
    out = jax.ops.segment_sum(norm[:, None] * h[src_f], dst_f, num_segments=n)
    return out + b

def _gen_conv(x, src, dst, Wm1, bm1, Wm2, bm2):
    # GENConv (defaults): msg = relu(x_j) + eps, softmax aggregation (t=1.0), then 2-layer MLP on x + aggr
    n = x.shape[0]
    m = jax.nn.relu(x[src]) + 1e-7
    mx = jax.ops.segment_max(m, dst, num_segments=n)
    mx = jnp.where(jnp.isfinite(mx), mx, 0.0)
    ex = jnp.exp(m - mx[dst])
    den = jax.ops.segment_sum(ex, dst, num_segments=n)
    alpha = ex / (den[dst] + 1e-16)
    aggr = jax.ops.segment_sum(alpha * m, dst, num_segments=n)
    h = x + aggr
    h = jax.nn.relu(h @ Wm1 + bm1)
    return h @ Wm2 + bm2

def _bn(x, g, b):
    mean = jnp.mean(x, axis=0)
    var = jnp.var(x, axis=0)
    return g * (x - mean) * jax.lax.rsqrt(var + 1e-5) + b

def reference(x, edge_index, W1, b1, W2, b2, g1, be1, g2, be2, Wm1, bm1, Wm2, bm2):
    src = edge_index[0]
    dst = edge_index[1]
    h = _gcn_conv(x, src, dst, W1, b1)
    h = _bn(h, g1, be1)
    h = jax.nn.relu(h)
    h = _gcn_conv(h, src, dst, W2, b2)
    h = _bn(h, g2, be2)
    h = jax.nn.relu(h)
    out = _gen_conv(h, src, dst, Wm1, bm1, Wm2, bm2)
    # return_embeds=True -> no log_softmax; dropout inactive at inference
    return out

if __name__ == "__main__":
    import jax
    _d = setup_inputs()
    print(jax.jit(kernel)(*tuple(_d.values())))

</pallas_src>

<mosaic_0001>
#map = affine_map<(d0, d1) -> (0, 0)>
#map1 = affine_map<(d0, d1) -> (0, 0, 0)>
module attributes {stable_mosaic.version = 14 : i64} {
  func.func @kern(%arg0: i32, %arg1: i32, %arg2: memref<10240x128xf32, #tpu.memory_space<hbm>>, %arg3: memref<32x10240xi32, #tpu.memory_space<hbm>>, %arg4: memref<32x80x128xi32, #tpu.memory_space<hbm>>, %arg5: memref<640x128xf32, #tpu.memory_space<hbm>>, %arg6: memref<20480x128xf32, #tpu.memory_space<hbm>>, %arg7: memref<5120xi32, #tpu.memory_space<vmem>>, %arg8: memref<80x128xi32, #tpu.memory_space<vmem>>, %arg9: memref<128x128xf32, #tpu.memory_space<vmem>>, %arg10: memref<128x128xf32, #tpu.memory_space<vmem>>, %arg11: memref<10240x128xf32, #tpu.memory_space<vmem_shared>>, %arg12: memref<!tpu.dma_semaphore, #tpu.memory_space<semaphore_mem>>, %arg13: memref<!tpu.dma_semaphore, #tpu.memory_space<semaphore_mem>>, %arg14: memref<!tpu.dma_semaphore, #tpu.memory_space<semaphore_mem>>, %arg15: memref<!tpu.dma_semaphore, #tpu.memory_space<semaphore_mem>>) attributes {dimension_semantics = [#tpu.dimension_semantics<core_parallel>, #tpu.dimension_semantics<subcore_parallel>], iteration_bounds = array<i64: 2, 16>, scalar_prefetch = 0 : i64, scratch_operands = 9 : i64, tpu.core_type = #tpu.core_type<sc_vector_subcore>, window_params = [{transform_indices = #map}, {transform_indices = #map}, {transform_indices = #map1}, {transform_indices = #map}, {transform_indices = #map}]} {
    %mul3A = arith.constant 16 : i32
    %mul3A_0 = arith.muli %arg0, %mul3A : i32
    %add3A = arith.addi %mul3A_0, %arg1 : i32
    %mul3A_1 = arith.constant 640 : i32
    %mul3A_2 = arith.muli %arg1, %mul3A_1 : i32
    "tpu.region"() ({
      %run_scoped3A = tpu.sem_alloc : memref<!tpu.dma_semaphore, #tpu.memory_space<semaphore_mem>>
      %dma_start3A_223 = arith.constant 0 : i32
      %dma_start3A_224 = tpu.memref_slice %arg11[%mul3A_2, %dma_start3A_223] : memref<10240x128xf32, #tpu.memory_space<vmem_shared>> -> memref<640x128xf32, #tpu.memory_space<vmem_shared>>
      tpu.enqueue_dma source(%arg5 : memref<640x128xf32, #tpu.memory_space<hbm>>) target(%dma_start3A_224 : memref<640x128xf32, #tpu.memory_space<vmem_shared>>) target_semaphore(%run_scoped3A : memref<!tpu.dma_semaphore, #tpu.memory_space<semaphore_mem>>)
      %dma_wait3A_225 = arith.constant 0 : i32
      %dma_wait3A_226 = tpu.memref_slice %arg11[%mul3A_2, %dma_wait3A_225] : memref<10240x128xf32, #tpu.memory_space<vmem_shared>> -> memref<640x128xf32, #tpu.memory_space<vmem_shared>>
      tpu.wait_dma2 semaphore(%run_scoped3A : memref<!tpu.dma_semaphore, #tpu.memory_space<semaphore_mem>>) src(%arg5 : memref<640x128xf32, #tpu.memory_space<hbm>>) dst(%dma_wait3A_226 : memref<640x128xf32, #tpu.memory_space<vmem_shared>>)
      tpu.yield
    }) : () -> ()
    "tpu.region"() ({
      %run_scoped3A = tpu.sem_alloc : memref<!tpu.dma_semaphore, #tpu.memory_space<semaphore_mem>>
      %dma_start3A_223 = arith.constant 0 : i32
      %dma_start3A_224 = arith.constant 0 : i32
      %dma_start3A_225 = tpu.memref_slice %arg4[%add3A, %dma_start3A_223, %dma_start3A_224] : memref<32x80x128xi32, #tpu.memory_space<hbm>> -> memref<1x80x128xi32, #tpu.memory_space<hbm>>
      %dma_start3A_226 = tpu.memref_squeeze %dma_start3A_225 : memref<1x80x128xi32, #tpu.memory_space<hbm>> -> memref<80x128xi32, #tpu.memory_space<hbm>>
      %dma_start3A_227 = arith.constant 0 : i32
      %dma_start3A_228 = arith.constant 0 : i32
      %dma_start3A_229 = tpu.memref_slice %arg4[%add3A, %dma_start3A_227, %dma_start3A_228] : memref<32x80x128xi32, #tpu.memory_space<hbm>> -> memref<1x80x128xi32, #tpu.memory_space<hbm>>
      %dma_start3A_230 = tpu.memref_squeeze %dma_start3A_229 : memref<1x80x128xi32, #tpu.memory_space<hbm>> -> memref<80x128xi32, #tpu.memory_space<hbm>>
      tpu.enqueue_dma source(%dma_start3A_230 : memref<80x128xi32, #tpu.memory_space<hbm>>) target(%arg8 : memref<80x128xi32, #tpu.memory_space<vmem>>) target_semaphore(%run_scoped3A : memref<!tpu.dma_semaphore, #tpu.memory_space<semaphore_mem>>)
      %dma_wait3A_231 = arith.constant 0 : i32
      %dma_wait3A_232 = arith.constant 0 : i32
      %dma_wait3A_233 = tpu.memref_slice %arg4[%add3A, %dma_wait3A_231, %dma_wait3A_232] : memref<32x80x128xi32, #tpu.memory_space<hbm>> -> memref<1x80x128xi32, #tpu.memory_space<hbm>>
      %dma_wait3A_234 = tpu.memref_squeeze %dma_wait3A_233 : memref<1x80x128xi32, #tpu.memory_space<hbm>> -> memref<80x128xi32, #tpu.memory_space<hbm>>
      %dma_wait3A_235 = arith.constant 0 : i32
      %dma_wait3A_236 = arith.constant 0 : i32
      %dma_wait3A_237 = tpu.memref_slice %arg4[%add3A, %dma_wait3A_235, %dma_wait3A_236] : memref<32x80x128xi32, #tpu.memory_space<hbm>> -> memref<1x80x128xi32, #tpu.memory_space<hbm>>
      %dma_wait3A_238 = tpu.memref_squeeze %dma_wait3A_237 : memref<1x80x128xi32, #tpu.memory_space<hbm>> -> memref<80x128xi32, #tpu.memory_space<hbm>>
      tpu.wait_dma2 semaphore(%run_scoped3A : memref<!tpu.dma_semaphore, #tpu.memory_space<semaphore_mem>>) src(%dma_wait3A_238 : memref<80x128xi32, #tpu.memory_space<hbm>>) dst(%arg8 : memref<80x128xi32, #tpu.memory_space<vmem>>)
      tpu.yield
    }) : () -> ()
    %barrier3A = arith.constant 0 : index
    tpu.barrier barrier_id(%barrier3A)
    "tpu.region"() ({
      %run_scoped3A = tpu.sem_alloc : memref<!tpu.dma_semaphore, #tpu.memory_space<semaphore_mem>>
      %dma_start3A_223 = arith.constant 0 : i32
      %dma_start3A_224 = tpu.memref_slice %arg3[%add3A, %dma_start3A_223] : memref<32x10240xi32, #tpu.memory_space<hbm>> -> memref<1x5120xi32, #tpu.memory_space<hbm>>
      %dma_start3A_225 = tpu.memref_squeeze %dma_start3A_224 : memref<1x5120xi32, #tpu.memory_space<hbm>> -> memref<5120xi32, #tpu.memory_space<hbm>>
      %dma_start3A_226 = arith.constant 0 : i32
      %dma_start3A_227 = tpu.memref_slice %arg3[%add3A, %dma_start3A_226] : memref<32x10240xi32, #tpu.memory_space<hbm>> -> memref<1x5120xi32, #tpu.memory_space<hbm>>
      %dma_start3A_228 = tpu.memref_squeeze %dma_start3A_227 : memref<1x5120xi32, #tpu.memory_space<hbm>> -> memref<5120xi32, #tpu.memory_space<hbm>>
      tpu.enqueue_dma source(%dma_start3A_228 : memref<5120xi32, #tpu.memory_space<hbm>>) target(%arg7 : memref<5120xi32, #tpu.memory_space<vmem>>) target_semaphore(%run_scoped3A : memref<!tpu.dma_semaphore, #tpu.memory_space<semaphore_mem>>)
      %dma_wait3A_229 = arith.constant 0 : i32
      %dma_wait3A_230 = tpu.memref_slice %arg3[%add3A, %dma_wait3A_229] : memref<32x10240xi32, #tpu.memory_space<hbm>> -> memref<1x5120xi32, #tpu.memory_space<hbm>>
      %dma_wait3A_231 = tpu.memref_squeeze %dma_wait3A_230 : memref<1x5120xi32, #tpu.memory_space<hbm>> -> memref<5120xi32, #tpu.memory_space<hbm>>
      %dma_wait3A_232 = arith.constant 0 : i32
      %dma_wait3A_233 = tpu.memref_slice %arg3[%add3A, %dma_wait3A_232] : memref<32x10240xi32, #tpu.memory_space<hbm>> -> memref<1x5120xi32, #tpu.memory_space<hbm>>
      %dma_wait3A_234 = tpu.memref_squeeze %dma_wait3A_233 : memref<1x5120xi32, #tpu.memory_space<hbm>> -> memref<5120xi32, #tpu.memory_space<hbm>>
      tpu.wait_dma2 semaphore(%run_scoped3A : memref<!tpu.dma_semaphore, #tpu.memory_space<semaphore_mem>>) src(%dma_wait3A_234 : memref<5120xi32, #tpu.memory_space<hbm>>) dst(%arg7 : memref<5120xi32, #tpu.memory_space<vmem>>)
      tpu.yield
    }) : () -> ()
    %multiple_of3A = arith.constant 0 : i32
    %multiple_of3A_3 = tpu.assume_multiple %multiple_of3A, 8 : i32
    %dma_start3A = tpu.memref_slice %arg7[%multiple_of3A_3] : memref<5120xi32, #tpu.memory_space<vmem>> -> memref<128xi32, #tpu.memory_space<vmem>>
    %dma_start3A_4 = arith.constant 0 : i32
    %dma_start3A_5 = arith.constant 0 : i32
    %dma_start3A_6 = tpu.memref_slice %arg2[%dma_start3A_4, %dma_start3A_5] : memref<10240x128xf32, #tpu.memory_space<hbm>> -> memref<10240x128xf32, #tpu.memory_space<hbm>>
    tpu.enqueue_indirect_dma source(%dma_start3A_6 : memref<10240x128xf32, #tpu.memory_space<hbm>>) target(%arg9 : memref<128x128xf32, #tpu.memory_space<vmem>>) offsets(%dma_start3A : memref<128xi32, #tpu.memory_space<vmem>>) semaphore(%arg12 : memref<!tpu.dma_semaphore, #tpu.memory_space<semaphore_mem>>)
    %multiple_of3A_7 = arith.constant 0 : i32
    %multiple_of3A_8 = tpu.assume_multiple %multiple_of3A_7, 8 : i32
    %dma_wait3A = tpu.memref_slice %arg7[%multiple_of3A_8] : memref<5120xi32, #tpu.memory_space<vmem>> -> memref<128xi32, #tpu.memory_space<vmem>>
    %dma_wait3A_9 = arith.constant 0 : i32
    %dma_wait3A_10 = arith.constant 0 : i32
    %dma_wait3A_11 = tpu.memref_slice %arg2[%dma_wait3A_9, %dma_wait3A_10] : memref<10240x128xf32, #tpu.memory_space<hbm>> -> memref<10240x128xf32, #tpu.memory_space<hbm>>
    tpu.wait_indirect_dma semaphore(%arg12 : memref<!tpu.dma_semaphore, #tpu.memory_space<semaphore_mem>>) src(%dma_wait3A_11 : memref<10240x128xf32, #tpu.memory_space<hbm>>) dst(%arg9 : memref<128x128xf32, #tpu.memory_space<vmem>>)
    %dma_start3A_12 = arith.constant 0 : i32
    %dma_start3A_13 = arith.constant 0 : i32
    %dma_start3A_14 = tpu.memref_slice %arg8[%dma_start3A_12, %dma_start3A_13] : memref<80x128xi32, #tpu.memory_space<vmem>> -> memref<1x128xi32, #tpu.memory_space<vmem>>
    %dma_start3A_15 = tpu.memref_squeeze %dma_start3A_14 : memref<1x128xi32, #tpu.memory_space<vmem>> -> memref<128xi32, #tpu.memory_space<vmem>>
    %dma_start3A_16 = arith.constant 0 : i32
    %dma_start3A_17 = arith.constant 0 : i32
    %dma_start3A_18 = tpu.memref_slice %arg11[%dma_start3A_16, %dma_start3A_17] : memref<10240x128xf32, #tpu.memory_space<vmem_shared>> -> memref<10240x128xf32, #tpu.memory_space<vmem_shared>>
    tpu.enqueue_indirect_dma source(%arg9 : memref<128x128xf32, #tpu.memory_space<vmem>>) target(%dma_start3A_18 : memref<10240x128xf32, #tpu.memory_space<vmem_shared>>) offsets(%dma_start3A_15 : memref<128xi32, #tpu.memory_space<vmem>>) semaphore(%arg14 : memref<!tpu.dma_semaphore, #tpu.memory_space<semaphore_mem>>) {add = true}
    %multiple_of3A_19 = arith.constant 128 : i32
    %multiple_of3A_20 = tpu.assume_multiple %multiple_of3A_19, 8 : i32
    %dma_start3A_21 = tpu.memref_slice %arg7[%multiple_of3A_20] : memref<5120xi32, #tpu.memory_space<vmem>> -> memref<128xi32, #tpu.memory_space<vmem>>
    %dma_start3A_22 = arith.constant 0 : i32
    %dma_start3A_23 = arith.constant 0 : i32
    %dma_start3A_24 = tpu.memref_slice %arg2[%dma_start3A_22, %dma_start3A_23] : memref<10240x128xf32, #tpu.memory_space<hbm>> -> memref<10240x128xf32, #tpu.memory_space<hbm>>
    tpu.enqueue_indirect_dma source(%dma_start3A_24 : memref<10240x128xf32, #tpu.memory_space<hbm>>) target(%arg10 : memref<128x128xf32, #tpu.memory_space<vmem>>) offsets(%dma_start3A_21 : memref<128xi32, #tpu.memory_space<vmem>>) semaphore(%arg13 : memref<!tpu.dma_semaphore, #tpu.memory_space<semaphore_mem>>)
    %multiple_of3A_25 = arith.constant 128 : i32
    %multiple_of3A_26 = tpu.assume_multiple %multiple_of3A_25, 8 : i32
    %dma_wait3A_27 = tpu.memref_slice %arg7[%multiple_of3A_26] : memref<5120xi32, #tpu.memory_space<vmem>> -> memref<128xi32, #tpu.memory_space<vmem>>
    %dma_wait3A_28 = arith.constant 0 : i32
    %dma_wait3A_29 = arith.constant 0 : i32
    %dma_wait3A_30 = tpu.memref_slice %arg2[%dma_wait3A_28, %dma_wait3A_29] : memref<10240x128xf32, #tpu.memory_space<hbm>> -> memref<10240x128xf32, #tpu.memory_space<hbm>>
    tpu.wait_indirect_dma semaphore(%arg13 : memref<!tpu.dma_semaphore, #tpu.memory_space<semaphore_mem>>) src(%dma_wait3A_30 : memref<10240x128xf32, #tpu.memory_space<hbm>>) dst(%arg10 : memref<128x128xf32, #tpu.memory_space<vmem>>)
    %dma_start3A_31 = arith.constant 1 : i32
    %dma_start3A_32 = arith.constant 0 : i32
    %dma_start3A_33 = tpu.memref_slice %arg8[%dma_start3A_31, %dma_start3A_32] : memref<80x128xi32, #tpu.memory_space<vmem>> -> memref<1x128xi32, #tpu.memory_space<vmem>>
    %dma_start3A_34 = tpu.memref_squeeze %dma_start3A_33 : memref<1x128xi32, #tpu.memory_space<vmem>> -> memref<128xi32, #tpu.memory_space<vmem>>
    %dma_start3A_35 = arith.constant 0 : i32
    %dma_start3A_36 = arith.constant 0 : i32
    %dma_start3A_37 = tpu.memref_slice %arg11[%dma_start3A_35, %dma_start3A_36] : memref<10240x128xf32, #tpu.memory_space<vmem_shared>> -> memref<10240x128xf32, #tpu.memory_space<vmem_shared>>
    tpu.enqueue_indirect_dma source(%arg10 : memref<128x128xf32, #tpu.memory_space<vmem>>) target(%dma_start3A_37 : memref<10240x128xf32, #tpu.memory_space<vmem_shared>>) offsets(%dma_start3A_34 : memref<128xi32, #tpu.memory_space<vmem>>) semaphore(%arg15 : memref<!tpu.dma_semaphore, #tpu.memory_space<semaphore_mem>>) {add = true}
    %dma_wait3A_38 = arith.constant 0 : i32
    %dma_wait3A_39 = arith.constant 0 : i32
    %dma_wait3A_40 = tpu.memref_slice %arg8[%dma_wait3A_38, %dma_wait3A_39] : memref<80x128xi32, #tpu.memory_space<vmem>> -> memref<1x128xi32, #tpu.memory_space<vmem>>
    %dma_wait3A_41 = tpu.memref_squeeze %dma_wait3A_40 : memref<1x128xi32, #tpu.memory_space<vmem>> -> memref<128xi32, #tpu.memory_space<vmem>>
    %dma_wait3A_42 = arith.constant 0 : i32
    %dma_wait3A_43 = arith.constant 0 : i32
    %dma_wait3A_44 = tpu.memref_slice %arg11[%dma_wait3A_42, %dma_wait3A_43] : memref<10240x128xf32, #tpu.memory_space<vmem_shared>> -> memref<10240x128xf32, #tpu.memory_space<vmem_shared>>
    tpu.wait_indirect_dma semaphore(%arg14 : memref<!tpu.dma_semaphore, #tpu.memory_space<semaphore_mem>>) src(%arg9 : memref<128x128xf32, #tpu.memory_space<vmem>>) dst(%dma_wait3A_44 : memref<10240x128xf32, #tpu.memory_space<vmem_shared>>)
    %multiple_of3A_45 = arith.constant 256 : i32
    %multiple_of3A_46 = tpu.assume_multiple %multiple_of3A_45, 8 : i32
    %dma_start3A_47 = tpu.memref_slice %arg7[%multiple_of3A_46] : memref<5120xi32, #tpu.memory_space<vmem>> -> memref<128xi32, #tpu.memory_space<vmem>>
    %dma_start3A_48 = arith.constant 0 : i32
    %dma_start3A_49 = arith.constant 0 : i32
    %dma_start3A_50 = tpu.memref_slice %arg2[%dma_start3A_48, %dma_start3A_49] : memref<10240x128xf32, #tpu.memory_space<hbm>> -> memref<10240x128xf32, #tpu.memory_space<hbm>>
    tpu.enqueue_indirect_dma source(%dma_start3A_50 : memref<10240x128xf32, #tpu.memory_space<hbm>>) target(%arg9 : memref<128x128xf32, #tpu.memory_space<vmem>>) offsets(%dma_start3A_47 : memref<128xi32, #tpu.memory_space<vmem>>) semaphore(%arg12 : memref<!tpu.dma_semaphore, #tpu.memory_space<semaphore_mem>>)
    %scan3A = arith.constant 0 : i32
    %scan3A_51 = arith.constant 1 : i32
    %scan3A_52 = arith.constant 18 : i32
    %scan3A_53 = arith.addi %scan3A_51, %scan3A_52 : i32
    %scan3A_54 = arith.constant 1 : i32
    scf.for %scan3A_223 = %scan3A_51 to %scan3A_53 step %scan3A_54  : i32 {
      %mul3A_224 = arith.constant 2 : i32
      %mul3A_225 = arith.muli %mul3A_224, %scan3A_223 : i32
      %add3A_226 = arith.constant 0 : i32
      %add3A_227 = arith.addi %mul3A_225, %add3A_226 : i32
      %mul3A_228 = arith.constant 128 : i32
      %mul3A_229 = arith.muli %add3A_227, %mul3A_228 : i32
      %multiple_of3A_230 = tpu.assume_multiple %mul3A_229, 8 : i32
      %dma_wait3A_231 = tpu.memref_slice %arg7[%multiple_of3A_230] : memref<5120xi32, #tpu.memory_space<vmem>> -> memref<128xi32, #tpu.memory_space<vmem>>
      %dma_wait3A_232 = arith.constant 0 : i32
      %dma_wait3A_233 = arith.constant 0 : i32
      %dma_wait3A_234 = tpu.memref_slice %arg2[%dma_wait3A_232, %dma_wait3A_233] : memref<10240x128xf32, #tpu.memory_space<hbm>> -> memref<10240x128xf32, #tpu.memory_space<hbm>>
      tpu.wait_indirect_dma semaphore(%arg12 : memref<!tpu.dma_semaphore, #tpu.memory_space<semaphore_mem>>) src(%dma_wait3A_234 : memref<10240x128xf32, #tpu.memory_space<hbm>>) dst(%arg9 : memref<128x128xf32, #tpu.memory_space<vmem>>)
      %add3A_235 = arith.constant 0 : i32
      %add3A_236 = arith.addi %add3A_235, %add3A_227 : i32
      %dma_start3A_237 = arith.constant 0 : i32
      %dma_start3A_238 = tpu.memref_slice %arg8[%add3A_236, %dma_start3A_237] : memref<80x128xi32, #tpu.memory_space<vmem>> -> memref<1x128xi32, #tpu.memory_space<vmem>>
      %dma_start3A_239 = tpu.memref_squeeze %dma_start3A_238 : memref<1x128xi32, #tpu.memory_space<vmem>> -> memref<128xi32, #tpu.memory_space<vmem>>
      %dma_start3A_240 = arith.constant 0 : i32
      %dma_start3A_241 = arith.constant 0 : i32
      %dma_start3A_242 = tpu.memref_slice %arg11[%dma_start3A_240, %dma_start3A_241] : memref<10240x128xf32, #tpu.memory_space<vmem_shared>> -> memref<10240x128xf32, #tpu.memory_space<vmem_shared>>
      tpu.enqueue_indirect_dma source(%arg9 : memref<128x128xf32, #tpu.memory_space<vmem>>) target(%dma_start3A_242 : memref<10240x128xf32, #tpu.memory_space<vmem_shared>>) offsets(%dma_start3A_239 : memref<128xi32, #tpu.memory_space<vmem>>) semaphore(%arg14 : memref<!tpu.dma_semaphore, #tpu.memory_space<semaphore_mem>>) {add = true}
      %add3A_243 = arith.constant 0 : i32
      %add3A_244 = arith.addi %add3A_243, %add3A_227 : i32
      %sub3A = arith.constant 1 : i32
      %sub3A_245 = arith.subi %add3A_244, %sub3A : i32
      %dma_wait3A_246 = arith.constant 0 : i32
      %dma_wait3A_247 = tpu.memref_slice %arg8[%sub3A_245, %dma_wait3A_246] : memref<80x128xi32, #tpu.memory_space<vmem>> -> memref<1x128xi32, #tpu.memory_space<vmem>>
      %dma_wait3A_248 = tpu.memref_squeeze %dma_wait3A_247 : memref<1x128xi32, #tpu.memory_space<vmem>> -> memref<128xi32, #tpu.memory_space<vmem>>
      %dma_wait3A_249 = arith.constant 0 : i32
      %dma_wait3A_250 = arith.constant 0 : i32
      %dma_wait3A_251 = tpu.memref_slice %arg11[%dma_wait3A_249, %dma_wait3A_250] : memref<10240x128xf32, #tpu.memory_space<vmem_shared>> -> memref<10240x128xf32, #tpu.memory_space<vmem_shared>>
      tpu.wait_indirect_dma semaphore(%arg15 : memref<!tpu.dma_semaphore, #tpu.memory_space<semaphore_mem>>) src(%arg10 : memref<128x128xf32, #tpu.memory_space<vmem>>) dst(%dma_wait3A_251 : memref<10240x128xf32, #tpu.memory_space<vmem_shared>>)
      %add3A_252 = arith.constant 1 : i32
      %add3A_253 = arith.addi %add3A_227, %add3A_252 : i32
      %mul3A_254 = arith.constant 128 : i32
      %mul3A_255 = arith.muli %add3A_253, %mul3A_254 : i32
      %multiple_of3A_256 = tpu.assume_multiple %mul3A_255, 8 : i32
      %dma_start3A_257 = tpu.memref_slice %arg7[%multiple_of3A_256] : memref<5120xi32, #tpu.memory_space<vmem>> -> memref<128xi32, #tpu.memory_space<vmem>>
      %dma_start3A_258 = arith.constant 0 : i32
      %dma_start3A_259 = arith.constant 0 : i32
      %dma_start3A_260 = tpu.memref_slice %arg2[%dma_start3A_258, %dma_start3A_259] : memref<10240x128xf32, #tpu.memory_space<hbm>> -> memref<10240x128xf32, #tpu.memory_space<hbm>>
      tpu.enqueue_indirect_dma source(%dma_start3A_260 : memref<10240x128xf32, #tpu.memory_space<hbm>>) target(%arg10 : memref<128x128xf32, #tpu.memory_space<vmem>>) offsets(%dma_start3A_257 : memref<128xi32, #tpu.memory_space<vmem>>) semaphore(%arg13 : memref<!tpu.dma_semaphore, #tpu.memory_space<semaphore_mem>>)
      %mul3A_261 = arith.constant 2 : i32
      %mul3A_262 = arith.muli %mul3A_261, %scan3A_223 : i32
      %add3A_263 = arith.constant 1 : i32
      %add3A_264 = arith.addi %mul3A_262, %add3A_263 : i32
      %mul3A_265 = arith.constant 128 : i32
      %mul3A_266 = arith.muli %add3A_264, %mul3A_265 : i32
      %multiple_of3A_267 = tpu.assume_multiple %mul3A_266, 8 : i32
      %dma_wait3A_268 = tpu.memref_slice %arg7[%multiple_of3A_267] : memref<5120xi32, #tpu.memory_space<vmem>> -> memref<128xi32, #tpu.memory_space<vmem>>
      %dma_wait3A_269 = arith.constant 0 : i32
      %dma_wait3A_270 = arith.constant 0 : i32
      %dma_wait3A_271 = tpu.memref_slice %arg2[%dma_wait3A_269, %dma_wait3A_270] : memref<10240x128xf32, #tpu.memory_space<hbm>> -> memref<10240x128xf32, #tpu.memory_space<hbm>>
      tpu.wait_indirect_dma semaphore(%arg13 : memref<!tpu.dma_semaphore, #tpu.memory_space<semaphore_mem>>) src(%dma_wait3A_271 : memref<10240x128xf32, #tpu.memory_space<hbm>>) dst(%arg10 : memref<128x128xf32, #tpu.memory_space<vmem>>)
      %add3A_272 = arith.constant 0 : i32
      %add3A_273 = arith.addi %add3A_272, %add3A_264 : i32
      %dma_start3A_274 = arith.constant 0 : i32
      %dma_start3A_275 = tpu.memref_slice %arg8[%add3A_273, %dma_start3A_274] : memref<80x128xi32, #tpu.memory_space<vmem>> -> memref<1x128xi32, #tpu.memory_space<vmem>>
      %dma_start3A_276 = tpu.memref_squeeze %dma_start3A_275 : memref<1x128xi32, #tpu.memory_space<vmem>> -> memref<128xi32, #tpu.memory_space<vmem>>
      %dma_start3A_277 = arith.constant 0 : i32
      %dma_start3A_278 = arith.constant 0 : i32
      %dma_start3A_279 = tpu.memref_slice %arg11[%dma_start3A_277, %dma_start3A_278] : memref<10240x128xf32, #tpu.memory_space<vmem_shared>> -> memref<10240x128xf32, #tpu.memory_space<vmem_shared>>
      tpu.enqueue_indirect_dma source(%arg10 : memref<128x128xf32, #tpu.memory_space<vmem>>) target(%dma_start3A_279 : memref<10240x128xf32, #tpu.memory_space<vmem_shared>>) offsets(%dma_start3A_276 : memref<128xi32, #tpu.memory_space<vmem>>) semaphore(%arg15 : memref<!tpu.dma_semaphore, #tpu.memory_space<semaphore_mem>>) {add = true}
      %add3A_280 = arith.constant 0 : i32
      %add3A_281 = arith.addi %add3A_280, %add3A_264 : i32
      %sub3A_282 = arith.constant 1 : i32
      %sub3A_283 = arith.subi %add3A_281, %sub3A_282 : i32
      %dma_wait3A_284 = arith.constant 0 : i32
      %dma_wait3A_285 = tpu.memref_slice %arg8[%sub3A_283, %dma_wait3A_284] : memref<80x128xi32, #tpu.memory_space<vmem>> -> memref<1x128xi32, #tpu.memory_space<vmem>>
      %dma_wait3A_286 = tpu.memref_squeeze %dma_wait3A_285 : memref<1x128xi32, #tpu.memory_space<vmem>> -> memref<128xi32, #tpu.memory_space<vmem>>
      %dma_wait3A_287 = arith.constant 0 : i32
      %dma_wait3A_288 = arith.constant 0 : i32
      %dma_wait3A_289 = tpu.memref_slice %arg11[%dma_wait3A_287, %dma_wait3A_288] : memref<10240x128xf32, #tpu.memory_space<vmem_shared>> -> memref<10240x128xf32, #tpu.memory_space<vmem_shared>>
      tpu.wait_indirect_dma semaphore(%arg14 : memref<!tpu.dma_semaphore, #tpu.memory_space<semaphore_mem>>) src(%arg9 : memref<128x128xf32, #tpu.memory_space<vmem>>) dst(%dma_wait3A_289 : memref<10240x128xf32, #tpu.memory_space<vmem_shared>>)
      %add3A_290 = arith.constant 1 : i32
      %add3A_291 = arith.addi %add3A_264, %add3A_290 : i32
      %mul3A_292 = arith.constant 128 : i32
      %mul3A_293 = arith.muli %add3A_291, %mul3A_292 : i32
      %multiple_of3A_294 = tpu.assume_multiple %mul3A_293, 8 : i32
      %dma_start3A_295 = tpu.memref_slice %arg7[%multiple_of3A_294] : memref<5120xi32, #tpu.memory_space<vmem>> -> memref<128xi32, #tpu.memory_space<vmem>>
      %dma_start3A_296 = arith.constant 0 : i32
      %dma_start3A_297 = arith.constant 0 : i32
      %dma_start3A_298 = tpu.memref_slice %arg2[%dma_start3A_296, %dma_start3A_297] : memref<10240x128xf32, #tpu.memory_space<hbm>> -> memref<10240x128xf32, #tpu.memory_space<hbm>>
      tpu.enqueue_indirect_dma source(%dma_start3A_298 : memref<10240x128xf32, #tpu.memory_space<hbm>>) target(%arg9 : memref<128x128xf32, #tpu.memory_space<vmem>>) offsets(%dma_start3A_295 : memref<128xi32, #tpu.memory_space<vmem>>) semaphore(%arg12 : memref<!tpu.dma_semaphore, #tpu.memory_space<semaphore_mem>>)
    }
    %scan3A_55 = arith.constant 18 : i32
    %multiple_of3A_56 = arith.constant 4864 : i32
    %multiple_of3A_57 = tpu.assume_multiple %multiple_of3A_56, 8 : i32
    %dma_wait3A_58 = tpu.memref_slice %arg7[%multiple_of3A_57] : memref<5120xi32, #tpu.memory_space<vmem>> -> memref<128xi32, #tpu.memory_space<vmem>>
    %dma_wait3A_59 = arith.constant 0 : i32
    %dma_wait3A_60 = arith.constant 0 : i32
    %dma_wait3A_61 = tpu.memref_slice %arg2[%dma_wait3A_59, %dma_wait3A_60] : memref<10240x128xf32, #tpu.memory_space<hbm>> -> memref<10240x128xf32, #tpu.memory_space<hbm>>
    tpu.wait_indirect_dma semaphore(%arg12 : memref<!tpu.dma_semaphore, #tpu.memory_space<semaphore_mem>>) src(%dma_wait3A_61 : memref<10240x128xf32, #tpu.memory_space<hbm>>) dst(%arg9 : memref<128x128xf32, #tpu.memory_space<vmem>>)
    %dma_start3A_62 = arith.constant 38 : i32
    %dma_start3A_63 = arith.constant 0 : i32
    %dma_start3A_64 = tpu.memref_slice %arg8[%dma_start3A_62, %dma_start3A_63] : memref<80x128xi32, #tpu.memory_space<vmem>> -> memref<1x128xi32, #tpu.memory_space<vmem>>
    %dma_start3A_65 = tpu.memref_squeeze %dma_start3A_64 : memref<1x128xi32, #tpu.memory_space<vmem>> -> memref<128xi32, #tpu.memory_space<vmem>>
    %dma_start3A_66 = arith.constant 0 : i32
    %dma_start3A_67 = arith.constant 0 : i32
    %dma_start3A_68 = tpu.memref_slice %arg11[%dma_start3A_66, %dma_start3A_67] : memref<10240x128xf32, #tpu.memory_space<vmem_shared>> -> memref<10240x128xf32, #tpu.memory_space<vmem_shared>>
    tpu.enqueue_indirect_dma source(%arg9 : memref<128x128xf32, #tpu.memory_space<vmem>>) target(%dma_start3A_68 : memref<10240x128xf32, #tpu.memory_space<vmem_shared>>) offsets(%dma_start3A_65 : memref<128xi32, #tpu.memory_space<vmem>>) semaphore(%arg14 : memref<!tpu.dma_semaphore, #tpu.memory_space<semaphore_mem>>) {add = true}
    %dma_wait3A_69 = arith.constant 37 : i32
    %dma_wait3A_70 = arith.constant 0 : i32
    %dma_wait3A_71 = tpu.memref_slice %arg8[%dma_wait3A_69, %dma_wait3A_70] : memref<80x128xi32, #tpu.memory_space<vmem>> -> memref<1x128xi32, #tpu.memory_space<vmem>>
    %dma_wait3A_72 = tpu.memref_squeeze %dma_wait3A_71 : memref<1x128xi32, #tpu.memory_space<vmem>> -> memref<128xi32, #tpu.memory_space<vmem>>
    %dma_wait3A_73 = arith.constant 0 : i32
    %dma_wait3A_74 = arith.constant 0 : i32
    %dma_wait3A_75 = tpu.memref_slice %arg11[%dma_wait3A_73, %dma_wait3A_74] : memref<10240x128xf32, #tpu.memory_space<vmem_shared>> -> memref<10240x128xf32, #tpu.memory_space<vmem_shared>>
    tpu.wait_indirect_dma semaphore(%arg15 : memref<!tpu.dma_semaphore, #tpu.memory_space<semaphore_mem>>) src(%arg10 : memref<128x128xf32, #tpu.memory_space<vmem>>) dst(%dma_wait3A_75 : memref<10240x128xf32, #tpu.memory_space<vmem_shared>>)
    %multiple_of3A_76 = arith.constant 4992 : i32
    %multiple_of3A_77 = tpu.assume_multiple %multiple_of3A_76, 8 : i32
    %dma_start3A_78 = tpu.memref_slice %arg7[%multiple_of3A_77] : memref<5120xi32, #tpu.memory_space<vmem>> -> memref<128xi32, #tpu.memory_space<vmem>>
    %dma_start3A_79 = arith.constant 0 : i32
    %dma_start3A_80 = arith.constant 0 : i32
    %dma_start3A_81 = tpu.memref_slice %arg2[%dma_start3A_79, %dma_start3A_80] : memref<10240x128xf32, #tpu.memory_space<hbm>> -> memref<10240x128xf32, #tpu.memory_space<hbm>>
    tpu.enqueue_indirect_dma source(%dma_start3A_81 : memref<10240x128xf32, #tpu.memory_space<hbm>>) target(%arg10 : memref<128x128xf32, #tpu.memory_space<vmem>>) offsets(%dma_start3A_78 : memref<128xi32, #tpu.memory_space<vmem>>) semaphore(%arg13 : memref<!tpu.dma_semaphore, #tpu.memory_space<semaphore_mem>>)
    %multiple_of3A_82 = arith.constant 4992 : i32
    %multiple_of3A_83 = tpu.assume_multiple %multiple_of3A_82, 8 : i32
    %dma_wait3A_84 = tpu.memref_slice %arg7[%multiple_of3A_83] : memref<5120xi32, #tpu.memory_space<vmem>> -> memref<128xi32, #tpu.memory_space<vmem>>
    %dma_wait3A_85 = arith.constant 0 : i32
    %dma_wait3A_86 = arith.constant 0 : i32
    %dma_wait3A_87 = tpu.memref_slice %arg2[%dma_wait3A_85, %dma_wait3A_86] : memref<10240x128xf32, #tpu.memory_space<hbm>> -> memref<10240x128xf32, #tpu.memory_space<hbm>>
    tpu.wait_indirect_dma semaphore(%arg13 : memref<!tpu.dma_semaphore, #tpu.memory_space<semaphore_mem>>) src(%dma_wait3A_87 : memref<10240x128xf32, #tpu.memory_space<hbm>>) dst(%arg10 : memref<128x128xf32, #tpu.memory_space<vmem>>)
    %dma_start3A_88 = arith.constant 39 : i32
    %dma_start3A_89 = arith.constant 0 : i32
    %dma_start3A_90 = tpu.memref_slice %arg8[%dma_start3A_88, %dma_start3A_89] : memref<80x128xi32, #tpu.memory_space<vmem>> -> memref<1x128xi32, #tpu.memory_space<vmem>>
    %dma_start3A_91 = tpu.memref_squeeze %dma_start3A_90 : memref<1x128xi32, #tpu.memory_space<vmem>> -> memref<128xi32, #tpu.memory_space<vmem>>
    %dma_start3A_92 = arith.constant 0 : i32
    %dma_start3A_93 = arith.constant 0 : i32
    %dma_start3A_94 = tpu.memref_slice %arg11[%dma_start3A_92, %dma_start3A_93] : memref<10240x128xf32, #tpu.memory_space<vmem_shared>> -> memref<10240x128xf32, #tpu.memory_space<vmem_shared>>
    tpu.enqueue_indirect_dma source(%arg10 : memref<128x128xf32, #tpu.memory_space<vmem>>) target(%dma_start3A_94 : memref<10240x128xf32, #tpu.memory_space<vmem_shared>>) offsets(%dma_start3A_91 : memref<128xi32, #tpu.memory_space<vmem>>) semaphore(%arg15 : memref<!tpu.dma_semaphore, #tpu.memory_space<semaphore_mem>>) {add = true}
    %dma_wait3A_95 = arith.constant 38 : i32
    %dma_wait3A_96 = arith.constant 0 : i32
    %dma_wait3A_97 = tpu.memref_slice %arg8[%dma_wait3A_95, %dma_wait3A_96] : memref<80x128xi32, #tpu.memory_space<vmem>> -> memref<1x128xi32, #tpu.memory_space<vmem>>
    %dma_wait3A_98 = tpu.memref_squeeze %dma_wait3A_97 : memref<1x128xi32, #tpu.memory_space<vmem>> -> memref<128xi32, #tpu.memory_space<vmem>>
    %dma_wait3A_99 = arith.constant 0 : i32
    %dma_wait3A_100 = arith.constant 0 : i32
    %dma_wait3A_101 = tpu.memref_slice %arg11[%dma_wait3A_99, %dma_wait3A_100] : memref<10240x128xf32, #tpu.memory_space<vmem_shared>> -> memref<10240x128xf32, #tpu.memory_space<vmem_shared>>
    tpu.wait_indirect_dma semaphore(%arg14 : memref<!tpu.dma_semaphore, #tpu.memory_space<semaphore_mem>>) src(%arg9 : memref<128x128xf32, #tpu.memory_space<vmem>>) dst(%dma_wait3A_101 : memref<10240x128xf32, #tpu.memory_space<vmem_shared>>)
    %dma_wait3A_102 = arith.constant 39 : i32
    %dma_wait3A_103 = arith.constant 0 : i32
    %dma_wait3A_104 = tpu.memref_slice %arg8[%dma_wait3A_102, %dma_wait3A_103] : memref<80x128xi32, #tpu.memory_space<vmem>> -> memref<1x128xi32, #tpu.memory_space<vmem>>
    %dma_wait3A_105 = tpu.memref_squeeze %dma_wait3A_104 : memref<1x128xi32, #tpu.memory_space<vmem>> -> memref<128xi32, #tpu.memory_space<vmem>>
    %dma_wait3A_106 = arith.constant 0 : i32
    %dma_wait3A_107 = arith.constant 0 : i32
    %dma_wait3A_108 = tpu.memref_slice %arg11[%dma_wait3A_106, %dma_wait3A_107] : memref<10240x128xf32, #tpu.memory_space<vmem_shared>> -> memref<10240x128xf32, #tpu.memory_space<vmem_shared>>
    tpu.wait_indirect_dma semaphore(%arg15 : memref<!tpu.dma_semaphore, #tpu.memory_space<semaphore_mem>>) src(%arg10 : memref<128x128xf32, #tpu.memory_space<vmem>>) dst(%dma_wait3A_108 : memref<10240x128xf32, #tpu.memory_space<vmem_shared>>)
    "tpu.region"() ({
      %run_scoped3A = tpu.sem_alloc : memref<!tpu.dma_semaphore, #tpu.memory_space<semaphore_mem>>
      %dma_start3A_223 = arith.constant 5120 : i32
      %dma_start3A_224 = tpu.memref_slice %arg3[%add3A, %dma_start3A_223] : memref<32x10240xi32, #tpu.memory_space<hbm>> -> memref<1x5120xi32, #tpu.memory_space<hbm>>
      %dma_start3A_225 = tpu.memref_squeeze %dma_start3A_224 : memref<1x5120xi32, #tpu.memory_space<hbm>> -> memref<5120xi32, #tpu.memory_space<hbm>>
      %dma_start3A_226 = arith.constant 5120 : i32
      %dma_start3A_227 = tpu.memref_slice %arg3[%add3A, %dma_start3A_226] : memref<32x10240xi32, #tpu.memory_space<hbm>> -> memref<1x5120xi32, #tpu.memory_space<hbm>>
      %dma_start3A_228 = tpu.memref_squeeze %dma_start3A_227 : memref<1x5120xi32, #tpu.memory_space<hbm>> -> memref<5120xi32, #tpu.memory_space<hbm>>
      tpu.enqueue_dma source(%dma_start3A_228 : memref<5120xi32, #tpu.memory_space<hbm>>) target(%arg7 : memref<5120xi32, #tpu.memory_space<vmem>>) target_semaphore(%run_scoped3A : memref<!tpu.dma_semaphore, #tpu.memory_space<semaphore_mem>>)
      %dma_wait3A_229 = arith.constant 5120 : i32
      %dma_wait3A_230 = tpu.memref_slice %arg3[%add3A, %dma_wait3A_229] : memref<32x10240xi32, #tpu.memory_space<hbm>> -> memref<1x5120xi32, #tpu.memory_space<hbm>>
      %dma_wait3A_231 = tpu.memref_squeeze %dma_wait3A_230 : memref<1x5120xi32, #tpu.memory_space<hbm>> -> memref<5120xi32, #tpu.memory_space<hbm>>
      %dma_wait3A_232 = arith.constant 5120 : i32
      %dma_wait3A_233 = tpu.memref_slice %arg3[%add3A, %dma_wait3A_232] : memref<32x10240xi32, #tpu.memory_space<hbm>> -> memref<1x5120xi32, #tpu.memory_space<hbm>>
      %dma_wait3A_234 = tpu.memref_squeeze %dma_wait3A_233 : memref<1x5120xi32, #tpu.memory_space<hbm>> -> memref<5120xi32, #tpu.memory_space<hbm>>
      tpu.wait_dma2 semaphore(%run_scoped3A : memref<!tpu.dma_semaphore, #tpu.memory_space<semaphore_mem>>) src(%dma_wait3A_234 : memref<5120xi32, #tpu.memory_space<hbm>>) dst(%arg7 : memref<5120xi32, #tpu.memory_space<vmem>>)
      tpu.yield
    }) : () -> ()
    %multiple_of3A_109 = arith.constant 0 : i32
    %multiple_of3A_110 = tpu.assume_multiple %multiple_of3A_109, 8 : i32
    %dma_start3A_111 = tpu.memref_slice %arg7[%multiple_of3A_110] : memref<5120xi32, #tpu.memory_space<vmem>> -> memref<128xi32, #tpu.memory_space<vmem>>
    %dma_start3A_112 = arith.constant 0 : i32
    %dma_start3A_113 = arith.constant 0 : i32
    %dma_start3A_114 = tpu.memref_slice %arg2[%dma_start3A_112, %dma_start3A_113] : memref<10240x128xf32, #tpu.memory_space<hbm>> -> memref<10240x128xf32, #tpu.memory_space<hbm>>
    tpu.enqueue_indirect_dma source(%dma_start3A_114 : memref<10240x128xf32, #tpu.memory_space<hbm>>) target(%arg9 : memref<128x128xf32, #tpu.memory_space<vmem>>) offsets(%dma_start3A_111 : memref<128xi32, #tpu.memory_space<vmem>>) semaphore(%arg12 : memref<!tpu.dma_semaphore, #tpu.memory_space<semaphore_mem>>)
    %multiple_of3A_115 = arith.constant 0 : i32
    %multiple_of3A_116 = tpu.assume_multiple %multiple_of3A_115, 8 : i32
    %dma_wait3A_117 = tpu.memref_slice %arg7[%multiple_of3A_116] : memref<5120xi32, #tpu.memory_space<vmem>> -> memref<128xi32, #tpu.memory_space<vmem>>
    %dma_wait3A_118 = arith.constant 0 : i32
    %dma_wait3A_119 = arith.constant 0 : i32
    %dma_wait3A_120 = tpu.memref_slice %arg2[%dma_wait3A_118, %dma_wait3A_119] : memref<10240x128xf32, #tpu.memory_space<hbm>> -> memref<10240x128xf32, #tpu.memory_space<hbm>>
    tpu.wait_indirect_dma semaphore(%arg12 : memref<!tpu.dma_semaphore, #tpu.memory_space<semaphore_mem>>) src(%dma_wait3A_120 : memref<10240x128xf32, #tpu.memory_space<hbm>>) dst(%arg9 : memref<128x128xf32, #tpu.memory_space<vmem>>)
    %dma_start3A_121 = arith.constant 40 : i32
    %dma_start3A_122 = arith.constant 0 : i32
    %dma_start3A_123 = tpu.memref_slice %arg8[%dma_start3A_121, %dma_start3A_122] : memref<80x128xi32, #tpu.memory_space<vmem>> -> memref<1x128xi32, #tpu.memory_space<vmem>>
    %dma_start3A_124 = tpu.memref_squeeze %dma_start3A_123 : memref<1x128xi32, #tpu.memory_space<vmem>> -> memref<128xi32, #tpu.memory_space<vmem>>
    %dma_start3A_125 = arith.constant 0 : i32
    %dma_start3A_126 = arith.constant 0 : i32
    %dma_start3A_127 = tpu.memref_slice %arg11[%dma_start3A_125, %dma_start3A_126] : memref<10240x128xf32, #tpu.memory_space<vmem_shared>> -> memref<10240x128xf32, #tpu.memory_space<vmem_shared>>
    tpu.enqueue_indirect_dma source(%arg9 : memref<128x128xf32, #tpu.memory_space<vmem>>) target(%dma_start3A_127 : memref<10240x128xf32, #tpu.memory_space<vmem_shared>>) offsets(%dma_start3A_124 : memref<128xi32, #tpu.memory_space<vmem>>) semaphore(%arg14 : memref<!tpu.dma_semaphore, #tpu.memory_space<semaphore_mem>>) {add = true}
    %multiple_of3A_128 = arith.constant 128 : i32
    %multiple_of3A_129 = tpu.assume_multiple %multiple_of3A_128, 8 : i32
    %dma_start3A_130 = tpu.memref_slice %arg7[%multiple_of3A_129] : memref<5120xi32, #tpu.memory_space<vmem>> -> memref<128xi32, #tpu.memory_space<vmem>>
    %dma_start3A_131 = arith.constant 0 : i32
    %dma_start3A_132 = arith.constant 0 : i32
    %dma_start3A_133 = tpu.memref_slice %arg2[%dma_start3A_131, %dma_start3A_132] : memref<10240x128xf32, #tpu.memory_space<hbm>> -> memref<10240x128xf32, #tpu.memory_space<hbm>>
    tpu.enqueue_indirect_dma source(%dma_start3A_133 : memref<10240x128xf32, #tpu.memory_space<hbm>>) target(%arg10 : memref<128x128xf32, #tpu.memory_space<vmem>>) offsets(%dma_start3A_130 : memref<128xi32, #tpu.memory_space<vmem>>) semaphore(%arg13 : memref<!tpu.dma_semaphore, #tpu.memory_space<semaphore_mem>>)
    %multiple_of3A_134 = arith.constant 128 : i32
    %multiple_of3A_135 = tpu.assume_multiple %multiple_of3A_134, 8 : i32
    %dma_wait3A_136 = tpu.memref_slice %arg7[%multiple_of3A_135] : memref<5120xi32, #tpu.memory_space<vmem>> -> memref<128xi32, #tpu.memory_space<vmem>>
    %dma_wait3A_137 = arith.constant 0 : i32
    %dma_wait3A_138 = arith.constant 0 : i32
    %dma_wait3A_139 = tpu.memref_slice %arg2[%dma_wait3A_137, %dma_wait3A_138] : memref<10240x128xf32, #tpu.memory_space<hbm>> -> memref<10240x128xf32, #tpu.memory_space<hbm>>
    tpu.wait_indirect_dma semaphore(%arg13 : memref<!tpu.dma_semaphore, #tpu.memory_space<semaphore_mem>>) src(%dma_wait3A_139 : memref<10240x128xf32, #tpu.memory_space<hbm>>) dst(%arg10 : memref<128x128xf32, #tpu.memory_space<vmem>>)
    %dma_start3A_140 = arith.constant 41 : i32
    %dma_start3A_141 = arith.constant 0 : i32
    %dma_start3A_142 = tpu.memref_slice %arg8[%dma_start3A_140, %dma_start3A_141] : memref<80x128xi32, #tpu.memory_space<vmem>> -> memref<1x128xi32, #tpu.memory_space<vmem>>
    %dma_start3A_143 = tpu.memref_squeeze %dma_start3A_142 : memref<1x128xi32, #tpu.memory_space<vmem>> -> memref<128xi32, #tpu.memory_space<vmem>>
    %dma_start3A_144 = arith.constant 0 : i32
    %dma_start3A_145 = arith.constant 0 : i32
    %dma_start3A_146 = tpu.memref_slice %arg11[%dma_start3A_144, %dma_start3A_145] : memref<10240x128xf32, #tpu.memory_space<vmem_shared>> -> memref<10240x128xf32, #tpu.memory_space<vmem_shared>>
    tpu.enqueue_indirect_dma source(%arg10 : memref<128x128xf32, #tpu.memory_space<vmem>>) target(%dma_start3A_146 : memref<10240x128xf32, #tpu.memory_space<vmem_shared>>) offsets(%dma_start3A_143 : memref<128xi32, #tpu.memory_space<vmem>>) semaphore(%arg15 : memref<!tpu.dma_semaphore, #tpu.memory_space<semaphore_mem>>) {add = true}
    %dma_wait3A_147 = arith.constant 40 : i32
    %dma_wait3A_148 = arith.constant 0 : i32
    %dma_wait3A_149 = tpu.memref_slice %arg8[%dma_wait3A_147, %dma_wait3A_148] : memref<80x128xi32, #tpu.memory_space<vmem>> -> memref<1x128xi32, #tpu.memory_space<vmem>>
    %dma_wait3A_150 = tpu.memref_squeeze %dma_wait3A_149 : memref<1x128xi32, #tpu.memory_space<vmem>> -> memref<128xi32, #tpu.memory_space<vmem>>
    %dma_wait3A_151 = arith.constant 0 : i32
    %dma_wait3A_152 = arith.constant 0 : i32
    %dma_wait3A_153 = tpu.memref_slice %arg11[%dma_wait3A_151, %dma_wait3A_152] : memref<10240x128xf32, #tpu.memory_space<vmem_shared>> -> memref<10240x128xf32, #tpu.memory_space<vmem_shared>>
    tpu.wait_indirect_dma semaphore(%arg14 : memref<!tpu.dma_semaphore, #tpu.memory_space<semaphore_mem>>) src(%arg9 : memref<128x128xf32, #tpu.memory_space<vmem>>) dst(%dma_wait3A_153 : memref<10240x128xf32, #tpu.memory_space<vmem_shared>>)
    %multiple_of3A_154 = arith.constant 256 : i32
    %multiple_of3A_155 = tpu.assume_multiple %multiple_of3A_154, 8 : i32
    %dma_start3A_156 = tpu.memref_slice %arg7[%multiple_of3A_155] : memref<5120xi32, #tpu.memory_space<vmem>> -> memref<128xi32, #tpu.memory_space<vmem>>
    %dma_start3A_157 = arith.constant 0 : i32
    %dma_start3A_158 = arith.constant 0 : i32
    %dma_start3A_159 = tpu.memref_slice %arg2[%dma_start3A_157, %dma_start3A_158] : memref<10240x128xf32, #tpu.memory_space<hbm>> -> memref<10240x128xf32, #tpu.memory_space<hbm>>
    tpu.enqueue_indirect_dma source(%dma_start3A_159 : memref<10240x128xf32, #tpu.memory_space<hbm>>) target(%arg9 : memref<128x128xf32, #tpu.memory_space<vmem>>) offsets(%dma_start3A_156 : memref<128xi32, #tpu.memory_space<vmem>>) semaphore(%arg12 : memref<!tpu.dma_semaphore, #tpu.memory_space<semaphore_mem>>)
    %scan3A_160 = arith.constant 0 : i32
    %scan3A_161 = arith.constant 1 : i32
    %scan3A_162 = arith.constant 18 : i32
    %scan3A_163 = arith.addi %scan3A_161, %scan3A_162 : i32
    %scan3A_164 = arith.constant 1 : i32
    scf.for %scan3A_223 = %scan3A_161 to %scan3A_163 step %scan3A_164  : i32 {
      %mul3A_224 = arith.constant 2 : i32
      %mul3A_225 = arith.muli %mul3A_224, %scan3A_223 : i32
      %add3A_226 = arith.constant 0 : i32
      %add3A_227 = arith.addi %mul3A_225, %add3A_226 : i32
      %mul3A_228 = arith.constant 128 : i32
      %mul3A_229 = arith.muli %add3A_227, %mul3A_228 : i32
      %multiple_of3A_230 = tpu.assume_multiple %mul3A_229, 8 : i32
      %dma_wait3A_231 = tpu.memref_slice %arg7[%multiple_of3A_230] : memref<5120xi32, #tpu.memory_space<vmem>> -> memref<128xi32, #tpu.memory_space<vmem>>
      %dma_wait3A_232 = arith.constant 0 : i32
      %dma_wait3A_233 = arith.constant 0 : i32
      %dma_wait3A_234 = tpu.memref_slice %arg2[%dma_wait3A_232, %dma_wait3A_233] : memref<10240x128xf32, #tpu.memory_space<hbm>> -> memref<10240x128xf32, #tpu.memory_space<hbm>>
      tpu.wait_indirect_dma semaphore(%arg12 : memref<!tpu.dma_semaphore, #tpu.memory_space<semaphore_mem>>) src(%dma_wait3A_234 : memref<10240x128xf32, #tpu.memory_space<hbm>>) dst(%arg9 : memref<128x128xf32, #tpu.memory_space<vmem>>)
      %add3A_235 = arith.constant 40 : i32
      %add3A_236 = arith.addi %add3A_235, %add3A_227 : i32
      %dma_start3A_237 = arith.constant 0 : i32
      %dma_start3A_238 = tpu.memref_slice %arg8[%add3A_236, %dma_start3A_237] : memref<80x128xi32, #tpu.memory_space<vmem>> -> memref<1x128xi32, #tpu.memory_space<vmem>>
      %dma_start3A_239 = tpu.memref_squeeze %dma_start3A_238 : memref<1x128xi32, #tpu.memory_space<vmem>> -> memref<128xi32, #tpu.memory_space<vmem>>
      %dma_start3A_240 = arith.constant 0 : i32
      %dma_start3A_241 = arith.constant 0 : i32
      %dma_start3A_242 = tpu.memref_slice %arg11[%dma_start3A_240, %dma_start3A_241] : memref<10240x128xf32, #tpu.memory_space<vmem_shared>> -> memref<10240x128xf32, #tpu.memory_space<vmem_shared>>
      tpu.enqueue_indirect_dma source(%arg9 : memref<128x128xf32, #tpu.memory_space<vmem>>) target(%dma_start3A_242 : memref<10240x128xf32, #tpu.memory_space<vmem_shared>>) offsets(%dma_start3A_239 : memref<128xi32, #tpu.memory_space<vmem>>) semaphore(%arg14 : memref<!tpu.dma_semaphore, #tpu.memory_space<semaphore_mem>>) {add = true}
      %add3A_243 = arith.constant 40 : i32
      %add3A_244 = arith.addi %add3A_243, %add3A_227 : i32
      %sub3A = arith.constant 1 : i32
      %sub3A_245 = arith.subi %add3A_244, %sub3A : i32
      %dma_wait3A_246 = arith.constant 0 : i32
      %dma_wait3A_247 = tpu.memref_slice %arg8[%sub3A_245, %dma_wait3A_246] : memref<80x128xi32, #tpu.memory_space<vmem>> -> memref<1x128xi32, #tpu.memory_space<vmem>>
      %dma_wait3A_248 = tpu.memref_squeeze %dma_wait3A_247 : memref<1x128xi32, #tpu.memory_space<vmem>> -> memref<128xi32, #tpu.memory_space<vmem>>
      %dma_wait3A_249 = arith.constant 0 : i32
      %dma_wait3A_250 = arith.constant 0 : i32
      %dma_wait3A_251 = tpu.memref_slice %arg11[%dma_wait3A_249, %dma_wait3A_250] : memref<10240x128xf32, #tpu.memory_space<vmem_shared>> -> memref<10240x128xf32, #tpu.memory_space<vmem_shared>>
      tpu.wait_indirect_dma semaphore(%arg15 : memref<!tpu.dma_semaphore, #tpu.memory_space<semaphore_mem>>) src(%arg10 : memref<128x128xf32, #tpu.memory_space<vmem>>) dst(%dma_wait3A_251 : memref<10240x128xf32, #tpu.memory_space<vmem_shared>>)
      %add3A_252 = arith.constant 1 : i32
      %add3A_253 = arith.addi %add3A_227, %add3A_252 : i32
      %mul3A_254 = arith.constant 128 : i32
      %mul3A_255 = arith.muli %add3A_253, %mul3A_254 : i32
      %multiple_of3A_256 = tpu.assume_multiple %mul3A_255, 8 : i32
      %dma_start3A_257 = tpu.memref_slice %arg7[%multiple_of3A_256] : memref<5120xi32, #tpu.memory_space<vmem>> -> memref<128xi32, #tpu.memory_space<vmem>>
      %dma_start3A_258 = arith.constant 0 : i32
      %dma_start3A_259 = arith.constant 0 : i32
      %dma_start3A_260 = tpu.memref_slice %arg2[%dma_start3A_258, %dma_start3A_259] : memref<10240x128xf32, #tpu.memory_space<hbm>> -> memref<10240x128xf32, #tpu.memory_space<hbm>>
      tpu.enqueue_indirect_dma source(%dma_start3A_260 : memref<10240x128xf32, #tpu.memory_space<hbm>>) target(%arg10 : memref<128x128xf32, #tpu.memory_space<vmem>>) offsets(%dma_start3A_257 : memref<128xi32, #tpu.memory_space<vmem>>) semaphore(%arg13 : memref<!tpu.dma_semaphore, #tpu.memory_space<semaphore_mem>>)
      %mul3A_261 = arith.constant 2 : i32
      %mul3A_262 = arith.muli %mul3A_261, %scan3A_223 : i32
      %add3A_263 = arith.constant 1 : i32
      %add3A_264 = arith.addi %mul3A_262, %add3A_263 : i32
      %mul3A_265 = arith.constant 128 : i32
      %mul3A_266 = arith.muli %add3A_264, %mul3A_265 : i32
      %multiple_of3A_267 = tpu.assume_multiple %mul3A_266, 8 : i32
      %dma_wait3A_268 = tpu.memref_slice %arg7[%multiple_of3A_267] : memref<5120xi32, #tpu.memory_space<vmem>> -> memref<128xi32, #tpu.memory_space<vmem>>
      %dma_wait3A_269 = arith.constant 0 : i32
      %dma_wait3A_270 = arith.constant 0 : i32
      %dma_wait3A_271 = tpu.memref_slice %arg2[%dma_wait3A_269, %dma_wait3A_270] : memref<10240x128xf32, #tpu.memory_space<hbm>> -> memref<10240x128xf32, #tpu.memory_space<hbm>>
      tpu.wait_indirect_dma semaphore(%arg13 : memref<!tpu.dma_semaphore, #tpu.memory_space<semaphore_mem>>) src(%dma_wait3A_271 : memref<10240x128xf32, #tpu.memory_space<hbm>>) dst(%arg10 : memref<128x128xf32, #tpu.memory_space<vmem>>)
      %add3A_272 = arith.constant 40 : i32
      %add3A_273 = arith.addi %add3A_272, %add3A_264 : i32
      %dma_start3A_274 = arith.constant 0 : i32
      %dma_start3A_275 = tpu.memref_slice %arg8[%add3A_273, %dma_start3A_274] : memref<80x128xi32, #tpu.memory_space<vmem>> -> memref<1x128xi32, #tpu.memory_space<vmem>>
      %dma_start3A_276 = tpu.memref_squeeze %dma_start3A_275 : memref<1x128xi32, #tpu.memory_space<vmem>> -> memref<128xi32, #tpu.memory_space<vmem>>
      %dma_start3A_277 = arith.constant 0 : i32
      %dma_start3A_278 = arith.constant 0 : i32
      %dma_start3A_279 = tpu.memref_slice %arg11[%dma_start3A_277, %dma_start3A_278] : memref<10240x128xf32, #tpu.memory_space<vmem_shared>> -> memref<10240x128xf32, #tpu.memory_space<vmem_shared>>
      tpu.enqueue_indirect_dma source(%arg10 : memref<128x128xf32, #tpu.memory_space<vmem>>) target(%dma_start3A_279 : memref<10240x128xf32, #tpu.memory_space<vmem_shared>>) offsets(%dma_start3A_276 : memref<128xi32, #tpu.memory_space<vmem>>) semaphore(%arg15 : memref<!tpu.dma_semaphore, #tpu.memory_space<semaphore_mem>>) {add = true}
      %add3A_280 = arith.constant 40 : i32
      %add3A_281 = arith.addi %add3A_280, %add3A_264 : i32
      %sub3A_282 = arith.constant 1 : i32
      %sub3A_283 = arith.subi %add3A_281, %sub3A_282 : i32
      %dma_wait3A_284 = arith.constant 0 : i32
      %dma_wait3A_285 = tpu.memref_slice %arg8[%sub3A_283, %dma_wait3A_284] : memref<80x128xi32, #tpu.memory_space<vmem>> -> memref<1x128xi32, #tpu.memory_space<vmem>>
      %dma_wait3A_286 = tpu.memref_squeeze %dma_wait3A_285 : memref<1x128xi32, #tpu.memory_space<vmem>> -> memref<128xi32, #tpu.memory_space<vmem>>
      %dma_wait3A_287 = arith.constant 0 : i32
      %dma_wait3A_288 = arith.constant 0 : i32
      %dma_wait3A_289 = tpu.memref_slice %arg11[%dma_wait3A_287, %dma_wait3A_288] : memref<10240x128xf32, #tpu.memory_space<vmem_shared>> -> memref<10240x128xf32, #tpu.memory_space<vmem_shared>>
      tpu.wait_indirect_dma semaphore(%arg14 : memref<!tpu.dma_semaphore, #tpu.memory_space<semaphore_mem>>) src(%arg9 : memref<128x128xf32, #tpu.memory_space<vmem>>) dst(%dma_wait3A_289 : memref<10240x128xf32, #tpu.memory_space<vmem_shared>>)
      %add3A_290 = arith.constant 1 : i32
      %add3A_291 = arith.addi %add3A_264, %add3A_290 : i32
      %mul3A_292 = arith.constant 128 : i32
      %mul3A_293 = arith.muli %add3A_291, %mul3A_292 : i32
      %multiple_of3A_294 = tpu.assume_multiple %mul3A_293, 8 : i32
      %dma_start3A_295 = tpu.memref_slice %arg7[%multiple_of3A_294] : memref<5120xi32, #tpu.memory_space<vmem>> -> memref<128xi32, #tpu.memory_space<vmem>>
      %dma_start3A_296 = arith.constant 0 : i32
      %dma_start3A_297 = arith.constant 0 : i32
      %dma_start3A_298 = tpu.memref_slice %arg2[%dma_start3A_296, %dma_start3A_297] : memref<10240x128xf32, #tpu.memory_space<hbm>> -> memref<10240x128xf32, #tpu.memory_space<hbm>>
      tpu.enqueue_indirect_dma source(%dma_start3A_298 : memref<10240x128xf32, #tpu.memory_space<hbm>>) target(%arg9 : memref<128x128xf32, #tpu.memory_space<vmem>>) offsets(%dma_start3A_295 : memref<128xi32, #tpu.memory_space<vmem>>) semaphore(%arg12 : memref<!tpu.dma_semaphore, #tpu.memory_space<semaphore_mem>>)
    }
    %scan3A_165 = arith.constant 18 : i32
    %multiple_of3A_166 = arith.constant 4864 : i32
    %multiple_of3A_167 = tpu.assume_multiple %multiple_of3A_166, 8 : i32
    %dma_wait3A_168 = tpu.memref_slice %arg7[%multiple_of3A_167] : memref<5120xi32, #tpu.memory_space<vmem>> -> memref<128xi32, #tpu.memory_space<vmem>>
    %dma_wait3A_169 = arith.constant 0 : i32
    %dma_wait3A_170 = arith.constant 0 : i32
    %dma_wait3A_171 = tpu.memref_slice %arg2[%dma_wait3A_169, %dma_wait3A_170] : memref<10240x128xf32, #tpu.memory_space<hbm>> -> memref<10240x128xf32, #tpu.memory_space<hbm>>
    tpu.wait_indirect_dma semaphore(%arg12 : memref<!tpu.dma_semaphore, #tpu.memory_space<semaphore_mem>>) src(%dma_wait3A_171 : memref<10240x128xf32, #tpu.memory_space<hbm>>) dst(%arg9 : memref<128x128xf32, #tpu.memory_space<vmem>>)
    %dma_start3A_172 = arith.constant 78 : i32
    %dma_start3A_173 = arith.constant 0 : i32
    %dma_start3A_174 = tpu.memref_slice %arg8[%dma_start3A_172, %dma_start3A_173] : memref<80x128xi32, #tpu.memory_space<vmem>> -> memref<1x128xi32, #tpu.memory_space<vmem>>
    %dma_start3A_175 = tpu.memref_squeeze %dma_start3A_174 : memref<1x128xi32, #tpu.memory_space<vmem>> -> memref<128xi32, #tpu.memory_space<vmem>>
    %dma_start3A_176 = arith.constant 0 : i32
    %dma_start3A_177 = arith.constant 0 : i32
    %dma_start3A_178 = tpu.memref_slice %arg11[%dma_start3A_176, %dma_start3A_177] : memref<10240x128xf32, #tpu.memory_space<vmem_shared>> -> memref<10240x128xf32, #tpu.memory_space<vmem_shared>>
    tpu.enqueue_indirect_dma source(%arg9 : memref<128x128xf32, #tpu.memory_space<vmem>>) target(%dma_start3A_178 : memref<10240x128xf32, #tpu.memory_space<vmem_shared>>) offsets(%dma_start3A_175 : memref<128xi32, #tpu.memory_space<vmem>>) semaphore(%arg14 : memref<!tpu.dma_semaphore, #tpu.memory_space<semaphore_mem>>) {add = true}
    %dma_wait3A_179 = arith.constant 77 : i32
    %dma_wait3A_180 = arith.constant 0 : i32
    %dma_wait3A_181 = tpu.memref_slice %arg8[%dma_wait3A_179, %dma_wait3A_180] : memref<80x128xi32, #tpu.memory_space<vmem>> -> memref<1x128xi32, #tpu.memory_space<vmem>>
    %dma_wait3A_182 = tpu.memref_squeeze %dma_wait3A_181 : memref<1x128xi32, #tpu.memory_space<vmem>> -> memref<128xi32, #tpu.memory_space<vmem>>
    %dma_wait3A_183 = arith.constant 0 : i32
    %dma_wait3A_184 = arith.constant 0 : i32
    %dma_wait3A_185 = tpu.memref_slice %arg11[%dma_wait3A_183, %dma_wait3A_184] : memref<10240x128xf32, #tpu.memory_space<vmem_shared>> -> memref<10240x128xf32, #tpu.memory_space<vmem_shared>>
    tpu.wait_indirect_dma semaphore(%arg15 : memref<!tpu.dma_semaphore, #tpu.memory_space<semaphore_mem>>) src(%arg10 : memref<128x128xf32, #tpu.memory_space<vmem>>) dst(%dma_wait3A_185 : memref<10240x128xf32, #tpu.memory_space<vmem_shared>>)
    %multiple_of3A_186 = arith.constant 4992 : i32
    %multiple_of3A_187 = tpu.assume_multiple %multiple_of3A_186, 8 : i32
    %dma_start3A_188 = tpu.memref_slice %arg7[%multiple_of3A_187] : memref<5120xi32, #tpu.memory_space<vmem>> -> memref<128xi32, #tpu.memory_space<vmem>>
    %dma_start3A_189 = arith.constant 0 : i32
    %dma_start3A_190 = arith.constant 0 : i32
    %dma_start3A_191 = tpu.memref_slice %arg2[%dma_start3A_189, %dma_start3A_190] : memref<10240x128xf32, #tpu.memory_space<hbm>> -> memref<10240x128xf32, #tpu.memory_space<hbm>>
    tpu.enqueue_indirect_dma source(%dma_start3A_191 : memref<10240x128xf32, #tpu.memory_space<hbm>>) target(%arg10 : memref<128x128xf32, #tpu.memory_space<vmem>>) offsets(%dma_start3A_188 : memref<128xi32, #tpu.memory_space<vmem>>) semaphore(%arg13 : memref<!tpu.dma_semaphore, #tpu.memory_space<semaphore_mem>>)
    %multiple_of3A_192 = arith.constant 4992 : i32
    %multiple_of3A_193 = tpu.assume_multiple %multiple_of3A_192, 8 : i32
    %dma_wait3A_194 = tpu.memref_slice %arg7[%multiple_of3A_193] : memref<5120xi32, #tpu.memory_space<vmem>> -> memref<128xi32, #tpu.memory_space<vmem>>
    %dma_wait3A_195 = arith.constant 0 : i32
    %dma_wait3A_196 = arith.constant 0 : i32
    %dma_wait3A_197 = tpu.memref_slice %arg2[%dma_wait3A_195, %dma_wait3A_196] : memref<10240x128xf32, #tpu.memory_space<hbm>> -> memref<10240x128xf32, #tpu.memory_space<hbm>>
    tpu.wait_indirect_dma semaphore(%arg13 : memref<!tpu.dma_semaphore, #tpu.memory_space<semaphore_mem>>) src(%dma_wait3A_197 : memref<10240x128xf32, #tpu.memory_space<hbm>>) dst(%arg10 : memref<128x128xf32, #tpu.memory_space<vmem>>)
    %dma_start3A_198 = arith.constant 79 : i32
    %dma_start3A_199 = arith.constant 0 : i32
    %dma_start3A_200 = tpu.memref_slice %arg8[%dma_start3A_198, %dma_start3A_199] : memref<80x128xi32, #tpu.memory_space<vmem>> -> memref<1x128xi32, #tpu.memory_space<vmem>>
    %dma_start3A_201 = tpu.memref_squeeze %dma_start3A_200 : memref<1x128xi32, #tpu.memory_space<vmem>> -> memref<128xi32, #tpu.memory_space<vmem>>
    %dma_start3A_202 = arith.constant 0 : i32
    %dma_start3A_203 = arith.constant 0 : i32
    %dma_start3A_204 = tpu.memref_slice %arg11[%dma_start3A_202, %dma_start3A_203] : memref<10240x128xf32, #tpu.memory_space<vmem_shared>> -> memref<10240x128xf32, #tpu.memory_space<vmem_shared>>
    tpu.enqueue_indirect_dma source(%arg10 : memref<128x128xf32, #tpu.memory_space<vmem>>) target(%dma_start3A_204 : memref<10240x128xf32, #tpu.memory_space<vmem_shared>>) offsets(%dma_start3A_201 : memref<128xi32, #tpu.memory_space<vmem>>) semaphore(%arg15 : memref<!tpu.dma_semaphore, #tpu.memory_space<semaphore_mem>>) {add = true}
    %dma_wait3A_205 = arith.constant 78 : i32
    %dma_wait3A_206 = arith.constant 0 : i32
    %dma_wait3A_207 = tpu.memref_slice %arg8[%dma_wait3A_205, %dma_wait3A_206] : memref<80x128xi32, #tpu.memory_space<vmem>> -> memref<1x128xi32, #tpu.memory_space<vmem>>
    %dma_wait3A_208 = tpu.memref_squeeze %dma_wait3A_207 : memref<1x128xi32, #tpu.memory_space<vmem>> -> memref<128xi32, #tpu.memory_space<vmem>>
    %dma_wait3A_209 = arith.constant 0 : i32
    %dma_wait3A_210 = arith.constant 0 : i32
    %dma_wait3A_211 = tpu.memref_slice %arg11[%dma_wait3A_209, %dma_wait3A_210] : memref<10240x128xf32, #tpu.memory_space<vmem_shared>> -> memref<10240x128xf32, #tpu.memory_space<vmem_shared>>
    tpu.wait_indirect_dma semaphore(%arg14 : memref<!tpu.dma_semaphore, #tpu.memory_space<semaphore_mem>>) src(%arg9 : memref<128x128xf32, #tpu.memory_space<vmem>>) dst(%dma_wait3A_211 : memref<10240x128xf32, #tpu.memory_space<vmem_shared>>)
    %dma_wait3A_212 = arith.constant 79 : i32
    %dma_wait3A_213 = arith.constant 0 : i32
    %dma_wait3A_214 = tpu.memref_slice %arg8[%dma_wait3A_212, %dma_wait3A_213] : memref<80x128xi32, #tpu.memory_space<vmem>> -> memref<1x128xi32, #tpu.memory_space<vmem>>
    %dma_wait3A_215 = tpu.memref_squeeze %dma_wait3A_214 : memref<1x128xi32, #tpu.memory_space<vmem>> -> memref<128xi32, #tpu.memory_space<vmem>>
    %dma_wait3A_216 = arith.constant 0 : i32
    %dma_wait3A_217 = arith.constant 0 : i32
    %dma_wait3A_218 = tpu.memref_slice %arg11[%dma_wait3A_216, %dma_wait3A_217] : memref<10240x128xf32, #tpu.memory_space<vmem_shared>> -> memref<10240x128xf32, #tpu.memory_space<vmem_shared>>
    tpu.wait_indirect_dma semaphore(%arg15 : memref<!tpu.dma_semaphore, #tpu.memory_space<semaphore_mem>>) src(%arg10 : memref<128x128xf32, #tpu.memory_space<vmem>>) dst(%dma_wait3A_218 : memref<10240x128xf32, #tpu.memory_space<vmem_shared>>)
    %barrier3A_219 = arith.constant 0 : index
    tpu.barrier barrier_id(%barrier3A_219)
    %mul3A_220 = arith.constant 10240 : i32
    %mul3A_221 = arith.muli %arg0, %mul3A_220 : i32
    %add3A_222 = arith.addi %mul3A_221, %mul3A_2 : i32
    "tpu.region"() ({
      %run_scoped3A = tpu.sem_alloc : memref<!tpu.dma_semaphore, #tpu.memory_space<semaphore_mem>>
      %dma_start3A_223 = arith.constant 0 : i32
      %dma_start3A_224 = tpu.memref_slice %arg6[%add3A_222, %dma_start3A_223] : memref<20480x128xf32, #tpu.memory_space<hbm>> -> memref<640x128xf32, #tpu.memory_space<hbm>>
      %dma_start3A_225 = arith.constant 0 : i32
      %dma_start3A_226 = tpu.memref_slice %arg11[%mul3A_2, %dma_start3A_225] : memref<10240x128xf32, #tpu.memory_space<vmem_shared>> -> memref<640x128xf32, #tpu.memory_space<vmem_shared>>
      tpu.enqueue_dma source(%dma_start3A_226 : memref<640x128xf32, #tpu.memory_space<vmem_shared>>) target(%dma_start3A_224 : memref<640x128xf32, #tpu.memory_space<hbm>>) target_semaphore(%run_scoped3A : memref<!tpu.dma_semaphore, #tpu.memory_space<semaphore_mem>>)
      %dma_wait3A_227 = arith.constant 0 : i32
      %dma_wait3A_228 = tpu.memref_slice %arg6[%add3A_222, %dma_wait3A_227] : memref<20480x128xf32, #tpu.memory_space<hbm>> -> memref<640x128xf32, #tpu.memory_space<hbm>>
      %dma_wait3A_229 = arith.constant 0 : i32
      %dma_wait3A_230 = tpu.memref_slice %arg11[%mul3A_2, %dma_wait3A_229] : memref<10240x128xf32, #tpu.memory_space<vmem_shared>> -> memref<640x128xf32, #tpu.memory_space<vmem_shared>>
      tpu.wait_dma2 semaphore(%run_scoped3A : memref<!tpu.dma_semaphore, #tpu.memory_space<semaphore_mem>>) src(%dma_wait3A_230 : memref<640x128xf32, #tpu.memory_space<vmem_shared>>) dst(%dma_wait3A_228 : memref<640x128xf32, #tpu.memory_space<hbm>>)
      tpu.yield
    }) : () -> ()
    return
  }
}

#map = affine_map<(d0, d1) -> (0, 0)>
#map1 = affine_map<(d0, d1) -> (0, 0, 0)>
module attributes {stable_mosaic.version = 14 : i64} {
  func.func @kern(%arg0: i32, %arg1: i32, %arg2: memref<10240x128xf32, #tpu.memory_space<hbm>>, %arg3: memref<32x10240xi32, #tpu.memory_space<hbm>>, %arg4: memref<32x80x128xi32, #tpu.memory_space<hbm>>, %arg5: memref<640x128xf32, #tpu.memory_space<hbm>>, %arg6: memref<20480x128xf32, #tpu.memory_space<hbm>>, %arg7: memref<5120xi32, #tpu.memory_space<vmem>>, %arg8: memref<80x128xi32, #tpu.memory_space<vmem>>, %arg9: memref<128x128xf32, #tpu.memory_space<vmem>>, %arg10: memref<128x128xf32, #tpu.memory_space<vmem>>, %arg11: memref<10240x128xf32, #tpu.memory_space<vmem_shared>>, %arg12: memref<!tpu.dma_semaphore, #tpu.memory_space<semaphore_mem>>, %arg13: memref<!tpu.dma_semaphore, #tpu.memory_space<semaphore_mem>>, %arg14: memref<!tpu.dma_semaphore, #tpu.memory_space<semaphore_mem>>, %arg15: memref<!tpu.dma_semaphore, #tpu.memory_space<semaphore_mem>>) attributes {dimension_semantics = [#tpu.dimension_semantics<core_parallel>, #tpu.dimension_semantics<subcore_parallel>], iteration_bounds = array<i64: 2, 16>, scalar_prefetch = 0 : i64, scratch_operands = 9 : i64, tpu.core_type = #tpu.core_type<sc_vector_subcore>, window_params = [{transform_indices = #map}, {transform_indices = #map}, {transform_indices = #map1}, {transform_indices = #map}, {transform_indices = #map}]} {
    %mul3A = arith.constant 16 : i32
    %mul3A_0 = arith.muli %arg0, %mul3A : i32
    %add3A = arith.addi %mul3A_0, %arg1 : i32
    %mul3A_1 = arith.constant 640 : i32
    %mul3A_2 = arith.muli %arg1, %mul3A_1 : i32
    "tpu.region"() ({
      %run_scoped3A = tpu.sem_alloc : memref<!tpu.dma_semaphore, #tpu.memory_space<semaphore_mem>>
      %dma_start3A_223 = arith.constant 0 : i32
      %dma_start3A_224 = tpu.memref_slice %arg11[%mul3A_2, %dma_start3A_223] : memref<10240x128xf32, #tpu.memory_space<vmem_shared>> -> memref<640x128xf32, #tpu.memory_space<vmem_shared>>
      tpu.enqueue_dma source(%arg5 : memref<640x128xf32, #tpu.memory_space<hbm>>) target(%dma_start3A_224 : memref<640x128xf32, #tpu.memory_space<vmem_shared>>) target_semaphore(%run_scoped3A : memref<!tpu.dma_semaphore, #tpu.memory_space<semaphore_mem>>)
      %dma_wait3A_225 = arith.constant 0 : i32
      %dma_wait3A_226 = tpu.memref_slice %arg11[%mul3A_2, %dma_wait3A_225] : memref<10240x128xf32, #tpu.memory_space<vmem_shared>> -> memref<640x128xf32, #tpu.memory_space<vmem_shared>>
      tpu.wait_dma2 semaphore(%run_scoped3A : memref<!tpu.dma_semaphore, #tpu.memory_space<semaphore_mem>>) src(%arg5 : memref<640x128xf32, #tpu.memory_space<hbm>>) dst(%dma_wait3A_226 : memref<640x128xf32, #tpu.memory_space<vmem_shared>>)
      tpu.yield
    }) : () -> ()
    "tpu.region"() ({
      %run_scoped3A = tpu.sem_alloc : memref<!tpu.dma_semaphore, #tpu.memory_space<semaphore_mem>>
      %dma_start3A_223 = arith.constant 0 : i32
      %dma_start3A_224 = arith.constant 0 : i32
      %dma_start3A_225 = tpu.memref_slice %arg4[%add3A, %dma_start3A_223, %dma_start3A_224] : memref<32x80x128xi32, #tpu.memory_space<hbm>> -> memref<1x80x128xi32, #tpu.memory_space<hbm>>
      %dma_start3A_226 = tpu.memref_squeeze %dma_start3A_225 : memref<1x80x128xi32, #tpu.memory_space<hbm>> -> memref<80x128xi32, #tpu.memory_space<hbm>>
      %dma_start3A_227 = arith.constant 0 : i32
      %dma_start3A_228 = arith.constant 0 : i32
      %dma_start3A_229 = tpu.memref_slice %arg4[%add3A, %dma_start3A_227, %dma_start3A_228] : memref<32x80x128xi32, #tpu.memory_space<hbm>> -> memref<1x80x128xi32, #tpu.memory_space<hbm>>
      %dma_start3A_230 = tpu.memref_squeeze %dma_start3A_229 : memref<1x80x128xi32, #tpu.memory_space<hbm>> -> memref<80x128xi32, #tpu.memory_space<hbm>>
      tpu.enqueue_dma source(%dma_start3A_230 : memref<80x128xi32, #tpu.memory_space<hbm>>) target(%arg8 : memref<80x128xi32, #tpu.memory_space<vmem>>) target_semaphore(%run_scoped3A : memref<!tpu.dma_semaphore, #tpu.memory_space<semaphore_mem>>)
      %dma_wait3A_231 = arith.constant 0 : i32
      %dma_wait3A_232 = arith.constant 0 : i32
      %dma_wait3A_233 = tpu.memref_slice %arg4[%add3A, %dma_wait3A_231, %dma_wait3A_232] : memref<32x80x128xi32, #tpu.memory_space<hbm>> -> memref<1x80x128xi32, #tpu.memory_space<hbm>>
      %dma_wait3A_234 = tpu.memref_squeeze %dma_wait3A_233 : memref<1x80x128xi32, #tpu.memory_space<hbm>> -> memref<80x128xi32, #tpu.memory_space<hbm>>
      %dma_wait3A_235 = arith.constant 0 : i32
      %dma_wait3A_236 = arith.constant 0 : i32
      %dma_wait3A_237 = tpu.memref_slice %arg4[%add3A, %dma_wait3A_235, %dma_wait3A_236] : memref<32x80x128xi32, #tpu.memory_space<hbm>> -> memref<1x80x128xi32, #tpu.memory_space<hbm>>
      %dma_wait3A_238 = tpu.memref_squeeze %dma_wait3A_237 : memref<1x80x128xi32, #tpu.memory_space<hbm>> -> memref<80x128xi32, #tpu.memory_space<hbm>>
      tpu.wait_dma2 semaphore(%run_scoped3A : memref<!tpu.dma_semaphore, #tpu.memory_space<semaphore_mem>>) src(%dma_wait3A_238 : memref<80x128xi32, #tpu.memory_space<hbm>>) dst(%arg8 : memref<80x128xi32, #tpu.memory_space<vmem>>)
      tpu.yield
    }) : () -> ()
    %barrier3A = arith.constant 0 : index
    tpu.barrier barrier_id(%barrier3A)
    "tpu.region"() ({
      %run_scoped3A = tpu.sem_alloc : memref<!tpu.dma_semaphore, #tpu.memory_space<semaphore_mem>>
      %dma_start3A_223 = arith.constant 0 : i32
      %dma_start3A_224 = tpu.memref_slice %arg3[%add3A, %dma_start3A_223] : memref<32x10240xi32, #tpu.memory_space<hbm>> -> memref<1x5120xi32, #tpu.memory_space<hbm>>
      %dma_start3A_225 = tpu.memref_squeeze %dma_start3A_224 : memref<1x5120xi32, #tpu.memory_space<hbm>> -> memref<5120xi32, #tpu.memory_space<hbm>>
      %dma_start3A_226 = arith.constant 0 : i32
      %dma_start3A_227 = tpu.memref_slice %arg3[%add3A, %dma_start3A_226] : memref<32x10240xi32, #tpu.memory_space<hbm>> -> memref<1x5120xi32, #tpu.memory_space<hbm>>
      %dma_start3A_228 = tpu.memref_squeeze %dma_start3A_227 : memref<1x5120xi32, #tpu.memory_space<hbm>> -> memref<5120xi32, #tpu.memory_space<hbm>>
      tpu.enqueue_dma source(%dma_start3A_228 : memref<5120xi32, #tpu.memory_space<hbm>>) target(%arg7 : memref<5120xi32, #tpu.memory_space<vmem>>) target_semaphore(%run_scoped3A : memref<!tpu.dma_semaphore, #tpu.memory_space<semaphore_mem>>)
      %dma_wait3A_229 = arith.constant 0 : i32
      %dma_wait3A_230 = tpu.memref_slice %arg3[%add3A, %dma_wait3A_229] : memref<32x10240xi32, #tpu.memory_space<hbm>> -> memref<1x5120xi32, #tpu.memory_space<hbm>>
      %dma_wait3A_231 = tpu.memref_squeeze %dma_wait3A_230 : memref<1x5120xi32, #tpu.memory_space<hbm>> -> memref<5120xi32, #tpu.memory_space<hbm>>
      %dma_wait3A_232 = arith.constant 0 : i32
      %dma_wait3A_233 = tpu.memref_slice %arg3[%add3A, %dma_wait3A_232] : memref<32x10240xi32, #tpu.memory_space<hbm>> -> memref<1x5120xi32, #tpu.memory_space<hbm>>
      %dma_wait3A_234 = tpu.memref_squeeze %dma_wait3A_233 : memref<1x5120xi32, #tpu.memory_space<hbm>> -> memref<5120xi32, #tpu.memory_space<hbm>>
      tpu.wait_dma2 semaphore(%run_scoped3A : memref<!tpu.dma_semaphore, #tpu.memory_space<semaphore_mem>>) src(%dma_wait3A_234 : memref<5120xi32, #tpu.memory_space<hbm>>) dst(%arg7 : memref<5120xi32, #tpu.memory_space<vmem>>)
      tpu.yield
    }) : () -> ()
    %multiple_of3A = arith.constant 0 : i32
    %multiple_of3A_3 = tpu.assume_multiple %multiple_of3A, 8 : i32
    %dma_start3A = tpu.memref_slice %arg7[%multiple_of3A_3] : memref<5120xi32, #tpu.memory_space<vmem>> -> memref<128xi32, #tpu.memory_space<vmem>>
    %dma_start3A_4 = arith.constant 0 : i32
    %dma_start3A_5 = arith.constant 0 : i32
    %dma_start3A_6 = tpu.memref_slice %arg2[%dma_start3A_4, %dma_start3A_5] : memref<10240x128xf32, #tpu.memory_space<hbm>> -> memref<10240x128xf32, #tpu.memory_space<hbm>>
    tpu.enqueue_indirect_dma source(%dma_start3A_6 : memref<10240x128xf32, #tpu.memory_space<hbm>>) target(%arg9 : memref<128x128xf32, #tpu.memory_space<vmem>>) offsets(%dma_start3A : memref<128xi32, #tpu.memory_space<vmem>>) semaphore(%arg12 : memref<!tpu.dma_semaphore, #tpu.memory_space<semaphore_mem>>)
    %multiple_of3A_7 = arith.constant 0 : i32
    %multiple_of3A_8 = tpu.assume_multiple %multiple_of3A_7, 8 : i32
    %dma_wait3A = tpu.memref_slice %arg7[%multiple_of3A_8] : memref<5120xi32, #tpu.memory_space<vmem>> -> memref<128xi32, #tpu.memory_space<vmem>>
    %dma_wait3A_9 = arith.constant 0 : i32
    %dma_wait3A_10 = arith.constant 0 : i32
    %dma_wait3A_11 = tpu.memref_slice %arg2[%dma_wait3A_9, %dma_wait3A_10] : memref<10240x128xf32, #tpu.memory_space<hbm>> -> memref<10240x128xf32, #tpu.memory_space<hbm>>
    tpu.wait_indirect_dma semaphore(%arg12 : memref<!tpu.dma_semaphore, #tpu.memory_space<semaphore_mem>>) src(%dma_wait3A_11 : memref<10240x128xf32, #tpu.memory_space<hbm>>) dst(%arg9 : memref<128x128xf32, #tpu.memory_space<vmem>>)
    %dma_start3A_12 = arith.constant 0 : i32
    %dma_start3A_13 = arith.constant 0 : i32
    %dma_start3A_14 = tpu.memref_slice %arg8[%dma_start3A_12, %dma_start3A_13] : memref<80x128xi32, #tpu.memory_space<vmem>> -> memref<1x128xi32, #tpu.memory_space<vmem>>
    %dma_start3A_15 = tpu.memref_squeeze %dma_start3A_14 : memref<1x128xi32, #tpu.memory_space<vmem>> -> memref<128xi32, #tpu.memory_space<vmem>>
    %dma_start3A_16 = arith.constant 0 : i32
    %dma_start3A_17 = arith.constant 0 : i32
    %dma_start3A_18 = tpu.memref_slice %arg11[%dma_start3A_16, %dma_start3A_17] : memref<10240x128xf32, #tpu.memory_space<vmem_shared>> -> memref<10240x128xf32, #tpu.memory_space<vmem_shared>>
    tpu.enqueue_indirect_dma source(%arg9 : memref<128x128xf32, #tpu.memory_space<vmem>>) target(%dma_start3A_18 : memref<10240x128xf32, #tpu.memory_space<vmem_shared>>) offsets(%dma_start3A_15 : memref<128xi32, #tpu.memory_space<vmem>>) semaphore(%arg14 : memref<!tpu.dma_semaphore, #tpu.memory_space<semaphore_mem>>) {add = true}
    %multiple_of3A_19 = arith.constant 128 : i32
    %multiple_of3A_20 = tpu.assume_multiple %multiple_of3A_19, 8 : i32
    %dma_start3A_21 = tpu.memref_slice %arg7[%multiple_of3A_20] : memref<5120xi32, #tpu.memory_space<vmem>> -> memref<128xi32, #tpu.memory_space<vmem>>
    %dma_start3A_22 = arith.constant 0 : i32
    %dma_start3A_23 = arith.constant 0 : i32
    %dma_start3A_24 = tpu.memref_slice %arg2[%dma_start3A_22, %dma_start3A_23] : memref<10240x128xf32, #tpu.memory_space<hbm>> -> memref<10240x128xf32, #tpu.memory_space<hbm>>
    tpu.enqueue_indirect_dma source(%dma_start3A_24 : memref<10240x128xf32, #tpu.memory_space<hbm>>) target(%arg10 : memref<128x128xf32, #tpu.memory_space<vmem>>) offsets(%dma_start3A_21 : memref<128xi32, #tpu.memory_space<vmem>>) semaphore(%arg13 : memref<!tpu.dma_semaphore, #tpu.memory_space<semaphore_mem>>)
    %multiple_of3A_25 = arith.constant 128 : i32
    %multiple_of3A_26 = tpu.assume_multiple %multiple_of3A_25, 8 : i32
    %dma_wait3A_27 = tpu.memref_slice %arg7[%multiple_of3A_26] : memref<5120xi32, #tpu.memory_space<vmem>> -> memref<128xi32, #tpu.memory_space<vmem>>
    %dma_wait3A_28 = arith.constant 0 : i32
    %dma_wait3A_29 = arith.constant 0 : i32
    %dma_wait3A_30 = tpu.memref_slice %arg2[%dma_wait3A_28, %dma_wait3A_29] : memref<10240x128xf32, #tpu.memory_space<hbm>> -> memref<10240x128xf32, #tpu.memory_space<hbm>>
    tpu.wait_indirect_dma semaphore(%arg13 : memref<!tpu.dma_semaphore, #tpu.memory_space<semaphore_mem>>) src(%dma_wait3A_30 : memref<10240x128xf32, #tpu.memory_space<hbm>>) dst(%arg10 : memref<128x128xf32, #tpu.memory_space<vmem>>)
    %dma_start3A_31 = arith.constant 1 : i32
    %dma_start3A_32 = arith.constant 0 : i32
    %dma_start3A_33 = tpu.memref_slice %arg8[%dma_start3A_31, %dma_start3A_32] : memref<80x128xi32, #tpu.memory_space<vmem>> -> memref<1x128xi32, #tpu.memory_space<vmem>>
    %dma_start3A_34 = tpu.memref_squeeze %dma_start3A_33 : memref<1x128xi32, #tpu.memory_space<vmem>> -> memref<128xi32, #tpu.memory_space<vmem>>
    %dma_start3A_35 = arith.constant 0 : i32
    %dma_start3A_36 = arith.constant 0 : i32
    %dma_start3A_37 = tpu.memref_slice %arg11[%dma_start3A_35, %dma_start3A_36] : memref<10240x128xf32, #tpu.memory_space<vmem_shared>> -> memref<10240x128xf32, #tpu.memory_space<vmem_shared>>
    tpu.enqueue_indirect_dma source(%arg10 : memref<128x128xf32, #tpu.memory_space<vmem>>) target(%dma_start3A_37 : memref<10240x128xf32, #tpu.memory_space<vmem_shared>>) offsets(%dma_start3A_34 : memref<128xi32, #tpu.memory_space<vmem>>) semaphore(%arg15 : memref<!tpu.dma_semaphore, #tpu.memory_space<semaphore_mem>>) {add = true}
    %dma_wait3A_38 = arith.constant 0 : i32
    %dma_wait3A_39 = arith.constant 0 : i32
    %dma_wait3A_40 = tpu.memref_slice %arg8[%dma_wait3A_38, %dma_wait3A_39] : memref<80x128xi32, #tpu.memory_space<vmem>> -> memref<1x128xi32, #tpu.memory_space<vmem>>
    %dma_wait3A_41 = tpu.memref_squeeze %dma_wait3A_40 : memref<1x128xi32, #tpu.memory_space<vmem>> -> memref<128xi32, #tpu.memory_space<vmem>>
    %dma_wait3A_42 = arith.constant 0 : i32
    %dma_wait3A_43 = arith.constant 0 : i32
    %dma_wait3A_44 = tpu.memref_slice %arg11[%dma_wait3A_42, %dma_wait3A_43] : memref<10240x128xf32, #tpu.memory_space<vmem_shared>> -> memref<10240x128xf32, #tpu.memory_space<vmem_shared>>
    tpu.wait_indirect_dma semaphore(%arg14 : memref<!tpu.dma_semaphore, #tpu.memory_space<semaphore_mem>>) src(%arg9 : memref<128x128xf32, #tpu.memory_space<vmem>>) dst(%dma_wait3A_44 : memref<10240x128xf32, #tpu.memory_space<vmem_shared>>)
    %multiple_of3A_45 = arith.constant 256 : i32
    %multiple_of3A_46 = tpu.assume_multiple %multiple_of3A_45, 8 : i32
    %dma_start3A_47 = tpu.memref_slice %arg7[%multiple_of3A_46] : memref<5120xi32, #tpu.memory_space<vmem>> -> memref<128xi32, #tpu.memory_space<vmem>>
    %dma_start3A_48 = arith.constant 0 : i32
    %dma_start3A_49 = arith.constant 0 : i32
    %dma_start3A_50 = tpu.memref_slice %arg2[%dma_start3A_48, %dma_start3A_49] : memref<10240x128xf32, #tpu.memory_space<hbm>> -> memref<10240x128xf32, #tpu.memory_space<hbm>>
    tpu.enqueue_indirect_dma source(%dma_start3A_50 : memref<10240x128xf32, #tpu.memory_space<hbm>>) target(%arg9 : memref<128x128xf32, #tpu.memory_space<vmem>>) offsets(%dma_start3A_47 : memref<128xi32, #tpu.memory_space<vmem>>) semaphore(%arg12 : memref<!tpu.dma_semaphore, #tpu.memory_space<semaphore_mem>>)
    %scan3A = arith.constant 0 : i32
    %scan3A_51 = arith.constant 1 : i32
    %scan3A_52 = arith.constant 18 : i32
    %scan3A_53 = arith.addi %scan3A_51, %scan3A_52 : i32
    %scan3A_54 = arith.constant 1 : i32
    scf.for %scan3A_223 = %scan3A_51 to %scan3A_53 step %scan3A_54  : i32 {
      %mul3A_224 = arith.constant 2 : i32
      %mul3A_225 = arith.muli %mul3A_224, %scan3A_223 : i32
      %add3A_226 = arith.constant 0 : i32
      %add3A_227 = arith.addi %mul3A_225, %add3A_226 : i32
      %mul3A_228 = arith.constant 128 : i32
      %mul3A_229 = arith.muli %add3A_227, %mul3A_228 : i32
      %multiple_of3A_230 = tpu.assume_multiple %mul3A_229, 8 : i32
      %dma_wait3A_231 = tpu.memref_slice %arg7[%multiple_of3A_230] : memref<5120xi32, #tpu.memory_space<vmem>> -> memref<128xi32, #tpu.memory_space<vmem>>
      %dma_wait3A_232 = arith.constant 0 : i32
      %dma_wait3A_233 = arith.constant 0 : i32
      %dma_wait3A_234 = tpu.memref_slice %arg2[%dma_wait3A_232, %dma_wait3A_233] : memref<10240x128xf32, #tpu.memory_space<hbm>> -> memref<10240x128xf32, #tpu.memory_space<hbm>>
      tpu.wait_indirect_dma semaphore(%arg12 : memref<!tpu.dma_semaphore, #tpu.memory_space<semaphore_mem>>) src(%dma_wait3A_234 : memref<10240x128xf32, #tpu.memory_space<hbm>>) dst(%arg9 : memref<128x128xf32, #tpu.memory_space<vmem>>)
      %add3A_235 = arith.constant 0 : i32
      %add3A_236 = arith.addi %add3A_235, %add3A_227 : i32
      %dma_start3A_237 = arith.constant 0 : i32
      %dma_start3A_238 = tpu.memref_slice %arg8[%add3A_236, %dma_start3A_237] : memref<80x128xi32, #tpu.memory_space<vmem>> -> memref<1x128xi32, #tpu.memory_space<vmem>>
      %dma_start3A_239 = tpu.memref_squeeze %dma_start3A_238 : memref<1x128xi32, #tpu.memory_space<vmem>> -> memref<128xi32, #tpu.memory_space<vmem>>
      %dma_start3A_240 = arith.constant 0 : i32
      %dma_start3A_241 = arith.constant 0 : i32
      %dma_start3A_242 = tpu.memref_slice %arg11[%dma_start3A_240, %dma_start3A_241] : memref<10240x128xf32, #tpu.memory_space<vmem_shared>> -> memref<10240x128xf32, #tpu.memory_space<vmem_shared>>
      tpu.enqueue_indirect_dma source(%arg9 : memref<128x128xf32, #tpu.memory_space<vmem>>) target(%dma_start3A_242 : memref<10240x128xf32, #tpu.memory_space<vmem_shared>>) offsets(%dma_start3A_239 : memref<128xi32, #tpu.memory_space<vmem>>) semaphore(%arg14 : memref<!tpu.dma_semaphore, #tpu.memory_space<semaphore_mem>>) {add = true}
      %add3A_243 = arith.constant 0 : i32
      %add3A_244 = arith.addi %add3A_243, %add3A_227 : i32
      %sub3A = arith.constant 1 : i32
      %sub3A_245 = arith.subi %add3A_244, %sub3A : i32
      %dma_wait3A_246 = arith.constant 0 : i32
      %dma_wait3A_247 = tpu.memref_slice %arg8[%sub3A_245, %dma_wait3A_246] : memref<80x128xi32, #tpu.memory_space<vmem>> -> memref<1x128xi32, #tpu.memory_space<vmem>>
      %dma_wait3A_248 = tpu.memref_squeeze %dma_wait3A_247 : memref<1x128xi32, #tpu.memory_space<vmem>> -> memref<128xi32, #tpu.memory_space<vmem>>
      %dma_wait3A_249 = arith.constant 0 : i32
      %dma_wait3A_250 = arith.constant 0 : i32
      %dma_wait3A_251 = tpu.memref_slice %arg11[%dma_wait3A_249, %dma_wait3A_250] : memref<10240x128xf32, #tpu.memory_space<vmem_shared>> -> memref<10240x128xf32, #tpu.memory_space<vmem_shared>>
      tpu.wait_indirect_dma semaphore(%arg15 : memref<!tpu.dma_semaphore, #tpu.memory_space<semaphore_mem>>) src(%arg10 : memref<128x128xf32, #tpu.memory_space<vmem>>) dst(%dma_wait3A_251 : memref<10240x128xf32, #tpu.memory_space<vmem_shared>>)
      %add3A_252 = arith.constant 1 : i32
      %add3A_253 = arith.addi %add3A_227, %add3A_252 : i32
      %mul3A_254 = arith.constant 128 : i32
      %mul3A_255 = arith.muli %add3A_253, %mul3A_254 : i32
      %multiple_of3A_256 = tpu.assume_multiple %mul3A_255, 8 : i32
      %dma_start3A_257 = tpu.memref_slice %arg7[%multiple_of3A_256] : memref<5120xi32, #tpu.memory_space<vmem>> -> memref<128xi32, #tpu.memory_space<vmem>>
      %dma_start3A_258 = arith.constant 0 : i32
      %dma_start3A_259 = arith.constant 0 : i32
      %dma_start3A_260 = tpu.memref_slice %arg2[%dma_start3A_258, %dma_start3A_259] : memref<10240x128xf32, #tpu.memory_space<hbm>> -> memref<10240x128xf32, #tpu.memory_space<hbm>>
      tpu.enqueue_indirect_dma source(%dma_start3A_260 : memref<10240x128xf32, #tpu.memory_space<hbm>>) target(%arg10 : memref<128x128xf32, #tpu.memory_space<vmem>>) offsets(%dma_start3A_257 : memref<128xi32, #tpu.memory_space<vmem>>) semaphore(%arg13 : memref<!tpu.dma_semaphore, #tpu.memory_space<semaphore_mem>>)
      %mul3A_261 = arith.constant 2 : i32
      %mul3A_262 = arith.muli %mul3A_261, %scan3A_223 : i32
      %add3A_263 = arith.constant 1 : i32
      %add3A_264 = arith.addi %mul3A_262, %add3A_263 : i32
      %mul3A_265 = arith.constant 128 : i32
      %mul3A_266 = arith.muli %add3A_264, %mul3A_265 : i32
      %multiple_of3A_267 = tpu.assume_multiple %mul3A_266, 8 : i32
      %dma_wait3A_268 = tpu.memref_slice %arg7[%multiple_of3A_267] : memref<5120xi32, #tpu.memory_space<vmem>> -> memref<128xi32, #tpu.memory_space<vmem>>
      %dma_wait3A_269 = arith.constant 0 : i32
      %dma_wait3A_270 = arith.constant 0 : i32
      %dma_wait3A_271 = tpu.memref_slice %arg2[%dma_wait3A_269, %dma_wait3A_270] : memref<10240x128xf32, #tpu.memory_space<hbm>> -> memref<10240x128xf32, #tpu.memory_space<hbm>>
      tpu.wait_indirect_dma semaphore(%arg13 : memref<!tpu.dma_semaphore, #tpu.memory_space<semaphore_mem>>) src(%dma_wait3A_271 : memref<10240x128xf32, #tpu.memory_space<hbm>>) dst(%arg10 : memref<128x128xf32, #tpu.memory_space<vmem>>)
      %add3A_272 = arith.constant 0 : i32
      %add3A_273 = arith.addi %add3A_272, %add3A_264 : i32
      %dma_start3A_274 = arith.constant 0 : i32
      %dma_start3A_275 = tpu.memref_slice %arg8[%add3A_273, %dma_start3A_274] : memref<80x128xi32, #tpu.memory_space<vmem>> -> memref<1x128xi32, #tpu.memory_space<vmem>>
      %dma_start3A_276 = tpu.memref_squeeze %dma_start3A_275 : memref<1x128xi32, #tpu.memory_space<vmem>> -> memref<128xi32, #tpu.memory_space<vmem>>
      %dma_start3A_277 = arith.constant 0 : i32
      %dma_start3A_278 = arith.constant 0 : i32
      %dma_start3A_279 = tpu.memref_slice %arg11[%dma_start3A_277, %dma_start3A_278] : memref<10240x128xf32, #tpu.memory_space<vmem_shared>> -> memref<10240x128xf32, #tpu.memory_space<vmem_shared>>
      tpu.enqueue_indirect_dma source(%arg10 : memref<128x128xf32, #tpu.memory_space<vmem>>) target(%dma_start3A_279 : memref<10240x128xf32, #tpu.memory_space<vmem_shared>>) offsets(%dma_start3A_276 : memref<128xi32, #tpu.memory_space<vmem>>) semaphore(%arg15 : memref<!tpu.dma_semaphore, #tpu.memory_space<semaphore_mem>>) {add = true}
      %add3A_280 = arith.constant 0 : i32
      %add3A_281 = arith.addi %add3A_280, %add3A_264 : i32
      %sub3A_282 = arith.constant 1 : i32
      %sub3A_283 = arith.subi %add3A_281, %sub3A_282 : i32
      %dma_wait3A_284 = arith.constant 0 : i32
      %dma_wait3A_285 = tpu.memref_slice %arg8[%sub3A_283, %dma_wait3A_284] : memref<80x128xi32, #tpu.memory_space<vmem>> -> memref<1x128xi32, #tpu.memory_space<vmem>>
      %dma_wait3A_286 = tpu.memref_squeeze %dma_wait3A_285 : memref<1x128xi32, #tpu.memory_space<vmem>> -> memref<128xi32, #tpu.memory_space<vmem>>
      %dma_wait3A_287 = arith.constant 0 : i32
      %dma_wait3A_288 = arith.constant 0 : i32
      %dma_wait3A_289 = tpu.memref_slice %arg11[%dma_wait3A_287, %dma_wait3A_288] : memref<10240x128xf32, #tpu.memory_space<vmem_shared>> -> memref<10240x128xf32, #tpu.memory_space<vmem_shared>>
      tpu.wait_indirect_dma semaphore(%arg14 : memref<!tpu.dma_semaphore, #tpu.memory_space<semaphore_mem>>) src(%arg9 : memref<128x128xf32, #tpu.memory_space<vmem>>) dst(%dma_wait3A_289 : memref<10240x128xf32, #tpu.memory_space<vmem_shared>>)
      %add3A_290 = arith.constant 1 : i32
      %add3A_291 = arith.addi %add3A_264, %add3A_290 : i32
      %mul3A_292 = arith.constant 128 : i32
      %mul3A_293 = arith.muli %add3A_291, %mul3A_292 : i32
      %multiple_of3A_294 = tpu.assume_multiple %mul3A_293, 8 : i32
      %dma_start3A_295 = tpu.memref_slice %arg7[%multiple_of3A_294] : memref<5120xi32, #tpu.memory_space<vmem>> -> memref<128xi32, #tpu.memory_space<vmem>>
      %dma_start3A_296 = arith.constant 0 : i32
      %dma_start3A_297 = arith.constant 0 : i32
      %dma_start3A_298 = tpu.memref_slice %arg2[%dma_start3A_296, %dma_start3A_297] : memref<10240x128xf32, #tpu.memory_space<hbm>> -> memref<10240x128xf32, #tpu.memory_space<hbm>>
      tpu.enqueue_indirect_dma source(%dma_start3A_298 : memref<10240x128xf32, #tpu.memory_space<hbm>>) target(%arg9 : memref<128x128xf32, #tpu.memory_space<vmem>>) offsets(%dma_start3A_295 : memref<128xi32, #tpu.memory_space<vmem>>) semaphore(%arg12 : memref<!tpu.dma_semaphore, #tpu.memory_space<semaphore_mem>>)
    }
    %scan3A_55 = arith.constant 18 : i32
    %multiple_of3A_56 = arith.constant 4864 : i32
    %multiple_of3A_57 = tpu.assume_multiple %multiple_of3A_56, 8 : i32
    %dma_wait3A_58 = tpu.memref_slice %arg7[%multiple_of3A_57] : memref<5120xi32, #tpu.memory_space<vmem>> -> memref<128xi32, #tpu.memory_space<vmem>>
    %dma_wait3A_59 = arith.constant 0 : i32
    %dma_wait3A_60 = arith.constant 0 : i32
    %dma_wait3A_61 = tpu.memref_slice %arg2[%dma_wait3A_59, %dma_wait3A_60] : memref<10240x128xf32, #tpu.memory_space<hbm>> -> memref<10240x128xf32, #tpu.memory_space<hbm>>
    tpu.wait_indirect_dma semaphore(%arg12 : memref<!tpu.dma_semaphore, #tpu.memory_space<semaphore_mem>>) src(%dma_wait3A_61 : memref<10240x128xf32, #tpu.memory_space<hbm>>) dst(%arg9 : memref<128x128xf32, #tpu.memory_space<vmem>>)
    %dma_start3A_62 = arith.constant 38 : i32
    %dma_start3A_63 = arith.constant 0 : i32
    %dma_start3A_64 = tpu.memref_slice %arg8[%dma_start3A_62, %dma_start3A_63] : memref<80x128xi32, #tpu.memory_space<vmem>> -> memref<1x128xi32, #tpu.memory_space<vmem>>
    %dma_start3A_65 = tpu.memref_squeeze %dma_start3A_64 : memref<1x128xi32, #tpu.memory_space<vmem>> -> memref<128xi32, #tpu.memory_space<vmem>>
    %dma_start3A_66 = arith.constant 0 : i32
    %dma_start3A_67 = arith.constant 0 : i32
    %dma_start3A_68 = tpu.memref_slice %arg11[%dma_start3A_66, %dma_start3A_67] : memref<10240x128xf32, #tpu.memory_space<vmem_shared>> -> memref<10240x128xf32, #tpu.memory_space<vmem_shared>>
    tpu.enqueue_indirect_dma source(%arg9 : memref<128x128xf32, #tpu.memory_space<vmem>>) target(%dma_start3A_68 : memref<10240x128xf32, #tpu.memory_space<vmem_shared>>) offsets(%dma_start3A_65 : memref<128xi32, #tpu.memory_space<vmem>>) semaphore(%arg14 : memref<!tpu.dma_semaphore, #tpu.memory_space<semaphore_mem>>) {add = true}
    %dma_wait3A_69 = arith.constant 37 : i32
    %dma_wait3A_70 = arith.constant 0 : i32
    %dma_wait3A_71 = tpu.memref_slice %arg8[%dma_wait3A_69, %dma_wait3A_70] : memref<80x128xi32, #tpu.memory_space<vmem>> -> memref<1x128xi32, #tpu.memory_space<vmem>>
    %dma_wait3A_72 = tpu.memref_squeeze %dma_wait3A_71 : memref<1x128xi32, #tpu.memory_space<vmem>> -> memref<128xi32, #tpu.memory_space<vmem>>
    %dma_wait3A_73 = arith.constant 0 : i32
    %dma_wait3A_74 = arith.constant 0 : i32
    %dma_wait3A_75 = tpu.memref_slice %arg11[%dma_wait3A_73, %dma_wait3A_74] : memref<10240x128xf32, #tpu.memory_space<vmem_shared>> -> memref<10240x128xf32, #tpu.memory_space<vmem_shared>>
    tpu.wait_indirect_dma semaphore(%arg15 : memref<!tpu.dma_semaphore, #tpu.memory_space<semaphore_mem>>) src(%arg10 : memref<128x128xf32, #tpu.memory_space<vmem>>) dst(%dma_wait3A_75 : memref<10240x128xf32, #tpu.memory_space<vmem_shared>>)
    %multiple_of3A_76 = arith.constant 4992 : i32
    %multiple_of3A_77 = tpu.assume_multiple %multiple_of3A_76, 8 : i32
    %dma_start3A_78 = tpu.memref_slice %arg7[%multiple_of3A_77] : memref<5120xi32, #tpu.memory_space<vmem>> -> memref<128xi32, #tpu.memory_space<vmem>>
    %dma_start3A_79 = arith.constant 0 : i32
    %dma_start3A_80 = arith.constant 0 : i32
    %dma_start3A_81 = tpu.memref_slice %arg2[%dma_start3A_79, %dma_start3A_80] : memref<10240x128xf32, #tpu.memory_space<hbm>> -> memref<10240x128xf32, #tpu.memory_space<hbm>>
    tpu.enqueue_indirect_dma source(%dma_start3A_81 : memref<10240x128xf32, #tpu.memory_space<hbm>>) target(%arg10 : memref<128x128xf32, #tpu.memory_space<vmem>>) offsets(%dma_start3A_78 : memref<128xi32, #tpu.memory_space<vmem>>) semaphore(%arg13 : memref<!tpu.dma_semaphore, #tpu.memory_space<semaphore_mem>>)
    %multiple_of3A_82 = arith.constant 4992 : i32
    %multiple_of3A_83 = tpu.assume_multiple %multiple_of3A_82, 8 : i32
    %dma_wait3A_84 = tpu.memref_slice %arg7[%multiple_of3A_83] : memref<5120xi32, #tpu.memory_space<vmem>> -> memref<128xi32, #tpu.memory_space<vmem>>
    %dma_wait3A_85 = arith.constant 0 : i32
    %dma_wait3A_86 = arith.constant 0 : i32
    %dma_wait3A_87 = tpu.memref_slice %arg2[%dma_wait3A_85, %dma_wait3A_86] : memref<10240x128xf32, #tpu.memory_space<hbm>> -> memref<10240x128xf32, #tpu.memory_space<hbm>>
    tpu.wait_indirect_dma semaphore(%arg13 : memref<!tpu.dma_semaphore, #tpu.memory_space<semaphore_mem>>) src(%dma_wait3A_87 : memref<10240x128xf32, #tpu.memory_space<hbm>>) dst(%arg10 : memref<128x128xf32, #tpu.memory_space<vmem>>)
    %dma_start3A_88 = arith.constant 39 : i32
    %dma_start3A_89 = arith.constant 0 : i32
    %dma_start3A_90 = tpu.memref_slice %arg8[%dma_start3A_88, %dma_start3A_89] : memref<80x128xi32, #tpu.memory_space<vmem>> -> memref<1x128xi32, #tpu.memory_space<vmem>>
    %dma_start3A_91 = tpu.memref_squeeze %dma_start3A_90 : memref<1x128xi32, #tpu.memory_space<vmem>> -> memref<128xi32, #tpu.memory_space<vmem>>
    %dma_start3A_92 = arith.constant 0 : i32
    %dma_start3A_93 = arith.constant 0 : i32
    %dma_start3A_94 = tpu.memref_slice %arg11[%dma_start3A_92, %dma_start3A_93] : memref<10240x128xf32, #tpu.memory_space<vmem_shared>> -> memref<10240x128xf32, #tpu.memory_space<vmem_shared>>
    tpu.enqueue_indirect_dma source(%arg10 : memref<128x128xf32, #tpu.memory_space<vmem>>) target(%dma_start3A_94 : memref<10240x128xf32, #tpu.memory_space<vmem_shared>>) offsets(%dma_start3A_91 : memref<128xi32, #tpu.memory_space<vmem>>) semaphore(%arg15 : memref<!tpu.dma_semaphore, #tpu.memory_space<semaphore_mem>>) {add = true}
    %dma_wait3A_95 = arith.constant 38 : i32
    %dma_wait3A_96 = arith.constant 0 : i32
    %dma_wait3A_97 = tpu.memref_slice %arg8[%dma_wait3A_95, %dma_wait3A_96] : memref<80x128xi32, #tpu.memory_space<vmem>> -> memref<1x128xi32, #tpu.memory_space<vmem>>
    %dma_wait3A_98 = tpu.memref_squeeze %dma_wait3A_97 : memref<1x128xi32, #tpu.memory_space<vmem>> -> memref<128xi32, #tpu.memory_space<vmem>>
    %dma_wait3A_99 = arith.constant 0 : i32
    %dma_wait3A_100 = arith.constant 0 : i32
    %dma_wait3A_101 = tpu.memref_slice %arg11[%dma_wait3A_99, %dma_wait3A_100] : memref<10240x128xf32, #tpu.memory_space<vmem_shared>> -> memref<10240x128xf32, #tpu.memory_space<vmem_shared>>
    tpu.wait_indirect_dma semaphore(%arg14 : memref<!tpu.dma_semaphore, #tpu.memory_space<semaphore_mem>>) src(%arg9 : memref<128x128xf32, #tpu.memory_space<vmem>>) dst(%dma_wait3A_101 : memref<10240x128xf32, #tpu.memory_space<vmem_shared>>)
    %dma_wait3A_102 = arith.constant 39 : i32
    %dma_wait3A_103 = arith.constant 0 : i32
    %dma_wait3A_104 = tpu.memref_slice %arg8[%dma_wait3A_102, %dma_wait3A_103] : memref<80x128xi32, #tpu.memory_space<vmem>> -> memref<1x128xi32, #tpu.memory_space<vmem>>
    %dma_wait3A_105 = tpu.memref_squeeze %dma_wait3A_104 : memref<1x128xi32, #tpu.memory_space<vmem>> -> memref<128xi32, #tpu.memory_space<vmem>>
    %dma_wait3A_106 = arith.constant 0 : i32
    %dma_wait3A_107 = arith.constant 0 : i32
    %dma_wait3A_108 = tpu.memref_slice %arg11[%dma_wait3A_106, %dma_wait3A_107] : memref<10240x128xf32, #tpu.memory_space<vmem_shared>> -> memref<10240x128xf32, #tpu.memory_space<vmem_shared>>
    tpu.wait_indirect_dma semaphore(%arg15 : memref<!tpu.dma_semaphore, #tpu.memory_space<semaphore_mem>>) src(%arg10 : memref<128x128xf32, #tpu.memory_space<vmem>>) dst(%dma_wait3A_108 : memref<10240x128xf32, #tpu.memory_space<vmem_shared>>)
    "tpu.region"() ({
      %run_scoped3A = tpu.sem_alloc : memref<!tpu.dma_semaphore, #tpu.memory_space<semaphore_mem>>
      %dma_start3A_223 = arith.constant 5120 : i32
      %dma_start3A_224 = tpu.memref_slice %arg3[%add3A, %dma_start3A_223] : memref<32x10240xi32, #tpu.memory_space<hbm>> -> memref<1x5120xi32, #tpu.memory_space<hbm>>
      %dma_start3A_225 = tpu.memref_squeeze %dma_start3A_224 : memref<1x5120xi32, #tpu.memory_space<hbm>> -> memref<5120xi32, #tpu.memory_space<hbm>>
      %dma_start3A_226 = arith.constant 5120 : i32
      %dma_start3A_227 = tpu.memref_slice %arg3[%add3A, %dma_start3A_226] : memref<32x10240xi32, #tpu.memory_space<hbm>> -> memref<1x5120xi32, #tpu.memory_space<hbm>>
      %dma_start3A_228 = tpu.memref_squeeze %dma_start3A_227 : memref<1x5120xi32, #tpu.memory_space<hbm>> -> memref<5120xi32, #tpu.memory_space<hbm>>
      tpu.enqueue_dma source(%dma_start3A_228 : memref<5120xi32, #tpu.memory_space<hbm>>) target(%arg7 : memref<5120xi32, #tpu.memory_space<vmem>>) target_semaphore(%run_scoped3A : memref<!tpu.dma_semaphore, #tpu.memory_space<semaphore_mem>>)
      %dma_wait3A_229 = arith.constant 5120 : i32
      %dma_wait3A_230 = tpu.memref_slice %arg3[%add3A, %dma_wait3A_229] : memref<32x10240xi32, #tpu.memory_space<hbm>> -> memref<1x5120xi32, #tpu.memory_space<hbm>>
      %dma_wait3A_231 = tpu.memref_squeeze %dma_wait3A_230 : memref<1x5120xi32, #tpu.memory_space<hbm>> -> memref<5120xi32, #tpu.memory_space<hbm>>
      %dma_wait3A_232 = arith.constant 5120 : i32
      %dma_wait3A_233 = tpu.memref_slice %arg3[%add3A, %dma_wait3A_232] : memref<32x10240xi32, #tpu.memory_space<hbm>> -> memref<1x5120xi32, #tpu.memory_space<hbm>>
      %dma_wait3A_234 = tpu.memref_squeeze %dma_wait3A_233 : memref<1x5120xi32, #tpu.memory_space<hbm>> -> memref<5120xi32, #tpu.memory_space<hbm>>
      tpu.wait_dma2 semaphore(%run_scoped3A : memref<!tpu.dma_semaphore, #tpu.memory_space<semaphore_mem>>) src(%dma_wait3A_234 : memref<5120xi32, #tpu.memory_space<hbm>>) dst(%arg7 : memref<5120xi32, #tpu.memory_space<vmem>>)
      tpu.yield
    }) : () -> ()
    %multiple_of3A_109 = arith.constant 0 : i32
    %multiple_of3A_110 = tpu.assume_multiple %multiple_of3A_109, 8 : i32
    %dma_start3A_111 = tpu.memref_slice %arg7[%multiple_of3A_110] : memref<5120xi32, #tpu.memory_space<vmem>> -> memref<128xi32, #tpu.memory_space<vmem>>
    %dma_start3A_112 = arith.constant 0 : i32
    %dma_start3A_113 = arith.constant 0 : i32
    %dma_start3A_114 = tpu.memref_slice %arg2[%dma_start3A_112, %dma_start3A_113] : memref<10240x128xf32, #tpu.memory_space<hbm>> -> memref<10240x128xf32, #tpu.memory_space<hbm>>
    tpu.enqueue_indirect_dma source(%dma_start3A_114 : memref<10240x128xf32, #tpu.memory_space<hbm>>) target(%arg9 : memref<128x128xf32, #tpu.memory_space<vmem>>) offsets(%dma_start3A_111 : memref<128xi32, #tpu.memory_space<vmem>>) semaphore(%arg12 : memref<!tpu.dma_semaphore, #tpu.memory_space<semaphore_mem>>)
    %multiple_of3A_115 = arith.constant 0 : i32
    %multiple_of3A_116 = tpu.assume_multiple %multiple_of3A_115, 8 : i32
    %dma_wait3A_117 = tpu.memref_slice %arg7[%multiple_of3A_116] : memref<5120xi32, #tpu.memory_space<vmem>> -> memref<128xi32, #tpu.memory_space<vmem>>
    %dma_wait3A_118 = arith.constant 0 : i32
    %dma_wait3A_119 = arith.constant 0 : i32
    %dma_wait3A_120 = tpu.memref_slice %arg2[%dma_wait3A_118, %dma_wait3A_119] : memref<10240x128xf32, #tpu.memory_space<hbm>> -> memref<10240x128xf32, #tpu.memory_space<hbm>>
    tpu.wait_indirect_dma semaphore(%arg12 : memref<!tpu.dma_semaphore, #tpu.memory_space<semaphore_mem>>) src(%dma_wait3A_120 : memref<10240x128xf32, #tpu.memory_space<hbm>>) dst(%arg9 : memref<128x128xf32, #tpu.memory_space<vmem>>)
    %dma_start3A_121 = arith.constant 40 : i32
    %dma_start3A_122 = arith.constant 0 : i32
    %dma_start3A_123 = tpu.memref_slice %arg8[%dma_start3A_121, %dma_start3A_122] : memref<80x128xi32, #tpu.memory_space<vmem>> -> memref<1x128xi32, #tpu.memory_space<vmem>>
    %dma_start3A_124 = tpu.memref_squeeze %dma_start3A_123 : memref<1x128xi32, #tpu.memory_space<vmem>> -> memref<128xi32, #tpu.memory_space<vmem>>
    %dma_start3A_125 = arith.constant 0 : i32
    %dma_start3A_126 = arith.constant 0 : i32
    %dma_start3A_127 = tpu.memref_slice %arg11[%dma_start3A_125, %dma_start3A_126] : memref<10240x128xf32, #tpu.memory_space<vmem_shared>> -> memref<10240x128xf32, #tpu.memory_space<vmem_shared>>
    tpu.enqueue_indirect_dma source(%arg9 : memref<128x128xf32, #tpu.memory_space<vmem>>) target(%dma_start3A_127 : memref<10240x128xf32, #tpu.memory_space<vmem_shared>>) offsets(%dma_start3A_124 : memref<128xi32, #tpu.memory_space<vmem>>) semaphore(%arg14 : memref<!tpu.dma_semaphore, #tpu.memory_space<semaphore_mem>>) {add = true}
    %multiple_of3A_128 = arith.constant 128 : i32
    %multiple_of3A_129 = tpu.assume_multiple %multiple_of3A_128, 8 : i32
    %dma_start3A_130 = tpu.memref_slice %arg7[%multiple_of3A_129] : memref<5120xi32, #tpu.memory_space<vmem>> -> memref<128xi32, #tpu.memory_space<vmem>>
    %dma_start3A_131 = arith.constant 0 : i32
    %dma_start3A_132 = arith.constant 0 : i32
    %dma_start3A_133 = tpu.memref_slice %arg2[%dma_start3A_131, %dma_start3A_132] : memref<10240x128xf32, #tpu.memory_space<hbm>> -> memref<10240x128xf32, #tpu.memory_space<hbm>>
    tpu.enqueue_indirect_dma source(%dma_start3A_133 : memref<10240x128xf32, #tpu.memory_space<hbm>>) target(%arg10 : memref<128x128xf32, #tpu.memory_space<vmem>>) offsets(%dma_start3A_130 : memref<128xi32, #tpu.memory_space<vmem>>) semaphore(%arg13 : memref<!tpu.dma_semaphore, #tpu.memory_space<semaphore_mem>>)
    %multiple_of3A_134 = arith.constant 128 : i32
    %multiple_of3A_135 = tpu.assume_multiple %multiple_of3A_134, 8 : i32
    %dma_wait3A_136 = tpu.memref_slice %arg7[%multiple_of3A_135] : memref<5120xi32, #tpu.memory_space<vmem>> -> memref<128xi32, #tpu.memory_space<vmem>>
    %dma_wait3A_137 = arith.constant 0 : i32
    %dma_wait3A_138 = arith.constant 0 : i32
    %dma_wait3A_139 = tpu.memref_slice %arg2[%dma_wait3A_137, %dma_wait3A_138] : memref<10240x128xf32, #tpu.memory_space<hbm>> -> memref<10240x128xf32, #tpu.memory_space<hbm>>
    tpu.wait_indirect_dma semaphore(%arg13 : memref<!tpu.dma_semaphore, #tpu.memory_space<semaphore_mem>>) src(%dma_wait3A_139 : memref<10240x128xf32, #tpu.memory_space<hbm>>) dst(%arg10 : memref<128x128xf32, #tpu.memory_space<vmem>>)
    %dma_start3A_140 = arith.constant 41 : i32
    %dma_start3A_141 = arith.constant 0 : i32
    %dma_start3A_142 = tpu.memref_slice %arg8[%dma_start3A_140, %dma_start3A_141] : memref<80x128xi32, #tpu.memory_space<vmem>> -> memref<1x128xi32, #tpu.memory_space<vmem>>
    %dma_start3A_143 = tpu.memref_squeeze %dma_start3A_142 : memref<1x128xi32, #tpu.memory_space<vmem>> -> memref<128xi32, #tpu.memory_space<vmem>>
    %dma_start3A_144 = arith.constant 0 : i32
    %dma_start3A_145 = arith.constant 0 : i32
    %dma_start3A_146 = tpu.memref_slice %arg11[%dma_start3A_144, %dma_start3A_145] : memref<10240x128xf32, #tpu.memory_space<vmem_shared>> -> memref<10240x128xf32, #tpu.memory_space<vmem_shared>>
    tpu.enqueue_indirect_dma source(%arg10 : memref<128x128xf32, #tpu.memory_space<vmem>>) target(%dma_start3A_146 : memref<10240x128xf32, #tpu.memory_space<vmem_shared>>) offsets(%dma_start3A_143 : memref<128xi32, #tpu.memory_space<vmem>>) semaphore(%arg15 : memref<!tpu.dma_semaphore, #tpu.memory_space<semaphore_mem>>) {add = true}
    %dma_wait3A_147 = arith.constant 40 : i32
    %dma_wait3A_148 = arith.constant 0 : i32
    %dma_wait3A_149 = tpu.memref_slice %arg8[%dma_wait3A_147, %dma_wait3A_148] : memref<80x128xi32, #tpu.memory_space<vmem>> -> memref<1x128xi32, #tpu.memory_space<vmem>>
    %dma_wait3A_150 = tpu.memref_squeeze %dma_wait3A_149 : memref<1x128xi32, #tpu.memory_space<vmem>> -> memref<128xi32, #tpu.memory_space<vmem>>
    %dma_wait3A_151 = arith.constant 0 : i32
    %dma_wait3A_152 = arith.constant 0 : i32
    %dma_wait3A_153 = tpu.memref_slice %arg11[%dma_wait3A_151, %dma_wait3A_152] : memref<10240x128xf32, #tpu.memory_space<vmem_shared>> -> memref<10240x128xf32, #tpu.memory_space<vmem_shared>>
    tpu.wait_indirect_dma semaphore(%arg14 : memref<!tpu.dma_semaphore, #tpu.memory_space<semaphore_mem>>) src(%arg9 : memref<128x128xf32, #tpu.memory_space<vmem>>) dst(%dma_wait3A_153 : memref<10240x128xf32, #tpu.memory_space<vmem_shared>>)
    %multiple_of3A_154 = arith.constant 256 : i32
    %multiple_of3A_155 = tpu.assume_multiple %multiple_of3A_154, 8 : i32
    %dma_start3A_156 = tpu.memref_slice %arg7[%multiple_of3A_155] : memref<5120xi32, #tpu.memory_space<vmem>> -> memref<128xi32, #tpu.memory_space<vmem>>
    %dma_start3A_157 = arith.constant 0 : i32
    %dma_start3A_158 = arith.constant 0 : i32
    %dma_start3A_159 = tpu.memref_slice %arg2[%dma_start3A_157, %dma_start3A_158] : memref<10240x128xf32, #tpu.memory_space<hbm>> -> memref<10240x128xf32, #tpu.memory_space<hbm>>
    tpu.enqueue_indirect_dma source(%dma_start3A_159 : memref<10240x128xf32, #tpu.memory_space<hbm>>) target(%arg9 : memref<128x128xf32, #tpu.memory_space<vmem>>) offsets(%dma_start3A_156 : memref<128xi32, #tpu.memory_space<vmem>>) semaphore(%arg12 : memref<!tpu.dma_semaphore, #tpu.memory_space<semaphore_mem>>)
    %scan3A_160 = arith.constant 0 : i32
    %scan3A_161 = arith.constant 1 : i32
    %scan3A_162 = arith.constant 18 : i32
    %scan3A_163 = arith.addi %scan3A_161, %scan3A_162 : i32
    %scan3A_164 = arith.constant 1 : i32
    scf.for %scan3A_223 = %scan3A_161 to %scan3A_163 step %scan3A_164  : i32 {
      %mul3A_224 = arith.constant 2 : i32
      %mul3A_225 = arith.muli %mul3A_224, %scan3A_223 : i32
      %add3A_226 = arith.constant 0 : i32
      %add3A_227 = arith.addi %mul3A_225, %add3A_226 : i32
      %mul3A_228 = arith.constant 128 : i32
      %mul3A_229 = arith.muli %add3A_227, %mul3A_228 : i32
      %multiple_of3A_230 = tpu.assume_multiple %mul3A_229, 8 : i32
      %dma_wait3A_231 = tpu.memref_slice %arg7[%multiple_of3A_230] : memref<5120xi32, #tpu.memory_space<vmem>> -> memref<128xi32, #tpu.memory_space<vmem>>
      %dma_wait3A_232 = arith.constant 0 : i32
      %dma_wait3A_233 = arith.constant 0 : i32
      %dma_wait3A_234 = tpu.memref_slice %arg2[%dma_wait3A_232, %dma_wait3A_233] : memref<10240x128xf32, #tpu.memory_space<hbm>> -> memref<10240x128xf32, #tpu.memory_space<hbm>>
      tpu.wait_indirect_dma semaphore(%arg12 : memref<!tpu.dma_semaphore, #tpu.memory_space<semaphore_mem>>) src(%dma_wait3A_234 : memref<10240x128xf32, #tpu.memory_space<hbm>>) dst(%arg9 : memref<128x128xf32, #tpu.memory_space<vmem>>)
      %add3A_235 = arith.constant 40 : i32
      %add3A_236 = arith.addi %add3A_235, %add3A_227 : i32
      %dma_start3A_237 = arith.constant 0 : i32
      %dma_start3A_238 = tpu.memref_slice %arg8[%add3A_236, %dma_start3A_237] : memref<80x128xi32, #tpu.memory_space<vmem>> -> memref<1x128xi32, #tpu.memory_space<vmem>>
      %dma_start3A_239 = tpu.memref_squeeze %dma_start3A_238 : memref<1x128xi32, #tpu.memory_space<vmem>> -> memref<128xi32, #tpu.memory_space<vmem>>
      %dma_start3A_240 = arith.constant 0 : i32
      %dma_start3A_241 = arith.constant 0 : i32
      %dma_start3A_242 = tpu.memref_slice %arg11[%dma_start3A_240, %dma_start3A_241] : memref<10240x128xf32, #tpu.memory_space<vmem_shared>> -> memref<10240x128xf32, #tpu.memory_space<vmem_shared>>
      tpu.enqueue_indirect_dma source(%arg9 : memref<128x128xf32, #tpu.memory_space<vmem>>) target(%dma_start3A_242 : memref<10240x128xf32, #tpu.memory_space<vmem_shared>>) offsets(%dma_start3A_239 : memref<128xi32, #tpu.memory_space<vmem>>) semaphore(%arg14 : memref<!tpu.dma_semaphore, #tpu.memory_space<semaphore_mem>>) {add = true}
      %add3A_243 = arith.constant 40 : i32
      %add3A_244 = arith.addi %add3A_243, %add3A_227 : i32
      %sub3A = arith.constant 1 : i32
      %sub3A_245 = arith.subi %add3A_244, %sub3A : i32
      %dma_wait3A_246 = arith.constant 0 : i32
      %dma_wait3A_247 = tpu.memref_slice %arg8[%sub3A_245, %dma_wait3A_246] : memref<80x128xi32, #tpu.memory_space<vmem>> -> memref<1x128xi32, #tpu.memory_space<vmem>>
      %dma_wait3A_248 = tpu.memref_squeeze %dma_wait3A_247 : memref<1x128xi32, #tpu.memory_space<vmem>> -> memref<128xi32, #tpu.memory_space<vmem>>
      %dma_wait3A_249 = arith.constant 0 : i32
      %dma_wait3A_250 = arith.constant 0 : i32
      %dma_wait3A_251 = tpu.memref_slice %arg11[%dma_wait3A_249, %dma_wait3A_250] : memref<10240x128xf32, #tpu.memory_space<vmem_shared>> -> memref<10240x128xf32, #tpu.memory_space<vmem_shared>>
      tpu.wait_indirect_dma semaphore(%arg15 : memref<!tpu.dma_semaphore, #tpu.memory_space<semaphore_mem>>) src(%arg10 : memref<128x128xf32, #tpu.memory_space<vmem>>) dst(%dma_wait3A_251 : memref<10240x128xf32, #tpu.memory_space<vmem_shared>>)
      %add3A_252 = arith.constant 1 : i32
      %add3A_253 = arith.addi %add3A_227, %add3A_252 : i32
      %mul3A_254 = arith.constant 128 : i32
      %mul3A_255 = arith.muli %add3A_253, %mul3A_254 : i32
      %multiple_of3A_256 = tpu.assume_multiple %mul3A_255, 8 : i32
      %dma_start3A_257 = tpu.memref_slice %arg7[%multiple_of3A_256] : memref<5120xi32, #tpu.memory_space<vmem>> -> memref<128xi32, #tpu.memory_space<vmem>>
      %dma_start3A_258 = arith.constant 0 : i32
      %dma_start3A_259 = arith.constant 0 : i32
      %dma_start3A_260 = tpu.memref_slice %arg2[%dma_start3A_258, %dma_start3A_259] : memref<10240x128xf32, #tpu.memory_space<hbm>> -> memref<10240x128xf32, #tpu.memory_space<hbm>>
      tpu.enqueue_indirect_dma source(%dma_start3A_260 : memref<10240x128xf32, #tpu.memory_space<hbm>>) target(%arg10 : memref<128x128xf32, #tpu.memory_space<vmem>>) offsets(%dma_start3A_257 : memref<128xi32, #tpu.memory_space<vmem>>) semaphore(%arg13 : memref<!tpu.dma_semaphore, #tpu.memory_space<semaphore_mem>>)
      %mul3A_261 = arith.constant 2 : i32
      %mul3A_262 = arith.muli %mul3A_261, %scan3A_223 : i32
      %add3A_263 = arith.constant 1 : i32
      %add3A_264 = arith.addi %mul3A_262, %add3A_263 : i32
      %mul3A_265 = arith.constant 128 : i32
      %mul3A_266 = arith.muli %add3A_264, %mul3A_265 : i32
      %multiple_of3A_267 = tpu.assume_multiple %mul3A_266, 8 : i32
      %dma_wait3A_268 = tpu.memref_slice %arg7[%multiple_of3A_267] : memref<5120xi32, #tpu.memory_space<vmem>> -> memref<128xi32, #tpu.memory_space<vmem>>
      %dma_wait3A_269 = arith.constant 0 : i32
      %dma_wait3A_270 = arith.constant 0 : i32
      %dma_wait3A_271 = tpu.memref_slice %arg2[%dma_wait3A_269, %dma_wait3A_270] : memref<10240x128xf32, #tpu.memory_space<hbm>> -> memref<10240x128xf32, #tpu.memory_space<hbm>>
      tpu.wait_indirect_dma semaphore(%arg13 : memref<!tpu.dma_semaphore, #tpu.memory_space<semaphore_mem>>) src(%dma_wait3A_271 : memref<10240x128xf32, #tpu.memory_space<hbm>>) dst(%arg10 : memref<128x128xf32, #tpu.memory_space<vmem>>)
      %add3A_272 = arith.constant 40 : i32
      %add3A_273 = arith.addi %add3A_272, %add3A_264 : i32
      %dma_start3A_274 = arith.constant 0 : i32
      %dma_start3A_275 = tpu.memref_slice %arg8[%add3A_273, %dma_start3A_274] : memref<80x128xi32, #tpu.memory_space<vmem>> -> memref<1x128xi32, #tpu.memory_space<vmem>>
      %dma_start3A_276 = tpu.memref_squeeze %dma_start3A_275 : memref<1x128xi32, #tpu.memory_space<vmem>> -> memref<128xi32, #tpu.memory_space<vmem>>
      %dma_start3A_277 = arith.constant 0 : i32
      %dma_start3A_278 = arith.constant 0 : i32
      %dma_start3A_279 = tpu.memref_slice %arg11[%dma_start3A_277, %dma_start3A_278] : memref<10240x128xf32, #tpu.memory_space<vmem_shared>> -> memref<10240x128xf32, #tpu.memory_space<vmem_shared>>
      tpu.enqueue_indirect_dma source(%arg10 : memref<128x128xf32, #tpu.memory_space<vmem>>) target(%dma_start3A_279 : memref<10240x128xf32, #tpu.memory_space<vmem_shared>>) offsets(%dma_start3A_276 : memref<128xi32, #tpu.memory_space<vmem>>) semaphore(%arg15 : memref<!tpu.dma_semaphore, #tpu.memory_space<semaphore_mem>>) {add = true}
      %add3A_280 = arith.constant 40 : i32
      %add3A_281 = arith.addi %add3A_280, %add3A_264 : i32
      %sub3A_282 = arith.constant 1 : i32
      %sub3A_283 = arith.subi %add3A_281, %sub3A_282 : i32
      %dma_wait3A_284 = arith.constant 0 : i32
      %dma_wait3A_285 = tpu.memref_slice %arg8[%sub3A_283, %dma_wait3A_284] : memref<80x128xi32, #tpu.memory_space<vmem>> -> memref<1x128xi32, #tpu.memory_space<vmem>>
      %dma_wait3A_286 = tpu.memref_squeeze %dma_wait3A_285 : memref<1x128xi32, #tpu.memory_space<vmem>> -> memref<128xi32, #tpu.memory_space<vmem>>
      %dma_wait3A_287 = arith.constant 0 : i32
      %dma_wait3A_288 = arith.constant 0 : i32
      %dma_wait3A_289 = tpu.memref_slice %arg11[%dma_wait3A_287, %dma_wait3A_288] : memref<10240x128xf32, #tpu.memory_space<vmem_shared>> -> memref<10240x128xf32, #tpu.memory_space<vmem_shared>>
      tpu.wait_indirect_dma semaphore(%arg14 : memref<!tpu.dma_semaphore, #tpu.memory_space<semaphore_mem>>) src(%arg9 : memref<128x128xf32, #tpu.memory_space<vmem>>) dst(%dma_wait3A_289 : memref<10240x128xf32, #tpu.memory_space<vmem_shared>>)
      %add3A_290 = arith.constant 1 : i32
      %add3A_291 = arith.addi %add3A_264, %add3A_290 : i32
      %mul3A_292 = arith.constant 128 : i32
      %mul3A_293 = arith.muli %add3A_291, %mul3A_292 : i32
      %multiple_of3A_294 = tpu.assume_multiple %mul3A_293, 8 : i32
      %dma_start3A_295 = tpu.memref_slice %arg7[%multiple_of3A_294] : memref<5120xi32, #tpu.memory_space<vmem>> -> memref<128xi32, #tpu.memory_space<vmem>>
      %dma_start3A_296 = arith.constant 0 : i32
      %dma_start3A_297 = arith.constant 0 : i32
      %dma_start3A_298 = tpu.memref_slice %arg2[%dma_start3A_296, %dma_start3A_297] : memref<10240x128xf32, #tpu.memory_space<hbm>> -> memref<10240x128xf32, #tpu.memory_space<hbm>>
      tpu.enqueue_indirect_dma source(%dma_start3A_298 : memref<10240x128xf32, #tpu.memory_space<hbm>>) target(%arg9 : memref<128x128xf32, #tpu.memory_space<vmem>>) offsets(%dma_start3A_295 : memref<128xi32, #tpu.memory_space<vmem>>) semaphore(%arg12 : memref<!tpu.dma_semaphore, #tpu.memory_space<semaphore_mem>>)
    }
    %scan3A_165 = arith.constant 18 : i32
    %multiple_of3A_166 = arith.constant 4864 : i32
    %multiple_of3A_167 = tpu.assume_multiple %multiple_of3A_166, 8 : i32
    %dma_wait3A_168 = tpu.memref_slice %arg7[%multiple_of3A_167] : memref<5120xi32, #tpu.memory_space<vmem>> -> memref<128xi32, #tpu.memory_space<vmem>>
    %dma_wait3A_169 = arith.constant 0 : i32
    %dma_wait3A_170 = arith.constant 0 : i32
    %dma_wait3A_171 = tpu.memref_slice %arg2[%dma_wait3A_169, %dma_wait3A_170] : memref<10240x128xf32, #tpu.memory_space<hbm>> -> memref<10240x128xf32, #tpu.memory_space<hbm>>
    tpu.wait_indirect_dma semaphore(%arg12 : memref<!tpu.dma_semaphore, #tpu.memory_space<semaphore_mem>>) src(%dma_wait3A_171 : memref<10240x128xf32, #tpu.memory_space<hbm>>) dst(%arg9 : memref<128x128xf32, #tpu.memory_space<vmem>>)
    %dma_start3A_172 = arith.constant 78 : i32
    %dma_start3A_173 = arith.constant 0 : i32
    %dma_start3A_174 = tpu.memref_slice %arg8[%dma_start3A_172, %dma_start3A_173] : memref<80x128xi32, #tpu.memory_space<vmem>> -> memref<1x128xi32, #tpu.memory_space<vmem>>
    %dma_start3A_175 = tpu.memref_squeeze %dma_start3A_174 : memref<1x128xi32, #tpu.memory_space<vmem>> -> memref<128xi32, #tpu.memory_space<vmem>>
    %dma_start3A_176 = arith.constant 0 : i32
    %dma_start3A_177 = arith.constant 0 : i32
    %dma_start3A_178 = tpu.memref_slice %arg11[%dma_start3A_176, %dma_start3A_177] : memref<10240x128xf32, #tpu.memory_space<vmem_shared>> -> memref<10240x128xf32, #tpu.memory_space<vmem_shared>>
    tpu.enqueue_indirect_dma source(%arg9 : memref<128x128xf32, #tpu.memory_space<vmem>>) target(%dma_start3A_178 : memref<10240x128xf32, #tpu.memory_space<vmem_shared>>) offsets(%dma_start3A_175 : memref<128xi32, #tpu.memory_space<vmem>>) semaphore(%arg14 : memref<!tpu.dma_semaphore, #tpu.memory_space<semaphore_mem>>) {add = true}
    %dma_wait3A_179 = arith.constant 77 : i32
    %dma_wait3A_180 = arith.constant 0 : i32
    %dma_wait3A_181 = tpu.memref_slice %arg8[%dma_wait3A_179, %dma_wait3A_180] : memref<80x128xi32, #tpu.memory_space<vmem>> -> memref<1x128xi32, #tpu.memory_space<vmem>>
    %dma_wait3A_182 = tpu.memref_squeeze %dma_wait3A_181 : memref<1x128xi32, #tpu.memory_space<vmem>> -> memref<128xi32, #tpu.memory_space<vmem>>
    %dma_wait3A_183 = arith.constant 0 : i32
    %dma_wait3A_184 = arith.constant 0 : i32
    %dma_wait3A_185 = tpu.memref_slice %arg11[%dma_wait3A_183, %dma_wait3A_184] : memref<10240x128xf32, #tpu.memory_space<vmem_shared>> -> memref<10240x128xf32, #tpu.memory_space<vmem_shared>>
    tpu.wait_indirect_dma semaphore(%arg15 : memref<!tpu.dma_semaphore, #tpu.memory_space<semaphore_mem>>) src(%arg10 : memref<128x128xf32, #tpu.memory_space<vmem>>) dst(%dma_wait3A_185 : memref<10240x128xf32, #tpu.memory_space<vmem_shared>>)
    %multiple_of3A_186 = arith.constant 4992 : i32
    %multiple_of3A_187 = tpu.assume_multiple %multiple_of3A_186, 8 : i32
    %dma_start3A_188 = tpu.memref_slice %arg7[%multiple_of3A_187] : memref<5120xi32, #tpu.memory_space<vmem>> -> memref<128xi32, #tpu.memory_space<vmem>>
    %dma_start3A_189 = arith.constant 0 : i32
    %dma_start3A_190 = arith.constant 0 : i32
    %dma_start3A_191 = tpu.memref_slice %arg2[%dma_start3A_189, %dma_start3A_190] : memref<10240x128xf32, #tpu.memory_space<hbm>> -> memref<10240x128xf32, #tpu.memory_space<hbm>>
    tpu.enqueue_indirect_dma source(%dma_start3A_191 : memref<10240x128xf32, #tpu.memory_space<hbm>>) target(%arg10 : memref<128x128xf32, #tpu.memory_space<vmem>>) offsets(%dma_start3A_188 : memref<128xi32, #tpu.memory_space<vmem>>) semaphore(%arg13 : memref<!tpu.dma_semaphore, #tpu.memory_space<semaphore_mem>>)
    %multiple_of3A_192 = arith.constant 4992 : i32
    %multiple_of3A_193 = tpu.assume_multiple %multiple_of3A_192, 8 : i32
    %dma_wait3A_194 = tpu.memref_slice %arg7[%multiple_of3A_193] : memref<5120xi32, #tpu.memory_space<vmem>> -> memref<128xi32, #tpu.memory_space<vmem>>
    %dma_wait3A_195 = arith.constant 0 : i32
    %dma_wait3A_196 = arith.constant 0 : i32
    %dma_wait3A_197 = tpu.memref_slice %arg2[%dma_wait3A_195, %dma_wait3A_196] : memref<10240x128xf32, #tpu.memory_space<hbm>> -> memref<10240x128xf32, #tpu.memory_space<hbm>>
    tpu.wait_indirect_dma semaphore(%arg13 : memref<!tpu.dma_semaphore, #tpu.memory_space<semaphore_mem>>) src(%dma_wait3A_197 : memref<10240x128xf32, #tpu.memory_space<hbm>>) dst(%arg10 : memref<128x128xf32, #tpu.memory_space<vmem>>)
    %dma_start3A_198 = arith.constant 79 : i32
    %dma_start3A_199 = arith.constant 0 : i32
    %dma_start3A_200 = tpu.memref_slice %arg8[%dma_start3A_198, %dma_start3A_199] : memref<80x128xi32, #tpu.memory_space<vmem>> -> memref<1x128xi32, #tpu.memory_space<vmem>>
    %dma_start3A_201 = tpu.memref_squeeze %dma_start3A_200 : memref<1x128xi32, #tpu.memory_space<vmem>> -> memref<128xi32, #tpu.memory_space<vmem>>
    %dma_start3A_202 = arith.constant 0 : i32
    %dma_start3A_203 = arith.constant 0 : i32
    %dma_start3A_204 = tpu.memref_slice %arg11[%dma_start3A_202, %dma_start3A_203] : memref<10240x128xf32, #tpu.memory_space<vmem_shared>> -> memref<10240x128xf32, #tpu.memory_space<vmem_shared>>
    tpu.enqueue_indirect_dma source(%arg10 : memref<128x128xf32, #tpu.memory_space<vmem>>) target(%dma_start3A_204 : memref<10240x128xf32, #tpu.memory_space<vmem_shared>>) offsets(%dma_start3A_201 : memref<128xi32, #tpu.memory_space<vmem>>) semaphore(%arg15 : memref<!tpu.dma_semaphore, #tpu.memory_space<semaphore_mem>>) {add = true}
    %dma_wait3A_205 = arith.constant 78 : i32
    %dma_wait3A_206 = arith.constant 0 : i32
    %dma_wait3A_207 = tpu.memref_slice %arg8[%dma_wait3A_205, %dma_wait3A_206] : memref<80x128xi32, #tpu.memory_space<vmem>> -> memref<1x128xi32, #tpu.memory_space<vmem>>
    %dma_wait3A_208 = tpu.memref_squeeze %dma_wait3A_207 : memref<1x128xi32, #tpu.memory_space<vmem>> -> memref<128xi32, #tpu.memory_space<vmem>>
    %dma_wait3A_209 = arith.constant 0 : i32
    %dma_wait3A_210 = arith.constant 0 : i32
    %dma_wait3A_211 = tpu.memref_slice %arg11[%dma_wait3A_209, %dma_wait3A_210] : memref<10240x128xf32, #tpu.memory_space<vmem_shared>> -> memref<10240x128xf32, #tpu.memory_space<vmem_shared>>
    tpu.wait_indirect_dma semaphore(%arg14 : memref<!tpu.dma_semaphore, #tpu.memory_space<semaphore_mem>>) src(%arg9 : memref<128x128xf32, #tpu.memory_space<vmem>>) dst(%dma_wait3A_211 : memref<10240x128xf32, #tpu.memory_space<vmem_shared>>)
    %dma_wait3A_212 = arith.constant 79 : i32
    %dma_wait3A_213 = arith.constant 0 : i32
    %dma_wait3A_214 = tpu.memref_slice %arg8[%dma_wait3A_212, %dma_wait3A_213] : memref<80x128xi32, #tpu.memory_space<vmem>> -> memref<1x128xi32, #tpu.memory_space<vmem>>
    %dma_wait3A_215 = tpu.memref_squeeze %dma_wait3A_214 : memref<1x128xi32, #tpu.memory_space<vmem>> -> memref<128xi32, #tpu.memory_space<vmem>>
    %dma_wait3A_216 = arith.constant 0 : i32
    %dma_wait3A_217 = arith.constant 0 : i32
    %dma_wait3A_218 = tpu.memref_slice %arg11[%dma_wait3A_216, %dma_wait3A_217] : memref<10240x128xf32, #tpu.memory_space<vmem_shared>> -> memref<10240x128xf32, #tpu.memory_space<vmem_shared>>
    tpu.wait_indirect_dma semaphore(%arg15 : memref<!tpu.dma_semaphore, #tpu.memory_space<semaphore_mem>>) src(%arg10 : memref<128x128xf32, #tpu.memory_space<vmem>>) dst(%dma_wait3A_218 : memref<10240x128xf32, #tpu.memory_space<vmem_shared>>)
    %barrier3A_219 = arith.constant 0 : index
    tpu.barrier barrier_id(%barrier3A_219)
    %mul3A_220 = arith.constant 10240 : i32
    %mul3A_221 = arith.muli %arg0, %mul3A_220 : i32
    %add3A_222 = arith.addi %mul3A_221, %mul3A_2 : i32
    "tpu.region"() ({
      %run_scoped3A = tpu.sem_alloc : memref<!tpu.dma_semaphore, #tpu.memory_space<semaphore_mem>>
      %dma_start3A_223 = arith.constant 0 : i32
      %dma_start3A_224 = tpu.memref_slice %arg6[%add3A_222, %dma_start3A_223] : memref<20480x128xf32, #tpu.memory_space<hbm>> -> memref<640x128xf32, #tpu.memory_space<hbm>>
      %dma_start3A_225 = arith.constant 0 : i32
      %dma_start3A_226 = tpu.memref_slice %arg11[%mul3A_2, %dma_start3A_225] : memref<10240x128xf32, #tpu.memory_space<vmem_shared>> -> memref<640x128xf32, #tpu.memory_space<vmem_shared>>
      tpu.enqueue_dma source(%dma_start3A_226 : memref<640x128xf32, #tpu.memory_space<vmem_shared>>) target(%dma_start3A_224 : memref<640x128xf32, #tpu.memory_space<hbm>>) target_semaphore(%run_scoped3A : memref<!tpu.dma_semaphore, #tpu.memory_space<semaphore_mem>>)
      %dma_wait3A_227 = arith.constant 0 : i32
      %dma_wait3A_228 = tpu.memref_slice %arg6[%add3A_222, %dma_wait3A_227] : memref<20480x128xf32, #tpu.memory_space<hbm>> -> memref<640x128xf32, #tpu.memory_space<hbm>>
      %dma_wait3A_229 = arith.constant 0 : i32
      %dma_wait3A_230 = tpu.memref_slice %arg11[%mul3A_2, %dma_wait3A_229] : memref<10240x128xf32, #tpu.memory_space<vmem_shared>> -> memref<640x128xf32, #tpu.memory_space<vmem_shared>>
      tpu.wait_dma2 semaphore(%run_scoped3A : memref<!tpu.dma_semaphore, #tpu.memory_space<semaphore_mem>>) src(%dma_wait3A_230 : memref<640x128xf32, #tpu.memory_space<vmem_shared>>) dst(%dma_wait3A_228 : memref<640x128xf32, #tpu.memory_space<hbm>>)
      tpu.yield
    }) : () -> ()
    return
  }
}

#map = affine_map<(d0, d1) -> (0, 0, 0)>
#map1 = affine_map<(d0, d1) -> (0, 0)>
module attributes {stable_mosaic.version = 14 : i64} {
  func.func @kern(%arg0: i32, %arg1: i32, %arg2: memref<32x80x128xi32, #tpu.memory_space<hbm>>, %arg3: memref<128x128xf32, #tpu.memory_space<hbm>>, %arg4: memref<640x128xf32, #tpu.memory_space<hbm>>, %arg5: memref<2x10240x128xf32, #tpu.memory_space<hbm>>, %arg6: memref<80x128xi32, #tpu.memory_space<vmem>>, %arg7: memref<128x128xf32, #tpu.memory_space<vmem>>, %arg8: memref<10240x128xf32, #tpu.memory_space<vmem_shared>>, %arg9: memref<!tpu.dma_semaphore, #tpu.memory_space<semaphore_mem>>) attributes {dimension_semantics = [#tpu.dimension_semantics<core_parallel>, #tpu.dimension_semantics<subcore_parallel>], iteration_bounds = array<i64: 2, 16>, scalar_prefetch = 0 : i64, scratch_operands = 4 : i64, tpu.core_type = #tpu.core_type<sc_vector_subcore>, window_params = [{transform_indices = #map}, {transform_indices = #map1}, {transform_indices = #map1}, {transform_indices = #map}]} {
    %mul3A = arith.constant 16 : i32
    %mul3A_0 = arith.muli %arg0, %mul3A : i32
    %add3A = arith.addi %mul3A_0, %arg1 : i32
    %mul3A_1 = arith.constant 640 : i32
    %mul3A_2 = arith.muli %arg1, %mul3A_1 : i32
    "tpu.region"() ({
      %run_scoped3A = tpu.sem_alloc : memref<!tpu.dma_semaphore, #tpu.memory_space<semaphore_mem>>
      %dma_start3A = arith.constant 0 : i32
      %dma_start3A_9 = tpu.memref_slice %arg8[%mul3A_2, %dma_start3A] : memref<10240x128xf32, #tpu.memory_space<vmem_shared>> -> memref<640x128xf32, #tpu.memory_space<vmem_shared>>
      tpu.enqueue_dma source(%arg4 : memref<640x128xf32, #tpu.memory_space<hbm>>) target(%dma_start3A_9 : memref<640x128xf32, #tpu.memory_space<vmem_shared>>) target_semaphore(%run_scoped3A : memref<!tpu.dma_semaphore, #tpu.memory_space<semaphore_mem>>)
      %dma_wait3A = arith.constant 0 : i32
      %dma_wait3A_10 = tpu.memref_slice %arg8[%mul3A_2, %dma_wait3A] : memref<10240x128xf32, #tpu.memory_space<vmem_shared>> -> memref<640x128xf32, #tpu.memory_space<vmem_shared>>
      tpu.wait_dma2 semaphore(%run_scoped3A : memref<!tpu.dma_semaphore, #tpu.memory_space<semaphore_mem>>) src(%arg4 : memref<640x128xf32, #tpu.memory_space<hbm>>) dst(%dma_wait3A_10 : memref<640x128xf32, #tpu.memory_space<vmem_shared>>)
      tpu.yield
    }) : () -> ()
    "tpu.region"() ({
      %run_scoped3A = tpu.sem_alloc : memref<!tpu.dma_semaphore, #tpu.memory_space<semaphore_mem>>
      tpu.enqueue_dma source(%arg3 : memref<128x128xf32, #tpu.memory_space<hbm>>) target(%arg7 : memref<128x128xf32, #tpu.memory_space<vmem>>) target_semaphore(%run_scoped3A : memref<!tpu.dma_semaphore, #tpu.memory_space<semaphore_mem>>)
      tpu.wait_dma2 semaphore(%run_scoped3A : memref<!tpu.dma_semaphore, #tpu.memory_space<semaphore_mem>>) src(%arg3 : memref<128x128xf32, #tpu.memory_space<hbm>>) dst(%arg7 : memref<128x128xf32, #tpu.memory_space<vmem>>)
      tpu.yield
    }) : () -> ()
    "tpu.region"() ({
      %run_scoped3A = tpu.sem_alloc : memref<!tpu.dma_semaphore, #tpu.memory_space<semaphore_mem>>
      %dma_start3A = arith.constant 0 : i32
      %dma_start3A_9 = arith.constant 0 : i32
      %dma_start3A_10 = tpu.memref_slice %arg2[%add3A, %dma_start3A, %dma_start3A_9] : memref<32x80x128xi32, #tpu.memory_space<hbm>> -> memref<1x80x128xi32, #tpu.memory_space<hbm>>
      %dma_start3A_11 = tpu.memref_squeeze %dma_start3A_10 : memref<1x80x128xi32, #tpu.memory_space<hbm>> -> memref<80x128xi32, #tpu.memory_space<hbm>>
      %dma_start3A_12 = arith.constant 0 : i32
      %dma_start3A_13 = arith.constant 0 : i32
      %dma_start3A_14 = tpu.memref_slice %arg2[%add3A, %dma_start3A_12, %dma_start3A_13] : memref<32x80x128xi32, #tpu.memory_space<hbm>> -> memref<1x80x128xi32, #tpu.memory_space<hbm>>
      %dma_start3A_15 = tpu.memref_squeeze %dma_start3A_14 : memref<1x80x128xi32, #tpu.memory_space<hbm>> -> memref<80x128xi32, #tpu.memory_space<hbm>>
      tpu.enqueue_dma source(%dma_start3A_15 : memref<80x128xi32, #tpu.memory_space<hbm>>) target(%arg6 : memref<80x128xi32, #tpu.memory_space<vmem>>) target_semaphore(%run_scoped3A : memref<!tpu.dma_semaphore, #tpu.memory_space<semaphore_mem>>)
      %dma_wait3A = arith.constant 0 : i32
      %dma_wait3A_16 = arith.constant 0 : i32
      %dma_wait3A_17 = tpu.memref_slice %arg2[%add3A, %dma_wait3A, %dma_wait3A_16] : memref<32x80x128xi32, #tpu.memory_space<hbm>> -> memref<1x80x128xi32, #tpu.memory_space<hbm>>
      %dma_wait3A_18 = tpu.memref_squeeze %dma_wait3A_17 : memref<1x80x128xi32, #tpu.memory_space<hbm>> -> memref<80x128xi32, #tpu.memory_space<hbm>>
      %dma_wait3A_19 = arith.constant 0 : i32
      %dma_wait3A_20 = arith.constant 0 : i32
      %dma_wait3A_21 = tpu.memref_slice %arg2[%add3A, %dma_wait3A_19, %dma_wait3A_20] : memref<32x80x128xi32, #tpu.memory_space<hbm>> -> memref<1x80x128xi32, #tpu.memory_space<hbm>>
      %dma_wait3A_22 = tpu.memref_squeeze %dma_wait3A_21 : memref<1x80x128xi32, #tpu.memory_space<hbm>> -> memref<80x128xi32, #tpu.memory_space<hbm>>
      tpu.wait_dma2 semaphore(%run_scoped3A : memref<!tpu.dma_semaphore, #tpu.memory_space<semaphore_mem>>) src(%dma_wait3A_22 : memref<80x128xi32, #tpu.memory_space<hbm>>) dst(%arg6 : memref<80x128xi32, #tpu.memory_space<vmem>>)
      tpu.yield
    }) : () -> ()
    %barrier3A = arith.constant 0 : index
    tpu.barrier barrier_id(%barrier3A)
    %scan3A = arith.constant 0 : i32
    %scan3A_3 = arith.constant 0 : i32
    %scan3A_4 = arith.constant 80 : i32
    %scan3A_5 = arith.addi %scan3A_3, %scan3A_4 : i32
    %scan3A_6 = arith.constant 1 : i32
    scf.for %scan3A_9 = %scan3A_3 to %scan3A_5 step %scan3A_6  : i32 {
      "tpu.region"() ({
        %run_scoped3A = tpu.sem_alloc : memref<!tpu.dma_semaphore, #tpu.memory_space<semaphore_mem>>
        %dma_start3A = arith.constant 0 : i32
        %dma_start3A_10 = tpu.memref_slice %arg6[%scan3A_9, %dma_start3A] : memref<80x128xi32, #tpu.memory_space<vmem>> -> memref<1x128xi32, #tpu.memory_space<vmem>>
        %dma_start3A_11 = tpu.memref_squeeze %dma_start3A_10 : memref<1x128xi32, #tpu.memory_space<vmem>> -> memref<128xi32, #tpu.memory_space<vmem>>
        %dma_start3A_12 = arith.constant 0 : i32
        %dma_start3A_13 = arith.constant 0 : i32
        %dma_start3A_14 = tpu.memref_slice %arg8[%dma_start3A_12, %dma_start3A_13] : memref<10240x128xf32, #tpu.memory_space<vmem_shared>> -> memref<10240x128xf32, #tpu.memory_space<vmem_shared>>
        tpu.enqueue_indirect_dma source(%arg7 : memref<128x128xf32, #tpu.memory_space<vmem>>) target(%dma_start3A_14 : memref<10240x128xf32, #tpu.memory_space<vmem_shared>>) offsets(%dma_start3A_11 : memref<128xi32, #tpu.memory_space<vmem>>) semaphore(%run_scoped3A : memref<!tpu.dma_semaphore, #tpu.memory_space<semaphore_mem>>) {add = true}
        %dma_wait3A = arith.constant 0 : i32
        %dma_wait3A_15 = tpu.memref_slice %arg6[%scan3A_9, %dma_wait3A] : memref<80x128xi32, #tpu.memory_space<vmem>> -> memref<1x128xi32, #tpu.memory_space<vmem>>
        %dma_wait3A_16 = tpu.memref_squeeze %dma_wait3A_15 : memref<1x128xi32, #tpu.memory_space<vmem>> -> memref<128xi32, #tpu.memory_space<vmem>>
        %dma_wait3A_17 = arith.constant 0 : i32
        %dma_wait3A_18 = arith.constant 0 : i32
        %dma_wait3A_19 = tpu.memref_slice %arg8[%dma_wait3A_17, %dma_wait3A_18] : memref<10240x128xf32, #tpu.memory_space<vmem_shared>> -> memref<10240x128xf32, #tpu.memory_space<vmem_shared>>
        tpu.wait_indirect_dma semaphore(%run_scoped3A : memref<!tpu.dma_semaphore, #tpu.memory_space<semaphore_mem>>) src(%arg7 : memref<128x128xf32, #tpu.memory_space<vmem>>) dst(%dma_wait3A_19 : memref<10240x128xf32, #tpu.memory_space<vmem_shared>>)
        tpu.yield
      }) : () -> ()
    }
    %scan3A_7 = arith.constant 80 : i32
    %barrier3A_8 = arith.constant 0 : index
    tpu.barrier barrier_id(%barrier3A_8)
    "tpu.region"() ({
      %run_scoped3A = tpu.sem_alloc : memref<!tpu.dma_semaphore, #tpu.memory_space<semaphore_mem>>
      %dma_start3A = arith.constant 0 : i32
      %dma_start3A_9 = tpu.memref_slice %arg5[%arg0, %mul3A_2, %dma_start3A] : memref<2x10240x128xf32, #tpu.memory_space<hbm>> -> memref<1x640x128xf32, #tpu.memory_space<hbm>>
      %dma_start3A_10 = tpu.memref_squeeze %dma_start3A_9 : memref<1x640x128xf32, #tpu.memory_space<hbm>> -> memref<640x128xf32, #tpu.memory_space<hbm>>
      %dma_start3A_11 = arith.constant 0 : i32
      %dma_start3A_12 = tpu.memref_slice %arg8[%mul3A_2, %dma_start3A_11] : memref<10240x128xf32, #tpu.memory_space<vmem_shared>> -> memref<640x128xf32, #tpu.memory_space<vmem_shared>>
      tpu.enqueue_dma source(%dma_start3A_12 : memref<640x128xf32, #tpu.memory_space<vmem_shared>>) target(%dma_start3A_10 : memref<640x128xf32, #tpu.memory_space<hbm>>) target_semaphore(%run_scoped3A : memref<!tpu.dma_semaphore, #tpu.memory_space<semaphore_mem>>)
      %dma_wait3A = arith.constant 0 : i32
      %dma_wait3A_13 = tpu.memref_slice %arg5[%arg0, %mul3A_2, %dma_wait3A] : memref<2x10240x128xf32, #tpu.memory_space<hbm>> -> memref<1x640x128xf32, #tpu.memory_space<hbm>>
      %dma_wait3A_14 = tpu.memref_squeeze %dma_wait3A_13 : memref<1x640x128xf32, #tpu.memory_space<hbm>> -> memref<640x128xf32, #tpu.memory_space<hbm>>
      %dma_wait3A_15 = arith.constant 0 : i32
      %dma_wait3A_16 = tpu.memref_slice %arg8[%mul3A_2, %dma_wait3A_15] : memref<10240x128xf32, #tpu.memory_space<vmem_shared>> -> memref<640x128xf32, #tpu.memory_space<vmem_shared>>
      tpu.wait_dma2 semaphore(%run_scoped3A : memref<!tpu.dma_semaphore, #tpu.memory_space<semaphore_mem>>) src(%dma_wait3A_16 : memref<640x128xf32, #tpu.memory_space<vmem_shared>>) dst(%dma_wait3A_14 : memref<640x128xf32, #tpu.memory_space<hbm>>)
      tpu.yield
    }) : () -> ()
    return
  }
}

#map = affine_map<(d0, d1) -> (0, 0)>
#map1 = affine_map<(d0, d1) -> (0, 0, 0)>
module attributes {stable_mosaic.version = 14 : i64} {
  func.func @kern(%arg0: i32, %arg1: i32, %arg2: memref<10240x128xf32, #tpu.memory_space<hbm>>, %arg3: memref<32x10240xi32, #tpu.memory_space<hbm>>, %arg4: memref<32x80x128xi32, #tpu.memory_space<hbm>>, %arg5: memref<640x128xf32, #tpu.memory_space<hbm>>, %arg6: memref<20480x128xf32, #tpu.memory_space<hbm>>, %arg7: memref<5120xi32, #tpu.memory_space<vmem>>, %arg8: memref<80x128xi32, #tpu.memory_space<vmem>>, %arg9: memref<128x128xf32, #tpu.memory_space<vmem>>, %arg10: memref<128x128xf32, #tpu.memory_space<vmem>>, %arg11: memref<10240x128xf32, #tpu.memory_space<vmem_shared>>, %arg12: memref<!tpu.dma_semaphore, #tpu.memory_space<semaphore_mem>>, %arg13: memref<!tpu.dma_semaphore, #tpu.memory_space<semaphore_mem>>, %arg14: memref<!tpu.dma_semaphore, #tpu.memory_space<semaphore_mem>>, %arg15: memref<!tpu.dma_semaphore, #tpu.memory_space<semaphore_mem>>) attributes {dimension_semantics = [#tpu.dimension_semantics<core_parallel>, #tpu.dimension_semantics<subcore_parallel>], iteration_bounds = array<i64: 2, 16>, scalar_prefetch = 0 : i64, scratch_operands = 9 : i64, tpu.core_type = #tpu.core_type<sc_vector_subcore>, window_params = [{transform_indices = #map}, {transform_indices = #map}, {transform_indices = #map1}, {transform_indices = #map}, {transform_indices = #map}]} {
    %mul3A = arith.constant 16 : i32
    %mul3A_0 = arith.muli %arg0, %mul3A : i32
    %add3A = arith.addi %mul3A_0, %arg1 : i32
    %mul3A_1 = arith.constant 640 : i32
    %mul3A_2 = arith.muli %arg1, %mul3A_1 : i32
    "tpu.region"() ({
      %run_scoped3A = tpu.sem_alloc : memref<!tpu.dma_semaphore, #tpu.memory_space<semaphore_mem>>
      %dma_start3A_223 = arith.constant 0 : i32
      %dma_start3A_224 = tpu.memref_slice %arg11[%mul3A_2, %dma_start3A_223] : memref<10240x128xf32, #tpu.memory_space<vmem_shared>> -> memref<640x128xf32, #tpu.memory_space<vmem_shared>>
      tpu.enqueue_dma source(%arg5 : memref<640x128xf32, #tpu.memory_space<hbm>>) target(%dma_start3A_224 : memref<640x128xf32, #tpu.memory_space<vmem_shared>>) target_semaphore(%run_scoped3A : memref<!tpu.dma_semaphore, #tpu.memory_space<semaphore_mem>>)
      %dma_wait3A_225 = arith.constant 0 : i32
      %dma_wait3A_226 = tpu.memref_slice %arg11[%mul3A_2, %dma_wait3A_225] : memref<10240x128xf32, #tpu.memory_space<vmem_shared>> -> memref<640x128xf32, #tpu.memory_space<vmem_shared>>
      tpu.wait_dma2 semaphore(%run_scoped3A : memref<!tpu.dma_semaphore, #tpu.memory_space<semaphore_mem>>) src(%arg5 : memref<640x128xf32, #tpu.memory_space<hbm>>) dst(%dma_wait3A_226 : memref<640x128xf32, #tpu.memory_space<vmem_shared>>)
      tpu.yield
    }) : () -> ()
    "tpu.region"() ({
      %run_scoped3A = tpu.sem_alloc : memref<!tpu.dma_semaphore, #tpu.memory_space<semaphore_mem>>
      %dma_start3A_223 = arith.constant 0 : i32
      %dma_start3A_224 = arith.constant 0 : i32
      %dma_start3A_225 = tpu.memref_slice %arg4[%add3A, %dma_start3A_223, %dma_start3A_224] : memref<32x80x128xi32, #tpu.memory_space<hbm>> -> memref<1x80x128xi32, #tpu.memory_space<hbm>>
      %dma_start3A_226 = tpu.memref_squeeze %dma_start3A_225 : memref<1x80x128xi32, #tpu.memory_space<hbm>> -> memref<80x128xi32, #tpu.memory_space<hbm>>
      %dma_start3A_227 = arith.constant 0 : i32
      %dma_start3A_228 = arith.constant 0 : i32
      %dma_start3A_229 = tpu.memref_slice %arg4[%add3A, %dma_start3A_227, %dma_start3A_228] : memref<32x80x128xi32, #tpu.memory_space<hbm>> -> memref<1x80x128xi32, #tpu.memory_space<hbm>>
      %dma_start3A_230 = tpu.memref_squeeze %dma_start3A_229 : memref<1x80x128xi32, #tpu.memory_space<hbm>> -> memref<80x128xi32, #tpu.memory_space<hbm>>
      tpu.enqueue_dma source(%dma_start3A_230 : memref<80x128xi32, #tpu.memory_space<hbm>>) target(%arg8 : memref<80x128xi32, #tpu.memory_space<vmem>>) target_semaphore(%run_scoped3A : memref<!tpu.dma_semaphore, #tpu.memory_space<semaphore_mem>>)
      %dma_wait3A_231 = arith.constant 0 : i32
      %dma_wait3A_232 = arith.constant 0 : i32
      %dma_wait3A_233 = tpu.memref_slice %arg4[%add3A, %dma_wait3A_231, %dma_wait3A_232] : memref<32x80x128xi32, #tpu.memory_space<hbm>> -> memref<1x80x128xi32, #tpu.memory_space<hbm>>
      %dma_wait3A_234 = tpu.memref_squeeze %dma_wait3A_233 : memref<1x80x128xi32, #tpu.memory_space<hbm>> -> memref<80x128xi32, #tpu.memory_space<hbm>>
      %dma_wait3A_235 = arith.constant 0 : i32
      %dma_wait3A_236 = arith.constant 0 : i32
      %dma_wait3A_237 = tpu.memref_slice %arg4[%add3A, %dma_wait3A_235, %dma_wait3A_236] : memref<32x80x128xi32, #tpu.memory_space<hbm>> -> memref<1x80x128xi32, #tpu.memory_space<hbm>>
      %dma_wait3A_238 = tpu.memref_squeeze %dma_wait3A_237 : memref<1x80x128xi32, #tpu.memory_space<hbm>> -> memref<80x128xi32, #tpu.memory_space<hbm>>
      tpu.wait_dma2 semaphore(%run_scoped3A : memref<!tpu.dma_semaphore, #tpu.memory_space<semaphore_mem>>) src(%dma_wait3A_238 : memref<80x128xi32, #tpu.memory_space<hbm>>) dst(%arg8 : memref<80x128xi32, #tpu.memory_space<vmem>>)
      tpu.yield
    }) : () -> ()
    %barrier3A = arith.constant 0 : index
    tpu.barrier barrier_id(%barrier3A)
    "tpu.region"() ({
      %run_scoped3A = tpu.sem_alloc : memref<!tpu.dma_semaphore, #tpu.memory_space<semaphore_mem>>
      %dma_start3A_223 = arith.constant 0 : i32
      %dma_start3A_224 = tpu.memref_slice %arg3[%add3A, %dma_start3A_223] : memref<32x10240xi32, #tpu.memory_space<hbm>> -> memref<1x5120xi32, #tpu.memory_space<hbm>>
      %dma_start3A_225 = tpu.memref_squeeze %dma_start3A_224 : memref<1x5120xi32, #tpu.memory_space<hbm>> -> memref<5120xi32, #tpu.memory_space<hbm>>
      %dma_start3A_226 = arith.constant 0 : i32
      %dma_start3A_227 = tpu.memref_slice %arg3[%add3A, %dma_start3A_226] : memref<32x10240xi32, #tpu.memory_space<hbm>> -> memref<1x5120xi32, #tpu.memory_space<hbm>>
      %dma_start3A_228 = tpu.memref_squeeze %dma_start3A_227 : memref<1x5120xi32, #tpu.memory_space<hbm>> -> memref<5120xi32, #tpu.memory_space<hbm>>
      tpu.enqueue_dma source(%dma_start3A_228 : memref<5120xi32, #tpu.memory_space<hbm>>) target(%arg7 : memref<5120xi32, #tpu.memory_space<vmem>>) target_semaphore(%run_scoped3A : memref<!tpu.dma_semaphore, #tpu.memory_space<semaphore_mem>>)
      %dma_wait3A_229 = arith.constant 0 : i32
      %dma_wait3A_230 = tpu.memref_slice %arg3[%add3A, %dma_wait3A_229] : memref<32x10240xi32, #tpu.memory_space<hbm>> -> memref<1x5120xi32, #tpu.memory_space<hbm>>
      %dma_wait3A_231 = tpu.memref_squeeze %dma_wait3A_230 : memref<1x5120xi32, #tpu.memory_space<hbm>> -> memref<5120xi32, #tpu.memory_space<hbm>>
      %dma_wait3A_232 = arith.constant 0 : i32
      %dma_wait3A_233 = tpu.memref_slice %arg3[%add3A, %dma_wait3A_232] : memref<32x10240xi32, #tpu.memory_space<hbm>> -> memref<1x5120xi32, #tpu.memory_space<hbm>>
      %dma_wait3A_234 = tpu.memref_squeeze %dma_wait3A_233 : memref<1x5120xi32, #tpu.memory_space<hbm>> -> memref<5120xi32, #tpu.memory_space<hbm>>
      tpu.wait_dma2 semaphore(%run_scoped3A : memref<!tpu.dma_semaphore, #tpu.memory_space<semaphore_mem>>) src(%dma_wait3A_234 : memref<5120xi32, #tpu.memory_space<hbm>>) dst(%arg7 : memref<5120xi32, #tpu.memory_space<vmem>>)
      tpu.yield
    }) : () -> ()
    %multiple_of3A = arith.constant 0 : i32
    %multiple_of3A_3 = tpu.assume_multiple %multiple_of3A, 8 : i32
    %dma_start3A = tpu.memref_slice %arg7[%multiple_of3A_3] : memref<5120xi32, #tpu.memory_space<vmem>> -> memref<128xi32, #tpu.memory_space<vmem>>
    %dma_start3A_4 = arith.constant 0 : i32
    %dma_start3A_5 = arith.constant 0 : i32
    %dma_start3A_6 = tpu.memref_slice %arg2[%dma_start3A_4, %dma_start3A_5] : memref<10240x128xf32, #tpu.memory_space<hbm>> -> memref<10240x128xf32, #tpu.memory_space<hbm>>
    tpu.enqueue_indirect_dma source(%dma_start3A_6 : memref<10240x128xf32, #tpu.memory_space<hbm>>) target(%arg9 : memref<128x128xf32, #tpu.memory_space<vmem>>) offsets(%dma_start3A : memref<128xi32, #tpu.memory_space<vmem>>) semaphore(%arg12 : memref<!tpu.dma_semaphore, #tpu.memory_space<semaphore_mem>>)
    %multiple_of3A_7 = arith.constant 0 : i32
    %multiple_of3A_8 = tpu.assume_multiple %multiple_of3A_7, 8 : i32
    %dma_wait3A = tpu.memref_slice %arg7[%multiple_of3A_8] : memref<5120xi32, #tpu.memory_space<vmem>> -> memref<128xi32, #tpu.memory_space<vmem>>
    %dma_wait3A_9 = arith.constant 0 : i32
    %dma_wait3A_10 = arith.constant 0 : i32
    %dma_wait3A_11 = tpu.memref_slice %arg2[%dma_wait3A_9, %dma_wait3A_10] : memref<10240x128xf32, #tpu.memory_space<hbm>> -> memref<10240x128xf32, #tpu.memory_space<hbm>>
    tpu.wait_indirect_dma semaphore(%arg12 : memref<!tpu.dma_semaphore, #tpu.memory_space<semaphore_mem>>) src(%dma_wait3A_11 : memref<10240x128xf32, #tpu.memory_space<hbm>>) dst(%arg9 : memref<128x128xf32, #tpu.memory_space<vmem>>)
    %dma_start3A_12 = arith.constant 0 : i32
    %dma_start3A_13 = arith.constant 0 : i32
    %dma_start3A_14 = tpu.memref_slice %arg8[%dma_start3A_12, %dma_start3A_13] : memref<80x128xi32, #tpu.memory_space<vmem>> -> memref<1x128xi32, #tpu.memory_space<vmem>>
    %dma_start3A_15 = tpu.memref_squeeze %dma_start3A_14 : memref<1x128xi32, #tpu.memory_space<vmem>> -> memref<128xi32, #tpu.memory_space<vmem>>
    %dma_start3A_16 = arith.constant 0 : i32
    %dma_start3A_17 = arith.constant 0 : i32
    %dma_start3A_18 = tpu.memref_slice %arg11[%dma_start3A_16, %dma_start3A_17] : memref<10240x128xf32, #tpu.memory_space<vmem_shared>> -> memref<10240x128xf32, #tpu.memory_space<vmem_shared>>
    tpu.enqueue_indirect_dma source(%arg9 : memref<128x128xf32, #tpu.memory_space<vmem>>) target(%dma_start3A_18 : memref<10240x128xf32, #tpu.memory_space<vmem_shared>>) offsets(%dma_start3A_15 : memref<128xi32, #tpu.memory_space<vmem>>) semaphore(%arg14 : memref<!tpu.dma_semaphore, #tpu.memory_space<semaphore_mem>>) {add = true}
    %multiple_of3A_19 = arith.constant 128 : i32
    %multiple_of3A_20 = tpu.assume_multiple %multiple_of3A_19, 8 : i32
    %dma_start3A_21 = tpu.memref_slice %arg7[%multiple_of3A_20] : memref<5120xi32, #tpu.memory_space<vmem>> -> memref<128xi32, #tpu.memory_space<vmem>>
    %dma_start3A_22 = arith.constant 0 : i32
    %dma_start3A_23 = arith.constant 0 : i32
    %dma_start3A_24 = tpu.memref_slice %arg2[%dma_start3A_22, %dma_start3A_23] : memref<10240x128xf32, #tpu.memory_space<hbm>> -> memref<10240x128xf32, #tpu.memory_space<hbm>>
    tpu.enqueue_indirect_dma source(%dma_start3A_24 : memref<10240x128xf32, #tpu.memory_space<hbm>>) target(%arg10 : memref<128x128xf32, #tpu.memory_space<vmem>>) offsets(%dma_start3A_21 : memref<128xi32, #tpu.memory_space<vmem>>) semaphore(%arg13 : memref<!tpu.dma_semaphore, #tpu.memory_space<semaphore_mem>>)
    %multiple_of3A_25 = arith.constant 128 : i32
    %multiple_of3A_26 = tpu.assume_multiple %multiple_of3A_25, 8 : i32
    %dma_wait3A_27 = tpu.memref_slice %arg7[%multiple_of3A_26] : memref<5120xi32, #tpu.memory_space<vmem>> -> memref<128xi32, #tpu.memory_space<vmem>>
    %dma_wait3A_28 = arith.constant 0 : i32
    %dma_wait3A_29 = arith.constant 0 : i32
    %dma_wait3A_30 = tpu.memref_slice %arg2[%dma_wait3A_28, %dma_wait3A_29] : memref<10240x128xf32, #tpu.memory_space<hbm>> -> memref<10240x128xf32, #tpu.memory_space<hbm>>
    tpu.wait_indirect_dma semaphore(%arg13 : memref<!tpu.dma_semaphore, #tpu.memory_space<semaphore_mem>>) src(%dma_wait3A_30 : memref<10240x128xf32, #tpu.memory_space<hbm>>) dst(%arg10 : memref<128x128xf32, #tpu.memory_space<vmem>>)
    %dma_start3A_31 = arith.constant 1 : i32
    %dma_start3A_32 = arith.constant 0 : i32
    %dma_start3A_33 = tpu.memref_slice %arg8[%dma_start3A_31, %dma_start3A_32] : memref<80x128xi32, #tpu.memory_space<vmem>> -> memref<1x128xi32, #tpu.memory_space<vmem>>
    %dma_start3A_34 = tpu.memref_squeeze %dma_start3A_33 : memref<1x128xi32, #tpu.memory_space<vmem>> -> memref<128xi32, #tpu.memory_space<vmem>>
    %dma_start3A_35 = arith.constant 0 : i32
    %dma_start3A_36 = arith.constant 0 : i32
    %dma_start3A_37 = tpu.memref_slice %arg11[%dma_start3A_35, %dma_start3A_36] : memref<10240x128xf32, #tpu.memory_space<vmem_shared>> -> memref<10240x128xf32, #tpu.memory_space<vmem_shared>>
    tpu.enqueue_indirect_dma source(%arg10 : memref<128x128xf32, #tpu.memory_space<vmem>>) target(%dma_start3A_37 : memref<10240x128xf32, #tpu.memory_space<vmem_shared>>) offsets(%dma_start3A_34 : memref<128xi32, #tpu.memory_space<vmem>>) semaphore(%arg15 : memref<!tpu.dma_semaphore, #tpu.memory_space<semaphore_mem>>) {add = true}
    %dma_wait3A_38 = arith.constant 0 : i32
    %dma_wait3A_39 = arith.constant 0 : i32
    %dma_wait3A_40 = tpu.memref_slice %arg8[%dma_wait3A_38, %dma_wait3A_39] : memref<80x128xi32, #tpu.memory_space<vmem>> -> memref<1x128xi32, #tpu.memory_space<vmem>>
    %dma_wait3A_41 = tpu.memref_squeeze %dma_wait3A_40 : memref<1x128xi32, #tpu.memory_space<vmem>> -> memref<128xi32, #tpu.memory_space<vmem>>
    %dma_wait3A_42 = arith.constant 0 : i32
    %dma_wait3A_43 = arith.constant 0 : i32
    %dma_wait3A_44 = tpu.memref_slice %arg11[%dma_wait3A_42, %dma_wait3A_43] : memref<10240x128xf32, #tpu.memory_space<vmem_shared>> -> memref<10240x128xf32, #tpu.memory_space<vmem_shared>>
    tpu.wait_indirect_dma semaphore(%arg14 : memref<!tpu.dma_semaphore, #tpu.memory_space<semaphore_mem>>) src(%arg9 : memref<128x128xf32, #tpu.memory_space<vmem>>) dst(%dma_wait3A_44 : memref<10240x128xf32, #tpu.memory_space<vmem_shared>>)
    %multiple_of3A_45 = arith.constant 256 : i32
    %multiple_of3A_46 = tpu.assume_multiple %multiple_of3A_45, 8 : i32
    %dma_start3A_47 = tpu.memref_slice %arg7[%multiple_of3A_46] : memref<5120xi32, #tpu.memory_space<vmem>> -> memref<128xi32, #tpu.memory_space<vmem>>
    %dma_start3A_48 = arith.constant 0 : i32
    %dma_start3A_49 = arith.constant 0 : i32
    %dma_start3A_50 = tpu.memref_slice %arg2[%dma_start3A_48, %dma_start3A_49] : memref<10240x128xf32, #tpu.memory_space<hbm>> -> memref<10240x128xf32, #tpu.memory_space<hbm>>
    tpu.enqueue_indirect_dma source(%dma_start3A_50 : memref<10240x128xf32, #tpu.memory_space<hbm>>) target(%arg9 : memref<128x128xf32, #tpu.memory_space<vmem>>) offsets(%dma_start3A_47 : memref<128xi32, #tpu.memory_space<vmem>>) semaphore(%arg12 : memref<!tpu.dma_semaphore, #tpu.memory_space<semaphore_mem>>)
    %scan3A = arith.constant 0 : i32
    %scan3A_51 = arith.constant 1 : i32
    %scan3A_52 = arith.constant 18 : i32
    %scan3A_53 = arith.addi %scan3A_51, %scan3A_52 : i32
    %scan3A_54 = arith.constant 1 : i32
    scf.for %scan3A_223 = %scan3A_51 to %scan3A_53 step %scan3A_54  : i32 {
      %mul3A_224 = arith.constant 2 : i32
      %mul3A_225 = arith.muli %mul3A_224, %scan3A_223 : i32
      %add3A_226 = arith.constant 0 : i32
      %add3A_227 = arith.addi %mul3A_225, %add3A_226 : i32
      %mul3A_228 = arith.constant 128 : i32
      %mul3A_229 = arith.muli %add3A_227, %mul3A_228 : i32
      %multiple_of3A_230 = tpu.assume_multiple %mul3A_229, 8 : i32
      %dma_wait3A_231 = tpu.memref_slice %arg7[%multiple_of3A_230] : memref<5120xi32, #tpu.memory_space<vmem>> -> memref<128xi32, #tpu.memory_space<vmem>>
      %dma_wait3A_232 = arith.constant 0 : i32
      %dma_wait3A_233 = arith.constant 0 : i32
      %dma_wait3A_234 = tpu.memref_slice %arg2[%dma_wait3A_232, %dma_wait3A_233] : memref<10240x128xf32, #tpu.memory_space<hbm>> -> memref<10240x128xf32, #tpu.memory_space<hbm>>
      tpu.wait_indirect_dma semaphore(%arg12 : memref<!tpu.dma_semaphore, #tpu.memory_space<semaphore_mem>>) src(%dma_wait3A_234 : memref<10240x128xf32, #tpu.memory_space<hbm>>) dst(%arg9 : memref<128x128xf32, #tpu.memory_space<vmem>>)
      %add3A_235 = arith.constant 0 : i32
      %add3A_236 = arith.addi %add3A_235, %add3A_227 : i32
      %dma_start3A_237 = arith.constant 0 : i32
      %dma_start3A_238 = tpu.memref_slice %arg8[%add3A_236, %dma_start3A_237] : memref<80x128xi32, #tpu.memory_space<vmem>> -> memref<1x128xi32, #tpu.memory_space<vmem>>
      %dma_start3A_239 = tpu.memref_squeeze %dma_start3A_238 : memref<1x128xi32, #tpu.memory_space<vmem>> -> memref<128xi32, #tpu.memory_space<vmem>>
      %dma_start3A_240 = arith.constant 0 : i32
      %dma_start3A_241 = arith.constant 0 : i32
      %dma_start3A_242 = tpu.memref_slice %arg11[%dma_start3A_240, %dma_start3A_241] : memref<10240x128xf32, #tpu.memory_space<vmem_shared>> -> memref<10240x128xf32, #tpu.memory_space<vmem_shared>>
      tpu.enqueue_indirect_dma source(%arg9 : memref<128x128xf32, #tpu.memory_space<vmem>>) target(%dma_start3A_242 : memref<10240x128xf32, #tpu.memory_space<vmem_shared>>) offsets(%dma_start3A_239 : memref<128xi32, #tpu.memory_space<vmem>>) semaphore(%arg14 : memref<!tpu.dma_semaphore, #tpu.memory_space<semaphore_mem>>) {add = true}
      %add3A_243 = arith.constant 0 : i32
      %add3A_244 = arith.addi %add3A_243, %add3A_227 : i32
      %sub3A = arith.constant 1 : i32
      %sub3A_245 = arith.subi %add3A_244, %sub3A : i32
      %dma_wait3A_246 = arith.constant 0 : i32
      %dma_wait3A_247 = tpu.memref_slice %arg8[%sub3A_245, %dma_wait3A_246] : memref<80x128xi32, #tpu.memory_space<vmem>> -> memref<1x128xi32, #tpu.memory_space<vmem>>
      %dma_wait3A_248 = tpu.memref_squeeze %dma_wait3A_247 : memref<1x128xi32, #tpu.memory_space<vmem>> -> memref<128xi32, #tpu.memory_space<vmem>>
      %dma_wait3A_249 = arith.constant 0 : i32
      %dma_wait3A_250 = arith.constant 0 : i32
      %dma_wait3A_251 = tpu.memref_slice %arg11[%dma_wait3A_249, %dma_wait3A_250] : memref<10240x128xf32, #tpu.memory_space<vmem_shared>> -> memref<10240x128xf32, #tpu.memory_space<vmem_shared>>
      tpu.wait_indirect_dma semaphore(%arg15 : memref<!tpu.dma_semaphore, #tpu.memory_space<semaphore_mem>>) src(%arg10 : memref<128x128xf32, #tpu.memory_space<vmem>>) dst(%dma_wait3A_251 : memref<10240x128xf32, #tpu.memory_space<vmem_shared>>)
      %add3A_252 = arith.constant 1 : i32
      %add3A_253 = arith.addi %add3A_227, %add3A_252 : i32
      %mul3A_254 = arith.constant 128 : i32
      %mul3A_255 = arith.muli %add3A_253, %mul3A_254 : i32
      %multiple_of3A_256 = tpu.assume_multiple %mul3A_255, 8 : i32
      %dma_start3A_257 = tpu.memref_slice %arg7[%multiple_of3A_256] : memref<5120xi32, #tpu.memory_space<vmem>> -> memref<128xi32, #tpu.memory_space<vmem>>
      %dma_start3A_258 = arith.constant 0 : i32
      %dma_start3A_259 = arith.constant 0 : i32
      %dma_start3A_260 = tpu.memref_slice %arg2[%dma_start3A_258, %dma_start3A_259] : memref<10240x128xf32, #tpu.memory_space<hbm>> -> memref<10240x128xf32, #tpu.memory_space<hbm>>
      tpu.enqueue_indirect_dma source(%dma_start3A_260 : memref<10240x128xf32, #tpu.memory_space<hbm>>) target(%arg10 : memref<128x128xf32, #tpu.memory_space<vmem>>) offsets(%dma_start3A_257 : memref<128xi32, #tpu.memory_space<vmem>>) semaphore(%arg13 : memref<!tpu.dma_semaphore, #tpu.memory_space<semaphore_mem>>)
      %mul3A_261 = arith.constant 2 : i32
      %mul3A_262 = arith.muli %mul3A_261, %scan3A_223 : i32
      %add3A_263 = arith.constant 1 : i32
      %add3A_264 = arith.addi %mul3A_262, %add3A_263 : i32
      %mul3A_265 = arith.constant 128 : i32
      %mul3A_266 = arith.muli %add3A_264, %mul3A_265 : i32
      %multiple_of3A_267 = tpu.assume_multiple %mul3A_266, 8 : i32
      %dma_wait3A_268 = tpu.memref_slice %arg7[%multiple_of3A_267] : memref<5120xi32, #tpu.memory_space<vmem>> -> memref<128xi32, #tpu.memory_space<vmem>>
      %dma_wait3A_269 = arith.constant 0 : i32
      %dma_wait3A_270 = arith.constant 0 : i32
      %dma_wait3A_271 = tpu.memref_slice %arg2[%dma_wait3A_269, %dma_wait3A_270] : memref<10240x128xf32, #tpu.memory_space<hbm>> -> memref<10240x128xf32, #tpu.memory_space<hbm>>
      tpu.wait_indirect_dma semaphore(%arg13 : memref<!tpu.dma_semaphore, #tpu.memory_space<semaphore_mem>>) src(%dma_wait3A_271 : memref<10240x128xf32, #tpu.memory_space<hbm>>) dst(%arg10 : memref<128x128xf32, #tpu.memory_space<vmem>>)
      %add3A_272 = arith.constant 0 : i32
      %add3A_273 = arith.addi %add3A_272, %add3A_264 : i32
      %dma_start3A_274 = arith.constant 0 : i32
      %dma_start3A_275 = tpu.memref_slice %arg8[%add3A_273, %dma_start3A_274] : memref<80x128xi32, #tpu.memory_space<vmem>> -> memref<1x128xi32, #tpu.memory_space<vmem>>
      %dma_start3A_276 = tpu.memref_squeeze %dma_start3A_275 : memref<1x128xi32, #tpu.memory_space<vmem>> -> memref<128xi32, #tpu.memory_space<vmem>>
      %dma_start3A_277 = arith.constant 0 : i32
      %dma_start3A_278 = arith.constant 0 : i32
      %dma_start3A_279 = tpu.memref_slice %arg11[%dma_start3A_277, %dma_start3A_278] : memref<10240x128xf32, #tpu.memory_space<vmem_shared>> -> memref<10240x128xf32, #tpu.memory_space<vmem_shared>>
      tpu.enqueue_indirect_dma source(%arg10 : memref<128x128xf32, #tpu.memory_space<vmem>>) target(%dma_start3A_279 : memref<10240x128xf32, #tpu.memory_space<vmem_shared>>) offsets(%dma_start3A_276 : memref<128xi32, #tpu.memory_space<vmem>>) semaphore(%arg15 : memref<!tpu.dma_semaphore, #tpu.memory_space<semaphore_mem>>) {add = true}
      %add3A_280 = arith.constant 0 : i32
      %add3A_281 = arith.addi %add3A_280, %add3A_264 : i32
      %sub3A_282 = arith.constant 1 : i32
      %sub3A_283 = arith.subi %add3A_281, %sub3A_282 : i32
      %dma_wait3A_284 = arith.constant 0 : i32
      %dma_wait3A_285 = tpu.memref_slice %arg8[%sub3A_283, %dma_wait3A_284] : memref<80x128xi32, #tpu.memory_space<vmem>> -> memref<1x128xi32, #tpu.memory_space<vmem>>
      %dma_wait3A_286 = tpu.memref_squeeze %dma_wait3A_285 : memref<1x128xi32, #tpu.memory_space<vmem>> -> memref<128xi32, #tpu.memory_space<vmem>>
      %dma_wait3A_287 = arith.constant 0 : i32
      %dma_wait3A_288 = arith.constant 0 : i32
      %dma_wait3A_289 = tpu.memref_slice %arg11[%dma_wait3A_287, %dma_wait3A_288] : memref<10240x128xf32, #tpu.memory_space<vmem_shared>> -> memref<10240x128xf32, #tpu.memory_space<vmem_shared>>
      tpu.wait_indirect_dma semaphore(%arg14 : memref<!tpu.dma_semaphore, #tpu.memory_space<semaphore_mem>>) src(%arg9 : memref<128x128xf32, #tpu.memory_space<vmem>>) dst(%dma_wait3A_289 : memref<10240x128xf32, #tpu.memory_space<vmem_shared>>)
      %add3A_290 = arith.constant 1 : i32
      %add3A_291 = arith.addi %add3A_264, %add3A_290 : i32
      %mul3A_292 = arith.constant 128 : i32
      %mul3A_293 = arith.muli %add3A_291, %mul3A_292 : i32
      %multiple_of3A_294 = tpu.assume_multiple %mul3A_293, 8 : i32
      %dma_start3A_295 = tpu.memref_slice %arg7[%multiple_of3A_294] : memref<5120xi32, #tpu.memory_space<vmem>> -> memref<128xi32, #tpu.memory_space<vmem>>
      %dma_start3A_296 = arith.constant 0 : i32
      %dma_start3A_297 = arith.constant 0 : i32
      %dma_start3A_298 = tpu.memref_slice %arg2[%dma_start3A_296, %dma_start3A_297] : memref<10240x128xf32, #tpu.memory_space<hbm>> -> memref<10240x128xf32, #tpu.memory_space<hbm>>
      tpu.enqueue_indirect_dma source(%dma_start3A_298 : memref<10240x128xf32, #tpu.memory_space<hbm>>) target(%arg9 : memref<128x128xf32, #tpu.memory_space<vmem>>) offsets(%dma_start3A_295 : memref<128xi32, #tpu.memory_space<vmem>>) semaphore(%arg12 : memref<!tpu.dma_semaphore, #tpu.memory_space<semaphore_mem>>)
    }
    %scan3A_55 = arith.constant 18 : i32
    %multiple_of3A_56 = arith.constant 4864 : i32
    %multiple_of3A_57 = tpu.assume_multiple %multiple_of3A_56, 8 : i32
    %dma_wait3A_58 = tpu.memref_slice %arg7[%multiple_of3A_57] : memref<5120xi32, #tpu.memory_space<vmem>> -> memref<128xi32, #tpu.memory_space<vmem>>
    %dma_wait3A_59 = arith.constant 0 : i32
    %dma_wait3A_60 = arith.constant 0 : i32
    %dma_wait3A_61 = tpu.memref_slice %arg2[%dma_wait3A_59, %dma_wait3A_60] : memref<10240x128xf32, #tpu.memory_space<hbm>> -> memref<10240x128xf32, #tpu.memory_space<hbm>>
    tpu.wait_indirect_dma semaphore(%arg12 : memref<!tpu.dma_semaphore, #tpu.memory_space<semaphore_mem>>) src(%dma_wait3A_61 : memref<10240x128xf32, #tpu.memory_space<hbm>>) dst(%arg9 : memref<128x128xf32, #tpu.memory_space<vmem>>)
    %dma_start3A_62 = arith.constant 38 : i32
    %dma_start3A_63 = arith.constant 0 : i32
    %dma_start3A_64 = tpu.memref_slice %arg8[%dma_start3A_62, %dma_start3A_63] : memref<80x128xi32, #tpu.memory_space<vmem>> -> memref<1x128xi32, #tpu.memory_space<vmem>>
    %dma_start3A_65 = tpu.memref_squeeze %dma_start3A_64 : memref<1x128xi32, #tpu.memory_space<vmem>> -> memref<128xi32, #tpu.memory_space<vmem>>
    %dma_start3A_66 = arith.constant 0 : i32
    %dma_start3A_67 = arith.constant 0 : i32
    %dma_start3A_68 = tpu.memref_slice %arg11[%dma_start3A_66, %dma_start3A_67] : memref<10240x128xf32, #tpu.memory_space<vmem_shared>> -> memref<10240x128xf32, #tpu.memory_space<vmem_shared>>
    tpu.enqueue_indirect_dma source(%arg9 : memref<128x128xf32, #tpu.memory_space<vmem>>) target(%dma_start3A_68 : memref<10240x128xf32, #tpu.memory_space<vmem_shared>>) offsets(%dma_start3A_65 : memref<128xi32, #tpu.memory_space<vmem>>) semaphore(%arg14 : memref<!tpu.dma_semaphore, #tpu.memory_space<semaphore_mem>>) {add = true}
    %dma_wait3A_69 = arith.constant 37 : i32
    %dma_wait3A_70 = arith.constant 0 : i32
    %dma_wait3A_71 = tpu.memref_slice %arg8[%dma_wait3A_69, %dma_wait3A_70] : memref<80x128xi32, #tpu.memory_space<vmem>> -> memref<1x128xi32, #tpu.memory_space<vmem>>
    %dma_wait3A_72 = tpu.memref_squeeze %dma_wait3A_71 : memref<1x128xi32, #tpu.memory_space<vmem>> -> memref<128xi32, #tpu.memory_space<vmem>>
    %dma_wait3A_73 = arith.constant 0 : i32
    %dma_wait3A_74 = arith.constant 0 : i32
    %dma_wait3A_75 = tpu.memref_slice %arg11[%dma_wait3A_73, %dma_wait3A_74] : memref<10240x128xf32, #tpu.memory_space<vmem_shared>> -> memref<10240x128xf32, #tpu.memory_space<vmem_shared>>
    tpu.wait_indirect_dma semaphore(%arg15 : memref<!tpu.dma_semaphore, #tpu.memory_space<semaphore_mem>>) src(%arg10 : memref<128x128xf32, #tpu.memory_space<vmem>>) dst(%dma_wait3A_75 : memref<10240x128xf32, #tpu.memory_space<vmem_shared>>)
    %multiple_of3A_76 = arith.constant 4992 : i32
    %multiple_of3A_77 = tpu.assume_multiple %multiple_of3A_76, 8 : i32
    %dma_start3A_78 = tpu.memref_slice %arg7[%multiple_of3A_77] : memref<5120xi32, #tpu.memory_space<vmem>> -> memref<128xi32, #tpu.memory_space<vmem>>
    %dma_start3A_79 = arith.constant 0 : i32
    %dma_start3A_80 = arith.constant 0 : i32
    %dma_start3A_81 = tpu.memref_slice %arg2[%dma_start3A_79, %dma_start3A_80] : memref<10240x128xf32, #tpu.memory_space<hbm>> -> memref<10240x128xf32, #tpu.memory_space<hbm>>
    tpu.enqueue_indirect_dma source(%dma_start3A_81 : memref<10240x128xf32, #tpu.memory_space<hbm>>) target(%arg10 : memref<128x128xf32, #tpu.memory_space<vmem>>) offsets(%dma_start3A_78 : memref<128xi32, #tpu.memory_space<vmem>>) semaphore(%arg13 : memref<!tpu.dma_semaphore, #tpu.memory_space<semaphore_mem>>)
    %multiple_of3A_82 = arith.constant 4992 : i32
    %multiple_of3A_83 = tpu.assume_multiple %multiple_of3A_82, 8 : i32
    %dma_wait3A_84 = tpu.memref_slice %arg7[%multiple_of3A_83] : memref<5120xi32, #tpu.memory_space<vmem>> -> memref<128xi32, #tpu.memory_space<vmem>>
    %dma_wait3A_85 = arith.constant 0 : i32
    %dma_wait3A_86 = arith.constant 0 : i32
    %dma_wait3A_87 = tpu.memref_slice %arg2[%dma_wait3A_85, %dma_wait3A_86] : memref<10240x128xf32, #tpu.memory_space<hbm>> -> memref<10240x128xf32, #tpu.memory_space<hbm>>
    tpu.wait_indirect_dma semaphore(%arg13 : memref<!tpu.dma_semaphore, #tpu.memory_space<semaphore_mem>>) src(%dma_wait3A_87 : memref<10240x128xf32, #tpu.memory_space<hbm>>) dst(%arg10 : memref<128x128xf32, #tpu.memory_space<vmem>>)
    %dma_start3A_88 = arith.constant 39 : i32
    %dma_start3A_89 = arith.constant 0 : i32
    %dma_start3A_90 = tpu.memref_slice %arg8[%dma_start3A_88, %dma_start3A_89] : memref<80x128xi32, #tpu.memory_space<vmem>> -> memref<1x128xi32, #tpu.memory_space<vmem>>
    %dma_start3A_91 = tpu.memref_squeeze %dma_start3A_90 : memref<1x128xi32, #tpu.memory_space<vmem>> -> memref<128xi32, #tpu.memory_space<vmem>>
    %dma_start3A_92 = arith.constant 0 : i32
    %dma_start3A_93 = arith.constant 0 : i32
    %dma_start3A_94 = tpu.memref_slice %arg11[%dma_start3A_92, %dma_start3A_93] : memref<10240x128xf32, #tpu.memory_space<vmem_shared>> -> memref<10240x128xf32, #tpu.memory_space<vmem_shared>>
    tpu.enqueue_indirect_dma source(%arg10 : memref<128x128xf32, #tpu.memory_space<vmem>>) target(%dma_start3A_94 : memref<10240x128xf32, #tpu.memory_space<vmem_shared>>) offsets(%dma_start3A_91 : memref<128xi32, #tpu.memory_space<vmem>>) semaphore(%arg15 : memref<!tpu.dma_semaphore, #tpu.memory_space<semaphore_mem>>) {add = true}
    %dma_wait3A_95 = arith.constant 38 : i32
    %dma_wait3A_96 = arith.constant 0 : i32
    %dma_wait3A_97 = tpu.memref_slice %arg8[%dma_wait3A_95, %dma_wait3A_96] : memref<80x128xi32, #tpu.memory_space<vmem>> -> memref<1x128xi32, #tpu.memory_space<vmem>>
    %dma_wait3A_98 = tpu.memref_squeeze %dma_wait3A_97 : memref<1x128xi32, #tpu.memory_space<vmem>> -> memref<128xi32, #tpu.memory_space<vmem>>
    %dma_wait3A_99 = arith.constant 0 : i32
    %dma_wait3A_100 = arith.constant 0 : i32
    %dma_wait3A_101 = tpu.memref_slice %arg11[%dma_wait3A_99, %dma_wait3A_100] : memref<10240x128xf32, #tpu.memory_space<vmem_shared>> -> memref<10240x128xf32, #tpu.memory_space<vmem_shared>>
    tpu.wait_indirect_dma semaphore(%arg14 : memref<!tpu.dma_semaphore, #tpu.memory_space<semaphore_mem>>) src(%arg9 : memref<128x128xf32, #tpu.memory_space<vmem>>) dst(%dma_wait3A_101 : memref<10240x128xf32, #tpu.memory_space<vmem_shared>>)
    %dma_wait3A_102 = arith.constant 39 : i32
    %dma_wait3A_103 = arith.constant 0 : i32
    %dma_wait3A_104 = tpu.memref_slice %arg8[%dma_wait3A_102, %dma_wait3A_103] : memref<80x128xi32, #tpu.memory_space<vmem>> -> memref<1x128xi32, #tpu.memory_space<vmem>>
    %dma_wait3A_105 = tpu.memref_squeeze %dma_wait3A_104 : memref<1x128xi32, #tpu.memory_space<vmem>> -> memref<128xi32, #tpu.memory_space<vmem>>
    %dma_wait3A_106 = arith.constant 0 : i32
    %dma_wait3A_107 = arith.constant 0 : i32
    %dma_wait3A_108 = tpu.memref_slice %arg11[%dma_wait3A_106, %dma_wait3A_107] : memref<10240x128xf32, #tpu.memory_space<vmem_shared>> -> memref<10240x128xf32, #tpu.memory_space<vmem_shared>>
    tpu.wait_indirect_dma semaphore(%arg15 : memref<!tpu.dma_semaphore, #tpu.memory_space<semaphore_mem>>) src(%arg10 : memref<128x128xf32, #tpu.memory_space<vmem>>) dst(%dma_wait3A_108 : memref<10240x128xf32, #tpu.memory_space<vmem_shared>>)
    "tpu.region"() ({
      %run_scoped3A = tpu.sem_alloc : memref<!tpu.dma_semaphore, #tpu.memory_space<semaphore_mem>>
      %dma_start3A_223 = arith.constant 5120 : i32
      %dma_start3A_224 = tpu.memref_slice %arg3[%add3A, %dma_start3A_223] : memref<32x10240xi32, #tpu.memory_space<hbm>> -> memref<1x5120xi32, #tpu.memory_space<hbm>>
      %dma_start3A_225 = tpu.memref_squeeze %dma_start3A_224 : memref<1x5120xi32, #tpu.memory_space<hbm>> -> memref<5120xi32, #tpu.memory_space<hbm>>
      %dma_start3A_226 = arith.constant 5120 : i32
      %dma_start3A_227 = tpu.memref_slice %arg3[%add3A, %dma_start3A_226] : memref<32x10240xi32, #tpu.memory_space<hbm>> -> memref<1x5120xi32, #tpu.memory_space<hbm>>
      %dma_start3A_228 = tpu.memref_squeeze %dma_start3A_227 : memref<1x5120xi32, #tpu.memory_space<hbm>> -> memref<5120xi32, #tpu.memory_space<hbm>>
      tpu.enqueue_dma source(%dma_start3A_228 : memref<5120xi32, #tpu.memory_space<hbm>>) target(%arg7 : memref<5120xi32, #tpu.memory_space<vmem>>) target_semaphore(%run_scoped3A : memref<!tpu.dma_semaphore, #tpu.memory_space<semaphore_mem>>)
      %dma_wait3A_229 = arith.constant 5120 : i32
      %dma_wait3A_230 = tpu.memref_slice %arg3[%add3A, %dma_wait3A_229] : memref<32x10240xi32, #tpu.memory_space<hbm>> -> memref<1x5120xi32, #tpu.memory_space<hbm>>
      %dma_wait3A_231 = tpu.memref_squeeze %dma_wait3A_230 : memref<1x5120xi32, #tpu.memory_space<hbm>> -> memref<5120xi32, #tpu.memory_space<hbm>>
      %dma_wait3A_232 = arith.constant 5120 : i32
      %dma_wait3A_233 = tpu.memref_slice %arg3[%add3A, %dma_wait3A_232] : memref<32x10240xi32, #tpu.memory_space<hbm>> -> memref<1x5120xi32, #tpu.memory_space<hbm>>
      %dma_wait3A_234 = tpu.memref_squeeze %dma_wait3A_233 : memref<1x5120xi32, #tpu.memory_space<hbm>> -> memref<5120xi32, #tpu.memory_space<hbm>>
      tpu.wait_dma2 semaphore(%run_scoped3A : memref<!tpu.dma_semaphore, #tpu.memory_space<semaphore_mem>>) src(%dma_wait3A_234 : memref<5120xi32, #tpu.memory_space<hbm>>) dst(%arg7 : memref<5120xi32, #tpu.memory_space<vmem>>)
      tpu.yield
    }) : () -> ()
    %multiple_of3A_109 = arith.constant 0 : i32
    %multiple_of3A_110 = tpu.assume_multiple %multiple_of3A_109, 8 : i32
    %dma_start3A_111 = tpu.memref_slice %arg7[%multiple_of3A_110] : memref<5120xi32, #tpu.memory_space<vmem>> -> memref<128xi32, #tpu.memory_space<vmem>>
    %dma_start3A_112 = arith.constant 0 : i32
    %dma_start3A_113 = arith.constant 0 : i32
    %dma_start3A_114 = tpu.memref_slice %arg2[%dma_start3A_112, %dma_start3A_113] : memref<10240x128xf32, #tpu.memory_space<hbm>> -> memref<10240x128xf32, #tpu.memory_space<hbm>>
    tpu.enqueue_indirect_dma source(%dma_start3A_114 : memref<10240x128xf32, #tpu.memory_space<hbm>>) target(%arg9 : memref<128x128xf32, #tpu.memory_space<vmem>>) offsets(%dma_start3A_111 : memref<128xi32, #tpu.memory_space<vmem>>) semaphore(%arg12 : memref<!tpu.dma_semaphore, #tpu.memory_space<semaphore_mem>>)
    %multiple_of3A_115 = arith.constant 0 : i32
    %multiple_of3A_116 = tpu.assume_multiple %multiple_of3A_115, 8 : i32
    %dma_wait3A_117 = tpu.memref_slice %arg7[%multiple_of3A_116] : memref<5120xi32, #tpu.memory_space<vmem>> -> memref<128xi32, #tpu.memory_space<vmem>>
    %dma_wait3A_118 = arith.constant 0 : i32
    %dma_wait3A_119 = arith.constant 0 : i32
    %dma_wait3A_120 = tpu.memref_slice %arg2[%dma_wait3A_118, %dma_wait3A_119] : memref<10240x128xf32, #tpu.memory_space<hbm>> -> memref<10240x128xf32, #tpu.memory_space<hbm>>
    tpu.wait_indirect_dma semaphore(%arg12 : memref<!tpu.dma_semaphore, #tpu.memory_space<semaphore_mem>>) src(%dma_wait3A_120 : memref<10240x128xf32, #tpu.memory_space<hbm>>) dst(%arg9 : memref<128x128xf32, #tpu.memory_space<vmem>>)
    %dma_start3A_121 = arith.constant 40 : i32
    %dma_start3A_122 = arith.constant 0 : i32
    %dma_start3A_123 = tpu.memref_slice %arg8[%dma_start3A_121, %dma_start3A_122] : memref<80x128xi32, #tpu.memory_space<vmem>> -> memref<1x128xi32, #tpu.memory_space<vmem>>
    %dma_start3A_124 = tpu.memref_squeeze %dma_start3A_123 : memref<1x128xi32, #tpu.memory_space<vmem>> -> memref<128xi32, #tpu.memory_space<vmem>>
    %dma_start3A_125 = arith.constant 0 : i32
    %dma_start3A_126 = arith.constant 0 : i32
    %dma_start3A_127 = tpu.memref_slice %arg11[%dma_start3A_125, %dma_start3A_126] : memref<10240x128xf32, #tpu.memory_space<vmem_shared>> -> memref<10240x128xf32, #tpu.memory_space<vmem_shared>>
    tpu.enqueue_indirect_dma source(%arg9 : memref<128x128xf32, #tpu.memory_space<vmem>>) target(%dma_start3A_127 : memref<10240x128xf32, #tpu.memory_space<vmem_shared>>) offsets(%dma_start3A_124 : memref<128xi32, #tpu.memory_space<vmem>>) semaphore(%arg14 : memref<!tpu.dma_semaphore, #tpu.memory_space<semaphore_mem>>) {add = true}
    %multiple_of3A_128 = arith.constant 128 : i32
    %multiple_of3A_129 = tpu.assume_multiple %multiple_of3A_128, 8 : i32
    %dma_start3A_130 = tpu.memref_slice %arg7[%multiple_of3A_129] : memref<5120xi32, #tpu.memory_space<vmem>> -> memref<128xi32, #tpu.memory_space<vmem>>
    %dma_start3A_131 = arith.constant 0 : i32
    %dma_start3A_132 = arith.constant 0 : i32
    %dma_start3A_133 = tpu.memref_slice %arg2[%dma_start3A_131, %dma_start3A_132] : memref<10240x128xf32, #tpu.memory_space<hbm>> -> memref<10240x128xf32, #tpu.memory_space<hbm>>
    tpu.enqueue_indirect_dma source(%dma_start3A_133 : memref<10240x128xf32, #tpu.memory_space<hbm>>) target(%arg10 : memref<128x128xf32, #tpu.memory_space<vmem>>) offsets(%dma_start3A_130 : memref<128xi32, #tpu.memory_space<vmem>>) semaphore(%arg13 : memref<!tpu.dma_semaphore, #tpu.memory_space<semaphore_mem>>)
    %multiple_of3A_134 = arith.constant 128 : i32
    %multiple_of3A_135 = tpu.assume_multiple %multiple_of3A_134, 8 : i32
    %dma_wait3A_136 = tpu.memref_slice %arg7[%multiple_of3A_135] : memref<5120xi32, #tpu.memory_space<vmem>> -> memref<128xi32, #tpu.memory_space<vmem>>
    %dma_wait3A_137 = arith.constant 0 : i32
    %dma_wait3A_138 = arith.constant 0 : i32
    %dma_wait3A_139 = tpu.memref_slice %arg2[%dma_wait3A_137, %dma_wait3A_138] : memref<10240x128xf32, #tpu.memory_space<hbm>> -> memref<10240x128xf32, #tpu.memory_space<hbm>>
    tpu.wait_indirect_dma semaphore(%arg13 : memref<!tpu.dma_semaphore, #tpu.memory_space<semaphore_mem>>) src(%dma_wait3A_139 : memref<10240x128xf32, #tpu.memory_space<hbm>>) dst(%arg10 : memref<128x128xf32, #tpu.memory_space<vmem>>)
    %dma_start3A_140 = arith.constant 41 : i32
    %dma_start3A_141 = arith.constant 0 : i32
    %dma_start3A_142 = tpu.memref_slice %arg8[%dma_start3A_140, %dma_start3A_141] : memref<80x128xi32, #tpu.memory_space<vmem>> -> memref<1x128xi32, #tpu.memory_space<vmem>>
    %dma_start3A_143 = tpu.memref_squeeze %dma_start3A_142 : memref<1x128xi32, #tpu.memory_space<vmem>> -> memref<128xi32, #tpu.memory_space<vmem>>
    %dma_start3A_144 = arith.constant 0 : i32
    %dma_start3A_145 = arith.constant 0 : i32
    %dma_start3A_146 = tpu.memref_slice %arg11[%dma_start3A_144, %dma_start3A_145] : memref<10240x128xf32, #tpu.memory_space<vmem_shared>> -> memref<10240x128xf32, #tpu.memory_space<vmem_shared>>
    tpu.enqueue_indirect_dma source(%arg10 : memref<128x128xf32, #tpu.memory_space<vmem>>) target(%dma_start3A_146 : memref<10240x128xf32, #tpu.memory_space<vmem_shared>>) offsets(%dma_start3A_143 : memref<128xi32, #tpu.memory_space<vmem>>) semaphore(%arg15 : memref<!tpu.dma_semaphore, #tpu.memory_space<semaphore_mem>>) {add = true}
    %dma_wait3A_147 = arith.constant 40 : i32
    %dma_wait3A_148 = arith.constant 0 : i32
    %dma_wait3A_149 = tpu.memref_slice %arg8[%dma_wait3A_147, %dma_wait3A_148] : memref<80x128xi32, #tpu.memory_space<vmem>> -> memref<1x128xi32, #tpu.memory_space<vmem>>
    %dma_wait3A_150 = tpu.memref_squeeze %dma_wait3A_149 : memref<1x128xi32, #tpu.memory_space<vmem>> -> memref<128xi32, #tpu.memory_space<vmem>>
    %dma_wait3A_151 = arith.constant 0 : i32
    %dma_wait3A_152 = arith.constant 0 : i32
    %dma_wait3A_153 = tpu.memref_slice %arg11[%dma_wait3A_151, %dma_wait3A_152] : memref<10240x128xf32, #tpu.memory_space<vmem_shared>> -> memref<10240x128xf32, #tpu.memory_space<vmem_shared>>
    tpu.wait_indirect_dma semaphore(%arg14 : memref<!tpu.dma_semaphore, #tpu.memory_space<semaphore_mem>>) src(%arg9 : memref<128x128xf32, #tpu.memory_space<vmem>>) dst(%dma_wait3A_153 : memref<10240x128xf32, #tpu.memory_space<vmem_shared>>)
    %multiple_of3A_154 = arith.constant 256 : i32
    %multiple_of3A_155 = tpu.assume_multiple %multiple_of3A_154, 8 : i32
    %dma_start3A_156 = tpu.memref_slice %arg7[%multiple_of3A_155] : memref<5120xi32, #tpu.memory_space<vmem>> -> memref<128xi32, #tpu.memory_space<vmem>>
    %dma_start3A_157 = arith.constant 0 : i32
    %dma_start3A_158 = arith.constant 0 : i32
    %dma_start3A_159 = tpu.memref_slice %arg2[%dma_start3A_157, %dma_start3A_158] : memref<10240x128xf32, #tpu.memory_space<hbm>> -> memref<10240x128xf32, #tpu.memory_space<hbm>>
    tpu.enqueue_indirect_dma source(%dma_start3A_159 : memref<10240x128xf32, #tpu.memory_space<hbm>>) target(%arg9 : memref<128x128xf32, #tpu.memory_space<vmem>>) offsets(%dma_start3A_156 : memref<128xi32, #tpu.memory_space<vmem>>) semaphore(%arg12 : memref<!tpu.dma_semaphore, #tpu.memory_space<semaphore_mem>>)
    %scan3A_160 = arith.constant 0 : i32
    %scan3A_161 = arith.constant 1 : i32
    %scan3A_162 = arith.constant 18 : i32
    %scan3A_163 = arith.addi %scan3A_161, %scan3A_162 : i32
    %scan3A_164 = arith.constant 1 : i32
    scf.for %scan3A_223 = %scan3A_161 to %scan3A_163 step %scan3A_164  : i32 {
      %mul3A_224 = arith.constant 2 : i32
      %mul3A_225 = arith.muli %mul3A_224, %scan3A_223 : i32
      %add3A_226 = arith.constant 0 : i32
      %add3A_227 = arith.addi %mul3A_225, %add3A_226 : i32
      %mul3A_228 = arith.constant 128 : i32
      %mul3A_229 = arith.muli %add3A_227, %mul3A_228 : i32
      %multiple_of3A_230 = tpu.assume_multiple %mul3A_229, 8 : i32
      %dma_wait3A_231 = tpu.memref_slice %arg7[%multiple_of3A_230] : memref<5120xi32, #tpu.memory_space<vmem>> -> memref<128xi32, #tpu.memory_space<vmem>>
      %dma_wait3A_232 = arith.constant 0 : i32
      %dma_wait3A_233 = arith.constant 0 : i32
      %dma_wait3A_234 = tpu.memref_slice %arg2[%dma_wait3A_232, %dma_wait3A_233] : memref<10240x128xf32, #tpu.memory_space<hbm>> -> memref<10240x128xf32, #tpu.memory_space<hbm>>
      tpu.wait_indirect_dma semaphore(%arg12 : memref<!tpu.dma_semaphore, #tpu.memory_space<semaphore_mem>>) src(%dma_wait3A_234 : memref<10240x128xf32, #tpu.memory_space<hbm>>) dst(%arg9 : memref<128x128xf32, #tpu.memory_space<vmem>>)
      %add3A_235 = arith.constant 40 : i32
      %add3A_236 = arith.addi %add3A_235, %add3A_227 : i32
      %dma_start3A_237 = arith.constant 0 : i32
      %dma_start3A_238 = tpu.memref_slice %arg8[%add3A_236, %dma_start3A_237] : memref<80x128xi32, #tpu.memory_space<vmem>> -> memref<1x128xi32, #tpu.memory_space<vmem>>
      %dma_start3A_239 = tpu.memref_squeeze %dma_start3A_238 : memref<1x128xi32, #tpu.memory_space<vmem>> -> memref<128xi32, #tpu.memory_space<vmem>>
      %dma_start3A_240 = arith.constant 0 : i32
      %dma_start3A_241 = arith.constant 0 : i32
      %dma_start3A_242 = tpu.memref_slice %arg11[%dma_start3A_240, %dma_start3A_241] : memref<10240x128xf32, #tpu.memory_space<vmem_shared>> -> memref<10240x128xf32, #tpu.memory_space<vmem_shared>>
      tpu.enqueue_indirect_dma source(%arg9 : memref<128x128xf32, #tpu.memory_space<vmem>>) target(%dma_start3A_242 : memref<10240x128xf32, #tpu.memory_space<vmem_shared>>) offsets(%dma_start3A_239 : memref<128xi32, #tpu.memory_space<vmem>>) semaphore(%arg14 : memref<!tpu.dma_semaphore, #tpu.memory_space<semaphore_mem>>) {add = true}
      %add3A_243 = arith.constant 40 : i32
      %add3A_244 = arith.addi %add3A_243, %add3A_227 : i32
      %sub3A = arith.constant 1 : i32
      %sub3A_245 = arith.subi %add3A_244, %sub3A : i32
      %dma_wait3A_246 = arith.constant 0 : i32
      %dma_wait3A_247 = tpu.memref_slice %arg8[%sub3A_245, %dma_wait3A_246] : memref<80x128xi32, #tpu.memory_space<vmem>> -> memref<1x128xi32, #tpu.memory_space<vmem>>
      %dma_wait3A_248 = tpu.memref_squeeze %dma_wait3A_247 : memref<1x128xi32, #tpu.memory_space<vmem>> -> memref<128xi32, #tpu.memory_space<vmem>>
      %dma_wait3A_249 = arith.constant 0 : i32
      %dma_wait3A_250 = arith.constant 0 : i32
      %dma_wait3A_251 = tpu.memref_slice %arg11[%dma_wait3A_249, %dma_wait3A_250] : memref<10240x128xf32, #tpu.memory_space<vmem_shared>> -> memref<10240x128xf32, #tpu.memory_space<vmem_shared>>
      tpu.wait_indirect_dma semaphore(%arg15 : memref<!tpu.dma_semaphore, #tpu.memory_space<semaphore_mem>>) src(%arg10 : memref<128x128xf32, #tpu.memory_space<vmem>>) dst(%dma_wait3A_251 : memref<10240x128xf32, #tpu.memory_space<vmem_shared>>)
      %add3A_252 = arith.constant 1 : i32
      %add3A_253 = arith.addi %add3A_227, %add3A_252 : i32
      %mul3A_254 = arith.constant 128 : i32
      %mul3A_255 = arith.muli %add3A_253, %mul3A_254 : i32
      %multiple_of3A_256 = tpu.assume_multiple %mul3A_255, 8 : i32
      %dma_start3A_257 = tpu.memref_slice %arg7[%multiple_of3A_256] : memref<5120xi32, #tpu.memory_space<vmem>> -> memref<128xi32, #tpu.memory_space<vmem>>
      %dma_start3A_258 = arith.constant 0 : i32
      %dma_start3A_259 = arith.constant 0 : i32
      %dma_start3A_260 = tpu.memref_slice %arg2[%dma_start3A_258, %dma_start3A_259] : memref<10240x128xf32, #tpu.memory_space<hbm>> -> memref<10240x128xf32, #tpu.memory_space<hbm>>
      tpu.enqueue_indirect_dma source(%dma_start3A_260 : memref<10240x128xf32, #tpu.memory_space<hbm>>) target(%arg10 : memref<128x128xf32, #tpu.memory_space<vmem>>) offsets(%dma_start3A_257 : memref<128xi32, #tpu.memory_space<vmem>>) semaphore(%arg13 : memref<!tpu.dma_semaphore, #tpu.memory_space<semaphore_mem>>)
      %mul3A_261 = arith.constant 2 : i32
      %mul3A_262 = arith.muli %mul3A_261, %scan3A_223 : i32
      %add3A_263 = arith.constant 1 : i32
      %add3A_264 = arith.addi %mul3A_262, %add3A_263 : i32
      %mul3A_265 = arith.constant 128 : i32
      %mul3A_266 = arith.muli %add3A_264, %mul3A_265 : i32
      %multiple_of3A_267 = tpu.assume_multiple %mul3A_266, 8 : i32
      %dma_wait3A_268 = tpu.memref_slice %arg7[%multiple_of3A_267] : memref<5120xi32, #tpu.memory_space<vmem>> -> memref<128xi32, #tpu.memory_space<vmem>>
      %dma_wait3A_269 = arith.constant 0 : i32
      %dma_wait3A_270 = arith.constant 0 : i32
      %dma_wait3A_271 = tpu.memref_slice %arg2[%dma_wait3A_269, %dma_wait3A_270] : memref<10240x128xf32, #tpu.memory_space<hbm>> -> memref<10240x128xf32, #tpu.memory_space<hbm>>
      tpu.wait_indirect_dma semaphore(%arg13 : memref<!tpu.dma_semaphore, #tpu.memory_space<semaphore_mem>>) src(%dma_wait3A_271 : memref<10240x128xf32, #tpu.memory_space<hbm>>) dst(%arg10 : memref<128x128xf32, #tpu.memory_space<vmem>>)
      %add3A_272 = arith.constant 40 : i32
      %add3A_273 = arith.addi %add3A_272, %add3A_264 : i32
      %dma_start3A_274 = arith.constant 0 : i32
      %dma_start3A_275 = tpu.memref_slice %arg8[%add3A_273, %dma_start3A_274] : memref<80x128xi32, #tpu.memory_space<vmem>> -> memref<1x128xi32, #tpu.memory_space<vmem>>
      %dma_start3A_276 = tpu.memref_squeeze %dma_start3A_275 : memref<1x128xi32, #tpu.memory_space<vmem>> -> memref<128xi32, #tpu.memory_space<vmem>>
      %dma_start3A_277 = arith.constant 0 : i32
      %dma_start3A_278 = arith.constant 0 : i32
      %dma_start3A_279 = tpu.memref_slice %arg11[%dma_start3A_277, %dma_start3A_278] : memref<10240x128xf32, #tpu.memory_space<vmem_shared>> -> memref<10240x128xf32, #tpu.memory_space<vmem_shared>>
      tpu.enqueue_indirect_dma source(%arg10 : memref<128x128xf32, #tpu.memory_space<vmem>>) target(%dma_start3A_279 : memref<10240x128xf32, #tpu.memory_space<vmem_shared>>) offsets(%dma_start3A_276 : memref<128xi32, #tpu.memory_space<vmem>>) semaphore(%arg15 : memref<!tpu.dma_semaphore, #tpu.memory_space<semaphore_mem>>) {add = true}
      %add3A_280 = arith.constant 40 : i32
      %add3A_281 = arith.addi %add3A_280, %add3A_264 : i32
      %sub3A_282 = arith.constant 1 : i32
      %sub3A_283 = arith.subi %add3A_281, %sub3A_282 : i32
      %dma_wait3A_284 = arith.constant 0 : i32
      %dma_wait3A_285 = tpu.memref_slice %arg8[%sub3A_283, %dma_wait3A_284] : memref<80x128xi32, #tpu.memory_space<vmem>> -> memref<1x128xi32, #tpu.memory_space<vmem>>
      %dma_wait3A_286 = tpu.memref_squeeze %dma_wait3A_285 : memref<1x128xi32, #tpu.memory_space<vmem>> -> memref<128xi32, #tpu.memory_space<vmem>>
      %dma_wait3A_287 = arith.constant 0 : i32
      %dma_wait3A_288 = arith.constant 0 : i32
      %dma_wait3A_289 = tpu.memref_slice %arg11[%dma_wait3A_287, %dma_wait3A_288] : memref<10240x128xf32, #tpu.memory_space<vmem_shared>> -> memref<10240x128xf32, #tpu.memory_space<vmem_shared>>
      tpu.wait_indirect_dma semaphore(%arg14 : memref<!tpu.dma_semaphore, #tpu.memory_space<semaphore_mem>>) src(%arg9 : memref<128x128xf32, #tpu.memory_space<vmem>>) dst(%dma_wait3A_289 : memref<10240x128xf32, #tpu.memory_space<vmem_shared>>)
      %add3A_290 = arith.constant 1 : i32
      %add3A_291 = arith.addi %add3A_264, %add3A_290 : i32
      %mul3A_292 = arith.constant 128 : i32
      %mul3A_293 = arith.muli %add3A_291, %mul3A_292 : i32
      %multiple_of3A_294 = tpu.assume_multiple %mul3A_293, 8 : i32
      %dma_start3A_295 = tpu.memref_slice %arg7[%multiple_of3A_294] : memref<5120xi32, #tpu.memory_space<vmem>> -> memref<128xi32, #tpu.memory_space<vmem>>
      %dma_start3A_296 = arith.constant 0 : i32
      %dma_start3A_297 = arith.constant 0 : i32
      %dma_start3A_298 = tpu.memref_slice %arg2[%dma_start3A_296, %dma_start3A_297] : memref<10240x128xf32, #tpu.memory_space<hbm>> -> memref<10240x128xf32, #tpu.memory_space<hbm>>
      tpu.enqueue_indirect_dma source(%dma_start3A_298 : memref<10240x128xf32, #tpu.memory_space<hbm>>) target(%arg9 : memref<128x128xf32, #tpu.memory_space<vmem>>) offsets(%dma_start3A_295 : memref<128xi32, #tpu.memory_space<vmem>>) semaphore(%arg12 : memref<!tpu.dma_semaphore, #tpu.memory_space<semaphore_mem>>)
    }
    %scan3A_165 = arith.constant 18 : i32
    %multiple_of3A_166 = arith.constant 4864 : i32
    %multiple_of3A_167 = tpu.assume_multiple %multiple_of3A_166, 8 : i32
    %dma_wait3A_168 = tpu.memref_slice %arg7[%multiple_of3A_167] : memref<5120xi32, #tpu.memory_space<vmem>> -> memref<128xi32, #tpu.memory_space<vmem>>
    %dma_wait3A_169 = arith.constant 0 : i32
    %dma_wait3A_170 = arith.constant 0 : i32
    %dma_wait3A_171 = tpu.memref_slice %arg2[%dma_wait3A_169, %dma_wait3A_170] : memref<10240x128xf32, #tpu.memory_space<hbm>> -> memref<10240x128xf32, #tpu.memory_space<hbm>>
    tpu.wait_indirect_dma semaphore(%arg12 : memref<!tpu.dma_semaphore, #tpu.memory_space<semaphore_mem>>) src(%dma_wait3A_171 : memref<10240x128xf32, #tpu.memory_space<hbm>>) dst(%arg9 : memref<128x128xf32, #tpu.memory_space<vmem>>)
    %dma_start3A_172 = arith.constant 78 : i32
    %dma_start3A_173 = arith.constant 0 : i32
    %dma_start3A_174 = tpu.memref_slice %arg8[%dma_start3A_172, %dma_start3A_173] : memref<80x128xi32, #tpu.memory_space<vmem>> -> memref<1x128xi32, #tpu.memory_space<vmem>>
    %dma_start3A_175 = tpu.memref_squeeze %dma_start3A_174 : memref<1x128xi32, #tpu.memory_space<vmem>> -> memref<128xi32, #tpu.memory_space<vmem>>
    %dma_start3A_176 = arith.constant 0 : i32
    %dma_start3A_177 = arith.constant 0 : i32
    %dma_start3A_178 = tpu.memref_slice %arg11[%dma_start3A_176, %dma_start3A_177] : memref<10240x128xf32, #tpu.memory_space<vmem_shared>> -> memref<10240x128xf32, #tpu.memory_space<vmem_shared>>
    tpu.enqueue_indirect_dma source(%arg9 : memref<128x128xf32, #tpu.memory_space<vmem>>) target(%dma_start3A_178 : memref<10240x128xf32, #tpu.memory_space<vmem_shared>>) offsets(%dma_start3A_175 : memref<128xi32, #tpu.memory_space<vmem>>) semaphore(%arg14 : memref<!tpu.dma_semaphore, #tpu.memory_space<semaphore_mem>>) {add = true}
    %dma_wait3A_179 = arith.constant 77 : i32
    %dma_wait3A_180 = arith.constant 0 : i32
    %dma_wait3A_181 = tpu.memref_slice %arg8[%dma_wait3A_179, %dma_wait3A_180] : memref<80x128xi32, #tpu.memory_space<vmem>> -> memref<1x128xi32, #tpu.memory_space<vmem>>
    %dma_wait3A_182 = tpu.memref_squeeze %dma_wait3A_181 : memref<1x128xi32, #tpu.memory_space<vmem>> -> memref<128xi32, #tpu.memory_space<vmem>>
    %dma_wait3A_183 = arith.constant 0 : i32
    %dma_wait3A_184 = arith.constant 0 : i32
    %dma_wait3A_185 = tpu.memref_slice %arg11[%dma_wait3A_183, %dma_wait3A_184] : memref<10240x128xf32, #tpu.memory_space<vmem_shared>> -> memref<10240x128xf32, #tpu.memory_space<vmem_shared>>
    tpu.wait_indirect_dma semaphore(%arg15 : memref<!tpu.dma_semaphore, #tpu.memory_space<semaphore_mem>>) src(%arg10 : memref<128x128xf32, #tpu.memory_space<vmem>>) dst(%dma_wait3A_185 : memref<10240x128xf32, #tpu.memory_space<vmem_shared>>)
    %multiple_of3A_186 = arith.constant 4992 : i32
    %multiple_of3A_187 = tpu.assume_multiple %multiple_of3A_186, 8 : i32
    %dma_start3A_188 = tpu.memref_slice %arg7[%multiple_of3A_187] : memref<5120xi32, #tpu.memory_space<vmem>> -> memref<128xi32, #tpu.memory_space<vmem>>
    %dma_start3A_189 = arith.constant 0 : i32
    %dma_start3A_190 = arith.constant 0 : i32
    %dma_start3A_191 = tpu.memref_slice %arg2[%dma_start3A_189, %dma_start3A_190] : memref<10240x128xf32, #tpu.memory_space<hbm>> -> memref<10240x128xf32, #tpu.memory_space<hbm>>
    tpu.enqueue_indirect_dma source(%dma_start3A_191 : memref<10240x128xf32, #tpu.memory_space<hbm>>) target(%arg10 : memref<128x128xf32, #tpu.memory_space<vmem>>) offsets(%dma_start3A_188 : memref<128xi32, #tpu.memory_space<vmem>>) semaphore(%arg13 : memref<!tpu.dma_semaphore, #tpu.memory_space<semaphore_mem>>)
    %multiple_of3A_192 = arith.constant 4992 : i32
    %multiple_of3A_193 = tpu.assume_multiple %multiple_of3A_192, 8 : i32
    %dma_wait3A_194 = tpu.memref_slice %arg7[%multiple_of3A_193] : memref<5120xi32, #tpu.memory_space<vmem>> -> memref<128xi32, #tpu.memory_space<vmem>>
    %dma_wait3A_195 = arith.constant 0 : i32
    %dma_wait3A_196 = arith.constant 0 : i32
    %dma_wait3A_197 = tpu.memref_slice %arg2[%dma_wait3A_195, %dma_wait3A_196] : memref<10240x128xf32, #tpu.memory_space<hbm>> -> memref<10240x128xf32, #tpu.memory_space<hbm>>
    tpu.wait_indirect_dma semaphore(%arg13 : memref<!tpu.dma_semaphore, #tpu.memory_space<semaphore_mem>>) src(%dma_wait3A_197 : memref<10240x128xf32, #tpu.memory_space<hbm>>) dst(%arg10 : memref<128x128xf32, #tpu.memory_space<vmem>>)
    %dma_start3A_198 = arith.constant 79 : i32
    %dma_start3A_199 = arith.constant 0 : i32
    %dma_start3A_200 = tpu.memref_slice %arg8[%dma_start3A_198, %dma_start3A_199] : memref<80x128xi32, #tpu.memory_space<vmem>> -> memref<1x128xi32, #tpu.memory_space<vmem>>
    %dma_start3A_201 = tpu.memref_squeeze %dma_start3A_200 : memref<1x128xi32, #tpu.memory_space<vmem>> -> memref<128xi32, #tpu.memory_space<vmem>>
    %dma_start3A_202 = arith.constant 0 : i32
    %dma_start3A_203 = arith.constant 0 : i32
    %dma_start3A_204 = tpu.memref_slice %arg11[%dma_start3A_202, %dma_start3A_203] : memref<10240x128xf32, #tpu.memory_space<vmem_shared>> -> memref<10240x128xf32, #tpu.memory_space<vmem_shared>>
    tpu.enqueue_indirect_dma source(%arg10 : memref<128x128xf32, #tpu.memory_space<vmem>>) target(%dma_start3A_204 : memref<10240x128xf32, #tpu.memory_space<vmem_shared>>) offsets(%dma_start3A_201 : memref<128xi32, #tpu.memory_space<vmem>>) semaphore(%arg15 : memref<!tpu.dma_semaphore, #tpu.memory_space<semaphore_mem>>) {add = true}
    %dma_wait3A_205 = arith.constant 78 : i32
    %dma_wait3A_206 = arith.constant 0 : i32
    %dma_wait3A_207 = tpu.memref_slice %arg8[%dma_wait3A_205, %dma_wait3A_206] : memref<80x128xi32, #tpu.memory_space<vmem>> -> memref<1x128xi32, #tpu.memory_space<vmem>>
    %dma_wait3A_208 = tpu.memref_squeeze %dma_wait3A_207 : memref<1x128xi32, #tpu.memory_space<vmem>> -> memref<128xi32, #tpu.memory_space<vmem>>
    %dma_wait3A_209 = arith.constant 0 : i32
    %dma_wait3A_210 = arith.constant 0 : i32
    %dma_wait3A_211 = tpu.memref_slice %arg11[%dma_wait3A_209, %dma_wait3A_210] : memref<10240x128xf32, #tpu.memory_space<vmem_shared>> -> memref<10240x128xf32, #tpu.memory_space<vmem_shared>>
    tpu.wait_indirect_dma semaphore(%arg14 : memref<!tpu.dma_semaphore, #tpu.memory_space<semaphore_mem>>) src(%arg9 : memref<128x128xf32, #tpu.memory_space<vmem>>) dst(%dma_wait3A_211 : memref<10240x128xf32, #tpu.memory_space<vmem_shared>>)
    %dma_wait3A_212 = arith.constant 79 : i32
    %dma_wait3A_213 = arith.constant 0 : i32
    %dma_wait3A_214 = tpu.memref_slice %arg8[%dma_wait3A_212, %dma_wait3A_213] : memref<80x128xi32, #tpu.memory_space<vmem>> -> memref<1x128xi32, #tpu.memory_space<vmem>>
    %dma_wait3A_215 = tpu.memref_squeeze %dma_wait3A_214 : memref<1x128xi32, #tpu.memory_space<vmem>> -> memref<128xi32, #tpu.memory_space<vmem>>
    %dma_wait3A_216 = arith.constant 0 : i32
    %dma_wait3A_217 = arith.constant 0 : i32
    %dma_wait3A_218 = tpu.memref_slice %arg11[%dma_wait3A_216, %dma_wait3A_217] : memref<10240x128xf32, #tpu.memory_space<vmem_shared>> -> memref<10240x128xf32, #tpu.memory_space<vmem_shared>>
    tpu.wait_indirect_dma semaphore(%arg15 : memref<!tpu.dma_semaphore, #tpu.memory_space<semaphore_mem>>) src(%arg10 : memref<128x128xf32, #tpu.memory_space<vmem>>) dst(%dma_wait3A_218 : memref<10240x128xf32, #tpu.memory_space<vmem_shared>>)
    %barrier3A_219 = arith.constant 0 : index
    tpu.barrier barrier_id(%barrier3A_219)
    %mul3A_220 = arith.constant 10240 : i32
    %mul3A_221 = arith.muli %arg0, %mul3A_220 : i32
    %add3A_222 = arith.addi %mul3A_221, %mul3A_2 : i32
    "tpu.region"() ({
      %run_scoped3A = tpu.sem_alloc : memref<!tpu.dma_semaphore, #tpu.memory_space<semaphore_mem>>
      %dma_start3A_223 = arith.constant 0 : i32
      %dma_start3A_224 = tpu.memref_slice %arg6[%add3A_222, %dma_start3A_223] : memref<20480x128xf32, #tpu.memory_space<hbm>> -> memref<640x128xf32, #tpu.memory_space<hbm>>
      %dma_start3A_225 = arith.constant 0 : i32
      %dma_start3A_226 = tpu.memref_slice %arg11[%mul3A_2, %dma_start3A_225] : memref<10240x128xf32, #tpu.memory_space<vmem_shared>> -> memref<640x128xf32, #tpu.memory_space<vmem_shared>>
      tpu.enqueue_dma source(%dma_start3A_226 : memref<640x128xf32, #tpu.memory_space<vmem_shared>>) target(%dma_start3A_224 : memref<640x128xf32, #tpu.memory_space<hbm>>) target_semaphore(%run_scoped3A : memref<!tpu.dma_semaphore, #tpu.memory_space<semaphore_mem>>)
      %dma_wait3A_227 = arith.constant 0 : i32
      %dma_wait3A_228 = tpu.memref_slice %arg6[%add3A_222, %dma_wait3A_227] : memref<20480x128xf32, #tpu.memory_space<hbm>> -> memref<640x128xf32, #tpu.memory_space<hbm>>
      %dma_wait3A_229 = arith.constant 0 : i32
      %dma_wait3A_230 = tpu.memref_slice %arg11[%mul3A_2, %dma_wait3A_229] : memref<10240x128xf32, #tpu.memory_space<vmem_shared>> -> memref<640x128xf32, #tpu.memory_space<vmem_shared>>
      tpu.wait_dma2 semaphore(%run_scoped3A : memref<!tpu.dma_semaphore, #tpu.memory_space<semaphore_mem>>) src(%dma_wait3A_230 : memref<640x128xf32, #tpu.memory_space<vmem_shared>>) dst(%dma_wait3A_228 : memref<640x128xf32, #tpu.memory_space<hbm>>)
      tpu.yield
    }) : () -> ()
    return
  }
}

#map = affine_map<(d0, d1) -> (0, 0)>
#map1 = affine_map<(d0, d1) -> (0, 0, 0)>
module attributes {stable_mosaic.version = 14 : i64} {
  func.func @kern(%arg0: i32, %arg1: i32, %arg2: memref<10240x128xf32, #tpu.memory_space<hbm>>, %arg3: memref<32x10240xi32, #tpu.memory_space<hbm>>, %arg4: memref<32x80x128xi32, #tpu.memory_space<hbm>>, %arg5: memref<640x128xf32, #tpu.memory_space<hbm>>, %arg6: memref<20480x128xf32, #tpu.memory_space<hbm>>, %arg7: memref<5120xi32, #tpu.memory_space<vmem>>, %arg8: memref<80x128xi32, #tpu.memory_space<vmem>>, %arg9: memref<128x128xf32, #tpu.memory_space<vmem>>, %arg10: memref<128x128xf32, #tpu.memory_space<vmem>>, %arg11: memref<10240x128xf32, #tpu.memory_space<vmem_shared>>, %arg12: memref<!tpu.dma_semaphore, #tpu.memory_space<semaphore_mem>>, %arg13: memref<!tpu.dma_semaphore, #tpu.memory_space<semaphore_mem>>, %arg14: memref<!tpu.dma_semaphore, #tpu.memory_space<semaphore_mem>>, %arg15: memref<!tpu.dma_semaphore, #tpu.memory_space<semaphore_mem>>) attributes {dimension_semantics = [#tpu.dimension_semantics<core_parallel>, #tpu.dimension_semantics<subcore_parallel>], iteration_bounds = array<i64: 2, 16>, scalar_prefetch = 0 : i64, scratch_operands = 9 : i64, tpu.core_type = #tpu.core_type<sc_vector_subcore>, window_params = [{transform_indices = #map}, {transform_indices = #map}, {transform_indices = #map1}, {transform_indices = #map}, {transform_indices = #map}]} {
    %mul3A = arith.constant 16 : i32
    %mul3A_0 = arith.muli %arg0, %mul3A : i32
    %add3A = arith.addi %mul3A_0, %arg1 : i32
    %mul3A_1 = arith.constant 640 : i32
    %mul3A_2 = arith.muli %arg1, %mul3A_1 : i32
    "tpu.region"() ({
      %run_scoped3A = tpu.sem_alloc : memref<!tpu.dma_semaphore, #tpu.memory_space<semaphore_mem>>
      %dma_start3A_223 = arith.constant 0 : i32
      %dma_start3A_224 = tpu.memref_slice %arg11[%mul3A_2, %dma_start3A_223] : memref<10240x128xf32, #tpu.memory_space<vmem_shared>> -> memref<640x128xf32, #tpu.memory_space<vmem_shared>>
      tpu.enqueue_dma source(%arg5 : memref<640x128xf32, #tpu.memory_space<hbm>>) target(%dma_start3A_224 : memref<640x128xf32, #tpu.memory_space<vmem_shared>>) target_semaphore(%run_scoped3A : memref<!tpu.dma_semaphore, #tpu.memory_space<semaphore_mem>>)
      %dma_wait3A_225 = arith.constant 0 : i32
      %dma_wait3A_226 = tpu.memref_slice %arg11[%mul3A_2, %dma_wait3A_225] : memref<10240x128xf32, #tpu.memory_space<vmem_shared>> -> memref<640x128xf32, #tpu.memory_space<vmem_shared>>
      tpu.wait_dma2 semaphore(%run_scoped3A : memref<!tpu.dma_semaphore, #tpu.memory_space<semaphore_mem>>) src(%arg5 : memref<640x128xf32, #tpu.memory_space<hbm>>) dst(%dma_wait3A_226 : memref<640x128xf32, #tpu.memory_space<vmem_shared>>)
      tpu.yield
    }) : () -> ()
    "tpu.region"() ({
      %run_scoped3A = tpu.sem_alloc : memref<!tpu.dma_semaphore, #tpu.memory_space<semaphore_mem>>
      %dma_start3A_223 = arith.constant 0 : i32
      %dma_start3A_224 = arith.constant 0 : i32
      %dma_start3A_225 = tpu.memref_slice %arg4[%add3A, %dma_start3A_223, %dma_start3A_224] : memref<32x80x128xi32, #tpu.memory_space<hbm>> -> memref<1x80x128xi32, #tpu.memory_space<hbm>>
      %dma_start3A_226 = tpu.memref_squeeze %dma_start3A_225 : memref<1x80x128xi32, #tpu.memory_space<hbm>> -> memref<80x128xi32, #tpu.memory_space<hbm>>
      %dma_start3A_227 = arith.constant 0 : i32
      %dma_start3A_228 = arith.constant 0 : i32
      %dma_start3A_229 = tpu.memref_slice %arg4[%add3A, %dma_start3A_227, %dma_start3A_228] : memref<32x80x128xi32, #tpu.memory_space<hbm>> -> memref<1x80x128xi32, #tpu.memory_space<hbm>>
      %dma_start3A_230 = tpu.memref_squeeze %dma_start3A_229 : memref<1x80x128xi32, #tpu.memory_space<hbm>> -> memref<80x128xi32, #tpu.memory_space<hbm>>
      tpu.enqueue_dma source(%dma_start3A_230 : memref<80x128xi32, #tpu.memory_space<hbm>>) target(%arg8 : memref<80x128xi32, #tpu.memory_space<vmem>>) target_semaphore(%run_scoped3A : memref<!tpu.dma_semaphore, #tpu.memory_space<semaphore_mem>>)
      %dma_wait3A_231 = arith.constant 0 : i32
      %dma_wait3A_232 = arith.constant 0 : i32
      %dma_wait3A_233 = tpu.memref_slice %arg4[%add3A, %dma_wait3A_231, %dma_wait3A_232] : memref<32x80x128xi32, #tpu.memory_space<hbm>> -> memref<1x80x128xi32, #tpu.memory_space<hbm>>
      %dma_wait3A_234 = tpu.memref_squeeze %dma_wait3A_233 : memref<1x80x128xi32, #tpu.memory_space<hbm>> -> memref<80x128xi32, #tpu.memory_space<hbm>>
      %dma_wait3A_235 = arith.constant 0 : i32
      %dma_wait3A_236 = arith.constant 0 : i32
      %dma_wait3A_237 = tpu.memref_slice %arg4[%add3A, %dma_wait3A_235, %dma_wait3A_236] : memref<32x80x128xi32, #tpu.memory_space<hbm>> -> memref<1x80x128xi32, #tpu.memory_space<hbm>>
      %dma_wait3A_238 = tpu.memref_squeeze %dma_wait3A_237 : memref<1x80x128xi32, #tpu.memory_space<hbm>> -> memref<80x128xi32, #tpu.memory_space<hbm>>
      tpu.wait_dma2 semaphore(%run_scoped3A : memref<!tpu.dma_semaphore, #tpu.memory_space<semaphore_mem>>) src(%dma_wait3A_238 : memref<80x128xi32, #tpu.memory_space<hbm>>) dst(%arg8 : memref<80x128xi32, #tpu.memory_space<vmem>>)
      tpu.yield
    }) : () -> ()
    %barrier3A = arith.constant 0 : index
    tpu.barrier barrier_id(%barrier3A)
    "tpu.region"() ({
      %run_scoped3A = tpu.sem_alloc : memref<!tpu.dma_semaphore, #tpu.memory_space<semaphore_mem>>
      %dma_start3A_223 = arith.constant 0 : i32
      %dma_start3A_224 = tpu.memref_slice %arg3[%add3A, %dma_start3A_223] : memref<32x10240xi32, #tpu.memory_space<hbm>> -> memref<1x5120xi32, #tpu.memory_space<hbm>>
      %dma_start3A_225 = tpu.memref_squeeze %dma_start3A_224 : memref<1x5120xi32, #tpu.memory_space<hbm>> -> memref<5120xi32, #tpu.memory_space<hbm>>
      %dma_start3A_226 = arith.constant 0 : i32
      %dma_start3A_227 = tpu.memref_slice %arg3[%add3A, %dma_start3A_226] : memref<32x10240xi32, #tpu.memory_space<hbm>> -> memref<1x5120xi32, #tpu.memory_space<hbm>>
      %dma_start3A_228 = tpu.memref_squeeze %dma_start3A_227 : memref<1x5120xi32, #tpu.memory_space<hbm>> -> memref<5120xi32, #tpu.memory_space<hbm>>
      tpu.enqueue_dma source(%dma_start3A_228 : memref<5120xi32, #tpu.memory_space<hbm>>) target(%arg7 : memref<5120xi32, #tpu.memory_space<vmem>>) target_semaphore(%run_scoped3A : memref<!tpu.dma_semaphore, #tpu.memory_space<semaphore_mem>>)
      %dma_wait3A_229 = arith.constant 0 : i32
      %dma_wait3A_230 = tpu.memref_slice %arg3[%add3A, %dma_wait3A_229] : memref<32x10240xi32, #tpu.memory_space<hbm>> -> memref<1x5120xi32, #tpu.memory_space<hbm>>
      %dma_wait3A_231 = tpu.memref_squeeze %dma_wait3A_230 : memref<1x5120xi32, #tpu.memory_space<hbm>> -> memref<5120xi32, #tpu.memory_space<hbm>>
      %dma_wait3A_232 = arith.constant 0 : i32
      %dma_wait3A_233 = tpu.memref_slice %arg3[%add3A, %dma_wait3A_232] : memref<32x10240xi32, #tpu.memory_space<hbm>> -> memref<1x5120xi32, #tpu.memory_space<hbm>>
      %dma_wait3A_234 = tpu.memref_squeeze %dma_wait3A_233 : memref<1x5120xi32, #tpu.memory_space<hbm>> -> memref<5120xi32, #tpu.memory_space<hbm>>
      tpu.wait_dma2 semaphore(%run_scoped3A : memref<!tpu.dma_semaphore, #tpu.memory_space<semaphore_mem>>) src(%dma_wait3A_234 : memref<5120xi32, #tpu.memory_space<hbm>>) dst(%arg7 : memref<5120xi32, #tpu.memory_space<vmem>>)
      tpu.yield
    }) : () -> ()
    %multiple_of3A = arith.constant 0 : i32
    %multiple_of3A_3 = tpu.assume_multiple %multiple_of3A, 8 : i32
    %dma_start3A = tpu.memref_slice %arg7[%multiple_of3A_3] : memref<5120xi32, #tpu.memory_space<vmem>> -> memref<128xi32, #tpu.memory_space<vmem>>
    %dma_start3A_4 = arith.constant 0 : i32
    %dma_start3A_5 = arith.constant 0 : i32
    %dma_start3A_6 = tpu.memref_slice %arg2[%dma_start3A_4, %dma_start3A_5] : memref<10240x128xf32, #tpu.memory_space<hbm>> -> memref<10240x128xf32, #tpu.memory_space<hbm>>
    tpu.enqueue_indirect_dma source(%dma_start3A_6 : memref<10240x128xf32, #tpu.memory_space<hbm>>) target(%arg9 : memref<128x128xf32, #tpu.memory_space<vmem>>) offsets(%dma_start3A : memref<128xi32, #tpu.memory_space<vmem>>) semaphore(%arg12 : memref<!tpu.dma_semaphore, #tpu.memory_space<semaphore_mem>>)
    %multiple_of3A_7 = arith.constant 0 : i32
    %multiple_of3A_8 = tpu.assume_multiple %multiple_of3A_7, 8 : i32
    %dma_wait3A = tpu.memref_slice %arg7[%multiple_of3A_8] : memref<5120xi32, #tpu.memory_space<vmem>> -> memref<128xi32, #tpu.memory_space<vmem>>
    %dma_wait3A_9 = arith.constant 0 : i32
    %dma_wait3A_10 = arith.constant 0 : i32
    %dma_wait3A_11 = tpu.memref_slice %arg2[%dma_wait3A_9, %dma_wait3A_10] : memref<10240x128xf32, #tpu.memory_space<hbm>> -> memref<10240x128xf32, #tpu.memory_space<hbm>>
    tpu.wait_indirect_dma semaphore(%arg12 : memref<!tpu.dma_semaphore, #tpu.memory_space<semaphore_mem>>) src(%dma_wait3A_11 : memref<10240x128xf32, #tpu.memory_space<hbm>>) dst(%arg9 : memref<128x128xf32, #tpu.memory_space<vmem>>)
    %dma_start3A_12 = arith.constant 0 : i32
    %dma_start3A_13 = arith.constant 0 : i32
    %dma_start3A_14 = tpu.memref_slice %arg8[%dma_start3A_12, %dma_start3A_13] : memref<80x128xi32, #tpu.memory_space<vmem>> -> memref<1x128xi32, #tpu.memory_space<vmem>>
    %dma_start3A_15 = tpu.memref_squeeze %dma_start3A_14 : memref<1x128xi32, #tpu.memory_space<vmem>> -> memref<128xi32, #tpu.memory_space<vmem>>
    %dma_start3A_16 = arith.constant 0 : i32
    %dma_start3A_17 = arith.constant 0 : i32
    %dma_start3A_18 = tpu.memref_slice %arg11[%dma_start3A_16, %dma_start3A_17] : memref<10240x128xf32, #tpu.memory_space<vmem_shared>> -> memref<10240x128xf32, #tpu.memory_space<vmem_shared>>
    tpu.enqueue_indirect_dma source(%arg9 : memref<128x128xf32, #tpu.memory_space<vmem>>) target(%dma_start3A_18 : memref<10240x128xf32, #tpu.memory_space<vmem_shared>>) offsets(%dma_start3A_15 : memref<128xi32, #tpu.memory_space<vmem>>) semaphore(%arg14 : memref<!tpu.dma_semaphore, #tpu.memory_space<semaphore_mem>>) {add = true}
    %multiple_of3A_19 = arith.constant 128 : i32
    %multiple_of3A_20 = tpu.assume_multiple %multiple_of3A_19, 8 : i32
    %dma_start3A_21 = tpu.memref_slice %arg7[%multiple_of3A_20] : memref<5120xi32, #tpu.memory_space<vmem>> -> memref<128xi32, #tpu.memory_space<vmem>>
    %dma_start3A_22 = arith.constant 0 : i32
    %dma_start3A_23 = arith.constant 0 : i32
    %dma_start3A_24 = tpu.memref_slice %arg2[%dma_start3A_22, %dma_start3A_23] : memref<10240x128xf32, #tpu.memory_space<hbm>> -> memref<10240x128xf32, #tpu.memory_space<hbm>>
    tpu.enqueue_indirect_dma source(%dma_start3A_24 : memref<10240x128xf32, #tpu.memory_space<hbm>>) target(%arg10 : memref<128x128xf32, #tpu.memory_space<vmem>>) offsets(%dma_start3A_21 : memref<128xi32, #tpu.memory_space<vmem>>) semaphore(%arg13 : memref<!tpu.dma_semaphore, #tpu.memory_space<semaphore_mem>>)
    %multiple_of3A_25 = arith.constant 128 : i32
    %multiple_of3A_26 = tpu.assume_multiple %multiple_of3A_25, 8 : i32
    %dma_wait3A_27 = tpu.memref_slice %arg7[%multiple_of3A_26] : memref<5120xi32, #tpu.memory_space<vmem>> -> memref<128xi32, #tpu.memory_space<vmem>>
    %dma_wait3A_28 = arith.constant 0 : i32
    %dma_wait3A_29 = arith.constant 0 : i32
    %dma_wait3A_30 = tpu.memref_slice %arg2[%dma_wait3A_28, %dma_wait3A_29] : memref<10240x128xf32, #tpu.memory_space<hbm>> -> memref<10240x128xf32, #tpu.memory_space<hbm>>
    tpu.wait_indirect_dma semaphore(%arg13 : memref<!tpu.dma_semaphore, #tpu.memory_space<semaphore_mem>>) src(%dma_wait3A_30 : memref<10240x128xf32, #tpu.memory_space<hbm>>) dst(%arg10 : memref<128x128xf32, #tpu.memory_space<vmem>>)
    %dma_start3A_31 = arith.constant 1 : i32
    %dma_start3A_32 = arith.constant 0 : i32
    %dma_start3A_33 = tpu.memref_slice %arg8[%dma_start3A_31, %dma_start3A_32] : memref<80x128xi32, #tpu.memory_space<vmem>> -> memref<1x128xi32, #tpu.memory_space<vmem>>
    %dma_start3A_34 = tpu.memref_squeeze %dma_start3A_33 : memref<1x128xi32, #tpu.memory_space<vmem>> -> memref<128xi32, #tpu.memory_space<vmem>>
    %dma_start3A_35 = arith.constant 0 : i32
    %dma_start3A_36 = arith.constant 0 : i32
    %dma_start3A_37 = tpu.memref_slice %arg11[%dma_start3A_35, %dma_start3A_36] : memref<10240x128xf32, #tpu.memory_space<vmem_shared>> -> memref<10240x128xf32, #tpu.memory_space<vmem_shared>>
    tpu.enqueue_indirect_dma source(%arg10 : memref<128x128xf32, #tpu.memory_space<vmem>>) target(%dma_start3A_37 : memref<10240x128xf32, #tpu.memory_space<vmem_shared>>) offsets(%dma_start3A_34 : memref<128xi32, #tpu.memory_space<vmem>>) semaphore(%arg15 : memref<!tpu.dma_semaphore, #tpu.memory_space<semaphore_mem>>) {add = true}
    %dma_wait3A_38 = arith.constant 0 : i32
    %dma_wait3A_39 = arith.constant 0 : i32
    %dma_wait3A_40 = tpu.memref_slice %arg8[%dma_wait3A_38, %dma_wait3A_39] : memref<80x128xi32, #tpu.memory_space<vmem>> -> memref<1x128xi32, #tpu.memory_space<vmem>>
    %dma_wait3A_41 = tpu.memref_squeeze %dma_wait3A_40 : memref<1x128xi32, #tpu.memory_space<vmem>> -> memref<128xi32, #tpu.memory_space<vmem>>
    %dma_wait3A_42 = arith.constant 0 : i32
    %dma_wait3A_43 = arith.constant 0 : i32
    %dma_wait3A_44 = tpu.memref_slice %arg11[%dma_wait3A_42, %dma_wait3A_43] : memref<10240x128xf32, #tpu.memory_space<vmem_shared>> -> memref<10240x128xf32, #tpu.memory_space<vmem_shared>>
    tpu.wait_indirect_dma semaphore(%arg14 : memref<!tpu.dma_semaphore, #tpu.memory_space<semaphore_mem>>) src(%arg9 : memref<128x128xf32, #tpu.memory_space<vmem>>) dst(%dma_wait3A_44 : memref<10240x128xf32, #tpu.memory_space<vmem_shared>>)
    %multiple_of3A_45 = arith.constant 256 : i32
    %multiple_of3A_46 = tpu.assume_multiple %multiple_of3A_45, 8 : i32
    %dma_start3A_47 = tpu.memref_slice %arg7[%multiple_of3A_46] : memref<5120xi32, #tpu.memory_space<vmem>> -> memref<128xi32, #tpu.memory_space<vmem>>
    %dma_start3A_48 = arith.constant 0 : i32
    %dma_start3A_49 = arith.constant 0 : i32
    %dma_start3A_50 = tpu.memref_slice %arg2[%dma_start3A_48, %dma_start3A_49] : memref<10240x128xf32, #tpu.memory_space<hbm>> -> memref<10240x128xf32, #tpu.memory_space<hbm>>
    tpu.enqueue_indirect_dma source(%dma_start3A_50 : memref<10240x128xf32, #tpu.memory_space<hbm>>) target(%arg9 : memref<128x128xf32, #tpu.memory_space<vmem>>) offsets(%dma_start3A_47 : memref<128xi32, #tpu.memory_space<vmem>>) semaphore(%arg12 : memref<!tpu.dma_semaphore, #tpu.memory_space<semaphore_mem>>)
    %scan3A = arith.constant 0 : i32
    %scan3A_51 = arith.constant 1 : i32
    %scan3A_52 = arith.constant 18 : i32
    %scan3A_53 = arith.addi %scan3A_51, %scan3A_52 : i32
    %scan3A_54 = arith.constant 1 : i32
    scf.for %scan3A_223 = %scan3A_51 to %scan3A_53 step %scan3A_54  : i32 {
      %mul3A_224 = arith.constant 2 : i32
      %mul3A_225 = arith.muli %mul3A_224, %scan3A_223 : i32
      %add3A_226 = arith.constant 0 : i32
      %add3A_227 = arith.addi %mul3A_225, %add3A_226 : i32
      %mul3A_228 = arith.constant 128 : i32
      %mul3A_229 = arith.muli %add3A_227, %mul3A_228 : i32
      %multiple_of3A_230 = tpu.assume_multiple %mul3A_229, 8 : i32
      %dma_wait3A_231 = tpu.memref_slice %arg7[%multiple_of3A_230] : memref<5120xi32, #tpu.memory_space<vmem>> -> memref<128xi32, #tpu.memory_space<vmem>>
      %dma_wait3A_232 = arith.constant 0 : i32
      %dma_wait3A_233 = arith.constant 0 : i32
      %dma_wait3A_234 = tpu.memref_slice %arg2[%dma_wait3A_232, %dma_wait3A_233] : memref<10240x128xf32, #tpu.memory_space<hbm>> -> memref<10240x128xf32, #tpu.memory_space<hbm>>
      tpu.wait_indirect_dma semaphore(%arg12 : memref<!tpu.dma_semaphore, #tpu.memory_space<semaphore_mem>>) src(%dma_wait3A_234 : memref<10240x128xf32, #tpu.memory_space<hbm>>) dst(%arg9 : memref<128x128xf32, #tpu.memory_space<vmem>>)
      %add3A_235 = arith.constant 0 : i32
      %add3A_236 = arith.addi %add3A_235, %add3A_227 : i32
      %dma_start3A_237 = arith.constant 0 : i32
      %dma_start3A_238 = tpu.memref_slice %arg8[%add3A_236, %dma_start3A_237] : memref<80x128xi32, #tpu.memory_space<vmem>> -> memref<1x128xi32, #tpu.memory_space<vmem>>
      %dma_start3A_239 = tpu.memref_squeeze %dma_start3A_238 : memref<1x128xi32, #tpu.memory_space<vmem>> -> memref<128xi32, #tpu.memory_space<vmem>>
      %dma_start3A_240 = arith.constant 0 : i32
      %dma_start3A_241 = arith.constant 0 : i32
      %dma_start3A_242 = tpu.memref_slice %arg11[%dma_start3A_240, %dma_start3A_241] : memref<10240x128xf32, #tpu.memory_space<vmem_shared>> -> memref<10240x128xf32, #tpu.memory_space<vmem_shared>>
      tpu.enqueue_indirect_dma source(%arg9 : memref<128x128xf32, #tpu.memory_space<vmem>>) target(%dma_start3A_242 : memref<10240x128xf32, #tpu.memory_space<vmem_shared>>) offsets(%dma_start3A_239 : memref<128xi32, #tpu.memory_space<vmem>>) semaphore(%arg14 : memref<!tpu.dma_semaphore, #tpu.memory_space<semaphore_mem>>) {add = true}
      %add3A_243 = arith.constant 0 : i32
      %add3A_244 = arith.addi %add3A_243, %add3A_227 : i32
      %sub3A = arith.constant 1 : i32
      %sub3A_245 = arith.subi %add3A_244, %sub3A : i32
      %dma_wait3A_246 = arith.constant 0 : i32
      %dma_wait3A_247 = tpu.memref_slice %arg8[%sub3A_245, %dma_wait3A_246] : memref<80x128xi32, #tpu.memory_space<vmem>> -> memref<1x128xi32, #tpu.memory_space<vmem>>
      %dma_wait3A_248 = tpu.memref_squeeze %dma_wait3A_247 : memref<1x128xi32, #tpu.memory_space<vmem>> -> memref<128xi32, #tpu.memory_space<vmem>>
      %dma_wait3A_249 = arith.constant 0 : i32
      %dma_wait3A_250 = arith.constant 0 : i32
      %dma_wait3A_251 = tpu.memref_slice %arg11[%dma_wait3A_249, %dma_wait3A_250] : memref<10240x128xf32, #tpu.memory_space<vmem_shared>> -> memref<10240x128xf32, #tpu.memory_space<vmem_shared>>
      tpu.wait_indirect_dma semaphore(%arg15 : memref<!tpu.dma_semaphore, #tpu.memory_space<semaphore_mem>>) src(%arg10 : memref<128x128xf32, #tpu.memory_space<vmem>>) dst(%dma_wait3A_251 : memref<10240x128xf32, #tpu.memory_space<vmem_shared>>)
      %add3A_252 = arith.constant 1 : i32
      %add3A_253 = arith.addi %add3A_227, %add3A_252 : i32
      %mul3A_254 = arith.constant 128 : i32
      %mul3A_255 = arith.muli %add3A_253, %mul3A_254 : i32
      %multiple_of3A_256 = tpu.assume_multiple %mul3A_255, 8 : i32
      %dma_start3A_257 = tpu.memref_slice %arg7[%multiple_of3A_256] : memref<5120xi32, #tpu.memory_space<vmem>> -> memref<128xi32, #tpu.memory_space<vmem>>
      %dma_start3A_258 = arith.constant 0 : i32
      %dma_start3A_259 = arith.constant 0 : i32
      %dma_start3A_260 = tpu.memref_slice %arg2[%dma_start3A_258, %dma_start3A_259] : memref<10240x128xf32, #tpu.memory_space<hbm>> -> memref<10240x128xf32, #tpu.memory_space<hbm>>
      tpu.enqueue_indirect_dma source(%dma_start3A_260 : memref<10240x128xf32, #tpu.memory_space<hbm>>) target(%arg10 : memref<128x128xf32, #tpu.memory_space<vmem>>) offsets(%dma_start3A_257 : memref<128xi32, #tpu.memory_space<vmem>>) semaphore(%arg13 : memref<!tpu.dma_semaphore, #tpu.memory_space<semaphore_mem>>)
      %mul3A_261 = arith.constant 2 : i32
      %mul3A_262 = arith.muli %mul3A_261, %scan3A_223 : i32
      %add3A_263 = arith.constant 1 : i32
      %add3A_264 = arith.addi %mul3A_262, %add3A_263 : i32
      %mul3A_265 = arith.constant 128 : i32
      %mul3A_266 = arith.muli %add3A_264, %mul3A_265 : i32
      %multiple_of3A_267 = tpu.assume_multiple %mul3A_266, 8 : i32
      %dma_wait3A_268 = tpu.memref_slice %arg7[%multiple_of3A_267] : memref<5120xi32, #tpu.memory_space<vmem>> -> memref<128xi32, #tpu.memory_space<vmem>>
      %dma_wait3A_269 = arith.constant 0 : i32
      %dma_wait3A_270 = arith.constant 0 : i32
      %dma_wait3A_271 = tpu.memref_slice %arg2[%dma_wait3A_269, %dma_wait3A_270] : memref<10240x128xf32, #tpu.memory_space<hbm>> -> memref<10240x128xf32, #tpu.memory_space<hbm>>
      tpu.wait_indirect_dma semaphore(%arg13 : memref<!tpu.dma_semaphore, #tpu.memory_space<semaphore_mem>>) src(%dma_wait3A_271 : memref<10240x128xf32, #tpu.memory_space<hbm>>) dst(%arg10 : memref<128x128xf32, #tpu.memory_space<vmem>>)
      %add3A_272 = arith.constant 0 : i32
      %add3A_273 = arith.addi %add3A_272, %add3A_264 : i32
      %dma_start3A_274 = arith.constant 0 : i32
      %dma_start3A_275 = tpu.memref_slice %arg8[%add3A_273, %dma_start3A_274] : memref<80x128xi32, #tpu.memory_space<vmem>> -> memref<1x128xi32, #tpu.memory_space<vmem>>
      %dma_start3A_276 = tpu.memref_squeeze %dma_start3A_275 : memref<1x128xi32, #tpu.memory_space<vmem>> -> memref<128xi32, #tpu.memory_space<vmem>>
      %dma_start3A_277 = arith.constant 0 : i32
      %dma_start3A_278 = arith.constant 0 : i32
      %dma_start3A_279 = tpu.memref_slice %arg11[%dma_start3A_277, %dma_start3A_278] : memref<10240x128xf32, #tpu.memory_space<vmem_shared>> -> memref<10240x128xf32, #tpu.memory_space<vmem_shared>>
      tpu.enqueue_indirect_dma source(%arg10 : memref<128x128xf32, #tpu.memory_space<vmem>>) target(%dma_start3A_279 : memref<10240x128xf32, #tpu.memory_space<vmem_shared>>) offsets(%dma_start3A_276 : memref<128xi32, #tpu.memory_space<vmem>>) semaphore(%arg15 : memref<!tpu.dma_semaphore, #tpu.memory_space<semaphore_mem>>) {add = true}
      %add3A_280 = arith.constant 0 : i32
      %add3A_281 = arith.addi %add3A_280, %add3A_264 : i32
      %sub3A_282 = arith.constant 1 : i32
      %sub3A_283 = arith.subi %add3A_281, %sub3A_282 : i32
      %dma_wait3A_284 = arith.constant 0 : i32
      %dma_wait3A_285 = tpu.memref_slice %arg8[%sub3A_283, %dma_wait3A_284] : memref<80x128xi32, #tpu.memory_space<vmem>> -> memref<1x128xi32, #tpu.memory_space<vmem>>
      %dma_wait3A_286 = tpu.memref_squeeze %dma_wait3A_285 : memref<1x128xi32, #tpu.memory_space<vmem>> -> memref<128xi32, #tpu.memory_space<vmem>>
      %dma_wait3A_287 = arith.constant 0 : i32
      %dma_wait3A_288 = arith.constant 0 : i32
      %dma_wait3A_289 = tpu.memref_slice %arg11[%dma_wait3A_287, %dma_wait3A_288] : memref<10240x128xf32, #tpu.memory_space<vmem_shared>> -> memref<10240x128xf32, #tpu.memory_space<vmem_shared>>
      tpu.wait_indirect_dma semaphore(%arg14 : memref<!tpu.dma_semaphore, #tpu.memory_space<semaphore_mem>>) src(%arg9 : memref<128x128xf32, #tpu.memory_space<vmem>>) dst(%dma_wait3A_289 : memref<10240x128xf32, #tpu.memory_space<vmem_shared>>)
      %add3A_290 = arith.constant 1 : i32
      %add3A_291 = arith.addi %add3A_264, %add3A_290 : i32
      %mul3A_292 = arith.constant 128 : i32
      %mul3A_293 = arith.muli %add3A_291, %mul3A_292 : i32
      %multiple_of3A_294 = tpu.assume_multiple %mul3A_293, 8 : i32
      %dma_start3A_295 = tpu.memref_slice %arg7[%multiple_of3A_294] : memref<5120xi32, #tpu.memory_space<vmem>> -> memref<128xi32, #tpu.memory_space<vmem>>
      %dma_start3A_296 = arith.constant 0 : i32
      %dma_start3A_297 = arith.constant 0 : i32
      %dma_start3A_298 = tpu.memref_slice %arg2[%dma_start3A_296, %dma_start3A_297] : memref<10240x128xf32, #tpu.memory_space<hbm>> -> memref<10240x128xf32, #tpu.memory_space<hbm>>
      tpu.enqueue_indirect_dma source(%dma_start3A_298 : memref<10240x128xf32, #tpu.memory_space<hbm>>) target(%arg9 : memref<128x128xf32, #tpu.memory_space<vmem>>) offsets(%dma_start3A_295 : memref<128xi32, #tpu.memory_space<vmem>>) semaphore(%arg12 : memref<!tpu.dma_semaphore, #tpu.memory_space<semaphore_mem>>)
    }
    %scan3A_55 = arith.constant 18 : i32
    %multiple_of3A_56 = arith.constant 4864 : i32
    %multiple_of3A_57 = tpu.assume_multiple %multiple_of3A_56, 8 : i32
    %dma_wait3A_58 = tpu.memref_slice %arg7[%multiple_of3A_57] : memref<5120xi32, #tpu.memory_space<vmem>> -> memref<128xi32, #tpu.memory_space<vmem>>
    %dma_wait3A_59 = arith.constant 0 : i32
    %dma_wait3A_60 = arith.constant 0 : i32
    %dma_wait3A_61 = tpu.memref_slice %arg2[%dma_wait3A_59, %dma_wait3A_60] : memref<10240x128xf32, #tpu.memory_space<hbm>> -> memref<10240x128xf32, #tpu.memory_space<hbm>>
    tpu.wait_indirect_dma semaphore(%arg12 : memref<!tpu.dma_semaphore, #tpu.memory_space<semaphore_mem>>) src(%dma_wait3A_61 : memref<10240x128xf32, #tpu.memory_space<hbm>>) dst(%arg9 : memref<128x128xf32, #tpu.memory_space<vmem>>)
    %dma_start3A_62 = arith.constant 38 : i32
    %dma_start3A_63 = arith.constant 0 : i32
    %dma_start3A_64 = tpu.memref_slice %arg8[%dma_start3A_62, %dma_start3A_63] : memref<80x128xi32, #tpu.memory_space<vmem>> -> memref<1x128xi32, #tpu.memory_space<vmem>>
    %dma_start3A_65 = tpu.memref_squeeze %dma_start3A_64 : memref<1x128xi32, #tpu.memory_space<vmem>> -> memref<128xi32, #tpu.memory_space<vmem>>
    %dma_start3A_66 = arith.constant 0 : i32
    %dma_start3A_67 = arith.constant 0 : i32
    %dma_start3A_68 = tpu.memref_slice %arg11[%dma_start3A_66, %dma_start3A_67] : memref<10240x128xf32, #tpu.memory_space<vmem_shared>> -> memref<10240x128xf32, #tpu.memory_space<vmem_shared>>
    tpu.enqueue_indirect_dma source(%arg9 : memref<128x128xf32, #tpu.memory_space<vmem>>) target(%dma_start3A_68 : memref<10240x128xf32, #tpu.memory_space<vmem_shared>>) offsets(%dma_start3A_65 : memref<128xi32, #tpu.memory_space<vmem>>) semaphore(%arg14 : memref<!tpu.dma_semaphore, #tpu.memory_space<semaphore_mem>>) {add = true}
    %dma_wait3A_69 = arith.constant 37 : i32
    %dma_wait3A_70 = arith.constant 0 : i32
    %dma_wait3A_71 = tpu.memref_slice %arg8[%dma_wait3A_69, %dma_wait3A_70] : memref<80x128xi32, #tpu.memory_space<vmem>> -> memref<1x128xi32, #tpu.memory_space<vmem>>
    %dma_wait3A_72 = tpu.memref_squeeze %dma_wait3A_71 : memref<1x128xi32, #tpu.memory_space<vmem>> -> memref<128xi32, #tpu.memory_space<vmem>>
    %dma_wait3A_73 = arith.constant 0 : i32
    %dma_wait3A_74 = arith.constant 0 : i32
    %dma_wait3A_75 = tpu.memref_slice %arg11[%dma_wait3A_73, %dma_wait3A_74] : memref<10240x128xf32, #tpu.memory_space<vmem_shared>> -> memref<10240x128xf32, #tpu.memory_space<vmem_shared>>
    tpu.wait_indirect_dma semaphore(%arg15 : memref<!tpu.dma_semaphore, #tpu.memory_space<semaphore_mem>>) src(%arg10 : memref<128x128xf32, #tpu.memory_space<vmem>>) dst(%dma_wait3A_75 : memref<10240x128xf32, #tpu.memory_space<vmem_shared>>)
    %multiple_of3A_76 = arith.constant 4992 : i32
    %multiple_of3A_77 = tpu.assume_multiple %multiple_of3A_76, 8 : i32
    %dma_start3A_78 = tpu.memref_slice %arg7[%multiple_of3A_77] : memref<5120xi32, #tpu.memory_space<vmem>> -> memref<128xi32, #tpu.memory_space<vmem>>
    %dma_start3A_79 = arith.constant 0 : i32
    %dma_start3A_80 = arith.constant 0 : i32
    %dma_start3A_81 = tpu.memref_slice %arg2[%dma_start3A_79, %dma_start3A_80] : memref<10240x128xf32, #tpu.memory_space<hbm>> -> memref<10240x128xf32, #tpu.memory_space<hbm>>
    tpu.enqueue_indirect_dma source(%dma_start3A_81 : memref<10240x128xf32, #tpu.memory_space<hbm>>) target(%arg10 : memref<128x128xf32, #tpu.memory_space<vmem>>) offsets(%dma_start3A_78 : memref<128xi32, #tpu.memory_space<vmem>>) semaphore(%arg13 : memref<!tpu.dma_semaphore, #tpu.memory_space<semaphore_mem>>)
    %multiple_of3A_82 = arith.constant 4992 : i32
    %multiple_of3A_83 = tpu.assume_multiple %multiple_of3A_82, 8 : i32
    %dma_wait3A_84 = tpu.memref_slice %arg7[%multiple_of3A_83] : memref<5120xi32, #tpu.memory_space<vmem>> -> memref<128xi32, #tpu.memory_space<vmem>>
    %dma_wait3A_85 = arith.constant 0 : i32
    %dma_wait3A_86 = arith.constant 0 : i32
    %dma_wait3A_87 = tpu.memref_slice %arg2[%dma_wait3A_85, %dma_wait3A_86] : memref<10240x128xf32, #tpu.memory_space<hbm>> -> memref<10240x128xf32, #tpu.memory_space<hbm>>
    tpu.wait_indirect_dma semaphore(%arg13 : memref<!tpu.dma_semaphore, #tpu.memory_space<semaphore_mem>>) src(%dma_wait3A_87 : memref<10240x128xf32, #tpu.memory_space<hbm>>) dst(%arg10 : memref<128x128xf32, #tpu.memory_space<vmem>>)
    %dma_start3A_88 = arith.constant 39 : i32
    %dma_start3A_89 = arith.constant 0 : i32
    %dma_start3A_90 = tpu.memref_slice %arg8[%dma_start3A_88, %dma_start3A_89] : memref<80x128xi32, #tpu.memory_space<vmem>> -> memref<1x128xi32, #tpu.memory_space<vmem>>
    %dma_start3A_91 = tpu.memref_squeeze %dma_start3A_90 : memref<1x128xi32, #tpu.memory_space<vmem>> -> memref<128xi32, #tpu.memory_space<vmem>>
    %dma_start3A_92 = arith.constant 0 : i32
    %dma_start3A_93 = arith.constant 0 : i32
    %dma_start3A_94 = tpu.memref_slice %arg11[%dma_start3A_92, %dma_start3A_93] : memref<10240x128xf32, #tpu.memory_space<vmem_shared>> -> memref<10240x128xf32, #tpu.memory_space<vmem_shared>>
    tpu.enqueue_indirect_dma source(%arg10 : memref<128x128xf32, #tpu.memory_space<vmem>>) target(%dma_start3A_94 : memref<10240x128xf32, #tpu.memory_space<vmem_shared>>) offsets(%dma_start3A_91 : memref<128xi32, #tpu.memory_space<vmem>>) semaphore(%arg15 : memref<!tpu.dma_semaphore, #tpu.memory_space<semaphore_mem>>) {add = true}
    %dma_wait3A_95 = arith.constant 38 : i32
    %dma_wait3A_96 = arith.constant 0 : i32
    %dma_wait3A_97 = tpu.memref_slice %arg8[%dma_wait3A_95, %dma_wait3A_96] : memref<80x128xi32, #tpu.memory_space<vmem>> -> memref<1x128xi32, #tpu.memory_space<vmem>>
    %dma_wait3A_98 = tpu.memref_squeeze %dma_wait3A_97 : memref<1x128xi32, #tpu.memory_space<vmem>> -> memref<128xi32, #tpu.memory_space<vmem>>
    %dma_wait3A_99 = arith.constant 0 : i32
    %dma_wait3A_100 = arith.constant 0 : i32
    %dma_wait3A_101 = tpu.memref_slice %arg11[%dma_wait3A_99, %dma_wait3A_100] : memref<10240x128xf32, #tpu.memory_space<vmem_shared>> -> memref<10240x128xf32, #tpu.memory_space<vmem_shared>>
    tpu.wait_indirect_dma semaphore(%arg14 : memref<!tpu.dma_semaphore, #tpu.memory_space<semaphore_mem>>) src(%arg9 : memref<128x128xf32, #tpu.memory_space<vmem>>) dst(%dma_wait3A_101 : memref<10240x128xf32, #tpu.memory_space<vmem_shared>>)
    %dma_wait3A_102 = arith.constant 39 : i32
    %dma_wait3A_103 = arith.constant 0 : i32
    %dma_wait3A_104 = tpu.memref_slice %arg8[%dma_wait3A_102, %dma_wait3A_103] : memref<80x128xi32, #tpu.memory_space<vmem>> -> memref<1x128xi32, #tpu.memory_space<vmem>>
    %dma_wait3A_105 = tpu.memref_squeeze %dma_wait3A_104 : memref<1x128xi32, #tpu.memory_space<vmem>> -> memref<128xi32, #tpu.memory_space<vmem>>
    %dma_wait3A_106 = arith.constant 0 : i32
    %dma_wait3A_107 = arith.constant 0 : i32
    %dma_wait3A_108 = tpu.memref_slice %arg11[%dma_wait3A_106, %dma_wait3A_107] : memref<10240x128xf32, #tpu.memory_space<vmem_shared>> -> memref<10240x128xf32, #tpu.memory_space<vmem_shared>>
    tpu.wait_indirect_dma semaphore(%arg15 : memref<!tpu.dma_semaphore, #tpu.memory_space<semaphore_mem>>) src(%arg10 : memref<128x128xf32, #tpu.memory_space<vmem>>) dst(%dma_wait3A_108 : memref<10240x128xf32, #tpu.memory_space<vmem_shared>>)
    "tpu.region"() ({
      %run_scoped3A = tpu.sem_alloc : memref<!tpu.dma_semaphore, #tpu.memory_space<semaphore_mem>>
      %dma_start3A_223 = arith.constant 5120 : i32
      %dma_start3A_224 = tpu.memref_slice %arg3[%add3A, %dma_start3A_223] : memref<32x10240xi32, #tpu.memory_space<hbm>> -> memref<1x5120xi32, #tpu.memory_space<hbm>>
      %dma_start3A_225 = tpu.memref_squeeze %dma_start3A_224 : memref<1x5120xi32, #tpu.memory_space<hbm>> -> memref<5120xi32, #tpu.memory_space<hbm>>
      %dma_start3A_226 = arith.constant 5120 : i32
      %dma_start3A_227 = tpu.memref_slice %arg3[%add3A, %dma_start3A_226] : memref<32x10240xi32, #tpu.memory_space<hbm>> -> memref<1x5120xi32, #tpu.memory_space<hbm>>
      %dma_start3A_228 = tpu.memref_squeeze %dma_start3A_227 : memref<1x5120xi32, #tpu.memory_space<hbm>> -> memref<5120xi32, #tpu.memory_space<hbm>>
      tpu.enqueue_dma source(%dma_start3A_228 : memref<5120xi32, #tpu.memory_space<hbm>>) target(%arg7 : memref<5120xi32, #tpu.memory_space<vmem>>) target_semaphore(%run_scoped3A : memref<!tpu.dma_semaphore, #tpu.memory_space<semaphore_mem>>)
      %dma_wait3A_229 = arith.constant 5120 : i32
      %dma_wait3A_230 = tpu.memref_slice %arg3[%add3A, %dma_wait3A_229] : memref<32x10240xi32, #tpu.memory_space<hbm>> -> memref<1x5120xi32, #tpu.memory_space<hbm>>
      %dma_wait3A_231 = tpu.memref_squeeze %dma_wait3A_230 : memref<1x5120xi32, #tpu.memory_space<hbm>> -> memref<5120xi32, #tpu.memory_space<hbm>>
      %dma_wait3A_232 = arith.constant 5120 : i32
      %dma_wait3A_233 = tpu.memref_slice %arg3[%add3A, %dma_wait3A_232] : memref<32x10240xi32, #tpu.memory_space<hbm>> -> memref<1x5120xi32, #tpu.memory_space<hbm>>
      %dma_wait3A_234 = tpu.memref_squeeze %dma_wait3A_233 : memref<1x5120xi32, #tpu.memory_space<hbm>> -> memref<5120xi32, #tpu.memory_space<hbm>>
      tpu.wait_dma2 semaphore(%run_scoped3A : memref<!tpu.dma_semaphore, #tpu.memory_space<semaphore_mem>>) src(%dma_wait3A_234 : memref<5120xi32, #tpu.memory_space<hbm>>) dst(%arg7 : memref<5120xi32, #tpu.memory_space<vmem>>)
      tpu.yield
    }) : () -> ()
    %multiple_of3A_109 = arith.constant 0 : i32
    %multiple_of3A_110 = tpu.assume_multiple %multiple_of3A_109, 8 : i32
    %dma_start3A_111 = tpu.memref_slice %arg7[%multiple_of3A_110] : memref<5120xi32, #tpu.memory_space<vmem>> -> memref<128xi32, #tpu.memory_space<vmem>>
    %dma_start3A_112 = arith.constant 0 : i32
    %dma_start3A_113 = arith.constant 0 : i32
    %dma_start3A_114 = tpu.memref_slice %arg2[%dma_start3A_112, %dma_start3A_113] : memref<10240x128xf32, #tpu.memory_space<hbm>> -> memref<10240x128xf32, #tpu.memory_space<hbm>>
    tpu.enqueue_indirect_dma source(%dma_start3A_114 : memref<10240x128xf32, #tpu.memory_space<hbm>>) target(%arg9 : memref<128x128xf32, #tpu.memory_space<vmem>>) offsets(%dma_start3A_111 : memref<128xi32, #tpu.memory_space<vmem>>) semaphore(%arg12 : memref<!tpu.dma_semaphore, #tpu.memory_space<semaphore_mem>>)
    %multiple_of3A_115 = arith.constant 0 : i32
    %multiple_of3A_116 = tpu.assume_multiple %multiple_of3A_115, 8 : i32
    %dma_wait3A_117 = tpu.memref_slice %arg7[%multiple_of3A_116] : memref<5120xi32, #tpu.memory_space<vmem>> -> memref<128xi32, #tpu.memory_space<vmem>>
    %dma_wait3A_118 = arith.constant 0 : i32
    %dma_wait3A_119 = arith.constant 0 : i32
    %dma_wait3A_120 = tpu.memref_slice %arg2[%dma_wait3A_118, %dma_wait3A_119] : memref<10240x128xf32, #tpu.memory_space<hbm>> -> memref<10240x128xf32, #tpu.memory_space<hbm>>
    tpu.wait_indirect_dma semaphore(%arg12 : memref<!tpu.dma_semaphore, #tpu.memory_space<semaphore_mem>>) src(%dma_wait3A_120 : memref<10240x128xf32, #tpu.memory_space<hbm>>) dst(%arg9 : memref<128x128xf32, #tpu.memory_space<vmem>>)
    %dma_start3A_121 = arith.constant 40 : i32
    %dma_start3A_122 = arith.constant 0 : i32
    %dma_start3A_123 = tpu.memref_slice %arg8[%dma_start3A_121, %dma_start3A_122] : memref<80x128xi32, #tpu.memory_space<vmem>> -> memref<1x128xi32, #tpu.memory_space<vmem>>
    %dma_start3A_124 = tpu.memref_squeeze %dma_start3A_123 : memref<1x128xi32, #tpu.memory_space<vmem>> -> memref<128xi32, #tpu.memory_space<vmem>>
    %dma_start3A_125 = arith.constant 0 : i32
    %dma_start3A_126 = arith.constant 0 : i32
    %dma_start3A_127 = tpu.memref_slice %arg11[%dma_start3A_125, %dma_start3A_126] : memref<10240x128xf32, #tpu.memory_space<vmem_shared>> -> memref<10240x128xf32, #tpu.memory_space<vmem_shared>>
    tpu.enqueue_indirect_dma source(%arg9 : memref<128x128xf32, #tpu.memory_space<vmem>>) target(%dma_start3A_127 : memref<10240x128xf32, #tpu.memory_space<vmem_shared>>) offsets(%dma_start3A_124 : memref<128xi32, #tpu.memory_space<vmem>>) semaphore(%arg14 : memref<!tpu.dma_semaphore, #tpu.memory_space<semaphore_mem>>) {add = true}
    %multiple_of3A_128 = arith.constant 128 : i32
    %multiple_of3A_129 = tpu.assume_multiple %multiple_of3A_128, 8 : i32
    %dma_start3A_130 = tpu.memref_slice %arg7[%multiple_of3A_129] : memref<5120xi32, #tpu.memory_space<vmem>> -> memref<128xi32, #tpu.memory_space<vmem>>
    %dma_start3A_131 = arith.constant 0 : i32
    %dma_start3A_132 = arith.constant 0 : i32
    %dma_start3A_133 = tpu.memref_slice %arg2[%dma_start3A_131, %dma_start3A_132] : memref<10240x128xf32, #tpu.memory_space<hbm>> -> memref<10240x128xf32, #tpu.memory_space<hbm>>
    tpu.enqueue_indirect_dma source(%dma_start3A_133 : memref<10240x128xf32, #tpu.memory_space<hbm>>) target(%arg10 : memref<128x128xf32, #tpu.memory_space<vmem>>) offsets(%dma_start3A_130 : memref<128xi32, #tpu.memory_space<vmem>>) semaphore(%arg13 : memref<!tpu.dma_semaphore, #tpu.memory_space<semaphore_mem>>)
    %multiple_of3A_134 = arith.constant 128 : i32
    %multiple_of3A_135 = tpu.assume_multiple %multiple_of3A_134, 8 : i32
    %dma_wait3A_136 = tpu.memref_slice %arg7[%multiple_of3A_135] : memref<5120xi32, #tpu.memory_space<vmem>> -> memref<128xi32, #tpu.memory_space<vmem>>
    %dma_wait3A_137 = arith.constant 0 : i32
    %dma_wait3A_138 = arith.constant 0 : i32
    %dma_wait3A_139 = tpu.memref_slice %arg2[%dma_wait3A_137, %dma_wait3A_138] : memref<10240x128xf32, #tpu.memory_space<hbm>> -> memref<10240x128xf32, #tpu.memory_space<hbm>>
    tpu.wait_indirect_dma semaphore(%arg13 : memref<!tpu.dma_semaphore, #tpu.memory_space<semaphore_mem>>) src(%dma_wait3A_139 : memref<10240x128xf32, #tpu.memory_space<hbm>>) dst(%arg10 : memref<128x128xf32, #tpu.memory_space<vmem>>)
    %dma_start3A_140 = arith.constant 41 : i32
    %dma_start3A_141 = arith.constant 0 : i32
    %dma_start3A_142 = tpu.memref_slice %arg8[%dma_start3A_140, %dma_start3A_141] : memref<80x128xi32, #tpu.memory_space<vmem>> -> memref<1x128xi32, #tpu.memory_space<vmem>>
    %dma_start3A_143 = tpu.memref_squeeze %dma_start3A_142 : memref<1x128xi32, #tpu.memory_space<vmem>> -> memref<128xi32, #tpu.memory_space<vmem>>
    %dma_start3A_144 = arith.constant 0 : i32
    %dma_start3A_145 = arith.constant 0 : i32
    %dma_start3A_146 = tpu.memref_slice %arg11[%dma_start3A_144, %dma_start3A_145] : memref<10240x128xf32, #tpu.memory_space<vmem_shared>> -> memref<10240x128xf32, #tpu.memory_space<vmem_shared>>
    tpu.enqueue_indirect_dma source(%arg10 : memref<128x128xf32, #tpu.memory_space<vmem>>) target(%dma_start3A_146 : memref<10240x128xf32, #tpu.memory_space<vmem_shared>>) offsets(%dma_start3A_143 : memref<128xi32, #tpu.memory_space<vmem>>) semaphore(%arg15 : memref<!tpu.dma_semaphore, #tpu.memory_space<semaphore_mem>>) {add = true}
    %dma_wait3A_147 = arith.constant 40 : i32
    %dma_wait3A_148 = arith.constant 0 : i32
    %dma_wait3A_149 = tpu.memref_slice %arg8[%dma_wait3A_147, %dma_wait3A_148] : memref<80x128xi32, #tpu.memory_space<vmem>> -> memref<1x128xi32, #tpu.memory_space<vmem>>
    %dma_wait3A_150 = tpu.memref_squeeze %dma_wait3A_149 : memref<1x128xi32, #tpu.memory_space<vmem>> -> memref<128xi32, #tpu.memory_space<vmem>>
    %dma_wait3A_151 = arith.constant 0 : i32
    %dma_wait3A_152 = arith.constant 0 : i32
    %dma_wait3A_153 = tpu.memref_slice %arg11[%dma_wait3A_151, %dma_wait3A_152] : memref<10240x128xf32, #tpu.memory_space<vmem_shared>> -> memref<10240x128xf32, #tpu.memory_space<vmem_shared>>
    tpu.wait_indirect_dma semaphore(%arg14 : memref<!tpu.dma_semaphore, #tpu.memory_space<semaphore_mem>>) src(%arg9 : memref<128x128xf32, #tpu.memory_space<vmem>>) dst(%dma_wait3A_153 : memref<10240x128xf32, #tpu.memory_space<vmem_shared>>)
    %multiple_of3A_154 = arith.constant 256 : i32
    %multiple_of3A_155 = tpu.assume_multiple %multiple_of3A_154, 8 : i32
    %dma_start3A_156 = tpu.memref_slice %arg7[%multiple_of3A_155] : memref<5120xi32, #tpu.memory_space<vmem>> -> memref<128xi32, #tpu.memory_space<vmem>>
    %dma_start3A_157 = arith.constant 0 : i32
    %dma_start3A_158 = arith.constant 0 : i32
    %dma_start3A_159 = tpu.memref_slice %arg2[%dma_start3A_157, %dma_start3A_158] : memref<10240x128xf32, #tpu.memory_space<hbm>> -> memref<10240x128xf32, #tpu.memory_space<hbm>>
    tpu.enqueue_indirect_dma source(%dma_start3A_159 : memref<10240x128xf32, #tpu.memory_space<hbm>>) target(%arg9 : memref<128x128xf32, #tpu.memory_space<vmem>>) offsets(%dma_start3A_156 : memref<128xi32, #tpu.memory_space<vmem>>) semaphore(%arg12 : memref<!tpu.dma_semaphore, #tpu.memory_space<semaphore_mem>>)
    %scan3A_160 = arith.constant 0 : i32
    %scan3A_161 = arith.constant 1 : i32
    %scan3A_162 = arith.constant 18 : i32
    %scan3A_163 = arith.addi %scan3A_161, %scan3A_162 : i32
    %scan3A_164 = arith.constant 1 : i32
    scf.for %scan3A_223 = %scan3A_161 to %scan3A_163 step %scan3A_164  : i32 {
      %mul3A_224 = arith.constant 2 : i32
      %mul3A_225 = arith.muli %mul3A_224, %scan3A_223 : i32
      %add3A_226 = arith.constant 0 : i32
      %add3A_227 = arith.addi %mul3A_225, %add3A_226 : i32
      %mul3A_228 = arith.constant 128 : i32
      %mul3A_229 = arith.muli %add3A_227, %mul3A_228 : i32
      %multiple_of3A_230 = tpu.assume_multiple %mul3A_229, 8 : i32
      %dma_wait3A_231 = tpu.memref_slice %arg7[%multiple_of3A_230] : memref<5120xi32, #tpu.memory_space<vmem>> -> memref<128xi32, #tpu.memory_space<vmem>>
      %dma_wait3A_232 = arith.constant 0 : i32
      %dma_wait3A_233 = arith.constant 0 : i32
      %dma_wait3A_234 = tpu.memref_slice %arg2[%dma_wait3A_232, %dma_wait3A_233] : memref<10240x128xf32, #tpu.memory_space<hbm>> -> memref<10240x128xf32, #tpu.memory_space<hbm>>
      tpu.wait_indirect_dma semaphore(%arg12 : memref<!tpu.dma_semaphore, #tpu.memory_space<semaphore_mem>>) src(%dma_wait3A_234 : memref<10240x128xf32, #tpu.memory_space<hbm>>) dst(%arg9 : memref<128x128xf32, #tpu.memory_space<vmem>>)
      %add3A_235 = arith.constant 40 : i32
      %add3A_236 = arith.addi %add3A_235, %add3A_227 : i32
      %dma_start3A_237 = arith.constant 0 : i32
      %dma_start3A_238 = tpu.memref_slice %arg8[%add3A_236, %dma_start3A_237] : memref<80x128xi32, #tpu.memory_space<vmem>> -> memref<1x128xi32, #tpu.memory_space<vmem>>
      %dma_start3A_239 = tpu.memref_squeeze %dma_start3A_238 : memref<1x128xi32, #tpu.memory_space<vmem>> -> memref<128xi32, #tpu.memory_space<vmem>>
      %dma_start3A_240 = arith.constant 0 : i32
      %dma_start3A_241 = arith.constant 0 : i32
      %dma_start3A_242 = tpu.memref_slice %arg11[%dma_start3A_240, %dma_start3A_241] : memref<10240x128xf32, #tpu.memory_space<vmem_shared>> -> memref<10240x128xf32, #tpu.memory_space<vmem_shared>>
      tpu.enqueue_indirect_dma source(%arg9 : memref<128x128xf32, #tpu.memory_space<vmem>>) target(%dma_start3A_242 : memref<10240x128xf32, #tpu.memory_space<vmem_shared>>) offsets(%dma_start3A_239 : memref<128xi32, #tpu.memory_space<vmem>>) semaphore(%arg14 : memref<!tpu.dma_semaphore, #tpu.memory_space<semaphore_mem>>) {add = true}
      %add3A_243 = arith.constant 40 : i32
      %add3A_244 = arith.addi %add3A_243, %add3A_227 : i32
      %sub3A = arith.constant 1 : i32
      %sub3A_245 = arith.subi %add3A_244, %sub3A : i32
      %dma_wait3A_246 = arith.constant 0 : i32
      %dma_wait3A_247 = tpu.memref_slice %arg8[%sub3A_245, %dma_wait3A_246] : memref<80x128xi32, #tpu.memory_space<vmem>> -> memref<1x128xi32, #tpu.memory_space<vmem>>
      %dma_wait3A_248 = tpu.memref_squeeze %dma_wait3A_247 : memref<1x128xi32, #tpu.memory_space<vmem>> -> memref<128xi32, #tpu.memory_space<vmem>>
      %dma_wait3A_249 = arith.constant 0 : i32
      %dma_wait3A_250 = arith.constant 0 : i32
      %dma_wait3A_251 = tpu.memref_slice %arg11[%dma_wait3A_249, %dma_wait3A_250] : memref<10240x128xf32, #tpu.memory_space<vmem_shared>> -> memref<10240x128xf32, #tpu.memory_space<vmem_shared>>
      tpu.wait_indirect_dma semaphore(%arg15 : memref<!tpu.dma_semaphore, #tpu.memory_space<semaphore_mem>>) src(%arg10 : memref<128x128xf32, #tpu.memory_space<vmem>>) dst(%dma_wait3A_251 : memref<10240x128xf32, #tpu.memory_space<vmem_shared>>)
      %add3A_252 = arith.constant 1 : i32
      %add3A_253 = arith.addi %add3A_227, %add3A_252 : i32
      %mul3A_254 = arith.constant 128 : i32
      %mul3A_255 = arith.muli %add3A_253, %mul3A_254 : i32
      %multiple_of3A_256 = tpu.assume_multiple %mul3A_255, 8 : i32
      %dma_start3A_257 = tpu.memref_slice %arg7[%multiple_of3A_256] : memref<5120xi32, #tpu.memory_space<vmem>> -> memref<128xi32, #tpu.memory_space<vmem>>
      %dma_start3A_258 = arith.constant 0 : i32
      %dma_start3A_259 = arith.constant 0 : i32
      %dma_start3A_260 = tpu.memref_slice %arg2[%dma_start3A_258, %dma_start3A_259] : memref<10240x128xf32, #tpu.memory_space<hbm>> -> memref<10240x128xf32, #tpu.memory_space<hbm>>
      tpu.enqueue_indirect_dma source(%dma_start3A_260 : memref<10240x128xf32, #tpu.memory_space<hbm>>) target(%arg10 : memref<128x128xf32, #tpu.memory_space<vmem>>) offsets(%dma_start3A_257 : memref<128xi32, #tpu.memory_space<vmem>>) semaphore(%arg13 : memref<!tpu.dma_semaphore, #tpu.memory_space<semaphore_mem>>)
      %mul3A_261 = arith.constant 2 : i32
      %mul3A_262 = arith.muli %mul3A_261, %scan3A_223 : i32
      %add3A_263 = arith.constant 1 : i32
      %add3A_264 = arith.addi %mul3A_262, %add3A_263 : i32
      %mul3A_265 = arith.constant 128 : i32
      %mul3A_266 = arith.muli %add3A_264, %mul3A_265 : i32
      %multiple_of3A_267 = tpu.assume_multiple %mul3A_266, 8 : i32
      %dma_wait3A_268 = tpu.memref_slice %arg7[%multiple_of3A_267] : memref<5120xi32, #tpu.memory_space<vmem>> -> memref<128xi32, #tpu.memory_space<vmem>>
      %dma_wait3A_269 = arith.constant 0 : i32
      %dma_wait3A_270 = arith.constant 0 : i32
      %dma_wait3A_271 = tpu.memref_slice %arg2[%dma_wait3A_269, %dma_wait3A_270] : memref<10240x128xf32, #tpu.memory_space<hbm>> -> memref<10240x128xf32, #tpu.memory_space<hbm>>
      tpu.wait_indirect_dma semaphore(%arg13 : memref<!tpu.dma_semaphore, #tpu.memory_space<semaphore_mem>>) src(%dma_wait3A_271 : memref<10240x128xf32, #tpu.memory_space<hbm>>) dst(%arg10 : memref<128x128xf32, #tpu.memory_space<vmem>>)
      %add3A_272 = arith.constant 40 : i32
      %add3A_273 = arith.addi %add3A_272, %add3A_264 : i32
      %dma_start3A_274 = arith.constant 0 : i32
      %dma_start3A_275 = tpu.memref_slice %arg8[%add3A_273, %dma_start3A_274] : memref<80x128xi32, #tpu.memory_space<vmem>> -> memref<1x128xi32, #tpu.memory_space<vmem>>
      %dma_start3A_276 = tpu.memref_squeeze %dma_start3A_275 : memref<1x128xi32, #tpu.memory_space<vmem>> -> memref<128xi32, #tpu.memory_space<vmem>>
      %dma_start3A_277 = arith.constant 0 : i32
      %dma_start3A_278 = arith.constant 0 : i32
      %dma_start3A_279 = tpu.memref_slice %arg11[%dma_start3A_277, %dma_start3A_278] : memref<10240x128xf32, #tpu.memory_space<vmem_shared>> -> memref<10240x128xf32, #tpu.memory_space<vmem_shared>>
      tpu.enqueue_indirect_dma source(%arg10 : memref<128x128xf32, #tpu.memory_space<vmem>>) target(%dma_start3A_279 : memref<10240x128xf32, #tpu.memory_space<vmem_shared>>) offsets(%dma_start3A_276 : memref<128xi32, #tpu.memory_space<vmem>>) semaphore(%arg15 : memref<!tpu.dma_semaphore, #tpu.memory_space<semaphore_mem>>) {add = true}
      %add3A_280 = arith.constant 40 : i32
      %add3A_281 = arith.addi %add3A_280, %add3A_264 : i32
      %sub3A_282 = arith.constant 1 : i32
      %sub3A_283 = arith.subi %add3A_281, %sub3A_282 : i32
      %dma_wait3A_284 = arith.constant 0 : i32
      %dma_wait3A_285 = tpu.memref_slice %arg8[%sub3A_283, %dma_wait3A_284] : memref<80x128xi32, #tpu.memory_space<vmem>> -> memref<1x128xi32, #tpu.memory_space<vmem>>
      %dma_wait3A_286 = tpu.memref_squeeze %dma_wait3A_285 : memref<1x128xi32, #tpu.memory_space<vmem>> -> memref<128xi32, #tpu.memory_space<vmem>>
      %dma_wait3A_287 = arith.constant 0 : i32
      %dma_wait3A_288 = arith.constant 0 : i32
      %dma_wait3A_289 = tpu.memref_slice %arg11[%dma_wait3A_287, %dma_wait3A_288] : memref<10240x128xf32, #tpu.memory_space<vmem_shared>> -> memref<10240x128xf32, #tpu.memory_space<vmem_shared>>
      tpu.wait_indirect_dma semaphore(%arg14 : memref<!tpu.dma_semaphore, #tpu.memory_space<semaphore_mem>>) src(%arg9 : memref<128x128xf32, #tpu.memory_space<vmem>>) dst(%dma_wait3A_289 : memref<10240x128xf32, #tpu.memory_space<vmem_shared>>)
      %add3A_290 = arith.constant 1 : i32
      %add3A_291 = arith.addi %add3A_264, %add3A_290 : i32
      %mul3A_292 = arith.constant 128 : i32
      %mul3A_293 = arith.muli %add3A_291, %mul3A_292 : i32
      %multiple_of3A_294 = tpu.assume_multiple %mul3A_293, 8 : i32
      %dma_start3A_295 = tpu.memref_slice %arg7[%multiple_of3A_294] : memref<5120xi32, #tpu.memory_space<vmem>> -> memref<128xi32, #tpu.memory_space<vmem>>
      %dma_start3A_296 = arith.constant 0 : i32
      %dma_start3A_297 = arith.constant 0 : i32
      %dma_start3A_298 = tpu.memref_slice %arg2[%dma_start3A_296, %dma_start3A_297] : memref<10240x128xf32, #tpu.memory_space<hbm>> -> memref<10240x128xf32, #tpu.memory_space<hbm>>
      tpu.enqueue_indirect_dma source(%dma_start3A_298 : memref<10240x128xf32, #tpu.memory_space<hbm>>) target(%arg9 : memref<128x128xf32, #tpu.memory_space<vmem>>) offsets(%dma_start3A_295 : memref<128xi32, #tpu.memory_space<vmem>>) semaphore(%arg12 : memref<!tpu.dma_semaphore, #tpu.memory_space<semaphore_mem>>)
    }
    %scan3A_165 = arith.constant 18 : i32
    %multiple_of3A_166 = arith.constant 4864 : i32
    %multiple_of3A_167 = tpu.assume_multiple %multiple_of3A_166, 8 : i32
    %dma_wait3A_168 = tpu.memref_slice %arg7[%multiple_of3A_167] : memref<5120xi32, #tpu.memory_space<vmem>> -> memref<128xi32, #tpu.memory_space<vmem>>
    %dma_wait3A_169 = arith.constant 0 : i32
    %dma_wait3A_170 = arith.constant 0 : i32
    %dma_wait3A_171 = tpu.memref_slice %arg2[%dma_wait3A_169, %dma_wait3A_170] : memref<10240x128xf32, #tpu.memory_space<hbm>> -> memref<10240x128xf32, #tpu.memory_space<hbm>>
    tpu.wait_indirect_dma semaphore(%arg12 : memref<!tpu.dma_semaphore, #tpu.memory_space<semaphore_mem>>) src(%dma_wait3A_171 : memref<10240x128xf32, #tpu.memory_space<hbm>>) dst(%arg9 : memref<128x128xf32, #tpu.memory_space<vmem>>)
    %dma_start3A_172 = arith.constant 78 : i32
    %dma_start3A_173 = arith.constant 0 : i32
    %dma_start3A_174 = tpu.memref_slice %arg8[%dma_start3A_172, %dma_start3A_173] : memref<80x128xi32, #tpu.memory_space<vmem>> -> memref<1x128xi32, #tpu.memory_space<vmem>>
    %dma_start3A_175 = tpu.memref_squeeze %dma_start3A_174 : memref<1x128xi32, #tpu.memory_space<vmem>> -> memref<128xi32, #tpu.memory_space<vmem>>
    %dma_start3A_176 = arith.constant 0 : i32
    %dma_start3A_177 = arith.constant 0 : i32
    %dma_start3A_178 = tpu.memref_slice %arg11[%dma_start3A_176, %dma_start3A_177] : memref<10240x128xf32, #tpu.memory_space<vmem_shared>> -> memref<10240x128xf32, #tpu.memory_space<vmem_shared>>
    tpu.enqueue_indirect_dma source(%arg9 : memref<128x128xf32, #tpu.memory_space<vmem>>) target(%dma_start3A_178 : memref<10240x128xf32, #tpu.memory_space<vmem_shared>>) offsets(%dma_start3A_175 : memref<128xi32, #tpu.memory_space<vmem>>) semaphore(%arg14 : memref<!tpu.dma_semaphore, #tpu.memory_space<semaphore_mem>>) {add = true}
    %dma_wait3A_179 = arith.constant 77 : i32
    %dma_wait3A_180 = arith.constant 0 : i32
    %dma_wait3A_181 = tpu.memref_slice %arg8[%dma_wait3A_179, %dma_wait3A_180] : memref<80x128xi32, #tpu.memory_space<vmem>> -> memref<1x128xi32, #tpu.memory_space<vmem>>
    %dma_wait3A_182 = tpu.memref_squeeze %dma_wait3A_181 : memref<1x128xi32, #tpu.memory_space<vmem>> -> memref<128xi32, #tpu.memory_space<vmem>>
    %dma_wait3A_183 = arith.constant 0 : i32
    %dma_wait3A_184 = arith.constant 0 : i32
    %dma_wait3A_185 = tpu.memref_slice %arg11[%dma_wait3A_183, %dma_wait3A_184] : memref<10240x128xf32, #tpu.memory_space<vmem_shared>> -> memref<10240x128xf32, #tpu.memory_space<vmem_shared>>
    tpu.wait_indirect_dma semaphore(%arg15 : memref<!tpu.dma_semaphore, #tpu.memory_space<semaphore_mem>>) src(%arg10 : memref<128x128xf32, #tpu.memory_space<vmem>>) dst(%dma_wait3A_185 : memref<10240x128xf32, #tpu.memory_space<vmem_shared>>)
    %multiple_of3A_186 = arith.constant 4992 : i32
    %multiple_of3A_187 = tpu.assume_multiple %multiple_of3A_186, 8 : i32
    %dma_start3A_188 = tpu.memref_slice %arg7[%multiple_of3A_187] : memref<5120xi32, #tpu.memory_space<vmem>> -> memref<128xi32, #tpu.memory_space<vmem>>
    %dma_start3A_189 = arith.constant 0 : i32
    %dma_start3A_190 = arith.constant 0 : i32
    %dma_start3A_191 = tpu.memref_slice %arg2[%dma_start3A_189, %dma_start3A_190] : memref<10240x128xf32, #tpu.memory_space<hbm>> -> memref<10240x128xf32, #tpu.memory_space<hbm>>
    tpu.enqueue_indirect_dma source(%dma_start3A_191 : memref<10240x128xf32, #tpu.memory_space<hbm>>) target(%arg10 : memref<128x128xf32, #tpu.memory_space<vmem>>) offsets(%dma_start3A_188 : memref<128xi32, #tpu.memory_space<vmem>>) semaphore(%arg13 : memref<!tpu.dma_semaphore, #tpu.memory_space<semaphore_mem>>)
    %multiple_of3A_192 = arith.constant 4992 : i32
    %multiple_of3A_193 = tpu.assume_multiple %multiple_of3A_192, 8 : i32
    %dma_wait3A_194 = tpu.memref_slice %arg7[%multiple_of3A_193] : memref<5120xi32, #tpu.memory_space<vmem>> -> memref<128xi32, #tpu.memory_space<vmem>>
    %dma_wait3A_195 = arith.constant 0 : i32
    %dma_wait3A_196 = arith.constant 0 : i32
    %dma_wait3A_197 = tpu.memref_slice %arg2[%dma_wait3A_195, %dma_wait3A_196] : memref<10240x128xf32, #tpu.memory_space<hbm>> -> memref<10240x128xf32, #tpu.memory_space<hbm>>
    tpu.wait_indirect_dma semaphore(%arg13 : memref<!tpu.dma_semaphore, #tpu.memory_space<semaphore_mem>>) src(%dma_wait3A_197 : memref<10240x128xf32, #tpu.memory_space<hbm>>) dst(%arg10 : memref<128x128xf32, #tpu.memory_space<vmem>>)
    %dma_start3A_198 = arith.constant 79 : i32
    %dma_start3A_199 = arith.constant 0 : i32
    %dma_start3A_200 = tpu.memref_slice %arg8[%dma_start3A_198, %dma_start3A_199] : memref<80x128xi32, #tpu.memory_space<vmem>> -> memref<1x128xi32, #tpu.memory_space<vmem>>
    %dma_start3A_201 = tpu.memref_squeeze %dma_start3A_200 : memref<1x128xi32, #tpu.memory_space<vmem>> -> memref<128xi32, #tpu.memory_space<vmem>>
    %dma_start3A_202 = arith.constant 0 : i32
    %dma_start3A_203 = arith.constant 0 : i32
    %dma_start3A_204 = tpu.memref_slice %arg11[%dma_start3A_202, %dma_start3A_203] : memref<10240x128xf32, #tpu.memory_space<vmem_shared>> -> memref<10240x128xf32, #tpu.memory_space<vmem_shared>>
    tpu.enqueue_indirect_dma source(%arg10 : memref<128x128xf32, #tpu.memory_space<vmem>>) target(%dma_start3A_204 : memref<10240x128xf32, #tpu.memory_space<vmem_shared>>) offsets(%dma_start3A_201 : memref<128xi32, #tpu.memory_space<vmem>>) semaphore(%arg15 : memref<!tpu.dma_semaphore, #tpu.memory_space<semaphore_mem>>) {add = true}
    %dma_wait3A_205 = arith.constant 78 : i32
    %dma_wait3A_206 = arith.constant 0 : i32
    %dma_wait3A_207 = tpu.memref_slice %arg8[%dma_wait3A_205, %dma_wait3A_206] : memref<80x128xi32, #tpu.memory_space<vmem>> -> memref<1x128xi32, #tpu.memory_space<vmem>>
    %dma_wait3A_208 = tpu.memref_squeeze %dma_wait3A_207 : memref<1x128xi32, #tpu.memory_space<vmem>> -> memref<128xi32, #tpu.memory_space<vmem>>
    %dma_wait3A_209 = arith.constant 0 : i32
    %dma_wait3A_210 = arith.constant 0 : i32
    %dma_wait3A_211 = tpu.memref_slice %arg11[%dma_wait3A_209, %dma_wait3A_210] : memref<10240x128xf32, #tpu.memory_space<vmem_shared>> -> memref<10240x128xf32, #tpu.memory_space<vmem_shared>>
    tpu.wait_indirect_dma semaphore(%arg14 : memref<!tpu.dma_semaphore, #tpu.memory_space<semaphore_mem>>) src(%arg9 : memref<128x128xf32, #tpu.memory_space<vmem>>) dst(%dma_wait3A_211 : memref<10240x128xf32, #tpu.memory_space<vmem_shared>>)
    %dma_wait3A_212 = arith.constant 79 : i32
    %dma_wait3A_213 = arith.constant 0 : i32
    %dma_wait3A_214 = tpu.memref_slice %arg8[%dma_wait3A_212, %dma_wait3A_213] : memref<80x128xi32, #tpu.memory_space<vmem>> -> memref<1x128xi32, #tpu.memory_space<vmem>>
    %dma_wait3A_215 = tpu.memref_squeeze %dma_wait3A_214 : memref<1x128xi32, #tpu.memory_space<vmem>> -> memref<128xi32, #tpu.memory_space<vmem>>
    %dma_wait3A_216 = arith.constant 0 : i32
    %dma_wait3A_217 = arith.constant 0 : i32
    %dma_wait3A_218 = tpu.memref_slice %arg11[%dma_wait3A_216, %dma_wait3A_217] : memref<10240x128xf32, #tpu.memory_space<vmem_shared>> -> memref<10240x128xf32, #tpu.memory_space<vmem_shared>>
    tpu.wait_indirect_dma semaphore(%arg15 : memref<!tpu.dma_semaphore, #tpu.memory_space<semaphore_mem>>) src(%arg10 : memref<128x128xf32, #tpu.memory_space<vmem>>) dst(%dma_wait3A_218 : memref<10240x128xf32, #tpu.memory_space<vmem_shared>>)
    %barrier3A_219 = arith.constant 0 : index
    tpu.barrier barrier_id(%barrier3A_219)
    %mul3A_220 = arith.constant 10240 : i32
    %mul3A_221 = arith.muli %arg0, %mul3A_220 : i32
    %add3A_222 = arith.addi %mul3A_221, %mul3A_2 : i32
    "tpu.region"() ({
      %run_scoped3A = tpu.sem_alloc : memref<!tpu.dma_semaphore, #tpu.memory_space<semaphore_mem>>
      %dma_start3A_223 = arith.constant 0 : i32
      %dma_start3A_224 = tpu.memref_slice %arg6[%add3A_222, %dma_start3A_223] : memref<20480x128xf32, #tpu.memory_space<hbm>> -> memref<640x128xf32, #tpu.memory_space<hbm>>
      %dma_start3A_225 = arith.constant 0 : i32
      %dma_start3A_226 = tpu.memref_slice %arg11[%mul3A_2, %dma_start3A_225] : memref<10240x128xf32, #tpu.memory_space<vmem_shared>> -> memref<640x128xf32, #tpu.memory_space<vmem_shared>>
      tpu.enqueue_dma source(%dma_start3A_226 : memref<640x128xf32, #tpu.memory_space<vmem_shared>>) target(%dma_start3A_224 : memref<640x128xf32, #tpu.memory_space<hbm>>) target_semaphore(%run_scoped3A : memref<!tpu.dma_semaphore, #tpu.memory_space<semaphore_mem>>)
      %dma_wait3A_227 = arith.constant 0 : i32
      %dma_wait3A_228 = tpu.memref_slice %arg6[%add3A_222, %dma_wait3A_227] : memref<20480x128xf32, #tpu.memory_space<hbm>> -> memref<640x128xf32, #tpu.memory_space<hbm>>
      %dma_wait3A_229 = arith.constant 0 : i32
      %dma_wait3A_230 = tpu.memref_slice %arg11[%mul3A_2, %dma_wait3A_229] : memref<10240x128xf32, #tpu.memory_space<vmem_shared>> -> memref<640x128xf32, #tpu.memory_space<vmem_shared>>
      tpu.wait_dma2 semaphore(%run_scoped3A : memref<!tpu.dma_semaphore, #tpu.memory_space<semaphore_mem>>) src(%dma_wait3A_230 : memref<640x128xf32, #tpu.memory_space<vmem_shared>>) dst(%dma_wait3A_228 : memref<640x128xf32, #tpu.memory_space<hbm>>)
      tpu.yield
    }) : () -> ()
    return
  }
}

module attributes {stable_mosaic.version = 14 : i64} {
  func.func @_tc1_body(%arg0: memref<10240x128xf32, #tpu.memory_space<vmem>>, %arg1: memref<128x128xf32, #tpu.memory_space<vmem>>, %arg2: memref<10240x1xf32, #tpu.memory_space<vmem>>, %arg3: memref<10240x1xf32, #tpu.memory_space<vmem>>, %arg4: memref<10240x128xf32, #tpu.memory_space<vmem>>, %arg5: memref<10240x128xf32, #tpu.memory_space<vmem>>) attributes {dimension_semantics = [], scalar_prefetch = 0 : i64, scratch_operands = 0 : i64, tpu.core_type = #tpu.core_type<tc>} {
    %get3A = arith.constant 0 : index
    %get3A_0 = arith.constant 0 : index
    %get3A_1 = vector.load %arg2[%get3A, %get3A_0] : memref<10240x1xf32, #tpu.memory_space<vmem>>, vector<10240x1xf32>
    %get3A_2 = arith.constant 0 : index
    %get3A_3 = arith.constant 0 : index
    %get3A_4 = vector.load %arg3[%get3A_2, %get3A_3] : memref<10240x1xf32, #tpu.memory_space<vmem>>, vector<10240x1xf32>
    %add3A = arith.addf %get3A_1, %get3A_4 : vector<10240x1xf32>
    %add3A_5 = arith.constant 1.000000e+00 : f32
    %add3A_6 = vector.broadcast %add3A_5 : f32 to vector<10240x1xf32>
    %add3A_7 = arith.addf %add3A, %add3A_6 : vector<10240x1xf32>
    %max3A = arith.constant 1.000000e+00 : f32
    %max3A_8 = vector.broadcast %max3A : f32 to vector<10240x1xf32>
    %max3A_9 = arith.maximumf %add3A_7, %max3A_8 : vector<10240x1xf32>
    %rsqrt3A = math.rsqrt %max3A_9 : vector<10240x1xf32>
    %get3A_10 = arith.constant 0 : index
    %get3A_11 = arith.constant 0 : index
    %get3A_12 = vector.load %arg0[%get3A_10, %get3A_11] : memref<10240x128xf32, #tpu.memory_space<vmem>>, vector<10240x128xf32>
    %get3A_13 = arith.constant 0 : index
    %get3A_14 = arith.constant 0 : index
    %get3A_15 = vector.load %arg1[%get3A_13, %get3A_14] : memref<128x128xf32, #tpu.memory_space<vmem>>, vector<128x128xf32>
    %dot_general3A = arith.constant dense<0.000000e+00> : vector<10240x128xf32>
    %dot_general3A_16 = tpu.matmul %get3A_12, %get3A_15, %dot_general3A {dimension_numbers = #tpu.dot_dimension_numbers<[1], [0], [0], [1], [0, 0, 1, 1], [], []>, transpose_lhs_hint = false} : vector<10240x128xf32>, vector<128x128xf32>, vector<10240x128xf32> -> vector<10240x128xf32>
    %mul3A = vector.broadcast %rsqrt3A : vector<10240x1xf32> to vector<10240x128xf32>
    %mul3A_17 = arith.mulf %dot_general3A_16, %mul3A : vector<10240x128xf32>
    %swap3A = arith.constant 0 : index
    %swap3A_18 = arith.constant 0 : index
    %swap3A_19 = vector.load %arg4[%swap3A, %swap3A_18] : memref<10240x128xf32, #tpu.memory_space<vmem>>, vector<10240x128xf32>
    tpu.vector_store %arg4[%swap3A, %swap3A_18], %mul3A_17 {strides = array<i32>} : memref<10240x128xf32, #tpu.memory_space<vmem>>, vector<10240x128xf32>,
    %broadcast_in_dim3A = vector.shape_cast %rsqrt3A : vector<10240x1xf32> to vector<10240x1xf32>
    %broadcast_in_dim3A_20 = vector.broadcast %broadcast_in_dim3A : vector<10240x1xf32> to vector<10240x128xf32>
    %swap3A_21 = arith.constant 0 : index
    %swap3A_22 = arith.constant 0 : index
    %swap3A_23 = vector.load %arg5[%swap3A_21, %swap3A_22] : memref<10240x128xf32, #tpu.memory_space<vmem>>, vector<10240x128xf32>
    tpu.vector_store %arg5[%swap3A_21, %swap3A_22], %broadcast_in_dim3A_20 {strides = array<i32>} : memref<10240x128xf32, #tpu.memory_space<vmem>>, vector<10240x128xf32>,
    return
  }
}

module attributes {stable_mosaic.version = 14 : i64} {
  func.func @_tc2_body(%arg0: memref<20480x128xf32, #tpu.memory_space<vmem>>, %arg1: memref<10240x128xf32, #tpu.memory_space<vmem>>, %arg2: memref<10240x128xf32, #tpu.memory_space<vmem>>, %arg3: memref<128x128xf32, #tpu.memory_space<vmem>>, %arg4: memref<1x128xf32, #tpu.memory_space<vmem>>, %arg5: memref<1x128xf32, #tpu.memory_space<vmem>>, %arg6: memref<1x128xf32, #tpu.memory_space<vmem>>, %arg7: memref<10240x128xf32, #tpu.memory_space<vmem>>) attributes {dimension_semantics = [], scalar_prefetch = 0 : i64, scratch_operands = 0 : i64, tpu.core_type = #tpu.core_type<tc>} {
    %iota3A = tpu.iota {dimensions = array<i32: 0>} : vector<10240x1xi32>
    %lt3A = arith.constant 10000 : i32
    %lt3A_0 = vector.broadcast %lt3A : i32 to vector<10240x1xi32>
    %lt3A_1 = arith.cmpi slt, %iota3A, %lt3A_0 : vector<10240x1xi32>
    %get3A = arith.constant 0 : index
    %get3A_2 = arith.constant 0 : index
    %get3A_3 = vector.load %arg0[%get3A, %get3A_2] : memref<20480x128xf32, #tpu.memory_space<vmem>>, vector<10240x128xf32>
    %get3A_4 = arith.constant 10240 : index
    %get3A_5 = arith.constant 0 : index
    %get3A_6 = vector.load %arg0[%get3A_4, %get3A_5] : memref<20480x128xf32, #tpu.memory_space<vmem>>, vector<10240x128xf32>
    %add3A = arith.addf %get3A_3, %get3A_6 : vector<10240x128xf32>
    %get3A_7 = arith.constant 0 : index
    %get3A_8 = arith.constant 0 : index
    %get3A_9 = vector.load %arg1[%get3A_7, %get3A_8] : memref<10240x128xf32, #tpu.memory_space<vmem>>, vector<10240x128xf32>
    %add3A_10 = arith.addf %add3A, %get3A_9 : vector<10240x128xf32>
    %get3A_11 = arith.constant 0 : index
    %get3A_12 = arith.constant 0 : index
    %get3A_13 = vector.load %arg2[%get3A_11, %get3A_12] : memref<10240x128xf32, #tpu.memory_space<vmem>>, vector<10240x128xf32>
    %mul3A = arith.mulf %get3A_13, %add3A_10 : vector<10240x128xf32>
    %get3A_14 = arith.constant 0 : index
    %get3A_15 = arith.constant 0 : index
    %get3A_16 = vector.load %arg4[%get3A_14, %get3A_15] : memref<1x128xf32, #tpu.memory_space<vmem>>, vector<1x128xf32>
    %add3A_17 = vector.broadcast %get3A_16 : vector<1x128xf32> to vector<10240x128xf32>
    %add3A_18 = arith.addf %mul3A, %add3A_17 : vector<10240x128xf32>
    %get3A_19 = arith.constant 0 : index
    %get3A_20 = arith.constant 0 : index
    %get3A_21 = vector.load %arg5[%get3A_19, %get3A_20] : memref<1x128xf32, #tpu.memory_space<vmem>>, vector<1x128xf32>
    %get3A_22 = arith.constant 0 : index
    %get3A_23 = arith.constant 0 : index
    %get3A_24 = vector.load %arg6[%get3A_22, %get3A_23] : memref<1x128xf32, #tpu.memory_space<vmem>>, vector<1x128xf32>
    %jit3A = arith.constant 0.000000e+00 : f32
    %broadcast_in_dim3A = vector.shape_cast %lt3A_1 : vector<10240x1xi1> to vector<10240x1xi1>
    %broadcast_in_dim3A_25 = vector.broadcast %broadcast_in_dim3A : vector<10240x1xi1> to vector<10240x128xi1>
    %broadcast_in_dim3A_26 = vector.broadcast %jit3A : f32 to vector<10240x128xf32>
    %select_n3A = arith.select %broadcast_in_dim3A_25, %add3A_18, %broadcast_in_dim3A_26 : vector<10240x128xi1>, vector<10240x128xf32>
    %reduce_sum3A = arith.constant dense<0.000000e+00> : vector<128xf32>
    %reduce_sum3A_27 = vector.multi_reduction <add>, %select_n3A, %reduce_sum3A [0] : vector<10240x128xf32> to vector<128xf32>
    %broadcast_in_dim3A_28 = vector.shape_cast %reduce_sum3A_27 : vector<128xf32> to vector<1x128xf32>
    %div3A = arith.constant 1.000000e+04 : f32
    %div3A_29 = vector.broadcast %div3A : f32 to vector<1x128xf32>
    %div3A_30 = arith.divf %broadcast_in_dim3A_28, %div3A_29 : vector<1x128xf32>
    %sub3A = vector.broadcast %div3A_30 : vector<1x128xf32> to vector<10240x128xf32>
    %sub3A_31 = arith.subf %add3A_18, %sub3A : vector<10240x128xf32>
    %jit3A_32 = arith.constant 0.000000e+00 : f32
    %broadcast_in_dim3A_33 = vector.shape_cast %lt3A_1 : vector<10240x1xi1> to vector<10240x1xi1>
    %broadcast_in_dim3A_34 = vector.broadcast %broadcast_in_dim3A_33 : vector<10240x1xi1> to vector<10240x128xi1>
    %broadcast_in_dim3A_35 = vector.broadcast %jit3A_32 : f32 to vector<10240x128xf32>
    %select_n3A_36 = arith.select %broadcast_in_dim3A_34, %sub3A_31, %broadcast_in_dim3A_35 : vector<10240x128xi1>, vector<10240x128xf32>
    %mul3A_37 = arith.mulf %select_n3A_36, %select_n3A_36 : vector<10240x128xf32>
    %reduce_sum3A_38 = arith.constant dense<0.000000e+00> : vector<128xf32>
    %reduce_sum3A_39 = vector.multi_reduction <add>, %mul3A_37, %reduce_sum3A_38 [0] : vector<10240x128xf32> to vector<128xf32>
    %broadcast_in_dim3A_40 = vector.shape_cast %reduce_sum3A_39 : vector<128xf32> to vector<1x128xf32>
    %div3A_41 = arith.constant 1.000000e+04 : f32
    %div3A_42 = vector.broadcast %div3A_41 : f32 to vector<1x128xf32>
    %div3A_43 = arith.divf %broadcast_in_dim3A_40, %div3A_42 : vector<1x128xf32>
    %mul3A_44 = vector.broadcast %get3A_21 : vector<1x128xf32> to vector<10240x128xf32>
    %mul3A_45 = arith.mulf %mul3A_44, %select_n3A_36 : vector<10240x128xf32>
    %add3A_46 = arith.constant 9.99999974E-6 : f32
    %add3A_47 = vector.broadcast %add3A_46 : f32 to vector<1x128xf32>
    %add3A_48 = arith.addf %div3A_43, %add3A_47 : vector<1x128xf32>
    %rsqrt3A = math.rsqrt %add3A_48 : vector<1x128xf32>
    %mul3A_49 = vector.broadcast %rsqrt3A : vector<1x128xf32> to vector<10240x128xf32>
    %mul3A_50 = arith.mulf %mul3A_45, %mul3A_49 : vector<10240x128xf32>
    %add3A_51 = vector.broadcast %get3A_24 : vector<1x128xf32> to vector<10240x128xf32>
    %add3A_52 = arith.addf %mul3A_50, %add3A_51 : vector<10240x128xf32>
    %max3A = arith.constant 0.000000e+00 : f32
    %max3A_53 = vector.broadcast %max3A : f32 to vector<10240x128xf32>
    %max3A_54 = arith.maximumf %add3A_52, %max3A_53 : vector<10240x128xf32>
    %jit3A_55 = arith.constant 0.000000e+00 : f32
    %broadcast_in_dim3A_56 = vector.shape_cast %lt3A_1 : vector<10240x1xi1> to vector<10240x1xi1>
    %broadcast_in_dim3A_57 = vector.broadcast %broadcast_in_dim3A_56 : vector<10240x1xi1> to vector<10240x128xi1>
    %broadcast_in_dim3A_58 = vector.broadcast %jit3A_55 : f32 to vector<10240x128xf32>
    %select_n3A_59 = arith.select %broadcast_in_dim3A_57, %max3A_54, %broadcast_in_dim3A_58 : vector<10240x128xi1>, vector<10240x128xf32>
    %get3A_60 = arith.constant 0 : index
    %get3A_61 = arith.constant 0 : index
    %get3A_62 = vector.load %arg2[%get3A_60, %get3A_61] : memref<10240x128xf32, #tpu.memory_space<vmem>>, vector<10240x128xf32>
    %get3A_63 = arith.constant 0 : index
    %get3A_64 = arith.constant 0 : index
    %get3A_65 = vector.load %arg3[%get3A_63, %get3A_64] : memref<128x128xf32, #tpu.memory_space<vmem>>, vector<128x128xf32>
    %dot_general3A = arith.constant dense<0.000000e+00> : vector<10240x128xf32>
    %dot_general3A_66 = tpu.matmul %select_n3A_59, %get3A_65, %dot_general3A {dimension_numbers = #tpu.dot_dimension_numbers<[1], [0], [0], [1], [0, 0, 1, 1], [], []>, transpose_lhs_hint = false} : vector<10240x128xf32>, vector<128x128xf32>, vector<10240x128xf32> -> vector<10240x128xf32>
    %mul3A_67 = arith.mulf %get3A_62, %dot_general3A_66 : vector<10240x128xf32>
    %swap3A = arith.constant 0 : index
    %swap3A_68 = arith.constant 0 : index
    %swap3A_69 = vector.load %arg7[%swap3A, %swap3A_68] : memref<10240x128xf32, #tpu.memory_space<vmem>>, vector<10240x128xf32>
    tpu.vector_store %arg7[%swap3A, %swap3A_68], %mul3A_67 {strides = array<i32>} : memref<10240x128xf32, #tpu.memory_space<vmem>>, vector<10240x128xf32>,
    return
  }
}

module attributes {stable_mosaic.version = 14 : i64} {
  func.func @_tc3_body(%arg0: memref<20480x128xf32, #tpu.memory_space<vmem>>, %arg1: memref<10240x128xf32, #tpu.memory_space<vmem>>, %arg2: memref<10240x128xf32, #tpu.memory_space<vmem>>, %arg3: memref<1x128xf32, #tpu.memory_space<vmem>>, %arg4: memref<1x128xf32, #tpu.memory_space<vmem>>, %arg5: memref<1x128xf32, #tpu.memory_space<vmem>>, %arg6: memref<10240x128xf32, #tpu.memory_space<vmem>>, %arg7: memref<10240x128xf32, #tpu.memory_space<vmem>>, %arg8: memref<10240x128xf32, #tpu.memory_space<vmem>>) attributes {dimension_semantics = [], scalar_prefetch = 0 : i64, scratch_operands = 0 : i64, tpu.core_type = #tpu.core_type<tc>} {
    %iota3A = tpu.iota {dimensions = array<i32: 0>} : vector<10240x1xi32>
    %lt3A = arith.constant 10000 : i32
    %lt3A_0 = vector.broadcast %lt3A : i32 to vector<10240x1xi32>
    %lt3A_1 = arith.cmpi slt, %iota3A, %lt3A_0 : vector<10240x1xi32>
    %get3A = arith.constant 0 : index
    %get3A_2 = arith.constant 0 : index
    %get3A_3 = vector.load %arg0[%get3A, %get3A_2] : memref<20480x128xf32, #tpu.memory_space<vmem>>, vector<10240x128xf32>
    %get3A_4 = arith.constant 10240 : index
    %get3A_5 = arith.constant 0 : index
    %get3A_6 = vector.load %arg0[%get3A_4, %get3A_5] : memref<20480x128xf32, #tpu.memory_space<vmem>>, vector<10240x128xf32>
    %add3A = arith.addf %get3A_3, %get3A_6 : vector<10240x128xf32>
    %get3A_7 = arith.constant 0 : index
    %get3A_8 = arith.constant 0 : index
    %get3A_9 = vector.load %arg1[%get3A_7, %get3A_8] : memref<10240x128xf32, #tpu.memory_space<vmem>>, vector<10240x128xf32>
    %add3A_10 = arith.addf %add3A, %get3A_9 : vector<10240x128xf32>
    %get3A_11 = arith.constant 0 : index
    %get3A_12 = arith.constant 0 : index
    %get3A_13 = vector.load %arg2[%get3A_11, %get3A_12] : memref<10240x128xf32, #tpu.memory_space<vmem>>, vector<10240x128xf32>
    %mul3A = arith.mulf %get3A_13, %add3A_10 : vector<10240x128xf32>
    %get3A_14 = arith.constant 0 : index
    %get3A_15 = arith.constant 0 : index
    %get3A_16 = vector.load %arg3[%get3A_14, %get3A_15] : memref<1x128xf32, #tpu.memory_space<vmem>>, vector<1x128xf32>
    %add3A_17 = vector.broadcast %get3A_16 : vector<1x128xf32> to vector<10240x128xf32>
    %add3A_18 = arith.addf %mul3A, %add3A_17 : vector<10240x128xf32>
    %get3A_19 = arith.constant 0 : index
    %get3A_20 = arith.constant 0 : index
    %get3A_21 = vector.load %arg4[%get3A_19, %get3A_20] : memref<1x128xf32, #tpu.memory_space<vmem>>, vector<1x128xf32>
    %get3A_22 = arith.constant 0 : index
    %get3A_23 = arith.constant 0 : index
    %get3A_24 = vector.load %arg5[%get3A_22, %get3A_23] : memref<1x128xf32, #tpu.memory_space<vmem>>, vector<1x128xf32>
    %jit3A = arith.constant 0.000000e+00 : f32
    %broadcast_in_dim3A = vector.shape_cast %lt3A_1 : vector<10240x1xi1> to vector<10240x1xi1>
    %broadcast_in_dim3A_25 = vector.broadcast %broadcast_in_dim3A : vector<10240x1xi1> to vector<10240x128xi1>
    %broadcast_in_dim3A_26 = vector.broadcast %jit3A : f32 to vector<10240x128xf32>
    %select_n3A = arith.select %broadcast_in_dim3A_25, %add3A_18, %broadcast_in_dim3A_26 : vector<10240x128xi1>, vector<10240x128xf32>
    %reduce_sum3A = arith.constant dense<0.000000e+00> : vector<128xf32>
    %reduce_sum3A_27 = vector.multi_reduction <add>, %select_n3A, %reduce_sum3A [0] : vector<10240x128xf32> to vector<128xf32>
    %broadcast_in_dim3A_28 = vector.shape_cast %reduce_sum3A_27 : vector<128xf32> to vector<1x128xf32>
    %div3A = arith.constant 1.000000e+04 : f32
    %div3A_29 = vector.broadcast %div3A : f32 to vector<1x128xf32>
    %div3A_30 = arith.divf %broadcast_in_dim3A_28, %div3A_29 : vector<1x128xf32>
    %sub3A = vector.broadcast %div3A_30 : vector<1x128xf32> to vector<10240x128xf32>
    %sub3A_31 = arith.subf %add3A_18, %sub3A : vector<10240x128xf32>
    %jit3A_32 = arith.constant 0.000000e+00 : f32
    %broadcast_in_dim3A_33 = vector.shape_cast %lt3A_1 : vector<10240x1xi1> to vector<10240x1xi1>
    %broadcast_in_dim3A_34 = vector.broadcast %broadcast_in_dim3A_33 : vector<10240x1xi1> to vector<10240x128xi1>
    %broadcast_in_dim3A_35 = vector.broadcast %jit3A_32 : f32 to vector<10240x128xf32>
    %select_n3A_36 = arith.select %broadcast_in_dim3A_34, %sub3A_31, %broadcast_in_dim3A_35 : vector<10240x128xi1>, vector<10240x128xf32>
    %mul3A_37 = arith.mulf %select_n3A_36, %select_n3A_36 : vector<10240x128xf32>
    %reduce_sum3A_38 = arith.constant dense<0.000000e+00> : vector<128xf32>
    %reduce_sum3A_39 = vector.multi_reduction <add>, %mul3A_37, %reduce_sum3A_38 [0] : vector<10240x128xf32> to vector<128xf32>
    %broadcast_in_dim3A_40 = vector.shape_cast %reduce_sum3A_39 : vector<128xf32> to vector<1x128xf32>
    %div3A_41 = arith.constant 1.000000e+04 : f32
    %div3A_42 = vector.broadcast %div3A_41 : f32 to vector<1x128xf32>
    %div3A_43 = arith.divf %broadcast_in_dim3A_40, %div3A_42 : vector<1x128xf32>
    %mul3A_44 = vector.broadcast %get3A_21 : vector<1x128xf32> to vector<10240x128xf32>
    %mul3A_45 = arith.mulf %mul3A_44, %select_n3A_36 : vector<10240x128xf32>
    %add3A_46 = arith.constant 9.99999974E-6 : f32
    %add3A_47 = vector.broadcast %add3A_46 : f32 to vector<1x128xf32>
    %add3A_48 = arith.addf %div3A_43, %add3A_47 : vector<1x128xf32>
    %rsqrt3A = math.rsqrt %add3A_48 : vector<1x128xf32>
    %mul3A_49 = vector.broadcast %rsqrt3A : vector<1x128xf32> to vector<10240x128xf32>
    %mul3A_50 = arith.mulf %mul3A_45, %mul3A_49 : vector<10240x128xf32>
    %add3A_51 = vector.broadcast %get3A_24 : vector<1x128xf32> to vector<10240x128xf32>
    %add3A_52 = arith.addf %mul3A_50, %add3A_51 : vector<10240x128xf32>
    %max3A = arith.constant 0.000000e+00 : f32
    %max3A_53 = vector.broadcast %max3A : f32 to vector<10240x128xf32>
    %max3A_54 = arith.maximumf %add3A_52, %max3A_53 : vector<10240x128xf32>
    %jit3A_55 = arith.constant 0.000000e+00 : f32
    %broadcast_in_dim3A_56 = vector.shape_cast %lt3A_1 : vector<10240x1xi1> to vector<10240x1xi1>
    %broadcast_in_dim3A_57 = vector.broadcast %broadcast_in_dim3A_56 : vector<10240x1xi1> to vector<10240x128xi1>
    %broadcast_in_dim3A_58 = vector.broadcast %jit3A_55 : f32 to vector<10240x128xf32>
    %select_n3A_59 = arith.select %broadcast_in_dim3A_57, %max3A_54, %broadcast_in_dim3A_58 : vector<10240x128xi1>, vector<10240x128xf32>
    %add3A_60 = arith.constant 1.000000e-07 : f32
    %add3A_61 = vector.broadcast %add3A_60 : f32 to vector<10240x128xf32>
    %add3A_62 = arith.addf %select_n3A_59, %add3A_61 : vector<10240x128xf32>
    %jit3A_63 = arith.constant 0.000000e+00 : f32
    %broadcast_in_dim3A_64 = vector.shape_cast %lt3A_1 : vector<10240x1xi1> to vector<10240x1xi1>
    %broadcast_in_dim3A_65 = vector.broadcast %broadcast_in_dim3A_64 : vector<10240x1xi1> to vector<10240x128xi1>
    %broadcast_in_dim3A_66 = vector.broadcast %jit3A_63 : f32 to vector<10240x128xf32>
    %select_n3A_67 = arith.select %broadcast_in_dim3A_65, %add3A_62, %broadcast_in_dim3A_66 : vector<10240x128xi1>, vector<10240x128xf32>
    %reduce_max3A = arith.constant dense<0xFF800000> : vector<128xf32>
    %reduce_max3A_68 = vector.multi_reduction <maximumf>, %select_n3A_67, %reduce_max3A [0] : vector<10240x128xf32> to vector<128xf32>
    %broadcast_in_dim3A_69 = vector.shape_cast %reduce_max3A_68 : vector<128xf32> to vector<1x128xf32>
    %sub3A_70 = vector.broadcast %broadcast_in_dim3A_69 : vector<1x128xf32> to vector<10240x128xf32>
    %sub3A_71 = arith.subf %add3A_62, %sub3A_70 : vector<10240x128xf32>
    %exp3A = math.exp %sub3A_71 : vector<10240x128xf32>
    %swap3A = arith.constant 0 : index
    %swap3A_72 = arith.constant 0 : index
    %swap3A_73 = vector.load %arg6[%swap3A, %swap3A_72] : memref<10240x128xf32, #tpu.memory_space<vmem>>, vector<10240x128xf32>
    tpu.vector_store %arg6[%swap3A, %swap3A_72], %select_n3A_59 {strides = array<i32>} : memref<10240x128xf32, #tpu.memory_space<vmem>>, vector<10240x128xf32>,
    %swap3A_74 = arith.constant 0 : index
    %swap3A_75 = arith.constant 0 : index
    %swap3A_76 = vector.load %arg7[%swap3A_74, %swap3A_75] : memref<10240x128xf32, #tpu.memory_space<vmem>>, vector<10240x128xf32>
    tpu.vector_store %arg7[%swap3A_74, %swap3A_75], %exp3A {strides = array<i32>} : memref<10240x128xf32, #tpu.memory_space<vmem>>, vector<10240x128xf32>,
    %mul3A_77 = arith.mulf %exp3A, %add3A_62 : vector<10240x128xf32>
    %swap3A_78 = arith.constant 0 : index
    %swap3A_79 = arith.constant 0 : index
    %swap3A_80 = vector.load %arg8[%swap3A_78, %swap3A_79] : memref<10240x128xf32, #tpu.memory_space<vmem>>, vector<10240x128xf32>
    tpu.vector_store %arg8[%swap3A_78, %swap3A_79], %mul3A_77 {strides = array<i32>} : memref<10240x128xf32, #tpu.memory_space<vmem>>, vector<10240x128xf32>,
    return
  }
}

module attributes {stable_mosaic.version = 14 : i64} {
  func.func @_tc4_body(%arg0: memref<20480x128xf32, #tpu.memory_space<vmem>>, %arg1: memref<20480x128xf32, #tpu.memory_space<vmem>>, %arg2: memref<10240x128xf32, #tpu.memory_space<vmem>>, %arg3: memref<128x256xf32, #tpu.memory_space<vmem>>, %arg4: memref<1x256xf32, #tpu.memory_space<vmem>>, %arg5: memref<256x128xf32, #tpu.memory_space<vmem>>, %arg6: memref<1x128xf32, #tpu.memory_space<vmem>>, %arg7: memref<10240x128xf32, #tpu.memory_space<vmem>>) attributes {dimension_semantics = [], scalar_prefetch = 0 : i64, scratch_operands = 0 : i64, tpu.core_type = #tpu.core_type<tc>} {
    %get3A = arith.constant 0 : index
    %get3A_0 = arith.constant 0 : index
    %get3A_1 = vector.load %arg0[%get3A, %get3A_0] : memref<20480x128xf32, #tpu.memory_space<vmem>>, vector<10240x128xf32>
    %get3A_2 = arith.constant 10240 : index
    %get3A_3 = arith.constant 0 : index
    %get3A_4 = vector.load %arg0[%get3A_2, %get3A_3] : memref<20480x128xf32, #tpu.memory_space<vmem>>, vector<10240x128xf32>
    %add3A = arith.addf %get3A_1, %get3A_4 : vector<10240x128xf32>
    %get3A_5 = arith.constant 0 : index
    %get3A_6 = arith.constant 0 : index
    %get3A_7 = vector.load %arg1[%get3A_5, %get3A_6] : memref<20480x128xf32, #tpu.memory_space<vmem>>, vector<10240x128xf32>
    %get3A_8 = arith.constant 10240 : index
    %get3A_9 = arith.constant 0 : index
    %get3A_10 = vector.load %arg1[%get3A_8, %get3A_9] : memref<20480x128xf32, #tpu.memory_space<vmem>>, vector<10240x128xf32>
    %add3A_11 = arith.addf %get3A_7, %get3A_10 : vector<10240x128xf32>
    %add3A_12 = arith.constant 1.000000e-16 : f32
    %add3A_13 = vector.broadcast %add3A_12 : f32 to vector<10240x128xf32>
    %add3A_14 = arith.addf %add3A, %add3A_13 : vector<10240x128xf32>
    %div3A = arith.divf %add3A_11, %add3A_14 : vector<10240x128xf32>
    %get3A_15 = arith.constant 0 : index
    %get3A_16 = arith.constant 0 : index
    %get3A_17 = vector.load %arg2[%get3A_15, %get3A_16] : memref<10240x128xf32, #tpu.memory_space<vmem>>, vector<10240x128xf32>
    %add3A_18 = arith.addf %get3A_17, %div3A : vector<10240x128xf32>
    %get3A_19 = arith.constant 0 : index
    %get3A_20 = arith.constant 0 : index
    %get3A_21 = vector.load %arg3[%get3A_19, %get3A_20] : memref<128x256xf32, #tpu.memory_space<vmem>>, vector<128x256xf32>
    %dot_general3A = arith.constant dense<0.000000e+00> : vector<10240x256xf32>
    %dot_general3A_22 = tpu.matmul %add3A_18, %get3A_21, %dot_general3A {dimension_numbers = #tpu.dot_dimension_numbers<[1], [0], [0], [1], [0, 0, 1, 1], [], []>, transpose_lhs_hint = false} : vector<10240x128xf32>, vector<128x256xf32>, vector<10240x256xf32> -> vector<10240x256xf32>
    %get3A_23 = arith.constant 0 : index
    %get3A_24 = arith.constant 0 : index
    %get3A_25 = vector.load %arg4[%get3A_23, %get3A_24] : memref<1x256xf32, #tpu.memory_space<vmem>>, vector<1x256xf32>
    %add3A_26 = vector.broadcast %get3A_25 : vector<1x256xf32> to vector<10240x256xf32>
    %add3A_27 = arith.addf %dot_general3A_22, %add3A_26 : vector<10240x256xf32>
    %max3A = arith.constant 0.000000e+00 : f32
    %max3A_28 = vector.broadcast %max3A : f32 to vector<10240x256xf32>
    %max3A_29 = arith.maximumf %add3A_27, %max3A_28 : vector<10240x256xf32>
    %get3A_30 = arith.constant 0 : index
    %get3A_31 = arith.constant 0 : index
    %get3A_32 = vector.load %arg5[%get3A_30, %get3A_31] : memref<256x128xf32, #tpu.memory_space<vmem>>, vector<256x128xf32>
    %dot_general3A_33 = arith.constant dense<0.000000e+00> : vector<10240x128xf32>
    %dot_general3A_34 = tpu.matmul %max3A_29, %get3A_32, %dot_general3A_33 {dimension_numbers = #tpu.dot_dimension_numbers<[1], [0], [0], [1], [0, 0, 1, 1], [], []>, transpose_lhs_hint = false} : vector<10240x256xf32>, vector<256x128xf32>, vector<10240x128xf32> -> vector<10240x128xf32>
    %get3A_35 = arith.constant 0 : index
    %get3A_36 = arith.constant 0 : index
    %get3A_37 = vector.load %arg6[%get3A_35, %get3A_36] : memref<1x128xf32, #tpu.memory_space<vmem>>, vector<1x128xf32>
    %add3A_38 = vector.broadcast %get3A_37 : vector<1x128xf32> to vector<10240x128xf32>
    %add3A_39 = arith.addf %dot_general3A_34, %add3A_38 : vector<10240x128xf32>
    %swap3A = arith.constant 0 : index
    %swap3A_40 = arith.constant 0 : index
    %swap3A_41 = vector.load %arg7[%swap3A, %swap3A_40] : memref<10240x128xf32, #tpu.memory_space<vmem>>, vector<10240x128xf32>
    tpu.vector_store %arg7[%swap3A, %swap3A_40], %add3A_39 {strides = array<i32>} : memref<10240x128xf32, #tpu.memory_space<vmem>>, vector<10240x128xf32>,
    return
  }
}

</mosaic_0001>

<sc_bundles>
// kernel: kernel.11.cloned.1.call-start
scs
__scs_entry_jumppad:
0x0: {  	(pc) =	sbr.rel $0x88, $3  }
0x1: {  	(tag) =	ssettag $0x0;
	lr =	simm.s32 $0x1  }
0x2: {  	[smem:$0x3F93] =	sst lr;
	_ =	strace $0xD0000000  }
0x3: {  	_ = 	snop  }
0x4: {  	_ = 	snop  }
0x5: {  	_ = 	snop  }
0x6: {  	_ = 	snop  }
0x7: {  	_ = 	snop  }
__scs_overlays_trampoline_lowered:
0x8: {  	[smem:$0x3FA2] =	sst s0  }
0x9: {  	[smem:$0x3FA3] =	sst s1  }
0xa: {  	[smem:$0x3FA4] =	sst s2  }
0xb: {  	[smem:$0x3FA5] =	sst s3  }
0xc: {  	[smem:$0x3FA6] =	sst s4  }
0xd: {  	[smem:$0x3FA7] =	sst s5  }
0xe: {  	[smem:$0x3FA8] =	sst s6  }
0xf: {  	[smem:$0x3FA9] =	sst s7  }
0x10: {  	[smem:$0x3FAA] =	sst s8  }
0x11: {  	[smem:$0x3FAB] =	sst s9;
	s0 =	simm.s32 @!p0 $0x0  }
0x12: {  	s1 =	sld [smem:$0x3F91];
	s0 =	simm.s32 @p0 $0x1  }
0x13: {  	[smem:$0x3FAC] =	sst s0;
	s0 =	simm.s32 @!p1 $0x0  }
0x14: {  	s2 =	sld [smem:$0x3F90];
	s0 =	simm.s32 @p1 $0x1  }
0x15: {  	[smem:$0x3FAD] =	sst s0;
	s0 =	simm.s32 @!p2 $0x0  }
0x16: {  	s3 =	sld [smem:$0x3FDB];
	s0 =	simm.s32 @p2 $0x1  }
0x17: {  	s4 =	simm.s32 $0x1BF5;
	[smem:$0x3FAF] =	sst s0  }
0x18: {  	s0 =	sld [smem:$0x3F92];
	_ =	swait.ge [sflag:s4], $0x0  }
0x19: {  	s7 =	sld [smem:$0x3F93]  }
0x1a: {  	s8 =	sadd.s32 $0xFFFFE003, lr  }
0x1b: {  	s9 =	sadd.s32 $0xFFFFFEF7, lr;
	s5 =	simm.s32 $0xFFFFFFFF;
	p2 =	slt.u32 s8, $0xFFFFF086  }
0x1c: {  	p1 =	slt.u32 s9, $0xF7A;
	s5 =	simm.s32 @!p2 $0x0  }
0x1d: {  	s5 =	simm.s32 @p1 $0x1;
	p0 =	seq.s32 s7, s2  }
0x1e: {  	s7 =	smul.u32 @!p0 $0xF7A, s2;
	p2 =	seq.s32 @!p0 s5, $0x0  }
0x1f: {  	s9 =	smul.u32 $0xF7A, s1;
	s8 =	simm.s32 @!p0 $0x1BF5;
	p2 =	por !p2, p0  }
0x20: {  	[sflag:s8] =	ssyncset.s32 @!p0 $0xFFFFF086;
	s6 =	sadd.s32 @!p0 s3, s7;
	s7 =	simm.s32 @!p0 $0x108  }
0x21: {  	s3 =	sadd.s32 s3, s9;
	s6 =	sadd.s32 @!p0 $0x88, s6;
	s7 =	simm.s32 @p2 $0x1082  }
0x22: {  	[simem:s7], [sflag:s8] =	dma.local @!p0 [hbm:s6], $0xF7A  }
0x23: {  	s9 =	sor.u32 $0xD0000000, s2;
	s6 =	simm.s32 $0x108;
	_ =	swait.ge @!p0 [sflag:s8], $0x0  }
0x24: {  	s3 =	sadd.s32 $0x88, s3;
	s6 =	simm.s32 @!p1 $0x1082;
	[sflag:s4] =	ssyncset.s32 $0xFFFFF086  }
0x25: {  	[simem:s6], [sflag:s4] =	dma.local [hbm:s3], $0xF7A  }
0x26: {  	[smem:$0x3F93] =	sst s1;
	(tag) =	ssettag s2;
	_ =	strace s9  }
0x27: {  	s1 =	sld [smem:$0x3FA3]  }
0x28: {  	s2 =	sld [smem:$0x3FA4]  }
0x29: {  	s4 =	sld [smem:$0x3FA6]  }
0x2a: {  	p0 =	seq.s32 s5, $0x0;
	s5 =	sld [smem:$0x3FA7]  }
0x2b: {  	s6 =	sld [smem:$0x3FA8]  }
0x2c: {  	s7 =	sld [smem:$0x3FA9]  }
0x2d: {  	s3 =	simm.s32 $0x108;
	s8 =	sld [smem:$0x3FAA]  }
0x2e: {  	s3 =	simm.s32 @!p0 $0x1082;
	s9 =	sld [smem:$0x3FAB]  }
0x2f: {  	lr =	sadd.s32 s0, s3;
	s0 =	sld [smem:$0x3FA2]  }
0x30: {  	s3 =	sld [smem:$0x3FA5]  }
0x31: {  	[smem:$0x3FAE] =	sst s10  }
0x32: {  	s10 =	sld [smem:$0x3FAC];
	_ =	sdelay $0x3  }
0x33: {  	p0 =	seq.s32 s10, $0x1;
	s10 =	sld [smem:$0x3FAE];
	_ =	sdelay $0x3  }
0x34: {  	[smem:$0x3FAE] =	sst s10  }
0x35: {  	s10 =	sld [smem:$0x3FAD];
	_ =	sdelay $0x3  }
0x36: {  	p1 =	seq.s32 s10, $0x1;
	s10 =	sld [smem:$0x3FAE];
	_ =	sdelay $0x3  }
0x37: {  	[smem:$0x3FAE] =	sst s10  }
0x38: {  	s10 =	sld [smem:$0x3FAF]  }
0x39: {  	_ = 	snop;
	(pc) =	sbr.ind lr, $3  }
0x3a: {  	_ = 	snop  }
0x3b: {  	_ = 	snop  }
0x3c: {  	p2 =	seq.s32 s10, $0x1;
	s10 =	sld [smem:$0x3FAE]  }
0x3d: {  	_ =	shalt  }
0x3e: {  	_ =	shalt  }
0x3f: {  	_ =	shalt  }
0x40: {  	_ =	shalt  }
0x41: {  	_ =	shalt  }
0x42: {  	_ =	shalt  }
0x43: {  	_ =	shalt  }
0x44: {  	_ =	shalt  }
0x45: {  	_ =	shalt  }
0x46: {  	_ =	shalt  }
0x47: {  	_ =	shalt  }
0x48: {  	_ =	shalt  }
0x49: {  	_ =	shalt  }
0x4a: {  	_ =	shalt  }
0x4b: {  	_ =	shalt  }
0x4c: {  	_ =	shalt  }
0x4d: {  	_ =	shalt  }
0x4e: {  	_ =	shalt  }
0x4f: {  	_ =	shalt  }
0x50: {  	_ =	shalt  }
0x51: {  	_ =	shalt  }
0x52: {  	_ =	shalt  }
0x53: {  	_ =	shalt  }
0x54: {  	_ =	shalt  }
0x55: {  	_ =	shalt  }
0x56: {  	_ =	shalt  }
0x57: {  	_ =	shalt  }
0x58: {  	_ =	shalt  }
0x59: {  	_ =	shalt  }
0x5a: {  	_ =	shalt  }
0x5b: {  	_ =	shalt  }
0x5c: {  	_ =	shalt  }
0x5d: {  	_ =	shalt  }
0x5e: {  	_ =	shalt  }
0x5f: {  	_ =	shalt  }
0x60: {  	_ =	shalt  }
0x61: {  	_ =	shalt  }
0x62: {  	_ =	shalt  }
0x63: {  	_ =	shalt  }
0x64: {  	_ =	shalt  }
0x65: {  	_ =	shalt  }
0x66: {  	_ =	shalt  }
0x67: {  	_ =	shalt  }
0x68: {  	_ =	shalt  }
0x69: {  	_ =	shalt  }
0x6a: {  	_ =	shalt  }
0x6b: {  	_ =	shalt  }
0x6c: {  	_ =	shalt  }
0x6d: {  	_ =	shalt  }
0x6e: {  	_ =	shalt  }
0x6f: {  	_ =	shalt  }
0x70: {  	_ =	shalt  }
0x71: {  	_ =	shalt  }
0x72: {  	_ =	shalt  }
0x73: {  	_ =	shalt  }
0x74: {  	_ =	shalt  }
0x75: {  	_ =	shalt  }
0x76: {  	_ =	shalt  }
0x77: {  	_ =	shalt  }
0x78: {  	_ =	shalt  }
0x79: {  	_ =	shalt  }
0x7a: {  	_ =	shalt  }
0x7b: {  	_ =	shalt  }
0x7c: {  	_ =	shalt  }
0x7d: {  	_ =	shalt  }
0x7e: {  	_ =	shalt  }
0x7f: {  	_ =	shalt  }
0x80: {  	_ =	shalt  }
0x81: {  	_ =	shalt  }
0x82: {  	_ =	shalt  }
0x83: {  	_ =	shalt  }
0x84: {  	_ =	shalt  }
0x85: {  	_ =	shalt  }
0x86: {  	_ =	shalt  }
0x87: {  	_ =	shalt  }
.Lfunc_end0:
.L_simem_size_0:
called_computation_lowered:
.L_overlay_start_0:
0x88: {  	s2 =	sld [smem:$0x3FD9]  }
0x89: {  	s3 =	sld [smem:$0x3FFE];
	_ =	sdelay $0x1  }
0x8a: {  	s1 =	srdreg.scid  }
0x8b: {  	s0 =	sand.u32 $0x1, s1  }
0x8c: {  	s17 =	sshll.u32 s0, $0xA;
	s2 =	sadd.s32 s3, s2  }
0x8d: {  	s2 =	sadd.s32 s2, s17  }
0x8e: {  	[smem:$0x3FBA] =	sst s2  }
0x8f: {  	_ = 	snop  }
0x90: {  	s2 =	sld [smem:$0x3FD0];
	(tm) =	ssettm $0x1  }
0x91: {  	s18 =	sld [smem:$0x3FFB];
	_ =	sdelay $0x3  }
0x92: {  	_ =	strace s18  }
0x93: {  	s3 =	sld [smem:$0x3FFC];
	_ =	sdelay $0x3  }
0x94: {  	_ =	strace s3  }
0x95: {  	s3 =	sld [smem:$0x3FFD];
	_ =	sdelay $0x3  }
0x96: {  	_ =	strace s3  }
0x97: {  	_ =	strace $0x8FFFFFFF  }
0x98: {  	s19 =	sld [smem:$0x3FDB];
	_ =	sdelay $0x1  }
0x99: {  	s4 =	simm.s32 $_scs_section_size  }
0x9a: {  	s5 =	simm.s32 $_size__tile_overlayer_lowered;
	s6 =	simm.s32 $_tile_overlayer_lowered  }
0x9b: {  	s22 =	simm.s32 $0x1BFF;
	s21 =	sshll.u32 s6, $0x1;
	s3 =	sadd.s32 s4, s19  }
0x9c: {  	s7 =	simm.s32 $0x0;
	s20 =	sshll.u32 s5, $0x1;
	s5 =	sadd.s32 s21, s3  }
0x9d: {  	[timem:s7], [sflag:s22] =	dma.local [hbm:s5], s20  }
0x9e: {  	_ =	swait.ge [sflag:s22], s20  }
0x9f: {  	s4 =	ssub.s32 $0x0, s20;
	[sflag:s22] =	ssyncset.done $0x0  }
0xa0: {  	[sflag:s22] =	ssyncadd.s32 s4;
	_ =	sdelay $0x1  }
0xa1: {  	s23 =	simm.s32 $0x1B8B  }
0xa2: {  	_ =	swait.ge [sflag:s23], $0x1  }
0xa3: {  	[sflag:s23] =	ssyncset.done $0x0  }
0xa4: {  	s25 =	simm.s32 $0x1B8E;
	s24 =	sld [smem:$0x3FFE];
	[sflag:s23] =	ssyncadd.s32 $0xFFFFFFFF  }
0xa5: {  	s26 =	simm.s32 $execute0_lowered;
	[smem:$0x3FD2] =	sst s25  }
0xa6: {  	s5 =	sshll.u32 s26, $0x1;
	_ =	strace $0x80000046;
	[dreg:$0x1] =	wrdreg $0xFFFFFFFF  }
0xa7: {  	s28 =	simm.s32 $_size_execute0_lowered;
	s3 =	sadd.s32 s3, s5;
	[dreg:$0x0] =	wrdreg $0x0  }
0xa8: {  	s5 =	sshll.u32 s28, $0x1;
	[dreg:$0x2] =	wrdreg s3  }
0xa9: {  	[dreg:$0x3] =	wrdreg s5  }
0xaa: {  	[dreg:$0x4] =	wrdreg $0xC0  }
0xab: {  	_ =	task [dreg:s7], $0x5FFFF  }
0xac: {  	[dreg:$0x1] =	wrdreg $0xFFFFFFFF  }
0xad: {  	[dreg:$0x0] =	wrdreg $0x60  }
0xae: {  	[dreg:$0x2] =	wrdreg s2  }
0xaf: {  	[dreg:$0x3] =	wrdreg s24  }
0xb0: {  	[dreg:$0x4] =	wrdreg $0x68000  }
0xb1: {  	[dreg:$0x5] =	wrdreg $0x9  }
0xb2: {  	_ =	task.clear_ibuf [dreg:s7], $0x6FFFF;
	_ =	strace $0x90000046  }
0xb3: {  	s29 =	simm.s32 $0x9;
	_ =	strace $0x80000048  }
0xb4: {  	_ =	swait.ge [sflag:s29], $0x1  }
0xb5: {  	[sflag:s29] =	ssyncadd.s32 $0xFFFFFFFF  }
0xb6: {  	_ =	strace $0x90000048  }
0xb7: {  	_ =	sfence  }
0xb8: {  	s30 =	sld [smem:$0x0];
	_ =	sdelay $0x2  }
0xb9: {  	s31 =	sshll.u32 s1, $0xD;
	s1 =	sshrl.u32 s1, $0x2  }
0xba: {  	s3 =	sand.u32 $0x4000, s31;
	s1 =	sadd.s32 s1, s30  }
0xbb: {  	s0 =	sor.u32 s3, s0;
	s1 =	sshll.u32 s1, $0x11  }
0xbc: {  	s0 =	sor.u32 s1, s0  }
0xbd: {  	s0 =	sadd.s32 $0x8F2B, s0  }
0xbe: {  	[sflag:s0] =	ssyncadd.remote.s32 $0x1  }
0xbf: {  	_ =	sfence.sel $0xFFFF  }
0xc0: {  	[dreg:$0x0] =	wrdreg $0xFFFFFFFF;
	(pc) =	sbr.abs _section_cstart, $3  }
0xc1: {  	[dreg:$0x1] =	wrdreg $0xFFFFFFFF  }
0xc2: {  	_ =	task.clear_ibuf [dreg:s7], $0x2FFFF;
	_ =	strace $0x9FFFFFFF  }
0xc3: {  	(tm) =	ssettm $0x7FFFFFFF  }
tec
execute0_lowered:
.L_overlay_start_1:
0x0: {  	(tag) =	ssettag $0x1  }
0x1: {  	s7 =	rddreg [dreg:$0x0]  }
0x2: {  	s6 =	rddreg [dreg:$0x1]  }
0x3: {  	s1 =	rddreg [dreg:$0x2]  }
0x4: {  	s2 =	srdreg.scid;
	s0 =	rddreg [dreg:$0x3];
	s3 =	simm.s32 $0x0  }
0x5: {  	s12 =	simm.s32 $0x2800;
	s13 =	simm.s32 $0x80;
	s8 =	sand.u32 $0x1, s2  }
0x6: {  	s14 =	simm.s32 $0x0;
	s2 =	stileid.u32;
	s9 =	smul.u32 $0x140000, s8  }
0x7: {  	[smem:$0x7FF] =	sst s3;
	s4 =	sadd.s32 $0x4400, s6;
	s10 =	smul.u32 $0x14000, s2  }
0x8: {  	s5 =	sadd.s32 $0x4C00, s6;
	_ =	strace $0x80000047;
	s26 =	smul.u32 $0x50000, s2  }
0x9: {  	s11 =	sshll.u32 s8, $0x4;
	s28 =	ssub.s32 $0x2, s8;
	s31 =	sshll.u32 s2, $0x6  }
0xa: {  	s29 =	sor.u32 s2, s11;
	s30 =	sshrl.u32 s28, $0x1;
	s9 =	sadd.s32 s10, s9  }
0xb: {  	s10 =	sshrl.u32 s26, $0x2;
	s8 =	smul.u32 $0x500, s29;
	s9 =	sshrl.u32 s9, $0x3  }
0xc: {  	s11 =	ssub.s32 s28, s30;
	s10 =	sadd.s32 s10, s1;
	s9 =	sadd.s32 s9, s6  }
0xd: {  	s6 =	sor.u32 $0x1C01, s31;
	s7 =	sadd.s32 s7, s8;
	s10 =	sshrl.u32 s10, $0x3  }
0xe: {  	s8 =	sadd.s32 $0x7400, s9;
	s9 =	smax.u32 s11, $0x1;
	s11 =	simm.s32 $0x1  }
.LBB2_1:
0xf: {  	[spmem:s10], [sflag:s6] =	dma.local [hbm:s5], $0x2800  }
0x10: {  	_ =	swait.ge [sflag:s11], $0x2800  }
0x11: {  	[sflag:s11] =	ssyncset.done $0x0  }
0x12: {  	[sflag:s11] =	ssyncadd.s32 $0xFFFFD800  }
0x13: {  	[tilespmem:s12], [sflag:$0x1] =	stream.linear.gather [hbm4b:s4+s3], $0x4000, $0x38;
	[tilespmem:$0x1A800] =	vst v63  }
0x14: {  	_ =	swait.ge [sflag:s11], $0x4000  }
0x15: {  	[sflag:s11] =	ssyncset.done $0x0  }
0x16: {  	[sflag:s11] =	ssyncadd.s32 $0xFFFFC000  }
0x17: {  	[tilespmem:s3], [sflag:$0x1] =	stream.linear.gather [hbm4b:s7+s3], $0x2800, $0x38;
	[tilespmem:$0x1A800] =	vst v63  }
0x18: {  	_ =	swait.ge [sflag:s11], $0x2800  }
0x19: {  	[sflag:s11] =	ssyncset.done $0x0  }
0x1a: {  	[sflag:s11] =	ssyncadd.s32 $0xFFFFD800  }
0x1b: {  	s15 =	simm.s32 $0x0;
	[bflag:$0x0] =	sbarrier.arrive $0xFFFF  }
0x1c: {  	[spmem:s1] =	stream.indirect.scatter.add.f32 [tilespmem:s12], [sflag:$0x1], $0x80, s15, s13, $0xb8;
	[tilespmem:$0x1A800] =	vst v63  }
0x1d: {  	_ =	swait.ge [sflag:s11], $0x4000  }
0x1e: {  	s15 =	simm.s32 $0x200;
	[sflag:s11] =	ssyncset.done $0x0  }
.LBB2_2:
0x1f: {  	s16 =	sshra.s32 s15, $0x2;
	[sflag:s11] =	ssyncadd.s32 $0xFFFFC000;
	p0 =	sne.s32 s15, $0x9E00  }
0x20: {  	[spmem:s1] =	stream.indirect.scatter.add.f32 [tilespmem:s12], [sflag:$0x1], $0x80, s16, s13, $0xb8;
	[tilespmem:$0x1A800] =	vst v63  }
.Ltmp0:
0x21: {  	_ = 	snop;
	(pc) =	sbr.rel @p0 .LBB2_2-.Ltmp0, $4  }
0x22: {  	_ = 	snop  }
0x23: {  	s15 =	sadd.s32 $0x200, s15  }
0x24: {  	_ =	swait.ge [sflag:s11], $0x4000  }
0x25: {  	[sflag:s11] =	ssyncset.done $0x0  }
0x26: {  	s14 =	sadd.s32 $0x1, s14  }
0x27: {  	[sflag:s11] =	ssyncadd.s32 $0xFFFFC000;
	p0 =	sne.s32 s14, s9  }
.Ltmp1:
0x28: {  	[bflag:$0x0] =	sbarrier.arrive $0xFFFF;
	(pc) =	sbr.rel @p0 .LBB2_1-.Ltmp1, $4  }
0x29: {  	[hbm:s8], [sflag:s6] =	dma.local [spmem:s10], $0x2800  }
0x2a: {  	_ =	swait.ge [sflag:s11], $0x2800  }
0x2b: {  	[sflag:s11] =	ssyncset.done $0x0  }
0x2c: {  	[sflag:s11] =	ssyncadd.s32 $0xFFFFD800  }
0x2d: {  	_ =	sfence.sel $0x180000  }
0x2e: {  	[bflag:$0x0] =	sbarrier.arrive $0xFFFF  }
0x2f: {  	p0 =	sne.s32 s2, $0x0;
	_ =	strace $0x90000047  }
0x30: {  	s0 =	sadd.s32 @!p0 $0x100000, s0;
	[bflag:$0x2] =	sbarrier.arrive $0xFFFF  }
0x31: {  	[sflag:s0] =	ssyncadd.tile.s32 @!p0 $0x1;
	_ =	shalt  }
.Lfunc_end2:
_tile_overlayer_lowered:
.L_overlay_start_2:
0x32: {  	(tag) =	ssettag $0x2  }
0x33: {  	s0 =	rddreg [dreg:$0x0];
	s2 =	stileid.u32  }
0x34: {  	s1 =	rddreg [dreg:$0x1];
	p0 =	sne.s32 s2, $0x0  }
0x35: {  	s3 =	rddreg [dreg:$0x2];
	[bflag:$0x3] =	sbarrier.arrive $0xFFFF;
	s2 =	simm.s32 @!p0 $0x1C01  }
0x36: {  	[timem:s3], [sflag:s2] =	dma.local @!p0 [hbm:s0], s1  }
0x37: {  	s0 =	simm.s32 @!p0 $0x1  }
0x38: {  	_ =	swait.ge @!p0 [sflag:s0], s1  }
0x39: {  	s1 =	ssub.s32 @!p0 $0x0, s1;
	[sflag:s0] =	ssyncset.done @!p0 $0x0  }
0x3a: {  	[sflag:s0] =	ssyncadd.s32 @!p0 s1  }
0x3b: {  	[bflag:$0x3] =	sbarrier.arrive $0xFFFF  }
0x3c: {  	_ =	shalt  }

// kernel: kernel.14.cloned.1.call-start
scs
__scs_entry_jumppad:
0x0: {  	(pc) =	sbr.rel $0x88, $3  }
0x1: {  	(tag) =	ssettag $0x0;
	lr =	simm.s32 $0x1  }
0x2: {  	[smem:$0x3F93] =	sst lr;
	_ =	strace $0xD0000000  }
0x3: {  	_ = 	snop  }
0x4: {  	_ = 	snop  }
0x5: {  	_ = 	snop  }
0x6: {  	_ = 	snop  }
0x7: {  	_ = 	snop  }
__scs_overlays_trampoline_lowered:
0x8: {  	[smem:$0x3FA2] =	sst s0  }
0x9: {  	[smem:$0x3FA3] =	sst s1  }
0xa: {  	[smem:$0x3FA4] =	sst s2  }
0xb: {  	[smem:$0x3FA5] =	sst s3  }
0xc: {  	[smem:$0x3FA6] =	sst s4  }
0xd: {  	[smem:$0x3FA7] =	sst s5  }
0xe: {  	[smem:$0x3FA8] =	sst s6  }
0xf: {  	[smem:$0x3FA9] =	sst s7  }
0x10: {  	[smem:$0x3FAA] =	sst s8  }
0x11: {  	[smem:$0x3FAB] =	sst s9;
	s0 =	simm.s32 @!p0 $0x0  }
0x12: {  	s1 =	sld [smem:$0x3F91];
	s0 =	simm.s32 @p0 $0x1  }
0x13: {  	[smem:$0x3FAC] =	sst s0;
	s0 =	simm.s32 @!p1 $0x0  }
0x14: {  	s2 =	sld [smem:$0x3F90];
	s0 =	simm.s32 @p1 $0x1  }
0x15: {  	[smem:$0x3FAD] =	sst s0;
	s0 =	simm.s32 @!p2 $0x0  }
0x16: {  	s3 =	sld [smem:$0x3FDB];
	s0 =	simm.s32 @p2 $0x1  }
0x17: {  	s4 =	simm.s32 $0x1BF5;
	[smem:$0x3FAF] =	sst s0  }
0x18: {  	s0 =	sld [smem:$0x3F92];
	_ =	swait.ge [sflag:s4], $0x0  }
0x19: {  	s7 =	sld [smem:$0x3F93]  }
0x1a: {  	s8 =	sadd.s32 $0xFFFFE003, lr  }
0x1b: {  	s9 =	sadd.s32 $0xFFFFFEF7, lr;
	s5 =	simm.s32 $0xFFFFFFFF;
	p2 =	slt.u32 s8, $0xFFFFF086  }
0x1c: {  	p1 =	slt.u32 s9, $0xF7A;
	s5 =	simm.s32 @!p2 $0x0  }
0x1d: {  	s5 =	simm.s32 @p1 $0x1;
	p0 =	seq.s32 s7, s2  }
0x1e: {  	s7 =	smul.u32 @!p0 $0xF7A, s2;
	p2 =	seq.s32 @!p0 s5, $0x0  }
0x1f: {  	s9 =	smul.u32 $0xF7A, s1;
	s8 =	simm.s32 @!p0 $0x1BF5;
	p2 =	por !p2, p0  }
0x20: {  	[sflag:s8] =	ssyncset.s32 @!p0 $0xFFFFF086;
	s6 =	sadd.s32 @!p0 s3, s7;
	s7 =	simm.s32 @!p0 $0x108  }
0x21: {  	s3 =	sadd.s32 s3, s9;
	s6 =	sadd.s32 @!p0 $0x88, s6;
	s7 =	simm.s32 @p2 $0x1082  }
0x22: {  	[simem:s7], [sflag:s8] =	dma.local @!p0 [hbm:s6], $0xF7A  }
0x23: {  	s9 =	sor.u32 $0xD0000000, s2;
	s6 =	simm.s32 $0x108;
	_ =	swait.ge @!p0 [sflag:s8], $0x0  }
0x24: {  	s3 =	sadd.s32 $0x88, s3;
	s6 =	simm.s32 @!p1 $0x1082;
	[sflag:s4] =	ssyncset.s32 $0xFFFFF086  }
0x25: {  	[simem:s6], [sflag:s4] =	dma.local [hbm:s3], $0xF7A  }
0x26: {  	[smem:$0x3F93] =	sst s1;
	(tag) =	ssettag s2;
	_ =	strace s9  }
0x27: {  	s1 =	sld [smem:$0x3FA3]  }
0x28: {  	s2 =	sld [smem:$0x3FA4]  }
0x29: {  	s4 =	sld [smem:$0x3FA6]  }
0x2a: {  	p0 =	seq.s32 s5, $0x0;
	s5 =	sld [smem:$0x3FA7]  }
0x2b: {  	s6 =	sld [smem:$0x3FA8]  }
0x2c: {  	s7 =	sld [smem:$0x3FA9]  }
0x2d: {  	s3 =	simm.s32 $0x108;
	s8 =	sld [smem:$0x3FAA]  }
0x2e: {  	s3 =	simm.s32 @!p0 $0x1082;
	s9 =	sld [smem:$0x3FAB]  }
0x2f: {  	lr =	sadd.s32 s0, s3;
	s0 =	sld [smem:$0x3FA2]  }
0x30: {  	s3 =	sld [smem:$0x3FA5]  }
0x31: {  	[smem:$0x3FAE] =	sst s10  }
0x32: {  	s10 =	sld [smem:$0x3FAC];
	_ =	sdelay $0x3  }
0x33: {  	p0 =	seq.s32 s10, $0x1;
	s10 =	sld [smem:$0x3FAE];
	_ =	sdelay $0x3  }
0x34: {  	[smem:$0x3FAE] =	sst s10  }
0x35: {  	s10 =	sld [smem:$0x3FAD];
	_ =	sdelay $0x3  }
0x36: {  	p1 =	seq.s32 s10, $0x1;
	s10 =	sld [smem:$0x3FAE];
	_ =	sdelay $0x3  }
0x37: {  	[smem:$0x3FAE] =	sst s10  }
0x38: {  	s10 =	sld [smem:$0x3FAF]  }
0x39: {  	_ = 	snop;
	(pc) =	sbr.ind lr, $3  }
0x3a: {  	_ = 	snop  }
0x3b: {  	_ = 	snop  }
0x3c: {  	p2 =	seq.s32 s10, $0x1;
	s10 =	sld [smem:$0x3FAE]  }
0x3d: {  	_ =	shalt  }
0x3e: {  	_ =	shalt  }
0x3f: {  	_ =	shalt  }
0x40: {  	_ =	shalt  }
0x41: {  	_ =	shalt  }
0x42: {  	_ =	shalt  }
0x43: {  	_ =	shalt  }
0x44: {  	_ =	shalt  }
0x45: {  	_ =	shalt  }
0x46: {  	_ =	shalt  }
0x47: {  	_ =	shalt  }
0x48: {  	_ =	shalt  }
0x49: {  	_ =	shalt  }
0x4a: {  	_ =	shalt  }
0x4b: {  	_ =	shalt  }
0x4c: {  	_ =	shalt  }
0x4d: {  	_ =	shalt  }
0x4e: {  	_ =	shalt  }
0x4f: {  	_ =	shalt  }
0x50: {  	_ =	shalt  }
0x51: {  	_ =	shalt  }
0x52: {  	_ =	shalt  }
0x53: {  	_ =	shalt  }
0x54: {  	_ =	shalt  }
0x55: {  	_ =	shalt  }
0x56: {  	_ =	shalt  }
0x57: {  	_ =	shalt  }
0x58: {  	_ =	shalt  }
0x59: {  	_ =	shalt  }
0x5a: {  	_ =	shalt  }
0x5b: {  	_ =	shalt  }
0x5c: {  	_ =	shalt  }
0x5d: {  	_ =	shalt  }
0x5e: {  	_ =	shalt  }
0x5f: {  	_ =	shalt  }
0x60: {  	_ =	shalt  }
0x61: {  	_ =	shalt  }
0x62: {  	_ =	shalt  }
0x63: {  	_ =	shalt  }
0x64: {  	_ =	shalt  }
0x65: {  	_ =	shalt  }
0x66: {  	_ =	shalt  }
0x67: {  	_ =	shalt  }
0x68: {  	_ =	shalt  }
0x69: {  	_ =	shalt  }
0x6a: {  	_ =	shalt  }
0x6b: {  	_ =	shalt  }
0x6c: {  	_ =	shalt  }
0x6d: {  	_ =	shalt  }
0x6e: {  	_ =	shalt  }
0x6f: {  	_ =	shalt  }
0x70: {  	_ =	shalt  }
0x71: {  	_ =	shalt  }
0x72: {  	_ =	shalt  }
0x73: {  	_ =	shalt  }
0x74: {  	_ =	shalt  }
0x75: {  	_ =	shalt  }
0x76: {  	_ =	shalt  }
0x77: {  	_ =	shalt  }
0x78: {  	_ =	shalt  }
0x79: {  	_ =	shalt  }
0x7a: {  	_ =	shalt  }
0x7b: {  	_ =	shalt  }
0x7c: {  	_ =	shalt  }
0x7d: {  	_ =	shalt  }
0x7e: {  	_ =	shalt  }
0x7f: {  	_ =	shalt  }
0x80: {  	_ =	shalt  }
0x81: {  	_ =	shalt  }
0x82: {  	_ =	shalt  }
0x83: {  	_ =	shalt  }
0x84: {  	_ =	shalt  }
0x85: {  	_ =	shalt  }
0x86: {  	_ =	shalt  }
0x87: {  	_ =	shalt  }
.Lfunc_end0:
.L_simem_size_0:
called_computation.1_lowered:
.L_overlay_start_0:
0x88: {  	s2 =	sld [smem:$0x3FD9]  }
0x89: {  	s3 =	sld [smem:$0x3FFE];
	_ =	sdelay $0x1  }
0x8a: {  	s1 =	srdreg.scid  }
0x8b: {  	s0 =	sand.u32 $0x1, s1  }
0x8c: {  	s17 =	sshll.u32 s0, $0xA;
	s2 =	sadd.s32 s3, s2  }
0x8d: {  	s2 =	sadd.s32 s2, s17  }
0x8e: {  	[smem:$0x3FBA] =	sst s2  }
0x8f: {  	_ = 	snop  }
0x90: {  	s2 =	sld [smem:$0x3FD0];
	(tm) =	ssettm $0x1  }
0x91: {  	s18 =	sld [smem:$0x3FFB];
	_ =	sdelay $0x3  }
0x92: {  	_ =	strace s18  }
0x93: {  	s3 =	sld [smem:$0x3FFC];
	_ =	sdelay $0x3  }
0x94: {  	_ =	strace s3  }
0x95: {  	s3 =	sld [smem:$0x3FFD];
	_ =	sdelay $0x3  }
0x96: {  	_ =	strace s3  }
0x97: {  	_ =	strace $0x8FFFFFFF  }
0x98: {  	s19 =	sld [smem:$0x3FDB];
	_ =	sdelay $0x1  }
0x99: {  	s4 =	simm.s32 $_scs_section_size  }
0x9a: {  	s5 =	simm.s32 $_size__tile_overlayer_lowered;
	s6 =	simm.s32 $_tile_overlayer_lowered  }
0x9b: {  	s22 =	simm.s32 $0x1BFF;
	s21 =	sshll.u32 s6, $0x1;
	s3 =	sadd.s32 s4, s19  }
0x9c: {  	s7 =	simm.s32 $0x0;
	s20 =	sshll.u32 s5, $0x1;
	s5 =	sadd.s32 s21, s3  }
0x9d: {  	[timem:s7], [sflag:s22] =	dma.local [hbm:s5], s20  }
0x9e: {  	_ =	swait.ge [sflag:s22], s20  }
0x9f: {  	s4 =	ssub.s32 $0x0, s20;
	[sflag:s22] =	ssyncset.done $0x0  }
0xa0: {  	[sflag:s22] =	ssyncadd.s32 s4;
	_ =	sdelay $0x1  }
0xa1: {  	s23 =	simm.s32 $0x1B8B  }
0xa2: {  	_ =	swait.ge [sflag:s23], $0x1  }
0xa3: {  	[sflag:s23] =	ssyncset.done $0x0  }
0xa4: {  	s25 =	simm.s32 $0x1B8E;
	s24 =	sld [smem:$0x3FFE];
	[sflag:s23] =	ssyncadd.s32 $0xFFFFFFFF  }
0xa5: {  	s26 =	simm.s32 $execute0_lowered;
	[smem:$0x3FD2] =	sst s25  }
0xa6: {  	s5 =	sshll.u32 s26, $0x1;
	_ =	strace $0x80000049;
	[dreg:$0x1] =	wrdreg $0xFFFFFFFF  }
0xa7: {  	s28 =	simm.s32 $_size_execute0_lowered;
	s3 =	sadd.s32 s3, s5;
	[dreg:$0x0] =	wrdreg $0x0  }
0xa8: {  	s5 =	sshll.u32 s28, $0x1;
	[dreg:$0x2] =	wrdreg s3  }
0xa9: {  	[dreg:$0x3] =	wrdreg s5  }
0xaa: {  	[dreg:$0x4] =	wrdreg $0xC0  }
0xab: {  	_ =	task [dreg:s7], $0x5FFFF  }
0xac: {  	[dreg:$0x1] =	wrdreg $0xFFFFFFFF  }
0xad: {  	[dreg:$0x0] =	wrdreg $0x60  }
0xae: {  	[dreg:$0x2] =	wrdreg s24  }
0xaf: {  	[dreg:$0x3] =	wrdreg s2  }
0xb0: {  	[dreg:$0x4] =	wrdreg $0xBC000  }
0xb1: {  	[dreg:$0x5] =	wrdreg $0x9  }
0xb2: {  	_ =	task.clear_ibuf [dreg:s7], $0x6FFFF;
	_ =	strace $0x90000049  }
0xb3: {  	s29 =	simm.s32 $0x9;
	_ =	strace $0x8000004B  }
0xb4: {  	_ =	swait.ge [sflag:s29], $0x1  }
0xb5: {  	[sflag:s29] =	ssyncadd.s32 $0xFFFFFFFF  }
0xb6: {  	_ =	strace $0x9000004B  }
0xb7: {  	_ =	sfence  }
0xb8: {  	s30 =	sld [smem:$0x0];
	_ =	sdelay $0x2  }
0xb9: {  	s31 =	sshll.u32 s1, $0xD;
	s1 =	sshrl.u32 s1, $0x2  }
0xba: {  	s3 =	sand.u32 $0x4000, s31;
	s1 =	sadd.s32 s1, s30  }
0xbb: {  	s0 =	sor.u32 s3, s0;
	s1 =	sshll.u32 s1, $0x11  }
0xbc: {  	s0 =	sor.u32 s1, s0  }
0xbd: {  	s0 =	sadd.s32 $0x8F2B, s0  }
0xbe: {  	[sflag:s0] =	ssyncadd.remote.s32 $0x1  }
0xbf: {  	_ =	sfence.sel $0xFFFF  }
0xc0: {  	[dreg:$0x0] =	wrdreg $0xFFFFFFFF;
	(pc) =	sbr.abs _section_cstart, $3  }
0xc1: {  	[dreg:$0x1] =	wrdreg $0xFFFFFFFF  }
0xc2: {  	_ =	task.clear_ibuf [dreg:s7], $0x2FFFF;
	_ =	strace $0x9FFFFFFF  }
0xc3: {  	(tm) =	ssettm $0x7FFFFFFF  }
tec
execute0_lowered:
.L_overlay_start_1:
0x0: {  	(tag) =	ssettag $0x1  }
0x1: {  	s0 =	rddreg [dreg:$0x0]  }
0x2: {  	s1 =	rddreg [dreg:$0x1]  }
0x3: {  	s2 =	rddreg [dreg:$0x2];
	s4 =	srdreg.scid  }
0x4: {  	s15 =	stileid.u32;
	s3 =	simm.s32 $0x0;
	s16 =	simm.s32 $0x400  }
0x5: {  	s17 =	simm.s32 $0x3C00;
	s18 =	simm.s32 $0x1;
	s19 =	simm.s32 $0x7C00  }
0x6: {  	s20 =	simm.s32 $0x2;
	s29 =	simm.s32 $0x2800;
	s30 =	simm.s32 $0x2880  }
0x7: {  	s31 =	simm.s32 $0x3B00;
	s6 =	sand.u32 $0x1, s4;
	s7 =	smul.u32 $0x2800, s15  }
0x8: {  	[smem:$0x7FF] =	sst s3;
	s4 =	sadd.s32 $0x7400, s0;
	s9 =	sadd.s32 $0x57400, s0  }
0x9: {  	s5 =	sadd.s32 $0x4C00, s0;
	s10 =	smul.u32 $0x50000, s15;
	s12 =	sshll.u32 s15, $0x7  }
0xa: {  	s25 =	sshll.u32 s15, $0x6;
	s8 =	smul.u32 $0x28000, s6;
	_ =	strace $0x8000004A  }
0xb: {  	s22 =	sshll.u32 s6, $0x4;
	s6 =	ssub.s32 $0x2, s6;
	s24 =	sand.u32 $0x380, s12  }
0xc: {  	s23 =	sshrl.u32 s6, $0x1;
	s10 =	sshrl.u32 s10, $0x2;
	s7 =	sadd.s32 s7, s8  }
0xd: {  	s8 =	sor.u32 s15, s22;
	s13 =	ssub.s32 s6, s23;
	s14 =	sadd.s32 s10, s2  }
0xe: {  	s6 =	sor.u32 $0x1C05, s25;
	s11 =	sshrl.u32 s8, $0x3;
	s8 =	smul.u32 $0x500, s8  }
0xf: {  	s15 =	simm.s32 $0x80;
	s22 =	simm.s32 $0x3;
	s11 =	smul.u32 $0x14000, s11  }
0x10: {  	s23 =	simm.s32 $0x100;
	s0 =	sadd.s32 s7, s0;
	s12 =	sshrl.u32 s14, $0x3  }
0x11: {  	s14 =	simm.s32 $0x1400;
	s7 =	sadd.s32 s1, s8;
	s26 =	sor.u32 s24, s11  }
0x12: {  	s1 =	simm.s32 $0x0;
	s24 =	simm.s32 $0x4;
	s11 =	sshrl.u32 s26, $0x3  }
0x13: {  	s10 =	sadd.s32 $0xA000, s26;
	s26 =	simm.s32 $0x1380;
	s8 =	sadd.s32 s9, s11  }
0x14: {  	s28 =	sshrl.u32 s10, $0x3;
	s10 =	sadd.s32 $0x61400, s0;
	s11 =	smax.u32 s13, $0x1  }
0x15: {  	s13 =	simm.s32 $0x5;
	s0 =	simm.s32 $0x3B80;
	s9 =	sadd.s32 s9, s28  }
.LBB2_1:
0x16: {  	[spmem:s12], [sflag:s6] =	dma.local [hbm:s5], $0x2800  }
0x17: {  	_ =	swait.ge [sflag:s13], $0x2800  }
0x18: {  	[sflag:s13] =	ssyncset.done $0x0  }
0x19: {  	[sflag:s13] =	ssyncadd.s32 $0xFFFFD800  }
0x1a: {  	[tilespmem:s14], [sflag:$0x5] =	stream.linear.gather [hbm4b:s7+s3], $0x2800, $0x38;
	[tilespmem:$0x1FC00] =	vst v63  }
0x1b: {  	_ =	swait.ge [sflag:s13], $0x2800  }
0x1c: {  	[sflag:s13] =	ssyncset.done $0x0  }
0x1d: {  	[sflag:s13] =	ssyncadd.s32 $0xFFFFD800  }
0x1e: {  	[bflag:$0x0] =	sbarrier.arrive $0xFFFF  }
0x1f: {  	[tilespmem:s3], [sflag:$0x5] =	stream.strided.gather [hbm4b:s8+s15], $0x1400, s16, s15, $0x38;
	[tilespmem:$0x1FC00] =	vst v63  }
0x20: {  	_ =	swait.ge [sflag:s13], $0x1400  }
0x21: {  	[sflag:s13] =	ssyncset.done $0x0  }
0x22: {  	[sflag:s13] =	ssyncadd.s32 $0xFFFFEC00  }
0x23: {  	[tilespmem:s17], [sflag:$0x1] =	stream.indirect.gather [hbm4b:s4+s15], $0x80, s3, s15, $0xb8;
	[tilespmem:$0x1FC00] =	vst v63  }
0x24: {  	_ =	swait.ge [sflag:s18], $0x4000  }
0x25: {  	[sflag:s18] =	ssyncset.done $0x0  }
0x26: {  	[sflag:s18] =	ssyncadd.s32 $0xFFFFC000  }
0x27: {  	[spmem:s2] =	stream.indirect.scatter.add.f32 [tilespmem:s17], [sflag:$0x3], $0x80, s14, s15, $0xb8;
	[tilespmem:$0x1FC00] =	vst v63  }
0x28: {  	_ = 	snop  }
0x29: {  	[tilespmem:s19], [sflag:$0x2] =	stream.indirect.gather [hbm4b:s4+s15], $0x80, s15, s15, $0xb8;
	[tilespmem:$0x1FC00] =	vst v63  }
0x2a: {  	_ =	swait.ge [sflag:s20], $0x4000  }
0x2b: {  	[sflag:s20] =	ssyncset.done $0x0  }
0x2c: {  	s21 =	simm.s32 $0x1480;
	[sflag:s20] =	ssyncadd.s32 $0xFFFFC000  }
0x2d: {  	[spmem:s2] =	stream.indirect.scatter.add.f32 [tilespmem:s19], [sflag:$0x4], $0x80, s21, s15, $0xb8;
	[tilespmem:$0x1FC00] =	vst v63  }
0x2e: {  	_ =	swait.ge [sflag:s22], $0x4000  }
0x2f: {  	[sflag:s22] =	ssyncset.done $0x0  }
0x30: {  	[sflag:s22] =	ssyncadd.s32 $0xFFFFC000  }
0x31: {  	[tilespmem:s17], [sflag:$0x1] =	stream.indirect.gather [hbm4b:s4+s15], $0x80, s23, s15, $0xb8;
	[tilespmem:$0x1FC00] =	vst v63  }
0x32: {  	_ =	swait.ge [sflag:s18], $0x4000  }
0x33: {  	[sflag:s18] =	ssyncset.done $0x0  }
0x34: {  	s28 =	simm.s32 $0x1500;
	[sflag:s18] =	ssyncadd.s32 $0xFFFFC000  }
0x35: {  	[spmem:s2] =	stream.indirect.scatter.add.f32 [tilespmem:s17], [sflag:$0x3], $0x80, s28, s15, $0xb8;
	[tilespmem:$0x1FC00] =	vst v63  }
0x36: {  	_ =	swait.ge [sflag:s24], $0x4000  }
0x37: {  	[sflag:s24] =	ssyncset.done $0x0  }
0x38: {  	s25 =	simm.s32 $0x180;
	[sflag:s24] =	ssyncadd.s32 $0xFFFFC000  }
0x39: {  	[tilespmem:s19], [sflag:$0x2] =	stream.indirect.gather [hbm4b:s4+s15], $0x80, s25, s15, $0xb8;
	[tilespmem:$0x1FC00] =	vst v63  }
0x3a: {  	_ =	swait.ge [sflag:s20], $0x4000  }
0x3b: {  	[sflag:s20] =	ssyncset.done $0x0  }
0x3c: {  	s28 =	simm.s32 $0x1580;
	[sflag:s20] =	ssyncadd.s32 $0xFFFFC000  }
0x3d: {  	[spmem:s2] =	stream.indirect.scatter.add.f32 [tilespmem:s19], [sflag:$0x4], $0x80, s28, s15, $0xb8;
	[tilespmem:$0x1FC00] =	vst v63  }
0x3e: {  	_ =	swait.ge [sflag:s22], $0x4000  }
0x3f: {  	[sflag:s22] =	ssyncset.done $0x0  }
0x40: {  	s21 =	simm.s32 $0xFFFFBC00;
	s25 =	simm.s32 $0x200;
	[sflag:s22] =	ssyncadd.s32 $0xFFFFC000  }
.LBB2_2:
0x41: {  	[tilespmem:s17], [sflag:$0x1] =	stream.indirect.gather [hbm4b:s4+s15], $0x80, s25, s15, $0xb8;
	[tilespmem:$0x1FC00] =	vst v63  }
0x42: {  	s25 =	smov.u32 s21  }
0x43: {  	p0 =	sne.s32 s21, $0xFFFFFC00;
	s21 =	sadd.s32 $0x400, s21;
	_ =	swait.ge [sflag:s18], $0x4000  }
0x44: {  	s25 =	sshra.s32 s25, $0x2;
	[sflag:s18] =	ssyncset.done $0x0  }
0x45: {  	s28 =	sadd.s32 $0x2700, s25;
	[sflag:s18] =	ssyncadd.s32 $0xFFFFC000  }
0x46: {  	[spmem:s2] =	stream.indirect.scatter.add.f32 [tilespmem:s17], [sflag:$0x3], $0x80, s28, s15, $0xb8;
	[tilespmem:$0x1FC00] =	vst v63  }
0x47: {  	_ =	swait.ge [sflag:s24], $0x4000  }
0x48: {  	[sflag:s24] =	ssyncset.done $0x0  }
0x49: {  	s28 =	sadd.s32 $0x1380, s25;
	[sflag:s24] =	ssyncadd.s32 $0xFFFFC000  }
0x4a: {  	[tilespmem:s19], [sflag:$0x2] =	stream.indirect.gather [hbm4b:s4+s15], $0x80, s28, s15, $0xb8;
	[tilespmem:$0x1FC00] =	vst v63  }
0x4b: {  	_ =	swait.ge [sflag:s20], $0x4000  }
0x4c: {  	[sflag:s20] =	ssyncset.done $0x0  }
.Ltmp0:
0x4d: {  	s28 =	sadd.s32 $0x2780, s25;
	[sflag:s20] =	ssyncadd.s32 $0xFFFFC000;
	(pc) =	sbr.rel @p0 .LBB2_2-.Ltmp0, $4  }
0x4e: {  	[spmem:s2] =	stream.indirect.scatter.add.f32 [tilespmem:s19], [sflag:$0x4], $0x80, s28, s15, $0xb8;
	[tilespmem:$0x1FC00] =	vst v63  }
0x4f: {  	_ =	swait.ge [sflag:s22], $0x4000  }
0x50: {  	[sflag:s22] =	ssyncset.done $0x0  }
0x51: {  	s25 =	sadd.s32 $0x1400, s25;
	[sflag:s22] =	ssyncadd.s32 $0xFFFFC000  }
0x52: {  	[tilespmem:s17], [sflag:$0x1] =	stream.indirect.gather [hbm4b:s4+s15], $0x80, s25, s15, $0xb8;
	[tilespmem:$0x1FC00] =	vst v63  }
0x53: {  	_ =	swait.ge [sflag:s18], $0x4000  }
0x54: {  	[sflag:s18] =	ssyncset.done $0x0  }
0x55: {  	s21 =	simm.s32 $0x2700;
	[sflag:s18] =	ssyncadd.s32 $0xFFFFC000  }
0x56: {  	[spmem:s2] =	stream.indirect.scatter.add.f32 [tilespmem:s17], [sflag:$0x3], $0x80, s21, s15, $0xb8;
	[tilespmem:$0x1FC00] =	vst v63  }
0x57: {  	_ =	swait.ge [sflag:s24], $0x4000  }
0x58: {  	[sflag:s24] =	ssyncset.done $0x0  }
0x59: {  	[sflag:s24] =	ssyncadd.s32 $0xFFFFC000  }
0x5a: {  	[tilespmem:s19], [sflag:$0x2] =	stream.indirect.gather [hbm4b:s4+s15], $0x80, s26, s15, $0xb8;
	[tilespmem:$0x1FC00] =	vst v63  }
0x5b: {  	_ =	swait.ge [sflag:s20], $0x4000  }
0x5c: {  	[sflag:s20] =	ssyncset.done $0x0  }
0x5d: {  	s25 =	simm.s32 $0x2780;
	[sflag:s20] =	ssyncadd.s32 $0xFFFFC000  }
0x5e: {  	[spmem:s2] =	stream.indirect.scatter.add.f32 [tilespmem:s19], [sflag:$0x4], $0x80, s25, s15, $0xb8;
	[tilespmem:$0x1FC00] =	vst v63  }
0x5f: {  	_ =	swait.ge [sflag:s22], $0x4000  }
0x60: {  	[sflag:s22] =	ssyncset.done $0x0  }
0x61: {  	[sflag:s22] =	ssyncadd.s32 $0xFFFFC000  }
0x62: {  	_ =	swait.ge [sflag:s24], $0x4000  }
0x63: {  	[sflag:s24] =	ssyncset.done $0x0  }
0x64: {  	[sflag:s24] =	ssyncadd.s32 $0xFFFFC000  }
0x65: {  	[tilespmem:s3], [sflag:$0x5] =	stream.strided.gather [hbm4b:s9+s15], $0x1400, s16, s15, $0x38;
	[tilespmem:$0x1FC00] =	vst v63  }
0x66: {  	_ =	swait.ge [sflag:s13], $0x1400  }
0x67: {  	[sflag:s13] =	ssyncset.done $0x0  }
0x68: {  	[sflag:s13] =	ssyncadd.s32 $0xFFFFEC00  }
0x69: {  	[tilespmem:s17], [sflag:$0x1] =	stream.indirect.gather [hbm4b:s4+s15], $0x80, s3, s15, $0xb8;
	[tilespmem:$0x1FC00] =	vst v63  }
0x6a: {  	_ =	swait.ge [sflag:s18], $0x4000  }
0x6b: {  	[sflag:s18] =	ssyncset.done $0x0  }
0x6c: {  	[sflag:s18] =	ssyncadd.s32 $0xFFFFC000  }
0x6d: {  	[spmem:s2] =	stream.indirect.scatter.add.f32 [tilespmem:s17], [sflag:$0x3], $0x80, s29, s15, $0xb8;
	[tilespmem:$0x1FC00] =	vst v63  }
0x6e: {  	_ = 	snop  }
0x6f: {  	[tilespmem:s19], [sflag:$0x2] =	stream.indirect.gather [hbm4b:s4+s15], $0x80, s15, s15, $0xb8;
	[tilespmem:$0x1FC00] =	vst v63  }
0x70: {  	_ =	swait.ge [sflag:s20], $0x4000  }
0x71: {  	[sflag:s20] =	ssyncset.done $0x0  }
0x72: {  	[sflag:s20] =	ssyncadd.s32 $0xFFFFC000  }
0x73: {  	[spmem:s2] =	stream.indirect.scatter.add.f32 [tilespmem:s19], [sflag:$0x4], $0x80, s30, s15, $0xb8;
	[tilespmem:$0x1FC00] =	vst v63  }
0x74: {  	_ =	swait.ge [sflag:s22], $0x4000  }
0x75: {  	[sflag:s22] =	ssyncset.done $0x0  }
0x76: {  	[sflag:s22] =	ssyncadd.s32 $0xFFFFC000  }
0x77: {  	[tilespmem:s17], [sflag:$0x1] =	stream.indirect.gather [hbm4b:s4+s15], $0x80, s23, s15, $0xb8;
	[tilespmem:$0x1FC00] =	vst v63  }
0x78: {  	_ =	swait.ge [sflag:s18], $0x4000  }
0x79: {  	[sflag:s18] =	ssyncset.done $0x0  }
0x7a: {  	s28 =	simm.s32 $0x2900;
	[sflag:s18] =	ssyncadd.s32 $0xFFFFC000  }
0x7b: {  	[spmem:s2] =	stream.indirect.scatter.add.f32 [tilespmem:s17], [sflag:$0x3], $0x80, s28, s15, $0xb8;
	[tilespmem:$0x1FC00] =	vst v63  }
0x7c: {  	_ =	swait.ge [sflag:s24], $0x4000  }
0x7d: {  	[sflag:s24] =	ssyncset.done $0x0  }
0x7e: {  	s25 =	simm.s32 $0x180;
	[sflag:s24] =	ssyncadd.s32 $0xFFFFC000  }
0x7f: {  	[tilespmem:s19], [sflag:$0x2] =	stream.indirect.gather [hbm4b:s4+s15], $0x80, s25, s15, $0xb8;
	[tilespmem:$0x1FC00] =	vst v63  }
0x80: {  	_ =	swait.ge [sflag:s20], $0x4000  }
0x81: {  	[sflag:s20] =	ssyncset.done $0x0  }
0x82: {  	s28 =	simm.s32 $0x2980;
	[sflag:s20] =	ssyncadd.s32 $0xFFFFC000  }
0x83: {  	[spmem:s2] =	stream.indirect.scatter.add.f32 [tilespmem:s19], [sflag:$0x4], $0x80, s28, s15, $0xb8;
	[tilespmem:$0x1FC00] =	vst v63  }
0x84: {  	_ =	swait.ge [sflag:s22], $0x4000  }
0x85: {  	[sflag:s22] =	ssyncset.done $0x0  }
0x86: {  	s21 =	simm.s32 $0xFFFFBC00;
	s25 =	simm.s32 $0x200;
	[sflag:s22] =	ssyncadd.s32 $0xFFFFC000  }
.LBB2_4:
0x87: {  	[tilespmem:s17], [sflag:$0x1] =	stream.indirect.gather [hbm4b:s4+s15], $0x80, s25, s15, $0xb8;
	[tilespmem:$0x1FC00] =	vst v63  }
0x88: {  	s25 =	smov.u32 s21  }
0x89: {  	p0 =	sne.s32 s21, $0xFFFFFC00;
	s21 =	sadd.s32 $0x400, s21;
	_ =	swait.ge [sflag:s18], $0x4000  }
0x8a: {  	s25 =	sshra.s32 s25, $0x2;
	[sflag:s18] =	ssyncset.done $0x0  }
0x8b: {  	s28 =	sadd.s32 $0x3B00, s25;
	[sflag:s18] =	ssyncadd.s32 $0xFFFFC000  }
0x8c: {  	[spmem:s2] =	stream.indirect.scatter.add.f32 [tilespmem:s17], [sflag:$0x3], $0x80, s28, s15, $0xb8;
	[tilespmem:$0x1FC00] =	vst v63  }
0x8d: {  	_ =	swait.ge [sflag:s24], $0x4000  }
0x8e: {  	[sflag:s24] =	ssyncset.done $0x0  }
0x8f: {  	s28 =	sadd.s32 $0x1380, s25;
	[sflag:s24] =	ssyncadd.s32 $0xFFFFC000  }
0x90: {  	[tilespmem:s19], [sflag:$0x2] =	stream.indirect.gather [hbm4b:s4+s15], $0x80, s28, s15, $0xb8;
	[tilespmem:$0x1FC00] =	vst v63  }
0x91: {  	_ =	swait.ge [sflag:s20], $0x4000  }
0x92: {  	[sflag:s20] =	ssyncset.done $0x0  }
.Ltmp1:
0x93: {  	s28 =	sadd.s32 $0x3B80, s25;
	[sflag:s20] =	ssyncadd.s32 $0xFFFFC000;
	(pc) =	sbr.rel @p0 .LBB2_4-.Ltmp1, $4  }
0x94: {  	[spmem:s2] =	stream.indirect.scatter.add.f32 [tilespmem:s19], [sflag:$0x4], $0x80, s28, s15, $0xb8;
	[tilespmem:$0x1FC00] =	vst v63  }
0x95: {  	_ =	swait.ge [sflag:s22], $0x4000  }
0x96: {  	[sflag:s22] =	ssyncset.done $0x0  }
0x97: {  	s25 =	sadd.s32 $0x1400, s25;
	[sflag:s22] =	ssyncadd.s32 $0xFFFFC000  }
0x98: {  	[tilespmem:s17], [sflag:$0x1] =	stream.indirect.gather [hbm4b:s4+s15], $0x80, s25, s15, $0xb8;
	[tilespmem:$0x1FC00] =	vst v63  }
0x99: {  	_ =	swait.ge [sflag:s18], $0x4000  }
0x9a: {  	[sflag:s18] =	ssyncset.done $0x0  }
0x9b: {  	[sflag:s18] =	ssyncadd.s32 $0xFFFFC000  }
0x9c: {  	[spmem:s2] =	stream.indirect.scatter.add.f32 [tilespmem:s17], [sflag:$0x3], $0x80, s31, s15, $0xb8;
	[tilespmem:$0x1FC00] =	vst v63  }
0x9d: {  	_ =	swait.ge [sflag:s24], $0x4000  }
0x9e: {  	[sflag:s24] =	ssyncset.done $0x0  }
0x9f: {  	[sflag:s24] =	ssyncadd.s32 $0xFFFFC000  }
0xa0: {  	[tilespmem:s19], [sflag:$0x2] =	stream.indirect.gather [hbm4b:s4+s15], $0x80, s26, s15, $0xb8;
	[tilespmem:$0x1FC00] =	vst v63  }
0xa1: {  	_ =	swait.ge [sflag:s20], $0x4000  }
0xa2: {  	[sflag:s20] =	ssyncset.done $0x0  }
0xa3: {  	[sflag:s20] =	ssyncadd.s32 $0xFFFFC000  }
0xa4: {  	[spmem:s2] =	stream.indirect.scatter.add.f32 [tilespmem:s19], [sflag:$0x4], $0x80, s0, s15, $0xb8;
	[tilespmem:$0x1FC00] =	vst v63  }
0xa5: {  	_ =	swait.ge [sflag:s22], $0x4000  }
0xa6: {  	[sflag:s22] =	ssyncset.done $0x0  }
0xa7: {  	[sflag:s22] =	ssyncadd.s32 $0xFFFFC000  }
0xa8: {  	_ =	swait.ge [sflag:s24], $0x4000  }
0xa9: {  	s1 =	sadd.s32 $0x1, s1;
	[sflag:s24] =	ssyncset.done $0x0  }
0xaa: {  	p0 =	sne.s32 s1, s11;
	[sflag:s24] =	ssyncadd.s32 $0xFFFFC000  }
.Ltmp2:
0xab: {  	[bflag:$0x0] =	sbarrier.arrive $0xFFFF;
	(pc) =	sbr.rel @p0 .LBB2_1-.Ltmp2, $4  }
0xac: {  	[hbm:s10], [sflag:s6] =	dma.local [spmem:s12], $0x2800  }
0xad: {  	_ =	swait.ge [sflag:s13], $0x2800  }
0xae: {  	[sflag:s13] =	ssyncset.done $0x0  }
0xaf: {  	[sflag:s13] =	ssyncadd.s32 $0xFFFFD800  }
0xb0: {  	_ =	sfence.sel $0x180000  }
0xb1: {  	[bflag:$0x0] =	sbarrier.arrive $0xFFFF  }
0xb2: {  	_ =	strace $0x9000004A  }
0xb3: {  	s0 =	stileid.u32;
	[bflag:$0x2] =	sbarrier.arrive $0xFFFF  }
0xb4: {  	p0 =	sne.s32 s0, $0x0;
	s0 =	rddreg [dreg:$0x3]  }
0xb5: {  	s0 =	sadd.s32 @!p0 $0x100000, s0  }
0xb6: {  	[sflag:s0] =	ssyncadd.tile.s32 @!p0 $0x1;
	_ =	shalt  }
.Lfunc_end2:
_tile_overlayer_lowered:
.L_overlay_start_2:
0xb7: {  	(tag) =	ssettag $0x2  }
0xb8: {  	s0 =	rddreg [dreg:$0x0];
	s2 =	stileid.u32  }
0xb9: {  	s1 =	rddreg [dreg:$0x1];
	p0 =	sne.s32 s2, $0x0  }
0xba: {  	s3 =	rddreg [dreg:$0x2];
	[bflag:$0x3] =	sbarrier.arrive $0xFFFF;
	s2 =	simm.s32 @!p0 $0x1C05  }
0xbb: {  	[timem:s3], [sflag:s2] =	dma.local @!p0 [hbm:s0], s1  }
0xbc: {  	s0 =	simm.s32 @!p0 $0x5  }
0xbd: {  	_ =	swait.ge @!p0 [sflag:s0], s1  }
0xbe: {  	s1 =	ssub.s32 @!p0 $0x0, s1;
	[sflag:s0] =	ssyncset.done @!p0 $0x0  }
0xbf: {  	[sflag:s0] =	ssyncadd.s32 @!p0 s1  }
0xc0: {  	[bflag:$0x3] =	sbarrier.arrive $0xFFFF  }
0xc1: {  	_ =	shalt  }

// kernel: kernel.17.cloned.1.call-start
scs
__scs_entry_jumppad:
0x0: {  	(pc) =	sbr.rel $0x88, $3  }
0x1: {  	(tag) =	ssettag $0x0;
	lr =	simm.s32 $0x1  }
0x2: {  	[smem:$0x3F93] =	sst lr;
	_ =	strace $0xD0000000  }
0x3: {  	_ = 	snop  }
0x4: {  	_ = 	snop  }
0x5: {  	_ = 	snop  }
0x6: {  	_ = 	snop  }
0x7: {  	_ = 	snop  }
__scs_overlays_trampoline_lowered:
0x8: {  	[smem:$0x3FA2] =	sst s0  }
0x9: {  	[smem:$0x3FA3] =	sst s1  }
0xa: {  	[smem:$0x3FA4] =	sst s2  }
0xb: {  	[smem:$0x3FA5] =	sst s3  }
0xc: {  	[smem:$0x3FA6] =	sst s4  }
0xd: {  	[smem:$0x3FA7] =	sst s5  }
0xe: {  	[smem:$0x3FA8] =	sst s6  }
0xf: {  	[smem:$0x3FA9] =	sst s7  }
0x10: {  	[smem:$0x3FAA] =	sst s8  }
0x11: {  	[smem:$0x3FAB] =	sst s9;
	s0 =	simm.s32 @!p0 $0x0  }
0x12: {  	s1 =	sld [smem:$0x3F91];
	s0 =	simm.s32 @p0 $0x1  }
0x13: {  	[smem:$0x3FAC] =	sst s0;
	s0 =	simm.s32 @!p1 $0x0  }
0x14: {  	s2 =	sld [smem:$0x3F90];
	s0 =	simm.s32 @p1 $0x1  }
0x15: {  	[smem:$0x3FAD] =	sst s0;
	s0 =	simm.s32 @!p2 $0x0  }
0x16: {  	s3 =	sld [smem:$0x3FDB];
	s0 =	simm.s32 @p2 $0x1  }
0x17: {  	s4 =	simm.s32 $0x1BF5;
	[smem:$0x3FAF] =	sst s0  }
0x18: {  	s0 =	sld [smem:$0x3F92];
	_ =	swait.ge [sflag:s4], $0x0  }
0x19: {  	s7 =	sld [smem:$0x3F93]  }
0x1a: {  	s8 =	sadd.s32 $0xFFFFE003, lr  }
0x1b: {  	s9 =	sadd.s32 $0xFFFFFEF7, lr;
	s5 =	simm.s32 $0xFFFFFFFF;
	p2 =	slt.u32 s8, $0xFFFFF086  }
0x1c: {  	p1 =	slt.u32 s9, $0xF7A;
	s5 =	simm.s32 @!p2 $0x0  }
0x1d: {  	s5 =	simm.s32 @p1 $0x1;
	p0 =	seq.s32 s7, s2  }
0x1e: {  	s7 =	smul.u32 @!p0 $0xF7A, s2;
	p2 =	seq.s32 @!p0 s5, $0x0  }
0x1f: {  	s9 =	smul.u32 $0xF7A, s1;
	s8 =	simm.s32 @!p0 $0x1BF5;
	p2 =	por !p2, p0  }
0x20: {  	[sflag:s8] =	ssyncset.s32 @!p0 $0xFFFFF086;
	s6 =	sadd.s32 @!p0 s3, s7;
	s7 =	simm.s32 @!p0 $0x108  }
0x21: {  	s3 =	sadd.s32 s3, s9;
	s6 =	sadd.s32 @!p0 $0x88, s6;
	s7 =	simm.s32 @p2 $0x1082  }
0x22: {  	[simem:s7], [sflag:s8] =	dma.local @!p0 [hbm:s6], $0xF7A  }
0x23: {  	s9 =	sor.u32 $0xD0000000, s2;
	s6 =	simm.s32 $0x108;
	_ =	swait.ge @!p0 [sflag:s8], $0x0  }
0x24: {  	s3 =	sadd.s32 $0x88, s3;
	s6 =	simm.s32 @!p1 $0x1082;
	[sflag:s4] =	ssyncset.s32 $0xFFFFF086  }
0x25: {  	[simem:s6], [sflag:s4] =	dma.local [hbm:s3], $0xF7A  }
0x26: {  	[smem:$0x3F93] =	sst s1;
	(tag) =	ssettag s2;
	_ =	strace s9  }
0x27: {  	s1 =	sld [smem:$0x3FA3]  }
0x28: {  	s2 =	sld [smem:$0x3FA4]  }
0x29: {  	s4 =	sld [smem:$0x3FA6]  }
0x2a: {  	p0 =	seq.s32 s5, $0x0;
	s5 =	sld [smem:$0x3FA7]  }
0x2b: {  	s6 =	sld [smem:$0x3FA8]  }
0x2c: {  	s7 =	sld [smem:$0x3FA9]  }
0x2d: {  	s3 =	simm.s32 $0x108;
	s8 =	sld [smem:$0x3FAA]  }
0x2e: {  	s3 =	simm.s32 @!p0 $0x1082;
	s9 =	sld [smem:$0x3FAB]  }
0x2f: {  	lr =	sadd.s32 s0, s3;
	s0 =	sld [smem:$0x3FA2]  }
0x30: {  	s3 =	sld [smem:$0x3FA5]  }
0x31: {  	[smem:$0x3FAE] =	sst s10  }
0x32: {  	s10 =	sld [smem:$0x3FAC];
	_ =	sdelay $0x3  }
0x33: {  	p0 =	seq.s32 s10, $0x1;
	s10 =	sld [smem:$0x3FAE];
	_ =	sdelay $0x3  }
0x34: {  	[smem:$0x3FAE] =	sst s10  }
0x35: {  	s10 =	sld [smem:$0x3FAD];
	_ =	sdelay $0x3  }
0x36: {  	p1 =	seq.s32 s10, $0x1;
	s10 =	sld [smem:$0x3FAE];
	_ =	sdelay $0x3  }
0x37: {  	[smem:$0x3FAE] =	sst s10  }
0x38: {  	s10 =	sld [smem:$0x3FAF]  }
0x39: {  	_ = 	snop;
	(pc) =	sbr.ind lr, $3  }
0x3a: {  	_ = 	snop  }
0x3b: {  	_ = 	snop  }
0x3c: {  	p2 =	seq.s32 s10, $0x1;
	s10 =	sld [smem:$0x3FAE]  }
0x3d: {  	_ =	shalt  }
0x3e: {  	_ =	shalt  }
0x3f: {  	_ =	shalt  }
0x40: {  	_ =	shalt  }
0x41: {  	_ =	shalt  }
0x42: {  	_ =	shalt  }
0x43: {  	_ =	shalt  }
0x44: {  	_ =	shalt  }
0x45: {  	_ =	shalt  }
0x46: {  	_ =	shalt  }
0x47: {  	_ =	shalt  }
0x48: {  	_ =	shalt  }
0x49: {  	_ =	shalt  }
0x4a: {  	_ =	shalt  }
0x4b: {  	_ =	shalt  }
0x4c: {  	_ =	shalt  }
0x4d: {  	_ =	shalt  }
0x4e: {  	_ =	shalt  }
0x4f: {  	_ =	shalt  }
0x50: {  	_ =	shalt  }
0x51: {  	_ =	shalt  }
0x52: {  	_ =	shalt  }
0x53: {  	_ =	shalt  }
0x54: {  	_ =	shalt  }
0x55: {  	_ =	shalt  }
0x56: {  	_ =	shalt  }
0x57: {  	_ =	shalt  }
0x58: {  	_ =	shalt  }
0x59: {  	_ =	shalt  }
0x5a: {  	_ =	shalt  }
0x5b: {  	_ =	shalt  }
0x5c: {  	_ =	shalt  }
0x5d: {  	_ =	shalt  }
0x5e: {  	_ =	shalt  }
0x5f: {  	_ =	shalt  }
0x60: {  	_ =	shalt  }
0x61: {  	_ =	shalt  }
0x62: {  	_ =	shalt  }
0x63: {  	_ =	shalt  }
0x64: {  	_ =	shalt  }
0x65: {  	_ =	shalt  }
0x66: {  	_ =	shalt  }
0x67: {  	_ =	shalt  }
0x68: {  	_ =	shalt  }
0x69: {  	_ =	shalt  }
0x6a: {  	_ =	shalt  }
0x6b: {  	_ =	shalt  }
0x6c: {  	_ =	shalt  }
0x6d: {  	_ =	shalt  }
0x6e: {  	_ =	shalt  }
0x6f: {  	_ =	shalt  }
0x70: {  	_ =	shalt  }
0x71: {  	_ =	shalt  }
0x72: {  	_ =	shalt  }
0x73: {  	_ =	shalt  }
0x74: {  	_ =	shalt  }
0x75: {  	_ =	shalt  }
0x76: {  	_ =	shalt  }
0x77: {  	_ =	shalt  }
0x78: {  	_ =	shalt  }
0x79: {  	_ =	shalt  }
0x7a: {  	_ =	shalt  }
0x7b: {  	_ =	shalt  }
0x7c: {  	_ =	shalt  }
0x7d: {  	_ =	shalt  }
0x7e: {  	_ =	shalt  }
0x7f: {  	_ =	shalt  }
0x80: {  	_ =	shalt  }
0x81: {  	_ =	shalt  }
0x82: {  	_ =	shalt  }
0x83: {  	_ =	shalt  }
0x84: {  	_ =	shalt  }
0x85: {  	_ =	shalt  }
0x86: {  	_ =	shalt  }
0x87: {  	_ =	shalt  }
.Lfunc_end0:
.L_simem_size_0:
called_computation.2_lowered:
.L_overlay_start_0:
0x88: {  	s2 =	sld [smem:$0x3FD9]  }
0x89: {  	s3 =	sld [smem:$0x3FFE];
	_ =	sdelay $0x1  }
0x8a: {  	s1 =	srdreg.scid  }
0x8b: {  	s0 =	sand.u32 $0x1, s1  }
0x8c: {  	s17 =	sshll.u32 s0, $0xA;
	s2 =	sadd.s32 s3, s2  }
0x8d: {  	s2 =	sadd.s32 s2, s17  }
0x8e: {  	[smem:$0x3FBA] =	sst s2  }
0x8f: {  	_ = 	snop  }
0x90: {  	s2 =	sld [smem:$0x3FD0];
	(tm) =	ssettm $0x1  }
0x91: {  	s18 =	sld [smem:$0x3FFB];
	_ =	sdelay $0x3  }
0x92: {  	_ =	strace s18  }
0x93: {  	s3 =	sld [smem:$0x3FFC];
	_ =	sdelay $0x3  }
0x94: {  	_ =	strace s3  }
0x95: {  	s3 =	sld [smem:$0x3FFD];
	_ =	sdelay $0x3  }
0x96: {  	_ =	strace s3  }
0x97: {  	_ =	strace $0x8FFFFFFF  }
0x98: {  	s19 =	sld [smem:$0x3FDB];
	_ =	sdelay $0x1  }
0x99: {  	s4 =	simm.s32 $_scs_section_size  }
0x9a: {  	s5 =	simm.s32 $_size__tile_overlayer_lowered;
	s6 =	simm.s32 $_tile_overlayer_lowered  }
0x9b: {  	s22 =	simm.s32 $0x1BFF;
	s21 =	sshll.u32 s6, $0x1;
	s3 =	sadd.s32 s4, s19  }
0x9c: {  	s7 =	simm.s32 $0x0;
	s20 =	sshll.u32 s5, $0x1;
	s5 =	sadd.s32 s21, s3  }
0x9d: {  	[timem:s7], [sflag:s22] =	dma.local [hbm:s5], s20  }
0x9e: {  	_ =	swait.ge [sflag:s22], s20  }
0x9f: {  	s4 =	ssub.s32 $0x0, s20;
	[sflag:s22] =	ssyncset.done $0x0  }
0xa0: {  	[sflag:s22] =	ssyncadd.s32 s4;
	_ =	sdelay $0x1  }
0xa1: {  	s23 =	simm.s32 $0x1B8B  }
0xa2: {  	_ =	swait.ge [sflag:s23], $0x1  }
0xa3: {  	[sflag:s23] =	ssyncset.done $0x0  }
0xa4: {  	s25 =	simm.s32 $0x1B8E;
	s24 =	sld [smem:$0x3FFE];
	[sflag:s23] =	ssyncadd.s32 $0xFFFFFFFF  }
0xa5: {  	s26 =	simm.s32 $execute0_lowered;
	[smem:$0x3FD2] =	sst s25  }
0xa6: {  	s5 =	sshll.u32 s26, $0x1;
	_ =	strace $0x8000004C;
	[dreg:$0x1] =	wrdreg $0xFFFFFFFF  }
0xa7: {  	s28 =	simm.s32 $_size_execute0_lowered;
	s3 =	sadd.s32 s3, s5;
	[dreg:$0x0] =	wrdreg $0x0  }
0xa8: {  	s5 =	sshll.u32 s28, $0x1;
	[dreg:$0x2] =	wrdreg s3  }
0xa9: {  	[dreg:$0x3] =	wrdreg s5  }
0xaa: {  	[dreg:$0x4] =	wrdreg $0xC0  }
0xab: {  	_ =	task [dreg:s7], $0x5FFFF  }
0xac: {  	[dreg:$0x1] =	wrdreg $0xFFFFFFFF  }
0xad: {  	[dreg:$0x0] =	wrdreg $0x60  }
0xae: {  	[dreg:$0x2] =	wrdreg s24  }
0xaf: {  	[dreg:$0x3] =	wrdreg s2  }
0xb0: {  	[dreg:$0x4] =	wrdreg $0xBC000  }
0xb1: {  	[dreg:$0x5] =	wrdreg $0x9  }
0xb2: {  	_ =	task.clear_ibuf [dreg:s7], $0x6FFFF;
	_ =	strace $0x9000004C  }
0xb3: {  	s29 =	simm.s32 $0x9;
	_ =	strace $0x8000004E  }
0xb4: {  	_ =	swait.ge [sflag:s29], $0x1  }
0xb5: {  	[sflag:s29] =	ssyncadd.s32 $0xFFFFFFFF  }
0xb6: {  	_ =	strace $0x9000004E  }
0xb7: {  	_ =	sfence  }
0xb8: {  	s30 =	sld [smem:$0x0];
	_ =	sdelay $0x2  }
0xb9: {  	s31 =	sshll.u32 s1, $0xD;
	s1 =	sshrl.u32 s1, $0x2  }
0xba: {  	s3 =	sand.u32 $0x4000, s31;
	s1 =	sadd.s32 s1, s30  }
0xbb: {  	s0 =	sor.u32 s3, s0;
	s1 =	sshll.u32 s1, $0x11  }
0xbc: {  	s0 =	sor.u32 s1, s0  }
0xbd: {  	s0 =	sadd.s32 $0x8F2B, s0  }
0xbe: {  	[sflag:s0] =	ssyncadd.remote.s32 $0x1  }
0xbf: {  	_ =	sfence.sel $0xFFFF  }
0xc0: {  	[dreg:$0x0] =	wrdreg $0xFFFFFFFF;
	(pc) =	sbr.abs _section_cstart, $3  }
0xc1: {  	[dreg:$0x1] =	wrdreg $0xFFFFFFFF  }
0xc2: {  	_ =	task.clear_ibuf [dreg:s7], $0x2FFFF;
	_ =	strace $0x9FFFFFFF  }
0xc3: {  	(tm) =	ssettm $0x7FFFFFFF  }
tec
execute0_lowered:
.L_overlay_start_1:
0x0: {  	(tag) =	ssettag $0x1  }
0x1: {  	s0 =	rddreg [dreg:$0x0]  }
0x2: {  	s1 =	rddreg [dreg:$0x1]  }
0x3: {  	s2 =	rddreg [dreg:$0x2];
	s4 =	srdreg.scid  }
0x4: {  	s15 =	stileid.u32;
	s3 =	simm.s32 $0x0;
	s16 =	simm.s32 $0x400  }
0x5: {  	s17 =	simm.s32 $0x3C00;
	s18 =	simm.s32 $0x1;
	s19 =	simm.s32 $0x7C00  }
0x6: {  	s20 =	simm.s32 $0x2;
	s29 =	simm.s32 $0x2800;
	s30 =	simm.s32 $0x2880  }
0x7: {  	s31 =	simm.s32 $0x3B00;
	s6 =	sand.u32 $0x1, s4;
	s7 =	smul.u32 $0x2800, s15  }
0x8: {  	[smem:$0x7FF] =	sst s3;
	s4 =	sadd.s32 $0x7400, s0;
	s9 =	sadd.s32 $0x57400, s0  }
0x9: {  	s5 =	sadd.s32 $0x4C00, s0;
	s10 =	smul.u32 $0x50000, s15;
	s12 =	sshll.u32 s15, $0x7  }
0xa: {  	s25 =	sshll.u32 s15, $0x6;
	s8 =	smul.u32 $0x28000, s6;
	_ =	strace $0x8000004D  }
0xb: {  	s22 =	sshll.u32 s6, $0x4;
	s6 =	ssub.s32 $0x2, s6;
	s24 =	sand.u32 $0x380, s12  }
0xc: {  	s23 =	sshrl.u32 s6, $0x1;
	s10 =	sshrl.u32 s10, $0x2;
	s7 =	sadd.s32 s7, s8  }
0xd: {  	s8 =	sor.u32 s15, s22;
	s13 =	ssub.s32 s6, s23;
	s14 =	sadd.s32 s10, s2  }
0xe: {  	s6 =	sor.u32 $0x1C05, s25;
	s11 =	sshrl.u32 s8, $0x3;
	s8 =	smul.u32 $0x500, s8  }
0xf: {  	s15 =	simm.s32 $0x80;
	s22 =	simm.s32 $0x3;
	s11 =	smul.u32 $0x14000, s11  }
0x10: {  	s23 =	simm.s32 $0x100;
	s0 =	sadd.s32 s7, s0;
	s12 =	sshrl.u32 s14, $0x3  }
0x11: {  	s14 =	simm.s32 $0x1400;
	s7 =	sadd.s32 s1, s8;
	s26 =	sor.u32 s24, s11  }
0x12: {  	s1 =	simm.s32 $0x0;
	s24 =	simm.s32 $0x4;
	s11 =	sshrl.u32 s26, $0x3  }
0x13: {  	s10 =	sadd.s32 $0xA000, s26;
	s26 =	simm.s32 $0x1380;
	s8 =	sadd.s32 s9, s11  }
0x14: {  	s28 =	sshrl.u32 s10, $0x3;
	s10 =	sadd.s32 $0x61400, s0;
	s11 =	smax.u32 s13, $0x1  }
0x15: {  	s13 =	simm.s32 $0x5;
	s0 =	simm.s32 $0x3B80;
	s9 =	sadd.s32 s9, s28  }
.LBB2_1:
0x16: {  	[spmem:s12], [sflag:s6] =	dma.local [hbm:s5], $0x2800  }
0x17: {  	_ =	swait.ge [sflag:s13], $0x2800  }
0x18: {  	[sflag:s13] =	ssyncset.done $0x0  }
0x19: {  	[sflag:s13] =	ssyncadd.s32 $0xFFFFD800  }
0x1a: {  	[tilespmem:s14], [sflag:$0x5] =	stream.linear.gather [hbm4b:s7+s3], $0x2800, $0x38;
	[tilespmem:$0x1FC00] =	vst v63  }
0x1b: {  	_ =	swait.ge [sflag:s13], $0x2800  }
0x1c: {  	[sflag:s13] =	ssyncset.done $0x0  }
0x1d: {  	[sflag:s13] =	ssyncadd.s32 $0xFFFFD800  }
0x1e: {  	[bflag:$0x0] =	sbarrier.arrive $0xFFFF  }
0x1f: {  	[tilespmem:s3], [sflag:$0x5] =	stream.strided.gather [hbm4b:s8+s15], $0x1400, s16, s15, $0x38;
	[tilespmem:$0x1FC00] =	vst v63  }
0x20: {  	_ =	swait.ge [sflag:s13], $0x1400  }
0x21: {  	[sflag:s13] =	ssyncset.done $0x0  }
0x22: {  	[sflag:s13] =	ssyncadd.s32 $0xFFFFEC00  }
0x23: {  	[tilespmem:s17], [sflag:$0x1] =	stream.indirect.gather [hbm4b:s4+s15], $0x80, s3, s15, $0xb8;
	[tilespmem:$0x1FC00] =	vst v63  }
0x24: {  	_ =	swait.ge [sflag:s18], $0x4000  }
0x25: {  	[sflag:s18] =	ssyncset.done $0x0  }
0x26: {  	[sflag:s18] =	ssyncadd.s32 $0xFFFFC000  }
0x27: {  	[spmem:s2] =	stream.indirect.scatter.add.f32 [tilespmem:s17], [sflag:$0x3], $0x80, s14, s15, $0xb8;
	[tilespmem:$0x1FC00] =	vst v63  }
0x28: {  	_ = 	snop  }
0x29: {  	[tilespmem:s19], [sflag:$0x2] =	stream.indirect.gather [hbm4b:s4+s15], $0x80, s15, s15, $0xb8;
	[tilespmem:$0x1FC00] =	vst v63  }
0x2a: {  	_ =	swait.ge [sflag:s20], $0x4000  }
0x2b: {  	[sflag:s20] =	ssyncset.done $0x0  }
0x2c: {  	s21 =	simm.s32 $0x1480;
	[sflag:s20] =	ssyncadd.s32 $0xFFFFC000  }
0x2d: {  	[spmem:s2] =	stream.indirect.scatter.add.f32 [tilespmem:s19], [sflag:$0x4], $0x80, s21, s15, $0xb8;
	[tilespmem:$0x1FC00] =	vst v63  }
0x2e: {  	_ =	swait.ge [sflag:s22], $0x4000  }
0x2f: {  	[sflag:s22] =	ssyncset.done $0x0  }
0x30: {  	[sflag:s22] =	ssyncadd.s32 $0xFFFFC000  }
0x31: {  	[tilespmem:s17], [sflag:$0x1] =	stream.indirect.gather [hbm4b:s4+s15], $0x80, s23, s15, $0xb8;
	[tilespmem:$0x1FC00] =	vst v63  }
0x32: {  	_ =	swait.ge [sflag:s18], $0x4000  }
0x33: {  	[sflag:s18] =	ssyncset.done $0x0  }
0x34: {  	s28 =	simm.s32 $0x1500;
	[sflag:s18] =	ssyncadd.s32 $0xFFFFC000  }
0x35: {  	[spmem:s2] =	stream.indirect.scatter.add.f32 [tilespmem:s17], [sflag:$0x3], $0x80, s28, s15, $0xb8;
	[tilespmem:$0x1FC00] =	vst v63  }
0x36: {  	_ =	swait.ge [sflag:s24], $0x4000  }
0x37: {  	[sflag:s24] =	ssyncset.done $0x0  }
0x38: {  	s25 =	simm.s32 $0x180;
	[sflag:s24] =	ssyncadd.s32 $0xFFFFC000  }
0x39: {  	[tilespmem:s19], [sflag:$0x2] =	stream.indirect.gather [hbm4b:s4+s15], $0x80, s25, s15, $0xb8;
	[tilespmem:$0x1FC00] =	vst v63  }
0x3a: {  	_ =	swait.ge [sflag:s20], $0x4000  }
0x3b: {  	[sflag:s20] =	ssyncset.done $0x0  }
0x3c: {  	s28 =	simm.s32 $0x1580;
	[sflag:s20] =	ssyncadd.s32 $0xFFFFC000  }
0x3d: {  	[spmem:s2] =	stream.indirect.scatter.add.f32 [tilespmem:s19], [sflag:$0x4], $0x80, s28, s15, $0xb8;
	[tilespmem:$0x1FC00] =	vst v63  }
0x3e: {  	_ =	swait.ge [sflag:s22], $0x4000  }
0x3f: {  	[sflag:s22] =	ssyncset.done $0x0  }
0x40: {  	s21 =	simm.s32 $0xFFFFBC00;
	s25 =	simm.s32 $0x200;
	[sflag:s22] =	ssyncadd.s32 $0xFFFFC000  }
.LBB2_2:
0x41: {  	[tilespmem:s17], [sflag:$0x1] =	stream.indirect.gather [hbm4b:s4+s15], $0x80, s25, s15, $0xb8;
	[tilespmem:$0x1FC00] =	vst v63  }
0x42: {  	s25 =	smov.u32 s21  }
0x43: {  	p0 =	sne.s32 s21, $0xFFFFFC00;
	s21 =	sadd.s32 $0x400, s21;
	_ =	swait.ge [sflag:s18], $0x4000  }
0x44: {  	s25 =	sshra.s32 s25, $0x2;
	[sflag:s18] =	ssyncset.done $0x0  }
0x45: {  	s28 =	sadd.s32 $0x2700, s25;
	[sflag:s18] =	ssyncadd.s32 $0xFFFFC000  }
0x46: {  	[spmem:s2] =	stream.indirect.scatter.add.f32 [tilespmem:s17], [sflag:$0x3], $0x80, s28, s15, $0xb8;
	[tilespmem:$0x1FC00] =	vst v63  }
0x47: {  	_ =	swait.ge [sflag:s24], $0x4000  }
0x48: {  	[sflag:s24] =	ssyncset.done $0x0  }
0x49: {  	s28 =	sadd.s32 $0x1380, s25;
	[sflag:s24] =	ssyncadd.s32 $0xFFFFC000  }
0x4a: {  	[tilespmem:s19], [sflag:$0x2] =	stream.indirect.gather [hbm4b:s4+s15], $0x80, s28, s15, $0xb8;
	[tilespmem:$0x1FC00] =	vst v63  }
0x4b: {  	_ =	swait.ge [sflag:s20], $0x4000  }
0x4c: {  	[sflag:s20] =	ssyncset.done $0x0  }
.Ltmp0:
0x4d: {  	s28 =	sadd.s32 $0x2780, s25;
	[sflag:s20] =	ssyncadd.s32 $0xFFFFC000;
	(pc) =	sbr.rel @p0 .LBB2_2-.Ltmp0, $4  }
0x4e: {  	[spmem:s2] =	stream.indirect.scatter.add.f32 [tilespmem:s19], [sflag:$0x4], $0x80, s28, s15, $0xb8;
	[tilespmem:$0x1FC00] =	vst v63  }
0x4f: {  	_ =	swait.ge [sflag:s22], $0x4000  }
0x50: {  	[sflag:s22] =	ssyncset.done $0x0  }
0x51: {  	s25 =	sadd.s32 $0x1400, s25;
	[sflag:s22] =	ssyncadd.s32 $0xFFFFC000  }
0x52: {  	[tilespmem:s17], [sflag:$0x1] =	stream.indirect.gather [hbm4b:s4+s15], $0x80, s25, s15, $0xb8;
	[tilespmem:$0x1FC00] =	vst v63  }
0x53: {  	_ =	swait.ge [sflag:s18], $0x4000  }
0x54: {  	[sflag:s18] =	ssyncset.done $0x0  }
0x55: {  	s21 =	simm.s32 $0x2700;
	[sflag:s18] =	ssyncadd.s32 $0xFFFFC000  }
0x56: {  	[spmem:s2] =	stream.indirect.scatter.add.f32 [tilespmem:s17], [sflag:$0x3], $0x80, s21, s15, $0xb8;
	[tilespmem:$0x1FC00] =	vst v63  }
0x57: {  	_ =	swait.ge [sflag:s24], $0x4000  }
0x58: {  	[sflag:s24] =	ssyncset.done $0x0  }
0x59: {  	[sflag:s24] =	ssyncadd.s32 $0xFFFFC000  }
0x5a: {  	[tilespmem:s19], [sflag:$0x2] =	stream.indirect.gather [hbm4b:s4+s15], $0x80, s26, s15, $0xb8;
	[tilespmem:$0x1FC00] =	vst v63  }
0x5b: {  	_ =	swait.ge [sflag:s20], $0x4000  }
0x5c: {  	[sflag:s20] =	ssyncset.done $0x0  }
0x5d: {  	s25 =	simm.s32 $0x2780;
	[sflag:s20] =	ssyncadd.s32 $0xFFFFC000  }
0x5e: {  	[spmem:s2] =	stream.indirect.scatter.add.f32 [tilespmem:s19], [sflag:$0x4], $0x80, s25, s15, $0xb8;
	[tilespmem:$0x1FC00] =	vst v63  }
0x5f: {  	_ =	swait.ge [sflag:s22], $0x4000  }
0x60: {  	[sflag:s22] =	ssyncset.done $0x0  }
0x61: {  	[sflag:s22] =	ssyncadd.s32 $0xFFFFC000  }
0x62: {  	_ =	swait.ge [sflag:s24], $0x4000  }
0x63: {  	[sflag:s24] =	ssyncset.done $0x0  }
0x64: {  	[sflag:s24] =	ssyncadd.s32 $0xFFFFC000  }
0x65: {  	[tilespmem:s3], [sflag:$0x5] =	stream.strided.gather [hbm4b:s9+s15], $0x1400, s16, s15, $0x38;
	[tilespmem:$0x1FC00] =	vst v63  }
0x66: {  	_ =	swait.ge [sflag:s13], $0x1400  }
0x67: {  	[sflag:s13] =	ssyncset.done $0x0  }
0x68: {  	[sflag:s13] =	ssyncadd.s32 $0xFFFFEC00  }
0x69: {  	[tilespmem:s17], [sflag:$0x1] =	stream.indirect.gather [hbm4b:s4+s15], $0x80, s3, s15, $0xb8;
	[tilespmem:$0x1FC00] =	vst v63  }
0x6a: {  	_ =	swait.ge [sflag:s18], $0x4000  }
0x6b: {  	[sflag:s18] =	ssyncset.done $0x0  }
0x6c: {  	[sflag:s18] =	ssyncadd.s32 $0xFFFFC000  }
0x6d: {  	[spmem:s2] =	stream.indirect.scatter.add.f32 [tilespmem:s17], [sflag:$0x3], $0x80, s29, s15, $0xb8;
	[tilespmem:$0x1FC00] =	vst v63  }
0x6e: {  	_ = 	snop  }
0x6f: {  	[tilespmem:s19], [sflag:$0x2] =	stream.indirect.gather [hbm4b:s4+s15], $0x80, s15, s15, $0xb8;
	[tilespmem:$0x1FC00] =	vst v63  }
0x70: {  	_ =	swait.ge [sflag:s20], $0x4000  }
0x71: {  	[sflag:s20] =	ssyncset.done $0x0  }
0x72: {  	[sflag:s20] =	ssyncadd.s32 $0xFFFFC000  }
0x73: {  	[spmem:s2] =	stream.indirect.scatter.add.f32 [tilespmem:s19], [sflag:$0x4], $0x80, s30, s15, $0xb8;
	[tilespmem:$0x1FC00] =	vst v63  }
0x74: {  	_ =	swait.ge [sflag:s22], $0x4000  }
0x75: {  	[sflag:s22] =	ssyncset.done $0x0  }
0x76: {  	[sflag:s22] =	ssyncadd.s32 $0xFFFFC000  }
0x77: {  	[tilespmem:s17], [sflag:$0x1] =	stream.indirect.gather [hbm4b:s4+s15], $0x80, s23, s15, $0xb8;
	[tilespmem:$0x1FC00] =	vst v63  }
0x78: {  	_ =	swait.ge [sflag:s18], $0x4000  }
0x79: {  	[sflag:s18] =	ssyncset.done $0x0  }
0x7a: {  	s28 =	simm.s32 $0x2900;
	[sflag:s18] =	ssyncadd.s32 $0xFFFFC000  }
0x7b: {  	[spmem:s2] =	stream.indirect.scatter.add.f32 [tilespmem:s17], [sflag:$0x3], $0x80, s28, s15, $0xb8;
	[tilespmem:$0x1FC00] =	vst v63  }
0x7c: {  	_ =	swait.ge [sflag:s24], $0x4000  }
0x7d: {  	[sflag:s24] =	ssyncset.done $0x0  }
0x7e: {  	s25 =	simm.s32 $0x180;
	[sflag:s24] =	ssyncadd.s32 $0xFFFFC000  }
0x7f: {  	[tilespmem:s19], [sflag:$0x2] =	stream.indirect.gather [hbm4b:s4+s15], $0x80, s25, s15, $0xb8;
	[tilespmem:$0x1FC00] =	vst v63  }
0x80: {  	_ =	swait.ge [sflag:s20], $0x4000  }
0x81: {  	[sflag:s20] =	ssyncset.done $0x0  }
0x82: {  	s28 =	simm.s32 $0x2980;
	[sflag:s20] =	ssyncadd.s32 $0xFFFFC000  }
0x83: {  	[spmem:s2] =	stream.indirect.scatter.add.f32 [tilespmem:s19], [sflag:$0x4], $0x80, s28, s15, $0xb8;
	[tilespmem:$0x1FC00] =	vst v63  }
0x84: {  	_ =	swait.ge [sflag:s22], $0x4000  }
0x85: {  	[sflag:s22] =	ssyncset.done $0x0  }
0x86: {  	s21 =	simm.s32 $0xFFFFBC00;
	s25 =	simm.s32 $0x200;
	[sflag:s22] =	ssyncadd.s32 $0xFFFFC000  }
.LBB2_4:
0x87: {  	[tilespmem:s17], [sflag:$0x1] =	stream.indirect.gather [hbm4b:s4+s15], $0x80, s25, s15, $0xb8;
	[tilespmem:$0x1FC00] =	vst v63  }
0x88: {  	s25 =	smov.u32 s21  }
0x89: {  	p0 =	sne.s32 s21, $0xFFFFFC00;
	s21 =	sadd.s32 $0x400, s21;
	_ =	swait.ge [sflag:s18], $0x4000  }
0x8a: {  	s25 =	sshra.s32 s25, $0x2;
	[sflag:s18] =	ssyncset.done $0x0  }
0x8b: {  	s28 =	sadd.s32 $0x3B00, s25;
	[sflag:s18] =	ssyncadd.s32 $0xFFFFC000  }
0x8c: {  	[spmem:s2] =	stream.indirect.scatter.add.f32 [tilespmem:s17], [sflag:$0x3], $0x80, s28, s15, $0xb8;
	[tilespmem:$0x1FC00] =	vst v63  }
0x8d: {  	_ =	swait.ge [sflag:s24], $0x4000  }
0x8e: {  	[sflag:s24] =	ssyncset.done $0x0  }
0x8f: {  	s28 =	sadd.s32 $0x1380, s25;
	[sflag:s24] =	ssyncadd.s32 $0xFFFFC000  }
0x90: {  	[tilespmem:s19], [sflag:$0x2] =	stream.indirect.gather [hbm4b:s4+s15], $0x80, s28, s15, $0xb8;
	[tilespmem:$0x1FC00] =	vst v63  }
0x91: {  	_ =	swait.ge [sflag:s20], $0x4000  }
0x92: {  	[sflag:s20] =	ssyncset.done $0x0  }
.Ltmp1:
0x93: {  	s28 =	sadd.s32 $0x3B80, s25;
	[sflag:s20] =	ssyncadd.s32 $0xFFFFC000;
	(pc) =	sbr.rel @p0 .LBB2_4-.Ltmp1, $4  }
0x94: {  	[spmem:s2] =	stream.indirect.scatter.add.f32 [tilespmem:s19], [sflag:$0x4], $0x80, s28, s15, $0xb8;
	[tilespmem:$0x1FC00] =	vst v63  }
0x95: {  	_ =	swait.ge [sflag:s22], $0x4000  }
0x96: {  	[sflag:s22] =	ssyncset.done $0x0  }
0x97: {  	s25 =	sadd.s32 $0x1400, s25;
	[sflag:s22] =	ssyncadd.s32 $0xFFFFC000  }
0x98: {  	[tilespmem:s17], [sflag:$0x1] =	stream.indirect.gather [hbm4b:s4+s15], $0x80, s25, s15, $0xb8;
	[tilespmem:$0x1FC00] =	vst v63  }
0x99: {  	_ =	swait.ge [sflag:s18], $0x4000  }
0x9a: {  	[sflag:s18] =	ssyncset.done $0x0  }
0x9b: {  	[sflag:s18] =	ssyncadd.s32 $0xFFFFC000  }
0x9c: {  	[spmem:s2] =	stream.indirect.scatter.add.f32 [tilespmem:s17], [sflag:$0x3], $0x80, s31, s15, $0xb8;
	[tilespmem:$0x1FC00] =	vst v63  }
0x9d: {  	_ =	swait.ge [sflag:s24], $0x4000  }
0x9e: {  	[sflag:s24] =	ssyncset.done $0x0  }
0x9f: {  	[sflag:s24] =	ssyncadd.s32 $0xFFFFC000  }
0xa0: {  	[tilespmem:s19], [sflag:$0x2] =	stream.indirect.gather [hbm4b:s4+s15], $0x80, s26, s15, $0xb8;
	[tilespmem:$0x1FC00] =	vst v63  }
0xa1: {  	_ =	swait.ge [sflag:s20], $0x4000  }
0xa2: {  	[sflag:s20] =	ssyncset.done $0x0  }
0xa3: {  	[sflag:s20] =	ssyncadd.s32 $0xFFFFC000  }
0xa4: {  	[spmem:s2] =	stream.indirect.scatter.add.f32 [tilespmem:s19], [sflag:$0x4], $0x80, s0, s15, $0xb8;
	[tilespmem:$0x1FC00] =	vst v63  }
0xa5: {  	_ =	swait.ge [sflag:s22], $0x4000  }
0xa6: {  	[sflag:s22] =	ssyncset.done $0x0  }
0xa7: {  	[sflag:s22] =	ssyncadd.s32 $0xFFFFC000  }
0xa8: {  	_ =	swait.ge [sflag:s24], $0x4000  }
0xa9: {  	s1 =	sadd.s32 $0x1, s1;
	[sflag:s24] =	ssyncset.done $0x0  }
0xaa: {  	p0 =	sne.s32 s1, s11;
	[sflag:s24] =	ssyncadd.s32 $0xFFFFC000  }
.Ltmp2:
0xab: {  	[bflag:$0x0] =	sbarrier.arrive $0xFFFF;
	(pc) =	sbr.rel @p0 .LBB2_1-.Ltmp2, $4  }
0xac: {  	[hbm:s10], [sflag:s6] =	dma.local [spmem:s12], $0x2800  }
0xad: {  	_ =	swait.ge [sflag:s13], $0x2800  }
0xae: {  	[sflag:s13] =	ssyncset.done $0x0  }
0xaf: {  	[sflag:s13] =	ssyncadd.s32 $0xFFFFD800  }
0xb0: {  	_ =	sfence.sel $0x180000  }
0xb1: {  	[bflag:$0x0] =	sbarrier.arrive $0xFFFF  }
0xb2: {  	_ =	strace $0x9000004D  }
0xb3: {  	s0 =	stileid.u32;
	[bflag:$0x2] =	sbarrier.arrive $0xFFFF  }
0xb4: {  	p0 =	sne.s32 s0, $0x0;
	s0 =	rddreg [dreg:$0x3]  }
0xb5: {  	s0 =	sadd.s32 @!p0 $0x100000, s0  }
0xb6: {  	[sflag:s0] =	ssyncadd.tile.s32 @!p0 $0x1;
	_ =	shalt  }
.Lfunc_end2:
_tile_overlayer_lowered:
.L_overlay_start_2:
0xb7: {  	(tag) =	ssettag $0x2  }
0xb8: {  	s0 =	rddreg [dreg:$0x0];
	s2 =	stileid.u32  }
0xb9: {  	s1 =	rddreg [dreg:$0x1];
	p0 =	sne.s32 s2, $0x0  }
0xba: {  	s3 =	rddreg [dreg:$0x2];
	[bflag:$0x3] =	sbarrier.arrive $0xFFFF;
	s2 =	simm.s32 @!p0 $0x1C05  }
0xbb: {  	[timem:s3], [sflag:s2] =	dma.local @!p0 [hbm:s0], s1  }
0xbc: {  	s0 =	simm.s32 @!p0 $0x5  }
0xbd: {  	_ =	swait.ge @!p0 [sflag:s0], s1  }
0xbe: {  	s1 =	ssub.s32 @!p0 $0x0, s1;
	[sflag:s0] =	ssyncset.done @!p0 $0x0  }
0xbf: {  	[sflag:s0] =	ssyncadd.s32 @!p0 s1  }
0xc0: {  	[bflag:$0x3] =	sbarrier.arrive $0xFFFF  }
0xc1: {  	_ =	shalt  }

// kernel: kernel.20.cloned.1.call-start
scs
__scs_entry_jumppad:
0x0: {  	(pc) =	sbr.rel $0x88, $3  }
0x1: {  	(tag) =	ssettag $0x0;
	lr =	simm.s32 $0x1  }
0x2: {  	[smem:$0x3F93] =	sst lr;
	_ =	strace $0xD0000000  }
0x3: {  	_ = 	snop  }
0x4: {  	_ = 	snop  }
0x5: {  	_ = 	snop  }
0x6: {  	_ = 	snop  }
0x7: {  	_ = 	snop  }
__scs_overlays_trampoline_lowered:
0x8: {  	[smem:$0x3FA2] =	sst s0  }
0x9: {  	[smem:$0x3FA3] =	sst s1  }
0xa: {  	[smem:$0x3FA4] =	sst s2  }
0xb: {  	[smem:$0x3FA5] =	sst s3  }
0xc: {  	[smem:$0x3FA6] =	sst s4  }
0xd: {  	[smem:$0x3FA7] =	sst s5  }
0xe: {  	[smem:$0x3FA8] =	sst s6  }
0xf: {  	[smem:$0x3FA9] =	sst s7  }
0x10: {  	[smem:$0x3FAA] =	sst s8  }
0x11: {  	[smem:$0x3FAB] =	sst s9;
	s0 =	simm.s32 @!p0 $0x0  }
0x12: {  	s1 =	sld [smem:$0x3F91];
	s0 =	simm.s32 @p0 $0x1  }
0x13: {  	[smem:$0x3FAC] =	sst s0;
	s0 =	simm.s32 @!p1 $0x0  }
0x14: {  	s2 =	sld [smem:$0x3F90];
	s0 =	simm.s32 @p1 $0x1  }
0x15: {  	[smem:$0x3FAD] =	sst s0;
	s0 =	simm.s32 @!p2 $0x0  }
0x16: {  	s3 =	sld [smem:$0x3FDB];
	s0 =	simm.s32 @p2 $0x1  }
0x17: {  	s4 =	simm.s32 $0x1BF5;
	[smem:$0x3FAF] =	sst s0  }
0x18: {  	s0 =	sld [smem:$0x3F92];
	_ =	swait.ge [sflag:s4], $0x0  }
0x19: {  	s7 =	sld [smem:$0x3F93]  }
0x1a: {  	s8 =	sadd.s32 $0xFFFFE003, lr  }
0x1b: {  	s9 =	sadd.s32 $0xFFFFFEF7, lr;
	s5 =	simm.s32 $0xFFFFFFFF;
	p2 =	slt.u32 s8, $0xFFFFF086  }
0x1c: {  	p1 =	slt.u32 s9, $0xF7A;
	s5 =	simm.s32 @!p2 $0x0  }
0x1d: {  	s5 =	simm.s32 @p1 $0x1;
	p0 =	seq.s32 s7, s2  }
0x1e: {  	s7 =	smul.u32 @!p0 $0xF7A, s2;
	p2 =	seq.s32 @!p0 s5, $0x0  }
0x1f: {  	s9 =	smul.u32 $0xF7A, s1;
	s8 =	simm.s32 @!p0 $0x1BF5;
	p2 =	por !p2, p0  }
0x20: {  	[sflag:s8] =	ssyncset.s32 @!p0 $0xFFFFF086;
	s6 =	sadd.s32 @!p0 s3, s7;
	s7 =	simm.s32 @!p0 $0x108  }
0x21: {  	s3 =	sadd.s32 s3, s9;
	s6 =	sadd.s32 @!p0 $0x88, s6;
	s7 =	simm.s32 @p2 $0x1082  }
0x22: {  	[simem:s7], [sflag:s8] =	dma.local @!p0 [hbm:s6], $0xF7A  }
0x23: {  	s9 =	sor.u32 $0xD0000000, s2;
	s6 =	simm.s32 $0x108;
	_ =	swait.ge @!p0 [sflag:s8], $0x0  }
0x24: {  	s3 =	sadd.s32 $0x88, s3;
	s6 =	simm.s32 @!p1 $0x1082;
	[sflag:s4] =	ssyncset.s32 $0xFFFFF086  }
0x25: {  	[simem:s6], [sflag:s4] =	dma.local [hbm:s3], $0xF7A  }
0x26: {  	[smem:$0x3F93] =	sst s1;
	(tag) =	ssettag s2;
	_ =	strace s9  }
0x27: {  	s1 =	sld [smem:$0x3FA3]  }
0x28: {  	s2 =	sld [smem:$0x3FA4]  }
0x29: {  	s4 =	sld [smem:$0x3FA6]  }
0x2a: {  	p0 =	seq.s32 s5, $0x0;
	s5 =	sld [smem:$0x3FA7]  }
0x2b: {  	s6 =	sld [smem:$0x3FA8]  }
0x2c: {  	s7 =	sld [smem:$0x3FA9]  }
0x2d: {  	s3 =	simm.s32 $0x108;
	s8 =	sld [smem:$0x3FAA]  }
0x2e: {  	s3 =	simm.s32 @!p0 $0x1082;
	s9 =	sld [smem:$0x3FAB]  }
0x2f: {  	lr =	sadd.s32 s0, s3;
	s0 =	sld [smem:$0x3FA2]  }
0x30: {  	s3 =	sld [smem:$0x3FA5]  }
0x31: {  	[smem:$0x3FAE] =	sst s10  }
0x32: {  	s10 =	sld [smem:$0x3FAC];
	_ =	sdelay $0x3  }
0x33: {  	p0 =	seq.s32 s10, $0x1;
	s10 =	sld [smem:$0x3FAE];
	_ =	sdelay $0x3  }
0x34: {  	[smem:$0x3FAE] =	sst s10  }
0x35: {  	s10 =	sld [smem:$0x3FAD];
	_ =	sdelay $0x3  }
0x36: {  	p1 =	seq.s32 s10, $0x1;
	s10 =	sld [smem:$0x3FAE];
	_ =	sdelay $0x3  }
0x37: {  	[smem:$0x3FAE] =	sst s10  }
0x38: {  	s10 =	sld [smem:$0x3FAF]  }
0x39: {  	_ = 	snop;
	(pc) =	sbr.ind lr, $3  }
0x3a: {  	_ = 	snop  }
0x3b: {  	_ = 	snop  }
0x3c: {  	p2 =	seq.s32 s10, $0x1;
	s10 =	sld [smem:$0x3FAE]  }
0x3d: {  	_ =	shalt  }
0x3e: {  	_ =	shalt  }
0x3f: {  	_ =	shalt  }
0x40: {  	_ =	shalt  }
0x41: {  	_ =	shalt  }
0x42: {  	_ =	shalt  }
0x43: {  	_ =	shalt  }
0x44: {  	_ =	shalt  }
0x45: {  	_ =	shalt  }
0x46: {  	_ =	shalt  }
0x47: {  	_ =	shalt  }
0x48: {  	_ =	shalt  }
0x49: {  	_ =	shalt  }
0x4a: {  	_ =	shalt  }
0x4b: {  	_ =	shalt  }
0x4c: {  	_ =	shalt  }
0x4d: {  	_ =	shalt  }
0x4e: {  	_ =	shalt  }
0x4f: {  	_ =	shalt  }
0x50: {  	_ =	shalt  }
0x51: {  	_ =	shalt  }
0x52: {  	_ =	shalt  }
0x53: {  	_ =	shalt  }
0x54: {  	_ =	shalt  }
0x55: {  	_ =	shalt  }
0x56: {  	_ =	shalt  }
0x57: {  	_ =	shalt  }
0x58: {  	_ =	shalt  }
0x59: {  	_ =	shalt  }
0x5a: {  	_ =	shalt  }
0x5b: {  	_ =	shalt  }
0x5c: {  	_ =	shalt  }
0x5d: {  	_ =	shalt  }
0x5e: {  	_ =	shalt  }
0x5f: {  	_ =	shalt  }
0x60: {  	_ =	shalt  }
0x61: {  	_ =	shalt  }
0x62: {  	_ =	shalt  }
0x63: {  	_ =	shalt  }
0x64: {  	_ =	shalt  }
0x65: {  	_ =	shalt  }
0x66: {  	_ =	shalt  }
0x67: {  	_ =	shalt  }
0x68: {  	_ =	shalt  }
0x69: {  	_ =	shalt  }
0x6a: {  	_ =	shalt  }
0x6b: {  	_ =	shalt  }
0x6c: {  	_ =	shalt  }
0x6d: {  	_ =	shalt  }
0x6e: {  	_ =	shalt  }
0x6f: {  	_ =	shalt  }
0x70: {  	_ =	shalt  }
0x71: {  	_ =	shalt  }
0x72: {  	_ =	shalt  }
0x73: {  	_ =	shalt  }
0x74: {  	_ =	shalt  }
0x75: {  	_ =	shalt  }
0x76: {  	_ =	shalt  }
0x77: {  	_ =	shalt  }
0x78: {  	_ =	shalt  }
0x79: {  	_ =	shalt  }
0x7a: {  	_ =	shalt  }
0x7b: {  	_ =	shalt  }
0x7c: {  	_ =	shalt  }
0x7d: {  	_ =	shalt  }
0x7e: {  	_ =	shalt  }
0x7f: {  	_ =	shalt  }
0x80: {  	_ =	shalt  }
0x81: {  	_ =	shalt  }
0x82: {  	_ =	shalt  }
0x83: {  	_ =	shalt  }
0x84: {  	_ =	shalt  }
0x85: {  	_ =	shalt  }
0x86: {  	_ =	shalt  }
0x87: {  	_ =	shalt  }
.Lfunc_end0:
.L_simem_size_0:
called_computation.3_lowered:
.L_overlay_start_0:
0x88: {  	s2 =	sld [smem:$0x3FD9]  }
0x89: {  	s3 =	sld [smem:$0x3FFE];
	_ =	sdelay $0x1  }
0x8a: {  	s1 =	srdreg.scid  }
0x8b: {  	s0 =	sand.u32 $0x1, s1  }
0x8c: {  	s17 =	sshll.u32 s0, $0xA;
	s2 =	sadd.s32 s3, s2  }
0x8d: {  	s2 =	sadd.s32 s2, s17  }
0x8e: {  	[smem:$0x3FBA] =	sst s2  }
0x8f: {  	_ = 	snop  }
0x90: {  	s2 =	sld [smem:$0x3FD0];
	(tm) =	ssettm $0x1  }
0x91: {  	s18 =	sld [smem:$0x3FFB];
	_ =	sdelay $0x3  }
0x92: {  	_ =	strace s18  }
0x93: {  	s3 =	sld [smem:$0x3FFC];
	_ =	sdelay $0x3  }
0x94: {  	_ =	strace s3  }
0x95: {  	s3 =	sld [smem:$0x3FFD];
	_ =	sdelay $0x3  }
0x96: {  	_ =	strace s3  }
0x97: {  	_ =	strace $0x8FFFFFFF  }
0x98: {  	s19 =	sld [smem:$0x3FDB];
	_ =	sdelay $0x1  }
0x99: {  	s4 =	simm.s32 $_scs_section_size  }
0x9a: {  	s5 =	simm.s32 $_size__tile_overlayer_lowered;
	s6 =	simm.s32 $_tile_overlayer_lowered  }
0x9b: {  	s22 =	simm.s32 $0x1BFF;
	s21 =	sshll.u32 s6, $0x1;
	s3 =	sadd.s32 s4, s19  }
0x9c: {  	s7 =	simm.s32 $0x0;
	s20 =	sshll.u32 s5, $0x1;
	s5 =	sadd.s32 s21, s3  }
0x9d: {  	[timem:s7], [sflag:s22] =	dma.local [hbm:s5], s20  }
0x9e: {  	_ =	swait.ge [sflag:s22], s20  }
0x9f: {  	s4 =	ssub.s32 $0x0, s20;
	[sflag:s22] =	ssyncset.done $0x0  }
0xa0: {  	[sflag:s22] =	ssyncadd.s32 s4;
	_ =	sdelay $0x1  }
0xa1: {  	s23 =	simm.s32 $0x1B8B  }
0xa2: {  	_ =	swait.ge [sflag:s23], $0x1  }
0xa3: {  	[sflag:s23] =	ssyncset.done $0x0  }
0xa4: {  	s25 =	simm.s32 $0x1B8E;
	s24 =	sld [smem:$0x3FFE];
	[sflag:s23] =	ssyncadd.s32 $0xFFFFFFFF  }
0xa5: {  	s26 =	simm.s32 $execute0_lowered;
	[smem:$0x3FD2] =	sst s25  }
0xa6: {  	s5 =	sshll.u32 s26, $0x1;
	_ =	strace $0x8000004F;
	[dreg:$0x1] =	wrdreg $0xFFFFFFFF  }
0xa7: {  	s28 =	simm.s32 $_size_execute0_lowered;
	s3 =	sadd.s32 s3, s5;
	[dreg:$0x0] =	wrdreg $0x0  }
0xa8: {  	s5 =	sshll.u32 s28, $0x1;
	[dreg:$0x2] =	wrdreg s3  }
0xa9: {  	[dreg:$0x3] =	wrdreg s5  }
0xaa: {  	[dreg:$0x4] =	wrdreg $0xC0  }
0xab: {  	_ =	task [dreg:s7], $0x5FFFF  }
0xac: {  	[dreg:$0x1] =	wrdreg $0xFFFFFFFF  }
0xad: {  	[dreg:$0x0] =	wrdreg $0x60  }
0xae: {  	[dreg:$0x2] =	wrdreg s24  }
0xaf: {  	[dreg:$0x3] =	wrdreg s2  }
0xb0: {  	[dreg:$0x4] =	wrdreg $0xBC000  }
0xb1: {  	[dreg:$0x5] =	wrdreg $0x9  }
0xb2: {  	_ =	task.clear_ibuf [dreg:s7], $0x6FFFF;
	_ =	strace $0x9000004F  }
0xb3: {  	s29 =	simm.s32 $0x9;
	_ =	strace $0x80000051  }
0xb4: {  	_ =	swait.ge [sflag:s29], $0x1  }
0xb5: {  	[sflag:s29] =	ssyncadd.s32 $0xFFFFFFFF  }
0xb6: {  	_ =	strace $0x90000051  }
0xb7: {  	_ =	sfence  }
0xb8: {  	s30 =	sld [smem:$0x0];
	_ =	sdelay $0x2  }
0xb9: {  	s31 =	sshll.u32 s1, $0xD;
	s1 =	sshrl.u32 s1, $0x2  }
0xba: {  	s3 =	sand.u32 $0x4000, s31;
	s1 =	sadd.s32 s1, s30  }
0xbb: {  	s0 =	sor.u32 s3, s0;
	s1 =	sshll.u32 s1, $0x11  }
0xbc: {  	s0 =	sor.u32 s1, s0  }
0xbd: {  	s0 =	sadd.s32 $0x8F2B, s0  }
0xbe: {  	[sflag:s0] =	ssyncadd.remote.s32 $0x1  }
0xbf: {  	_ =	sfence.sel $0xFFFF  }
0xc0: {  	[dreg:$0x0] =	wrdreg $0xFFFFFFFF;
	(pc) =	sbr.abs _section_cstart, $3  }
0xc1: {  	[dreg:$0x1] =	wrdreg $0xFFFFFFFF  }
0xc2: {  	_ =	task.clear_ibuf [dreg:s7], $0x2FFFF;
	_ =	strace $0x9FFFFFFF  }
0xc3: {  	(tm) =	ssettm $0x7FFFFFFF  }
tec
execute0_lowered:
.L_overlay_start_1:
0x0: {  	(tag) =	ssettag $0x1  }
0x1: {  	s0 =	rddreg [dreg:$0x0]  }
0x2: {  	s1 =	rddreg [dreg:$0x1]  }
0x3: {  	s2 =	rddreg [dreg:$0x2];
	s4 =	srdreg.scid  }
0x4: {  	s15 =	stileid.u32;
	s3 =	simm.s32 $0x0;
	s16 =	simm.s32 $0x400  }
0x5: {  	s17 =	simm.s32 $0x3C00;
	s18 =	simm.s32 $0x1;
	s19 =	simm.s32 $0x7C00  }
0x6: {  	s20 =	simm.s32 $0x2;
	s29 =	simm.s32 $0x2800;
	s30 =	simm.s32 $0x2880  }
0x7: {  	s31 =	simm.s32 $0x3B00;
	s6 =	sand.u32 $0x1, s4;
	s7 =	smul.u32 $0x2800, s15  }
0x8: {  	[smem:$0x7FF] =	sst s3;
	s4 =	sadd.s32 $0x7400, s0;
	s9 =	sadd.s32 $0x57400, s0  }
0x9: {  	s5 =	sadd.s32 $0x4C00, s0;
	s10 =	smul.u32 $0x50000, s15;
	s12 =	sshll.u32 s15, $0x7  }
0xa: {  	s25 =	sshll.u32 s15, $0x6;
	s8 =	smul.u32 $0x28000, s6;
	_ =	strace $0x80000050  }
0xb: {  	s22 =	sshll.u32 s6, $0x4;
	s6 =	ssub.s32 $0x2, s6;
	s24 =	sand.u32 $0x380, s12  }
0xc: {  	s23 =	sshrl.u32 s6, $0x1;
	s10 =	sshrl.u32 s10, $0x2;
	s7 =	sadd.s32 s7, s8  }
0xd: {  	s8 =	sor.u32 s15, s22;
	s13 =	ssub.s32 s6, s23;
	s14 =	sadd.s32 s10, s2  }
0xe: {  	s6 =	sor.u32 $0x1C05, s25;
	s11 =	sshrl.u32 s8, $0x3;
	s8 =	smul.u32 $0x500, s8  }
0xf: {  	s15 =	simm.s32 $0x80;
	s22 =	simm.s32 $0x3;
	s11 =	smul.u32 $0x14000, s11  }
0x10: {  	s23 =	simm.s32 $0x100;
	s0 =	sadd.s32 s7, s0;
	s12 =	sshrl.u32 s14, $0x3  }
0x11: {  	s14 =	simm.s32 $0x1400;
	s7 =	sadd.s32 s1, s8;
	s26 =	sor.u32 s24, s11  }
0x12: {  	s1 =	simm.s32 $0x0;
	s24 =	simm.s32 $0x4;
	s11 =	sshrl.u32 s26, $0x3  }
0x13: {  	s10 =	sadd.s32 $0xA000, s26;
	s26 =	simm.s32 $0x1380;
	s8 =	sadd.s32 s9, s11  }
0x14: {  	s28 =	sshrl.u32 s10, $0x3;
	s10 =	sadd.s32 $0x61400, s0;
	s11 =	smax.u32 s13, $0x1  }
0x15: {  	s13 =	simm.s32 $0x5;
	s0 =	simm.s32 $0x3B80;
	s9 =	sadd.s32 s9, s28  }
.LBB2_1:
0x16: {  	[spmem:s12], [sflag:s6] =	dma.local [hbm:s5], $0x2800  }
0x17: {  	_ =	swait.ge [sflag:s13], $0x2800  }
0x18: {  	[sflag:s13] =	ssyncset.done $0x0  }
0x19: {  	[sflag:s13] =	ssyncadd.s32 $0xFFFFD800  }
0x1a: {  	[tilespmem:s14], [sflag:$0x5] =	stream.linear.gather [hbm4b:s7+s3], $0x2800, $0x38;
	[tilespmem:$0x1FC00] =	vst v63  }
0x1b: {  	_ =	swait.ge [sflag:s13], $0x2800  }
0x1c: {  	[sflag:s13] =	ssyncset.done $0x0  }
0x1d: {  	[sflag:s13] =	ssyncadd.s32 $0xFFFFD800  }
0x1e: {  	[bflag:$0x0] =	sbarrier.arrive $0xFFFF  }
0x1f: {  	[tilespmem:s3], [sflag:$0x5] =	stream.strided.gather [hbm4b:s8+s15], $0x1400, s16, s15, $0x38;
	[tilespmem:$0x1FC00] =	vst v63  }
0x20: {  	_ =	swait.ge [sflag:s13], $0x1400  }
0x21: {  	[sflag:s13] =	ssyncset.done $0x0  }
0x22: {  	[sflag:s13] =	ssyncadd.s32 $0xFFFFEC00  }
0x23: {  	[tilespmem:s17], [sflag:$0x1] =	stream.indirect.gather [hbm4b:s4+s15], $0x80, s3, s15, $0xb8;
	[tilespmem:$0x1FC00] =	vst v63  }
0x24: {  	_ =	swait.ge [sflag:s18], $0x4000  }
0x25: {  	[sflag:s18] =	ssyncset.done $0x0  }
0x26: {  	[sflag:s18] =	ssyncadd.s32 $0xFFFFC000  }
0x27: {  	[spmem:s2] =	stream.indirect.scatter.add.f32 [tilespmem:s17], [sflag:$0x3], $0x80, s14, s15, $0xb8;
	[tilespmem:$0x1FC00] =	vst v63  }
0x28: {  	_ = 	snop  }
0x29: {  	[tilespmem:s19], [sflag:$0x2] =	stream.indirect.gather [hbm4b:s4+s15], $0x80, s15, s15, $0xb8;
	[tilespmem:$0x1FC00] =	vst v63  }
0x2a: {  	_ =	swait.ge [sflag:s20], $0x4000  }
0x2b: {  	[sflag:s20] =	ssyncset.done $0x0  }
0x2c: {  	s21 =	simm.s32 $0x1480;
	[sflag:s20] =	ssyncadd.s32 $0xFFFFC000  }
0x2d: {  	[spmem:s2] =	stream.indirect.scatter.add.f32 [tilespmem:s19], [sflag:$0x4], $0x80, s21, s15, $0xb8;
	[tilespmem:$0x1FC00] =	vst v63  }
0x2e: {  	_ =	swait.ge [sflag:s22], $0x4000  }
0x2f: {  	[sflag:s22] =	ssyncset.done $0x0  }
0x30: {  	[sflag:s22] =	ssyncadd.s32 $0xFFFFC000  }
0x31: {  	[tilespmem:s17], [sflag:$0x1] =	stream.indirect.gather [hbm4b:s4+s15], $0x80, s23, s15, $0xb8;
	[tilespmem:$0x1FC00] =	vst v63  }
0x32: {  	_ =	swait.ge [sflag:s18], $0x4000  }
0x33: {  	[sflag:s18] =	ssyncset.done $0x0  }
0x34: {  	s28 =	simm.s32 $0x1500;
	[sflag:s18] =	ssyncadd.s32 $0xFFFFC000  }
0x35: {  	[spmem:s2] =	stream.indirect.scatter.add.f32 [tilespmem:s17], [sflag:$0x3], $0x80, s28, s15, $0xb8;
	[tilespmem:$0x1FC00] =	vst v63  }
0x36: {  	_ =	swait.ge [sflag:s24], $0x4000  }
0x37: {  	[sflag:s24] =	ssyncset.done $0x0  }
0x38: {  	s25 =	simm.s32 $0x180;
	[sflag:s24] =	ssyncadd.s32 $0xFFFFC000  }
0x39: {  	[tilespmem:s19], [sflag:$0x2] =	stream.indirect.gather [hbm4b:s4+s15], $0x80, s25, s15, $0xb8;
	[tilespmem:$0x1FC00] =	vst v63  }
0x3a: {  	_ =	swait.ge [sflag:s20], $0x4000  }
0x3b: {  	[sflag:s20] =	ssyncset.done $0x0  }
0x3c: {  	s28 =	simm.s32 $0x1580;
	[sflag:s20] =	ssyncadd.s32 $0xFFFFC000  }
0x3d: {  	[spmem:s2] =	stream.indirect.scatter.add.f32 [tilespmem:s19], [sflag:$0x4], $0x80, s28, s15, $0xb8;
	[tilespmem:$0x1FC00] =	vst v63  }
0x3e: {  	_ =	swait.ge [sflag:s22], $0x4000  }
0x3f: {  	[sflag:s22] =	ssyncset.done $0x0  }
0x40: {  	s21 =	simm.s32 $0xFFFFBC00;
	s25 =	simm.s32 $0x200;
	[sflag:s22] =	ssyncadd.s32 $0xFFFFC000  }
.LBB2_2:
0x41: {  	[tilespmem:s17], [sflag:$0x1] =	stream.indirect.gather [hbm4b:s4+s15], $0x80, s25, s15, $0xb8;
	[tilespmem:$0x1FC00] =	vst v63  }
0x42: {  	s25 =	smov.u32 s21  }
0x43: {  	p0 =	sne.s32 s21, $0xFFFFFC00;
	s21 =	sadd.s32 $0x400, s21;
	_ =	swait.ge [sflag:s18], $0x4000  }
0x44: {  	s25 =	sshra.s32 s25, $0x2;
	[sflag:s18] =	ssyncset.done $0x0  }
0x45: {  	s28 =	sadd.s32 $0x2700, s25;
	[sflag:s18] =	ssyncadd.s32 $0xFFFFC000  }
0x46: {  	[spmem:s2] =	stream.indirect.scatter.add.f32 [tilespmem:s17], [sflag:$0x3], $0x80, s28, s15, $0xb8;
	[tilespmem:$0x1FC00] =	vst v63  }
0x47: {  	_ =	swait.ge [sflag:s24], $0x4000  }
0x48: {  	[sflag:s24] =	ssyncset.done $0x0  }
0x49: {  	s28 =	sadd.s32 $0x1380, s25;
	[sflag:s24] =	ssyncadd.s32 $0xFFFFC000  }
0x4a: {  	[tilespmem:s19], [sflag:$0x2] =	stream.indirect.gather [hbm4b:s4+s15], $0x80, s28, s15, $0xb8;
	[tilespmem:$0x1FC00] =	vst v63  }
0x4b: {  	_ =	swait.ge [sflag:s20], $0x4000  }
0x4c: {  	[sflag:s20] =	ssyncset.done $0x0  }
.Ltmp0:
0x4d: {  	s28 =	sadd.s32 $0x2780, s25;
	[sflag:s20] =	ssyncadd.s32 $0xFFFFC000;
	(pc) =	sbr.rel @p0 .LBB2_2-.Ltmp0, $4  }
0x4e: {  	[spmem:s2] =	stream.indirect.scatter.add.f32 [tilespmem:s19], [sflag:$0x4], $0x80, s28, s15, $0xb8;
	[tilespmem:$0x1FC00] =	vst v63  }
0x4f: {  	_ =	swait.ge [sflag:s22], $0x4000  }
0x50: {  	[sflag:s22] =	ssyncset.done $0x0  }
0x51: {  	s25 =	sadd.s32 $0x1400, s25;
	[sflag:s22] =	ssyncadd.s32 $0xFFFFC000  }
0x52: {  	[tilespmem:s17], [sflag:$0x1] =	stream.indirect.gather [hbm4b:s4+s15], $0x80, s25, s15, $0xb8;
	[tilespmem:$0x1FC00] =	vst v63  }
0x53: {  	_ =	swait.ge [sflag:s18], $0x4000  }
0x54: {  	[sflag:s18] =	ssyncset.done $0x0  }
0x55: {  	s21 =	simm.s32 $0x2700;
	[sflag:s18] =	ssyncadd.s32 $0xFFFFC000  }
0x56: {  	[spmem:s2] =	stream.indirect.scatter.add.f32 [tilespmem:s17], [sflag:$0x3], $0x80, s21, s15, $0xb8;
	[tilespmem:$0x1FC00] =	vst v63  }
0x57: {  	_ =	swait.ge [sflag:s24], $0x4000  }
0x58: {  	[sflag:s24] =	ssyncset.done $0x0  }
0x59: {  	[sflag:s24] =	ssyncadd.s32 $0xFFFFC000  }
0x5a: {  	[tilespmem:s19], [sflag:$0x2] =	stream.indirect.gather [hbm4b:s4+s15], $0x80, s26, s15, $0xb8;
	[tilespmem:$0x1FC00] =	vst v63  }
0x5b: {  	_ =	swait.ge [sflag:s20], $0x4000  }
0x5c: {  	[sflag:s20] =	ssyncset.done $0x0  }
0x5d: {  	s25 =	simm.s32 $0x2780;
	[sflag:s20] =	ssyncadd.s32 $0xFFFFC000  }
0x5e: {  	[spmem:s2] =	stream.indirect.scatter.add.f32 [tilespmem:s19], [sflag:$0x4], $0x80, s25, s15, $0xb8;
	[tilespmem:$0x1FC00] =	vst v63  }
0x5f: {  	_ =	swait.ge [sflag:s22], $0x4000  }
0x60: {  	[sflag:s22] =	ssyncset.done $0x0  }
0x61: {  	[sflag:s22] =	ssyncadd.s32 $0xFFFFC000  }
0x62: {  	_ =	swait.ge [sflag:s24], $0x4000  }
0x63: {  	[sflag:s24] =	ssyncset.done $0x0  }
0x64: {  	[sflag:s24] =	ssyncadd.s32 $0xFFFFC000  }
0x65: {  	[tilespmem:s3], [sflag:$0x5] =	stream.strided.gather [hbm4b:s9+s15], $0x1400, s16, s15, $0x38;
	[tilespmem:$0x1FC00] =	vst v63  }
0x66: {  	_ =	swait.ge [sflag:s13], $0x1400  }
0x67: {  	[sflag:s13] =	ssyncset.done $0x0  }
0x68: {  	[sflag:s13] =	ssyncadd.s32 $0xFFFFEC00  }
0x69: {  	[tilespmem:s17], [sflag:$0x1] =	stream.indirect.gather [hbm4b:s4+s15], $0x80, s3, s15, $0xb8;
	[tilespmem:$0x1FC00] =	vst v63  }
0x6a: {  	_ =	swait.ge [sflag:s18], $0x4000  }
0x6b: {  	[sflag:s18] =	ssyncset.done $0x0  }
0x6c: {  	[sflag:s18] =	ssyncadd.s32 $0xFFFFC000  }
0x6d: {  	[spmem:s2] =	stream.indirect.scatter.add.f32 [tilespmem:s17], [sflag:$0x3], $0x80, s29, s15, $0xb8;
	[tilespmem:$0x1FC00] =	vst v63  }
0x6e: {  	_ = 	snop  }
0x6f: {  	[tilespmem:s19], [sflag:$0x2] =	stream.indirect.gather [hbm4b:s4+s15], $0x80, s15, s15, $0xb8;
	[tilespmem:$0x1FC00] =	vst v63  }
0x70: {  	_ =	swait.ge [sflag:s20], $0x4000  }
0x71: {  	[sflag:s20] =	ssyncset.done $0x0  }
0x72: {  	[sflag:s20] =	ssyncadd.s32 $0xFFFFC000  }
0x73: {  	[spmem:s2] =	stream.indirect.scatter.add.f32 [tilespmem:s19], [sflag:$0x4], $0x80, s30, s15, $0xb8;
	[tilespmem:$0x1FC00] =	vst v63  }
0x74: {  	_ =	swait.ge [sflag:s22], $0x4000  }
0x75: {  	[sflag:s22] =	ssyncset.done $0x0  }
0x76: {  	[sflag:s22] =	ssyncadd.s32 $0xFFFFC000  }
0x77: {  	[tilespmem:s17], [sflag:$0x1] =	stream.indirect.gather [hbm4b:s4+s15], $0x80, s23, s15, $0xb8;
	[tilespmem:$0x1FC00] =	vst v63  }
0x78: {  	_ =	swait.ge [sflag:s18], $0x4000  }
0x79: {  	[sflag:s18] =	ssyncset.done $0x0  }
0x7a: {  	s28 =	simm.s32 $0x2900;
	[sflag:s18] =	ssyncadd.s32 $0xFFFFC000  }
0x7b: {  	[spmem:s2] =	stream.indirect.scatter.add.f32 [tilespmem:s17], [sflag:$0x3], $0x80, s28, s15, $0xb8;
	[tilespmem:$0x1FC00] =	vst v63  }
0x7c: {  	_ =	swait.ge [sflag:s24], $0x4000  }
0x7d: {  	[sflag:s24] =	ssyncset.done $0x0  }
0x7e: {  	s25 =	simm.s32 $0x180;
	[sflag:s24] =	ssyncadd.s32 $0xFFFFC000  }
0x7f: {  	[tilespmem:s19], [sflag:$0x2] =	stream.indirect.gather [hbm4b:s4+s15], $0x80, s25, s15, $0xb8;
	[tilespmem:$0x1FC00] =	vst v63  }
0x80: {  	_ =	swait.ge [sflag:s20], $0x4000  }
0x81: {  	[sflag:s20] =	ssyncset.done $0x0  }
0x82: {  	s28 =	simm.s32 $0x2980;
	[sflag:s20] =	ssyncadd.s32 $0xFFFFC000  }
0x83: {  	[spmem:s2] =	stream.indirect.scatter.add.f32 [tilespmem:s19], [sflag:$0x4], $0x80, s28, s15, $0xb8;
	[tilespmem:$0x1FC00] =	vst v63  }
0x84: {  	_ =	swait.ge [sflag:s22], $0x4000  }
0x85: {  	[sflag:s22] =	ssyncset.done $0x0  }
0x86: {  	s21 =	simm.s32 $0xFFFFBC00;
	s25 =	simm.s32 $0x200;
	[sflag:s22] =	ssyncadd.s32 $0xFFFFC000  }
.LBB2_4:
0x87: {  	[tilespmem:s17], [sflag:$0x1] =	stream.indirect.gather [hbm4b:s4+s15], $0x80, s25, s15, $0xb8;
	[tilespmem:$0x1FC00] =	vst v63  }
0x88: {  	s25 =	smov.u32 s21  }
0x89: {  	p0 =	sne.s32 s21, $0xFFFFFC00;
	s21 =	sadd.s32 $0x400, s21;
	_ =	swait.ge [sflag:s18], $0x4000  }
0x8a: {  	s25 =	sshra.s32 s25, $0x2;
	[sflag:s18] =	ssyncset.done $0x0  }
0x8b: {  	s28 =	sadd.s32 $0x3B00, s25;
	[sflag:s18] =	ssyncadd.s32 $0xFFFFC000  }
0x8c: {  	[spmem:s2] =	stream.indirect.scatter.add.f32 [tilespmem:s17], [sflag:$0x3], $0x80, s28, s15, $0xb8;
	[tilespmem:$0x1FC00] =	vst v63  }
0x8d: {  	_ =	swait.ge [sflag:s24], $0x4000  }
0x8e: {  	[sflag:s24] =	ssyncset.done $0x0  }
0x8f: {  	s28 =	sadd.s32 $0x1380, s25;
	[sflag:s24] =	ssyncadd.s32 $0xFFFFC000  }
0x90: {  	[tilespmem:s19], [sflag:$0x2] =	stream.indirect.gather [hbm4b:s4+s15], $0x80, s28, s15, $0xb8;
	[tilespmem:$0x1FC00] =	vst v63  }
0x91: {  	_ =	swait.ge [sflag:s20], $0x4000  }
0x92: {  	[sflag:s20] =	ssyncset.done $0x0  }
.Ltmp1:
0x93: {  	s28 =	sadd.s32 $0x3B80, s25;
	[sflag:s20] =	ssyncadd.s32 $0xFFFFC000;
	(pc) =	sbr.rel @p0 .LBB2_4-.Ltmp1, $4  }
0x94: {  	[spmem:s2] =	stream.indirect.scatter.add.f32 [tilespmem:s19], [sflag:$0x4], $0x80, s28, s15, $0xb8;
	[tilespmem:$0x1FC00] =	vst v63  }
0x95: {  	_ =	swait.ge [sflag:s22], $0x4000  }
0x96: {  	[sflag:s22] =	ssyncset.done $0x0  }
0x97: {  	s25 =	sadd.s32 $0x1400, s25;
	[sflag:s22] =	ssyncadd.s32 $0xFFFFC000  }
0x98: {  	[tilespmem:s17], [sflag:$0x1] =	stream.indirect.gather [hbm4b:s4+s15], $0x80, s25, s15, $0xb8;
	[tilespmem:$0x1FC00] =	vst v63  }
0x99: {  	_ =	swait.ge [sflag:s18], $0x4000  }
0x9a: {  	[sflag:s18] =	ssyncset.done $0x0  }
0x9b: {  	[sflag:s18] =	ssyncadd.s32 $0xFFFFC000  }
0x9c: {  	[spmem:s2] =	stream.indirect.scatter.add.f32 [tilespmem:s17], [sflag:$0x3], $0x80, s31, s15, $0xb8;
	[tilespmem:$0x1FC00] =	vst v63  }
0x9d: {  	_ =	swait.ge [sflag:s24], $0x4000  }
0x9e: {  	[sflag:s24] =	ssyncset.done $0x0  }
0x9f: {  	[sflag:s24] =	ssyncadd.s32 $0xFFFFC000  }
0xa0: {  	[tilespmem:s19], [sflag:$0x2] =	stream.indirect.gather [hbm4b:s4+s15], $0x80, s26, s15, $0xb8;
	[tilespmem:$0x1FC00] =	vst v63  }
0xa1: {  	_ =	swait.ge [sflag:s20], $0x4000  }
0xa2: {  	[sflag:s20] =	ssyncset.done $0x0  }
0xa3: {  	[sflag:s20] =	ssyncadd.s32 $0xFFFFC000  }
0xa4: {  	[spmem:s2] =	stream.indirect.scatter.add.f32 [tilespmem:s19], [sflag:$0x4], $0x80, s0, s15, $0xb8;
	[tilespmem:$0x1FC00] =	vst v63  }
0xa5: {  	_ =	swait.ge [sflag:s22], $0x4000  }
0xa6: {  	[sflag:s22] =	ssyncset.done $0x0  }
0xa7: {  	[sflag:s22] =	ssyncadd.s32 $0xFFFFC000  }
0xa8: {  	_ =	swait.ge [sflag:s24], $0x4000  }
0xa9: {  	s1 =	sadd.s32 $0x1, s1;
	[sflag:s24] =	ssyncset.done $0x0  }
0xaa: {  	p0 =	sne.s32 s1, s11;
	[sflag:s24] =	ssyncadd.s32 $0xFFFFC000  }
.Ltmp2:
0xab: {  	[bflag:$0x0] =	sbarrier.arrive $0xFFFF;
	(pc) =	sbr.rel @p0 .LBB2_1-.Ltmp2, $4  }
0xac: {  	[hbm:s10], [sflag:s6] =	dma.local [spmem:s12], $0x2800  }
0xad: {  	_ =	swait.ge [sflag:s13], $0x2800  }
0xae: {  	[sflag:s13] =	ssyncset.done $0x0  }
0xaf: {  	[sflag:s13] =	ssyncadd.s32 $0xFFFFD800  }
0xb0: {  	_ =	sfence.sel $0x180000  }
0xb1: {  	[bflag:$0x0] =	sbarrier.arrive $0xFFFF  }
0xb2: {  	_ =	strace $0x90000050  }
0xb3: {  	s0 =	stileid.u32;
	[bflag:$0x2] =	sbarrier.arrive $0xFFFF  }
0xb4: {  	p0 =	sne.s32 s0, $0x0;
	s0 =	rddreg [dreg:$0x3]  }
0xb5: {  	s0 =	sadd.s32 @!p0 $0x100000, s0  }
0xb6: {  	[sflag:s0] =	ssyncadd.tile.s32 @!p0 $0x1;
	_ =	shalt  }
.Lfunc_end2:
_tile_overlayer_lowered:
.L_overlay_start_2:
0xb7: {  	(tag) =	ssettag $0x2  }
0xb8: {  	s0 =	rddreg [dreg:$0x0];
	s2 =	stileid.u32  }
0xb9: {  	s1 =	rddreg [dreg:$0x1];
	p0 =	sne.s32 s2, $0x0  }
0xba: {  	s3 =	rddreg [dreg:$0x2];
	[bflag:$0x3] =	sbarrier.arrive $0xFFFF;
	s2 =	simm.s32 @!p0 $0x1C05  }
0xbb: {  	[timem:s3], [sflag:s2] =	dma.local @!p0 [hbm:s0], s1  }
0xbc: {  	s0 =	simm.s32 @!p0 $0x5  }
0xbd: {  	_ =	swait.ge @!p0 [sflag:s0], s1  }
0xbe: {  	s1 =	ssub.s32 @!p0 $0x0, s1;
	[sflag:s0] =	ssyncset.done @!p0 $0x0  }
0xbf: {  	[sflag:s0] =	ssyncadd.s32 @!p0 s1  }
0xc0: {  	[bflag:$0x3] =	sbarrier.arrive $0xFFFF  }
0xc1: {  	_ =	shalt  }

// kernel: kernel.23.cloned.1.call-start
scs
__scs_entry_jumppad:
0x0: {  	(pc) =	sbr.rel $0x88, $3  }
0x1: {  	(tag) =	ssettag $0x0;
	lr =	simm.s32 $0x1  }
0x2: {  	[smem:$0x3F93] =	sst lr;
	_ =	strace $0xD0000000  }
0x3: {  	_ = 	snop  }
0x4: {  	_ = 	snop  }
0x5: {  	_ = 	snop  }
0x6: {  	_ = 	snop  }
0x7: {  	_ = 	snop  }
__scs_overlays_trampoline_lowered:
0x8: {  	[smem:$0x3FA2] =	sst s0  }
0x9: {  	[smem:$0x3FA3] =	sst s1  }
0xa: {  	[smem:$0x3FA4] =	sst s2  }
0xb: {  	[smem:$0x3FA5] =	sst s3  }
0xc: {  	[smem:$0x3FA6] =	sst s4  }
0xd: {  	[smem:$0x3FA7] =	sst s5  }
0xe: {  	[smem:$0x3FA8] =	sst s6  }
0xf: {  	[smem:$0x3FA9] =	sst s7  }
0x10: {  	[smem:$0x3FAA] =	sst s8  }
0x11: {  	[smem:$0x3FAB] =	sst s9;
	s0 =	simm.s32 @!p0 $0x0  }
0x12: {  	s1 =	sld [smem:$0x3F91];
	s0 =	simm.s32 @p0 $0x1  }
0x13: {  	[smem:$0x3FAC] =	sst s0;
	s0 =	simm.s32 @!p1 $0x0  }
0x14: {  	s2 =	sld [smem:$0x3F90];
	s0 =	simm.s32 @p1 $0x1  }
0x15: {  	[smem:$0x3FAD] =	sst s0;
	s0 =	simm.s32 @!p2 $0x0  }
0x16: {  	s3 =	sld [smem:$0x3FDB];
	s0 =	simm.s32 @p2 $0x1  }
0x17: {  	s4 =	simm.s32 $0x1BF5;
	[smem:$0x3FAF] =	sst s0  }
0x18: {  	s0 =	sld [smem:$0x3F92];
	_ =	swait.ge [sflag:s4], $0x0  }
0x19: {  	s7 =	sld [smem:$0x3F93]  }
0x1a: {  	s8 =	sadd.s32 $0xFFFFE003, lr  }
0x1b: {  	s9 =	sadd.s32 $0xFFFFFEF7, lr;
	s5 =	simm.s32 $0xFFFFFFFF;
	p2 =	slt.u32 s8, $0xFFFFF086  }
0x1c: {  	p1 =	slt.u32 s9, $0xF7A;
	s5 =	simm.s32 @!p2 $0x0  }
0x1d: {  	s5 =	simm.s32 @p1 $0x1;
	p0 =	seq.s32 s7, s2  }
0x1e: {  	s7 =	smul.u32 @!p0 $0xF7A, s2;
	p2 =	seq.s32 @!p0 s5, $0x0  }
0x1f: {  	s9 =	smul.u32 $0xF7A, s1;
	s8 =	simm.s32 @!p0 $0x1BF5;
	p2 =	por !p2, p0  }
0x20: {  	[sflag:s8] =	ssyncset.s32 @!p0 $0xFFFFF086;
	s6 =	sadd.s32 @!p0 s3, s7;
	s7 =	simm.s32 @!p0 $0x108  }
0x21: {  	s3 =	sadd.s32 s3, s9;
	s6 =	sadd.s32 @!p0 $0x88, s6;
	s7 =	simm.s32 @p2 $0x1082  }
0x22: {  	[simem:s7], [sflag:s8] =	dma.local @!p0 [hbm:s6], $0xF7A  }
0x23: {  	s9 =	sor.u32 $0xD0000000, s2;
	s6 =	simm.s32 $0x108;
	_ =	swait.ge @!p0 [sflag:s8], $0x0  }
0x24: {  	s3 =	sadd.s32 $0x88, s3;
	s6 =	simm.s32 @!p1 $0x1082;
	[sflag:s4] =	ssyncset.s32 $0xFFFFF086  }
0x25: {  	[simem:s6], [sflag:s4] =	dma.local [hbm:s3], $0xF7A  }
0x26: {  	[smem:$0x3F93] =	sst s1;
	(tag) =	ssettag s2;
	_ =	strace s9  }
0x27: {  	s1 =	sld [smem:$0x3FA3]  }
0x28: {  	s2 =	sld [smem:$0x3FA4]  }
0x29: {  	s4 =	sld [smem:$0x3FA6]  }
0x2a: {  	p0 =	seq.s32 s5, $0x0;
	s5 =	sld [smem:$0x3FA7]  }
0x2b: {  	s6 =	sld [smem:$0x3FA8]  }
0x2c: {  	s7 =	sld [smem:$0x3FA9]  }
0x2d: {  	s3 =	simm.s32 $0x108;
	s8 =	sld [smem:$0x3FAA]  }
0x2e: {  	s3 =	simm.s32 @!p0 $0x1082;
	s9 =	sld [smem:$0x3FAB]  }
0x2f: {  	lr =	sadd.s32 s0, s3;
	s0 =	sld [smem:$0x3FA2]  }
0x30: {  	s3 =	sld [smem:$0x3FA5]  }
0x31: {  	[smem:$0x3FAE] =	sst s10  }
0x32: {  	s10 =	sld [smem:$0x3FAC];
	_ =	sdelay $0x3  }
0x33: {  	p0 =	seq.s32 s10, $0x1;
	s10 =	sld [smem:$0x3FAE];
	_ =	sdelay $0x3  }
0x34: {  	[smem:$0x3FAE] =	sst s10  }
0x35: {  	s10 =	sld [smem:$0x3FAD];
	_ =	sdelay $0x3  }
0x36: {  	p1 =	seq.s32 s10, $0x1;
	s10 =	sld [smem:$0x3FAE];
	_ =	sdelay $0x3  }
0x37: {  	[smem:$0x3FAE] =	sst s10  }
0x38: {  	s10 =	sld [smem:$0x3FAF]  }
0x39: {  	_ = 	snop;
	(pc) =	sbr.ind lr, $3  }
0x3a: {  	_ = 	snop  }
0x3b: {  	_ = 	snop  }
0x3c: {  	p2 =	seq.s32 s10, $0x1;
	s10 =	sld [smem:$0x3FAE]  }
0x3d: {  	_ =	shalt  }
0x3e: {  	_ =	shalt  }
0x3f: {  	_ =	shalt  }
0x40: {  	_ =	shalt  }
0x41: {  	_ =	shalt  }
0x42: {  	_ =	shalt  }
0x43: {  	_ =	shalt  }
0x44: {  	_ =	shalt  }
0x45: {  	_ =	shalt  }
0x46: {  	_ =	shalt  }
0x47: {  	_ =	shalt  }
0x48: {  	_ =	shalt  }
0x49: {  	_ =	shalt  }
0x4a: {  	_ =	shalt  }
0x4b: {  	_ =	shalt  }
0x4c: {  	_ =	shalt  }
0x4d: {  	_ =	shalt  }
0x4e: {  	_ =	shalt  }
0x4f: {  	_ =	shalt  }
0x50: {  	_ =	shalt  }
0x51: {  	_ =	shalt  }
0x52: {  	_ =	shalt  }
0x53: {  	_ =	shalt  }
0x54: {  	_ =	shalt  }
0x55: {  	_ =	shalt  }
0x56: {  	_ =	shalt  }
0x57: {  	_ =	shalt  }
0x58: {  	_ =	shalt  }
0x59: {  	_ =	shalt  }
0x5a: {  	_ =	shalt  }
0x5b: {  	_ =	shalt  }
0x5c: {  	_ =	shalt  }
0x5d: {  	_ =	shalt  }
0x5e: {  	_ =	shalt  }
0x5f: {  	_ =	shalt  }
0x60: {  	_ =	shalt  }
0x61: {  	_ =	shalt  }
0x62: {  	_ =	shalt  }
0x63: {  	_ =	shalt  }
0x64: {  	_ =	shalt  }
0x65: {  	_ =	shalt  }
0x66: {  	_ =	shalt  }
0x67: {  	_ =	shalt  }
0x68: {  	_ =	shalt  }
0x69: {  	_ =	shalt  }
0x6a: {  	_ =	shalt  }
0x6b: {  	_ =	shalt  }
0x6c: {  	_ =	shalt  }
0x6d: {  	_ =	shalt  }
0x6e: {  	_ =	shalt  }
0x6f: {  	_ =	shalt  }
0x70: {  	_ =	shalt  }
0x71: {  	_ =	shalt  }
0x72: {  	_ =	shalt  }
0x73: {  	_ =	shalt  }
0x74: {  	_ =	shalt  }
0x75: {  	_ =	shalt  }
0x76: {  	_ =	shalt  }
0x77: {  	_ =	shalt  }
0x78: {  	_ =	shalt  }
0x79: {  	_ =	shalt  }
0x7a: {  	_ =	shalt  }
0x7b: {  	_ =	shalt  }
0x7c: {  	_ =	shalt  }
0x7d: {  	_ =	shalt  }
0x7e: {  	_ =	shalt  }
0x7f: {  	_ =	shalt  }
0x80: {  	_ =	shalt  }
0x81: {  	_ =	shalt  }
0x82: {  	_ =	shalt  }
0x83: {  	_ =	shalt  }
0x84: {  	_ =	shalt  }
0x85: {  	_ =	shalt  }
0x86: {  	_ =	shalt  }
0x87: {  	_ =	shalt  }
.Lfunc_end0:
.L_simem_size_0:
called_computation.4_lowered:
.L_overlay_start_0:
0x88: {  	s2 =	sld [smem:$0x3FD9]  }
0x89: {  	s3 =	sld [smem:$0x3FFE];
	_ =	sdelay $0x1  }
0x8a: {  	s1 =	srdreg.scid  }
0x8b: {  	s0 =	sand.u32 $0x1, s1  }
0x8c: {  	s17 =	sshll.u32 s0, $0xA;
	s2 =	sadd.s32 s3, s2  }
0x8d: {  	s2 =	sadd.s32 s2, s17  }
0x8e: {  	[smem:$0x3FBA] =	sst s2  }
0x8f: {  	_ = 	snop  }
0x90: {  	s18 =	sld [smem:$0x3FD0];
	(tm) =	ssettm $0x1  }
0x91: {  	s19 =	sld [smem:$0x3FFB];
	_ =	sdelay $0x3  }
0x92: {  	_ =	strace s19  }
0x93: {  	s2 =	sld [smem:$0x3FFC];
	_ =	sdelay $0x3  }
0x94: {  	_ =	strace s2  }
0x95: {  	s2 =	sld [smem:$0x3FFD];
	_ =	sdelay $0x3  }
0x96: {  	_ =	strace s2  }
0x97: {  	_ =	strace $0x8FFFFFFF  }
0x98: {  	s20 =	sld [smem:$0x3FDB];
	_ =	sdelay $0x1  }
0x99: {  	s4 =	simm.s32 $_scs_section_size  }
0x9a: {  	s5 =	simm.s32 $_size__tile_overlayer_lowered;
	s6 =	simm.s32 $_tile_overlayer_lowered  }
0x9b: {  	s7 =	simm.s32 $0x1BFF;
	s21 =	sshll.u32 s6, $0x1;
	s4 =	sadd.s32 s4, s20  }
0x9c: {  	s22 =	simm.s32 $0x0;
	s5 =	sshll.u32 s5, $0x1;
	s6 =	sadd.s32 s21, s4  }
0x9d: {  	[timem:s22], [sflag:s7] =	dma.local [hbm:s6], s5  }
0x9e: {  	_ =	swait.ge [sflag:s7], s5  }
0x9f: {  	s5 =	ssub.s32 $0x0, s5;
	[sflag:s7] =	ssyncset.done $0x0  }
0xa0: {  	[sflag:s7] =	ssyncadd.s32 s5;
	_ =	sdelay $0x1  }
0xa1: {  	s23 =	simm.s32 $0x1B8B  }
0xa2: {  	_ =	swait.ge [sflag:s23], $0x1  }
0xa3: {  	[sflag:s23] =	ssyncset.done $0x0  }
0xa4: {  	[sflag:s23] =	ssyncadd.s32 $0xFFFFFFFF  }
0xa5: {  	s5 =	sld [smem:$0x0]  }
0xa6: {  	s6 =	sand.u32 $0xFFFFFFFE, s1  }
0xa7: {  	p0 =	sne.s32 s1, s6  }
0xa8: {  	s6 =	sshll.u32 @p0 s6, $0xE  }
0xa9: {  	s6 =	sadd.s32 @p0 $0x11B8D, s6;
	s7 =	sshll.u32 @p0 s5, $0x11  }
0xaa: {  	s6 =	sor.u32 @p0 s7, s6  }
0xab: {  	[sflag:s6] =	ssyncadd.remote.s32 @p0 $0x1;
	_ =	sdelay $0x1  }
0xac: {  	s6 =	simm.s32 @p0 $0x1B8D  }
0xad: {  	_ =	swait.eq @p0 [sflag:s6], $0x1  }
0xae: {  	[sflag:s6] =	ssyncadd.s32 @p0 $0xFFFFFFFF  }
0xaf: {  	s7 =	sshll.u32 @!p0 s1, $0xE  }
0xb0: {  	s7 =	sor.u32 @!p0 $0x4000, s7;
	s6 =	simm.s32 @!p0 $0x1B8D  }
0xb1: {  	s5 =	sshll.u32 @!p0 s5, $0x11;
	s7 =	sadd.s32 @!p0 $0x11B8D, s7;
	_ =	swait.eq @!p0 [sflag:s6], $0x1  }
0xb2: {  	s5 =	sor.u32 @!p0 s5, s7;
	[sflag:s6] =	ssyncadd.s32 @!p0 $0xFFFFFFFF  }
0xb3: {  	s25 =	simm.s32 $0x1B8E;
	s24 =	sld [smem:$0x3FFE];
	[sflag:s5] =	ssyncadd.remote.s32 @!p0 $0x1  }
0xb4: {  	s26 =	simm.s32 $execute0_lowered;
	[smem:$0x3FD2] =	sst s25  }
0xb5: {  	s6 =	sshll.u32 s26, $0x1;
	_ =	strace $0x80000052;
	[dreg:$0x1] =	wrdreg $0xFFFFFFFF  }
0xb6: {  	s28 =	simm.s32 $_size_execute0_lowered;
	s4 =	sadd.s32 s4, s6;
	[dreg:$0x0] =	wrdreg $0x0  }
0xb7: {  	s6 =	sshll.u32 s28, $0x1;
	[dreg:$0x2] =	wrdreg s4  }
0xb8: {  	[dreg:$0x3] =	wrdreg s6  }
0xb9: {  	[dreg:$0x4] =	wrdreg $0xC0  }
0xba: {  	_ =	task [dreg:s22], $0x5FFFF  }
0xbb: {  	[dreg:$0x1] =	wrdreg $0xFFFFFFFF  }
0xbc: {  	[dreg:$0x0] =	wrdreg $0x60  }
0xbd: {  	[dreg:$0x2] =	wrdreg s24  }
0xbe: {  	[dreg:$0x3] =	wrdreg s18  }
0xbf: {  	[dreg:$0x4] =	wrdreg $0xBC000  }
0xc0: {  	[dreg:$0x5] =	wrdreg $0xA  }
0xc1: {  	_ =	task.clear_ibuf [dreg:s22], $0x6FFFF;
	_ =	strace $0x90000052  }
0xc2: {  	s29 =	simm.s32 $0xA;
	_ =	strace $0x80000054  }
0xc3: {  	_ =	swait.ge [sflag:s29], $0x1  }
0xc4: {  	[sflag:s29] =	ssyncadd.s32 $0xFFFFFFFF  }
0xc5: {  	_ =	strace $0x90000054  }
0xc6: {  	_ =	sfence  }
0xc7: {  	s30 =	sld [smem:$0x0];
	_ =	sdelay $0x2  }
0xc8: {  	s31 =	sshll.u32 s1, $0xD;
	s1 =	sshrl.u32 s1, $0x2  }
0xc9: {  	s4 =	sand.u32 $0x4000, s31;
	s1 =	sadd.s32 s1, s30  }
0xca: {  	s0 =	sor.u32 s4, s0;
	s1 =	sshll.u32 s1, $0x11  }
0xcb: {  	s0 =	sor.u32 s1, s0  }
0xcc: {  	s0 =	sadd.s32 $0x8F2B, s0  }
0xcd: {  	[sflag:s0] =	ssyncadd.remote.s32 $0x1  }
0xce: {  	_ =	sfence.sel $0xFFFF  }
0xcf: {  	[dreg:$0x0] =	wrdreg $0xFFFFFFFF;
	(pc) =	sbr.abs _section_cstart, $3  }
0xd0: {  	[dreg:$0x1] =	wrdreg $0xFFFFFFFF  }
0xd1: {  	_ =	task.clear_ibuf [dreg:s22], $0x2FFFF;
	_ =	strace $0x9FFFFFFF  }
0xd2: {  	(tm) =	ssettm $0x7FFFFFFF  }
0xd3: {  	_ =	shalt  }
tec
execute0_lowered:
.L_overlay_start_1:
0x0: {  	(tag) =	ssettag $0x1  }
0x1: {  	s0 =	rddreg [dreg:$0x0]  }
0x2: {  	s1 =	rddreg [dreg:$0x1]  }
0x3: {  	s2 =	rddreg [dreg:$0x2];
	s4 =	srdreg.scid  }
0x4: {  	s15 =	stileid.u32;
	s3 =	simm.s32 $0x0;
	s16 =	simm.s32 $0x400  }
0x5: {  	s17 =	simm.s32 $0x3C00;
	s18 =	simm.s32 $0x1;
	s19 =	simm.s32 $0x7C00  }
0x6: {  	s20 =	simm.s32 $0x2;
	s29 =	simm.s32 $0x2800;
	s30 =	simm.s32 $0x2880  }
0x7: {  	s31 =	simm.s32 $0x3B00;
	s6 =	sand.u32 $0x1, s4;
	s7 =	smul.u32 $0x2800, s15  }
0x8: {  	[smem:$0x7FF] =	sst s3;
	s4 =	sadd.s32 $0x2F400, s0;
	s9 =	sadd.s32 $0x57400, s0  }
0x9: {  	s5 =	sadd.s32 $0x4C00, s0;
	s10 =	smul.u32 $0x50000, s15;
	s12 =	sshll.u32 s15, $0x7  }
0xa: {  	s25 =	sshll.u32 s15, $0x6;
	s8 =	smul.u32 $0x28000, s6;
	_ =	strace $0x80000053  }
0xb: {  	s22 =	sshll.u32 s6, $0x4;
	s6 =	ssub.s32 $0x2, s6;
	s24 =	sand.u32 $0x380, s12  }
0xc: {  	s23 =	sshrl.u32 s6, $0x1;
	s10 =	sshrl.u32 s10, $0x2;
	s7 =	sadd.s32 s7, s8  }
0xd: {  	s8 =	sor.u32 s15, s22;
	s13 =	ssub.s32 s6, s23;
	s14 =	sadd.s32 s10, s2  }
0xe: {  	s6 =	sor.u32 $0x1C05, s25;
	s11 =	sshrl.u32 s8, $0x3;
	s8 =	smul.u32 $0x500, s8  }
0xf: {  	s15 =	simm.s32 $0x80;
	s22 =	simm.s32 $0x3;
	s11 =	smul.u32 $0x14000, s11  }
0x10: {  	s23 =	simm.s32 $0x100;
	s0 =	sadd.s32 s7, s0;
	s12 =	sshrl.u32 s14, $0x3  }
0x11: {  	s14 =	simm.s32 $0x1400;
	s7 =	sadd.s32 s1, s8;
	s26 =	sor.u32 s24, s11  }
0x12: {  	s1 =	simm.s32 $0x0;
	s24 =	simm.s32 $0x4;
	s11 =	sshrl.u32 s26, $0x3  }
0x13: {  	s10 =	sadd.s32 $0xA000, s26;
	s26 =	simm.s32 $0x1380;
	s8 =	sadd.s32 s9, s11  }
0x14: {  	s28 =	sshrl.u32 s10, $0x3;
	s10 =	sadd.s32 $0xB1400, s0;
	s11 =	smax.u32 s13, $0x1  }
0x15: {  	s13 =	simm.s32 $0x5;
	s0 =	simm.s32 $0x3B80;
	s9 =	sadd.s32 s9, s28  }
.LBB2_1:
0x16: {  	[spmem:s12], [sflag:s6] =	dma.local [hbm:s5], $0x2800  }
0x17: {  	_ =	swait.ge [sflag:s13], $0x2800  }
0x18: {  	[sflag:s13] =	ssyncset.done $0x0  }
0x19: {  	[sflag:s13] =	ssyncadd.s32 $0xFFFFD800  }
0x1a: {  	[tilespmem:s14], [sflag:$0x5] =	stream.linear.gather [hbm4b:s7+s3], $0x2800, $0x38;
	[tilespmem:$0x1FC00] =	vst v63  }
0x1b: {  	_ =	swait.ge [sflag:s13], $0x2800  }
0x1c: {  	[sflag:s13] =	ssyncset.done $0x0  }
0x1d: {  	[sflag:s13] =	ssyncadd.s32 $0xFFFFD800  }
0x1e: {  	[bflag:$0x0] =	sbarrier.arrive $0xFFFF  }
0x1f: {  	[tilespmem:s3], [sflag:$0x5] =	stream.strided.gather [hbm4b:s8+s15], $0x1400, s16, s15, $0x38;
	[tilespmem:$0x1FC00] =	vst v63  }
0x20: {  	_ =	swait.ge [sflag:s13], $0x1400  }
0x21: {  	[sflag:s13] =	ssyncset.done $0x0  }
0x22: {  	[sflag:s13] =	ssyncadd.s32 $0xFFFFEC00  }
0x23: {  	[tilespmem:s17], [sflag:$0x1] =	stream.indirect.gather [hbm4b:s4+s15], $0x80, s3, s15, $0xb8;
	[tilespmem:$0x1FC00] =	vst v63  }
0x24: {  	_ =	swait.ge [sflag:s18], $0x4000  }
0x25: {  	[sflag:s18] =	ssyncset.done $0x0  }
0x26: {  	[sflag:s18] =	ssyncadd.s32 $0xFFFFC000  }
0x27: {  	[spmem:s2] =	stream.indirect.scatter.add.f32 [tilespmem:s17], [sflag:$0x3], $0x80, s14, s15, $0xb8;
	[tilespmem:$0x1FC00] =	vst v63  }
0x28: {  	_ = 	snop  }
0x29: {  	[tilespmem:s19], [sflag:$0x2] =	stream.indirect.gather [hbm4b:s4+s15], $0x80, s15, s15, $0xb8;
	[tilespmem:$0x1FC00] =	vst v63  }
0x2a: {  	_ =	swait.ge [sflag:s20], $0x4000  }
0x2b: {  	[sflag:s20] =	ssyncset.done $0x0  }
0x2c: {  	s21 =	simm.s32 $0x1480;
	[sflag:s20] =	ssyncadd.s32 $0xFFFFC000  }
0x2d: {  	[spmem:s2] =	stream.indirect.scatter.add.f32 [tilespmem:s19], [sflag:$0x4], $0x80, s21, s15, $0xb8;
	[tilespmem:$0x1FC00] =	vst v63  }
0x2e: {  	_ =	swait.ge [sflag:s22], $0x4000  }
0x2f: {  	[sflag:s22] =	ssyncset.done $0x0  }
0x30: {  	[sflag:s22] =	ssyncadd.s32 $0xFFFFC000  }
0x31: {  	[tilespmem:s17], [sflag:$0x1] =	stream.indirect.gather [hbm4b:s4+s15], $0x80, s23, s15, $0xb8;
	[tilespmem:$0x1FC00] =	vst v63  }
0x32: {  	_ =	swait.ge [sflag:s18], $0x4000  }
0x33: {  	[sflag:s18] =	ssyncset.done $0x0  }
0x34: {  	s28 =	simm.s32 $0x1500;
	[sflag:s18] =	ssyncadd.s32 $0xFFFFC000  }
0x35: {  	[spmem:s2] =	stream.indirect.scatter.add.f32 [tilespmem:s17], [sflag:$0x3], $0x80, s28, s15, $0xb8;
	[tilespmem:$0x1FC00] =	vst v63  }
0x36: {  	_ =	swait.ge [sflag:s24], $0x4000  }
0x37: {  	[sflag:s24] =	ssyncset.done $0x0  }
0x38: {  	s25 =	simm.s32 $0x180;
	[sflag:s24] =	ssyncadd.s32 $0xFFFFC000  }
0x39: {  	[tilespmem:s19], [sflag:$0x2] =	stream.indirect.gather [hbm4b:s4+s15], $0x80, s25, s15, $0xb8;
	[tilespmem:$0x1FC00] =	vst v63  }
0x3a: {  	_ =	swait.ge [sflag:s20], $0x4000  }
0x3b: {  	[sflag:s20] =	ssyncset.done $0x0  }
0x3c: {  	s28 =	simm.s32 $0x1580;
	[sflag:s20] =	ssyncadd.s32 $0xFFFFC000  }
0x3d: {  	[spmem:s2] =	stream.indirect.scatter.add.f32 [tilespmem:s19], [sflag:$0x4], $0x80, s28, s15, $0xb8;
	[tilespmem:$0x1FC00] =	vst v63  }
0x3e: {  	_ =	swait.ge [sflag:s22], $0x4000  }
0x3f: {  	[sflag:s22] =	ssyncset.done $0x0  }
0x40: {  	s21 =	simm.s32 $0xFFFFBC00;
	s25 =	simm.s32 $0x200;
	[sflag:s22] =	ssyncadd.s32 $0xFFFFC000  }
.LBB2_2:
0x41: {  	[tilespmem:s17], [sflag:$0x1] =	stream.indirect.gather [hbm4b:s4+s15], $0x80, s25, s15, $0xb8;
	[tilespmem:$0x1FC00] =	vst v63  }
0x42: {  	s25 =	smov.u32 s21  }
0x43: {  	p0 =	sne.s32 s21, $0xFFFFFC00;
	s21 =	sadd.s32 $0x400, s21;
	_ =	swait.ge [sflag:s18], $0x4000  }
0x44: {  	s25 =	sshra.s32 s25, $0x2;
	[sflag:s18] =	ssyncset.done $0x0  }
0x45: {  	s28 =	sadd.s32 $0x2700, s25;
	[sflag:s18] =	ssyncadd.s32 $0xFFFFC000  }
0x46: {  	[spmem:s2] =	stream.indirect.scatter.add.f32 [tilespmem:s17], [sflag:$0x3], $0x80, s28, s15, $0xb8;
	[tilespmem:$0x1FC00] =	vst v63  }
0x47: {  	_ =	swait.ge [sflag:s24], $0x4000  }
0x48: {  	[sflag:s24] =	ssyncset.done $0x0  }
0x49: {  	s28 =	sadd.s32 $0x1380, s25;
	[sflag:s24] =	ssyncadd.s32 $0xFFFFC000  }
0x4a: {  	[tilespmem:s19], [sflag:$0x2] =	stream.indirect.gather [hbm4b:s4+s15], $0x80, s28, s15, $0xb8;
	[tilespmem:$0x1FC00] =	vst v63  }
0x4b: {  	_ =	swait.ge [sflag:s20], $0x4000  }
0x4c: {  	[sflag:s20] =	ssyncset.done $0x0  }
.Ltmp0:
0x4d: {  	s28 =	sadd.s32 $0x2780, s25;
	[sflag:s20] =	ssyncadd.s32 $0xFFFFC000;
	(pc) =	sbr.rel @p0 .LBB2_2-.Ltmp0, $4  }
0x4e: {  	[spmem:s2] =	stream.indirect.scatter.add.f32 [tilespmem:s19], [sflag:$0x4], $0x80, s28, s15, $0xb8;
	[tilespmem:$0x1FC00] =	vst v63  }
0x4f: {  	_ =	swait.ge [sflag:s22], $0x4000  }
0x50: {  	[sflag:s22] =	ssyncset.done $0x0  }
0x51: {  	s25 =	sadd.s32 $0x1400, s25;
	[sflag:s22] =	ssyncadd.s32 $0xFFFFC000  }
0x52: {  	[tilespmem:s17], [sflag:$0x1] =	stream.indirect.gather [hbm4b:s4+s15], $0x80, s25, s15, $0xb8;
	[tilespmem:$0x1FC00] =	vst v63  }
0x53: {  	_ =	swait.ge [sflag:s18], $0x4000  }
0x54: {  	[sflag:s18] =	ssyncset.done $0x0  }
0x55: {  	s21 =	simm.s32 $0x2700;
	[sflag:s18] =	ssyncadd.s32 $0xFFFFC000  }
0x56: {  	[spmem:s2] =	stream.indirect.scatter.add.f32 [tilespmem:s17], [sflag:$0x3], $0x80, s21, s15, $0xb8;
	[tilespmem:$0x1FC00] =	vst v63  }
0x57: {  	_ =	swait.ge [sflag:s24], $0x4000  }
0x58: {  	[sflag:s24] =	ssyncset.done $0x0  }
0x59: {  	[sflag:s24] =	ssyncadd.s32 $0xFFFFC000  }
0x5a: {  	[tilespmem:s19], [sflag:$0x2] =	stream.indirect.gather [hbm4b:s4+s15], $0x80, s26, s15, $0xb8;
	[tilespmem:$0x1FC00] =	vst v63  }
0x5b: {  	_ =	swait.ge [sflag:s20], $0x4000  }
0x5c: {  	[sflag:s20] =	ssyncset.done $0x0  }
0x5d: {  	s25 =	simm.s32 $0x2780;
	[sflag:s20] =	ssyncadd.s32 $0xFFFFC000  }
0x5e: {  	[spmem:s2] =	stream.indirect.scatter.add.f32 [tilespmem:s19], [sflag:$0x4], $0x80, s25, s15, $0xb8;
	[tilespmem:$0x1FC00] =	vst v63  }
0x5f: {  	_ =	swait.ge [sflag:s22], $0x4000  }
0x60: {  	[sflag:s22] =	ssyncset.done $0x0  }
0x61: {  	[sflag:s22] =	ssyncadd.s32 $0xFFFFC000  }
0x62: {  	_ =	swait.ge [sflag:s24], $0x4000  }
0x63: {  	[sflag:s24] =	ssyncset.done $0x0  }
0x64: {  	[sflag:s24] =	ssyncadd.s32 $0xFFFFC000  }
0x65: {  	[tilespmem:s3], [sflag:$0x5] =	stream.strided.gather [hbm4b:s9+s15], $0x1400, s16, s15, $0x38;
	[tilespmem:$0x1FC00] =	vst v63  }
0x66: {  	_ =	swait.ge [sflag:s13], $0x1400  }
0x67: {  	[sflag:s13] =	ssyncset.done $0x0  }
0x68: {  	[sflag:s13] =	ssyncadd.s32 $0xFFFFEC00  }
0x69: {  	[tilespmem:s17], [sflag:$0x1] =	stream.indirect.gather [hbm4b:s4+s15], $0x80, s3, s15, $0xb8;
	[tilespmem:$0x1FC00] =	vst v63  }
0x6a: {  	_ =	swait.ge [sflag:s18], $0x4000  }
0x6b: {  	[sflag:s18] =	ssyncset.done $0x0  }
0x6c: {  	[sflag:s18] =	ssyncadd.s32 $0xFFFFC000  }
0x6d: {  	[spmem:s2] =	stream.indirect.scatter.add.f32 [tilespmem:s17], [sflag:$0x3], $0x80, s29, s15, $0xb8;
	[tilespmem:$0x1FC00] =	vst v63  }
0x6e: {  	_ = 	snop  }
0x6f: {  	[tilespmem:s19], [sflag:$0x2] =	stream.indirect.gather [hbm4b:s4+s15], $0x80, s15, s15, $0xb8;
	[tilespmem:$0x1FC00] =	vst v63  }
0x70: {  	_ =	swait.ge [sflag:s20], $0x4000  }
0x71: {  	[sflag:s20] =	ssyncset.done $0x0  }
0x72: {  	[sflag:s20] =	ssyncadd.s32 $0xFFFFC000  }
0x73: {  	[spmem:s2] =	stream.indirect.scatter.add.f32 [tilespmem:s19], [sflag:$0x4], $0x80, s30, s15, $0xb8;
	[tilespmem:$0x1FC00] =	vst v63  }
0x74: {  	_ =	swait.ge [sflag:s22], $0x4000  }
0x75: {  	[sflag:s22] =	ssyncset.done $0x0  }
0x76: {  	[sflag:s22] =	ssyncadd.s32 $0xFFFFC000  }
0x77: {  	[tilespmem:s17], [sflag:$0x1] =	stream.indirect.gather [hbm4b:s4+s15], $0x80, s23, s15, $0xb8;
	[tilespmem:$0x1FC00] =	vst v63  }
0x78: {  	_ =	swait.ge [sflag:s18], $0x4000  }
0x79: {  	[sflag:s18] =	ssyncset.done $0x0  }
0x7a: {  	s28 =	simm.s32 $0x2900;
	[sflag:s18] =	ssyncadd.s32 $0xFFFFC000  }
0x7b: {  	[spmem:s2] =	stream.indirect.scatter.add.f32 [tilespmem:s17], [sflag:$0x3], $0x80, s28, s15, $0xb8;
	[tilespmem:$0x1FC00] =	vst v63  }
0x7c: {  	_ =	swait.ge [sflag:s24], $0x4000  }
0x7d: {  	[sflag:s24] =	ssyncset.done $0x0  }
0x7e: {  	s25 =	simm.s32 $0x180;
	[sflag:s24] =	ssyncadd.s32 $0xFFFFC000  }
0x7f: {  	[tilespmem:s19], [sflag:$0x2] =	stream.indirect.gather [hbm4b:s4+s15], $0x80, s25, s15, $0xb8;
	[tilespmem:$0x1FC00] =	vst v63  }
0x80: {  	_ =	swait.ge [sflag:s20], $0x4000  }
0x81: {  	[sflag:s20] =	ssyncset.done $0x0  }
0x82: {  	s28 =	simm.s32 $0x2980;
	[sflag:s20] =	ssyncadd.s32 $0xFFFFC000  }
0x83: {  	[spmem:s2] =	stream.indirect.scatter.add.f32 [tilespmem:s19], [sflag:$0x4], $0x80, s28, s15, $0xb8;
	[tilespmem:$0x1FC00] =	vst v63  }
0x84: {  	_ =	swait.ge [sflag:s22], $0x4000  }
0x85: {  	[sflag:s22] =	ssyncset.done $0x0  }
0x86: {  	s21 =	simm.s32 $0xFFFFBC00;
	s25 =	simm.s32 $0x200;
	[sflag:s22] =	ssyncadd.s32 $0xFFFFC000  }
.LBB2_4:
0x87: {  	[tilespmem:s17], [sflag:$0x1] =	stream.indirect.gather [hbm4b:s4+s15], $0x80, s25, s15, $0xb8;
	[tilespmem:$0x1FC00] =	vst v63  }
0x88: {  	s25 =	smov.u32 s21  }
0x89: {  	p0 =	sne.s32 s21, $0xFFFFFC00;
	s21 =	sadd.s32 $0x400, s21;
	_ =	swait.ge [sflag:s18], $0x4000  }
0x8a: {  	s25 =	sshra.s32 s25, $0x2;
	[sflag:s18] =	ssyncset.done $0x0  }
0x8b: {  	s28 =	sadd.s32 $0x3B00, s25;
	[sflag:s18] =	ssyncadd.s32 $0xFFFFC000  }
0x8c: {  	[spmem:s2] =	stream.indirect.scatter.add.f32 [tilespmem:s17], [sflag:$0x3], $0x80, s28, s15, $0xb8;
	[tilespmem:$0x1FC00] =	vst v63  }
0x8d: {  	_ =	swait.ge [sflag:s24], $0x4000  }
0x8e: {  	[sflag:s24] =	ssyncset.done $0x0  }
0x8f: {  	s28 =	sadd.s32 $0x1380, s25;
	[sflag:s24] =	ssyncadd.s32 $0xFFFFC000  }
0x90: {  	[tilespmem:s19], [sflag:$0x2] =	stream.indirect.gather [hbm4b:s4+s15], $0x80, s28, s15, $0xb8;
	[tilespmem:$0x1FC00] =	vst v63  }
0x91: {  	_ =	swait.ge [sflag:s20], $0x4000  }
0x92: {  	[sflag:s20] =	ssyncset.done $0x0  }
.Ltmp1:
0x93: {  	s28 =	sadd.s32 $0x3B80, s25;
	[sflag:s20] =	ssyncadd.s32 $0xFFFFC000;
	(pc) =	sbr.rel @p0 .LBB2_4-.Ltmp1, $4  }
0x94: {  	[spmem:s2] =	stream.indirect.scatter.add.f32 [tilespmem:s19], [sflag:$0x4], $0x80, s28, s15, $0xb8;
	[tilespmem:$0x1FC00] =	vst v63  }
0x95: {  	_ =	swait.ge [sflag:s22], $0x4000  }
0x96: {  	[sflag:s22] =	ssyncset.done $0x0  }
0x97: {  	s25 =	sadd.s32 $0x1400, s25;
	[sflag:s22] =	ssyncadd.s32 $0xFFFFC000  }
0x98: {  	[tilespmem:s17], [sflag:$0x1] =	stream.indirect.gather [hbm4b:s4+s15], $0x80, s25, s15, $0xb8;
	[tilespmem:$0x1FC00] =	vst v63  }
0x99: {  	_ =	swait.ge [sflag:s18], $0x4000  }
0x9a: {  	[sflag:s18] =	ssyncset.done $0x0  }
0x9b: {  	[sflag:s18] =	ssyncadd.s32 $0xFFFFC000  }
0x9c: {  	[spmem:s2] =	stream.indirect.scatter.add.f32 [tilespmem:s17], [sflag:$0x3], $0x80, s31, s15, $0xb8;
	[tilespmem:$0x1FC00] =	vst v63  }
0x9d: {  	_ =	swait.ge [sflag:s24], $0x4000  }
0x9e: {  	[sflag:s24] =	ssyncset.done $0x0  }
0x9f: {  	[sflag:s24] =	ssyncadd.s32 $0xFFFFC000  }
0xa0: {  	[tilespmem:s19], [sflag:$0x2] =	stream.indirect.gather [hbm4b:s4+s15], $0x80, s26, s15, $0xb8;
	[tilespmem:$0x1FC00] =	vst v63  }
0xa1: {  	_ =	swait.ge [sflag:s20], $0x4000  }
0xa2: {  	[sflag:s20] =	ssyncset.done $0x0  }
0xa3: {  	[sflag:s20] =	ssyncadd.s32 $0xFFFFC000  }
0xa4: {  	[spmem:s2] =	stream.indirect.scatter.add.f32 [tilespmem:s19], [sflag:$0x4], $0x80, s0, s15, $0xb8;
	[tilespmem:$0x1FC00] =	vst v63  }
0xa5: {  	_ =	swait.ge [sflag:s22], $0x4000  }
0xa6: {  	[sflag:s22] =	ssyncset.done $0x0  }
0xa7: {  	[sflag:s22] =	ssyncadd.s32 $0xFFFFC000  }
0xa8: {  	_ =	swait.ge [sflag:s24], $0x4000  }
0xa9: {  	s1 =	sadd.s32 $0x1, s1;
	[sflag:s24] =	ssyncset.done $0x0  }
0xaa: {  	p0 =	sne.s32 s1, s11;
	[sflag:s24] =	ssyncadd.s32 $0xFFFFC000  }
.Ltmp2:
0xab: {  	[bflag:$0x0] =	sbarrier.arrive $0xFFFF;
	(pc) =	sbr.rel @p0 .LBB2_1-.Ltmp2, $4  }
0xac: {  	[hbm:s10], [sflag:s6] =	dma.local [spmem:s12], $0x2800  }
0xad: {  	_ =	swait.ge [sflag:s13], $0x2800  }
0xae: {  	[sflag:s13] =	ssyncset.done $0x0  }
0xaf: {  	[sflag:s13] =	ssyncadd.s32 $0xFFFFD800  }
0xb0: {  	_ =	sfence.sel $0x180000  }
0xb1: {  	[bflag:$0x0] =	sbarrier.arrive $0xFFFF  }
0xb2: {  	_ =	strace $0x90000053  }
0xb3: {  	s0 =	stileid.u32;
	[bflag:$0x2] =	sbarrier.arrive $0xFFFF  }
0xb4: {  	p0 =	sne.s32 s0, $0x0;
	s0 =	rddreg [dreg:$0x3]  }
0xb5: {  	s0 =	sadd.s32 @!p0 $0x100000, s0  }
0xb6: {  	[sflag:s0] =	ssyncadd.tile.s32 @!p0 $0x1;
	_ =	shalt  }
.Lfunc_end2:
_tile_overlayer_lowered:
.L_overlay_start_2:
0xb7: {  	(tag) =	ssettag $0x2  }
0xb8: {  	s0 =	rddreg [dreg:$0x0];
	s2 =	stileid.u32  }
0xb9: {  	s1 =	rddreg [dreg:$0x1];
	p0 =	sne.s32 s2, $0x0  }
0xba: {  	s3 =	rddreg [dreg:$0x2];
	[bflag:$0x3] =	sbarrier.arrive $0xFFFF;
	s2 =	simm.s32 @!p0 $0x1C05  }
0xbb: {  	[timem:s3], [sflag:s2] =	dma.local @!p0 [hbm:s0], s1  }
0xbc: {  	s0 =	simm.s32 @!p0 $0x5  }
0xbd: {  	_ =	swait.ge @!p0 [sflag:s0], s1  }
0xbe: {  	s1 =	ssub.s32 @!p0 $0x0, s1;
	[sflag:s0] =	ssyncset.done @!p0 $0x0  }
0xbf: {  	[sflag:s0] =	ssyncadd.s32 @!p0 s1  }
0xc0: {  	[bflag:$0x3] =	sbarrier.arrive $0xFFFF  }
0xc1: {  	_ =	shalt  }

</sc_bundles>
